<compile_context>
chip_gen: v7x
topology: tpu7x:2x2x1
jax: 0.10.2.dev20260603
libtpu: 0.0.44.dev20260713+nightly
codegen_flags: <defaults>
</compile_context>

<pallas_src>
import math

import jax
import jax.numpy as jnp
from jax import lax
from jax.experimental import pallas as pl
from jax.experimental.pallas import tpu as pltpu
from jax.experimental.pallas import tpu_sc as plsc


def _atanh(z):
    return 0.5 * jnp.log((1.0 + z) / (1.0 - z))


C = 1.0
EPS = 1e-5
MIN_NORM = 1e-7
ALPHA = 0.1

N = 10000
E = 320000
D = 128
NP = 10240

NC = 2
NS = 16
DH = D // NC
EPT = E // NS
K = 80
NCH = 252
NCHH = NCH // 2
EPTP = NCH * K
RPT = N // NS


def _prep_body(x_ref, y2_ref, g_ref):
    j = pl.program_id(0)
    x = x_ref[...]
    ss = jnp.sum(x * x, axis=-1, keepdims=True)
    g = 2.0 / jnp.clip(1.0 - C * ss, EPS, None)
    y = g * x
    y2_ref[...] = jnp.where(j == 0, y[:, 0:DH], y[:, DH:D])
    g_ref[...] = jnp.broadcast_to(g - 1.0, (x.shape[0], DH))


def _prep(x):
    BN = 1000
    nb = N // BN
    return pl.pallas_call(
        _prep_body,
        grid=(2, nb),
        in_specs=[pl.BlockSpec((BN, D), lambda j, i: (i, 0))],
        out_specs=[
            pl.BlockSpec((BN, DH), lambda j, i: (j * nb + i, 0)),
            pl.BlockSpec((BN, DH), lambda j, i: (i, 0)),
        ],
        out_shape=[
            jax.ShapeDtypeStruct((2 * N, DH), jnp.float32),
            jax.ShapeDtypeStruct((N, DH), jnp.float32),
        ],
    )(x)


def _sc_body(y2_hbm, gm1_hbm, src_hbm, dst_hbm, w_hbm, z2_hbm, z1_hbm,
             nom_hbm, den_hbm,
             src_v, dst_v, w_v, rows_a, rows_b, rows_c, gm1_v, den_acc_v,
             nom_sh, gsa, gsb, gsc, ssa, ssb, ssc):
    cid = lax.axis_index("c")
    sid = lax.axis_index("s")

    pltpu.sync_copy(z2_hbm, nom_sh.at[pl.ds(sid * RPT, RPT)])

    @pl.when(cid == 0)
    def _():
        pltpu.sync_copy(gm1_hbm, gm1_v)
        pltpu.sync_copy(z1_hbm, den_acc_v)

    plsc.subcore_barrier()

    lanes = lax.iota(jnp.int32, 16)

    def stage_half(h):
        pltpu.sync_copy(src_hbm.at[sid, pl.ds(h * NCHH, NCHH)], src_v)
        pltpu.sync_copy(dst_hbm.at[sid, pl.ds(h * NCHH, NCHH)], dst_v)
        pltpu.sync_copy(w_hbm.at[sid, pl.ds(h * NCHH, NCHH)], w_v)

        @pl.when(cid == 1)
        def _():
            def rw(r, carry):
                for t in range(K // 16):
                    sl = pl.ds(t * 16, 16)
                    src_v[r, sl] = src_v[r, sl] + N
                return carry

            lax.fori_loop(0, NCHH, rw, 0)

    def gather_start(c, buf, sem):
        pltpu.async_copy(y2_hbm.at[src_v.at[c]], buf, sem)

    def gather_wait(buf, sem):
        pltpu.make_async_copy(y2_hbm.at[src_v.at[0]], buf, sem).wait()

    def scatter_start(c, buf, sem):
        pltpu.async_copy(buf, nom_sh.at[dst_v.at[c]], sem, add=True)

    def scatter_wait(buf, sem):
        pltpu.make_async_copy(buf, nom_sh.at[dst_v.at[0]], sem).wait()

    def proc(c, buf):
        @pl.when(cid == 0)
        def _():
            for t in range(K // 16):
                sl = pl.ds(t * 16, 16)
                srcl = src_v[c, sl]
                dstl = dst_v[c, sl]
                wl = w_v[c, sl]
                val = wl * plsc.load_gather(gm1_v, [srcl])
                for i in range(16):
                    plsc.addupdate_scatter(den_acc_v, [dstl], val,
                                           mask=lanes == i)

        def edge(k, carry2):
            wk = plsc.load_gather(w_v, [jnp.full((16,), c, jnp.int32),
                                        jnp.full((16,), k, jnp.int32)])
            for j in range(DH // 16):
                sl = pl.ds(j * 16, 16)
                buf[k, sl] = buf[k, sl] * wk
            return carry2

        lax.fori_loop(0, K, edge, 0, unroll=4)

    bufs = (rows_a, rows_b, rows_c)
    gsems = (gsa, gsb, gsc)
    ssems = (ssa, ssb, ssc)

    def triple(t, carry):
        base = 3 * t
        for p in range(3):
            c = base + p
            p2 = (p + 2) % 3
            gather_wait(bufs[p], gsems[p])
            proc(c, bufs[p])
            scatter_start(c, bufs[p], ssems[p])

            @pl.when(c + 2 < NCHH)
            def _(c=c, p2=p2):
                @pl.when(c >= 1)
                def _(p2=p2):
                    scatter_wait(bufs[p2], ssems[p2])

                gather_start(c + 2, bufs[p2], gsems[p2])

        return carry

    for h in range(2):
        stage_half(h)
        gather_start(0, rows_a, gsa)
        gather_start(1, rows_b, gsb)
        lax.fori_loop(0, NCHH // 3, triple, 0)
        scatter_wait(rows_a, ssa)
        scatter_wait(rows_b, ssb)
        scatter_wait(rows_c, ssc)

    plsc.subcore_barrier()

    pltpu.sync_copy(nom_sh.at[pl.ds(sid * RPT, RPT)],
                    nom_hbm.at[cid, pl.ds(sid * RPT, RPT)])

    @pl.when(cid == 0)
    def _():
        pltpu.sync_copy(den_acc_v, den_hbm.at[sid])


def _sc_spmm(y2, gm1, src, dst, w):
    mesh = plsc.VectorSubcoreMesh(core_axis_name="c", subcore_axis_name="s")
    f = pl.kernel(
        _sc_body,
        out_type=(
            jax.ShapeDtypeStruct((NC, N, DH), jnp.float32),
            jax.ShapeDtypeStruct((NS, NP), jnp.float32),
        ),
        mesh=mesh,
        scratch_types=[
            pltpu.VMEM((NCHH, K), jnp.int32),
            pltpu.VMEM((NCHH, K), jnp.int32),
            pltpu.VMEM((NCHH, K), jnp.float32),
            pltpu.VMEM((K, DH), jnp.float32),
            pltpu.VMEM((K, DH), jnp.float32),
            pltpu.VMEM((K, DH), jnp.float32),
            pltpu.VMEM((N,), jnp.float32),
            pltpu.VMEM((NP,), jnp.float32),
            pltpu.VMEM_SHARED((N, DH), jnp.float32),
            pltpu.SemaphoreType.DMA,
            pltpu.SemaphoreType.DMA,
            pltpu.SemaphoreType.DMA,
            pltpu.SemaphoreType.DMA,
            pltpu.SemaphoreType.DMA,
            pltpu.SemaphoreType.DMA,
        ],
        compiler_params=pltpu.CompilerParams(
            use_tc_tiling_on_sc=False, needs_layout_passes=False),
    )
    z2 = jnp.zeros((RPT, DH), jnp.float32)
    z1 = jnp.zeros((NP,), jnp.float32)
    return f(y2, gm1, src, dst, w, z2, z1)


def _dred_body(d_ref, o_ref):
    o_ref[...] = jnp.sum(d_ref[...], axis=0, keepdims=True)


def _dred(dp):
    return pl.pallas_call(
        _dred_body,
        grid=(1,),
        in_specs=[pl.BlockSpec((NS, NP), lambda i: (0, 0))],
        out_specs=pl.BlockSpec((1, NP), lambda i: (0, 0)),
        out_shape=jax.ShapeDtypeStruct((1, NP), jnp.float32),
    )(dp)


def _project(x):
    sq = jnp.sum(x * x, axis=-1, keepdims=True)
    norm = jnp.maximum(jnp.sqrt(sq), MIN_NORM)
    maxnorm = (1.0 - 1e-5) / math.sqrt(C)
    return jnp.where(norm > maxnorm, x / norm * maxnorm, x)


def _mobius_half(x):
    sc = math.sqrt(C)
    sq = jnp.sum(x * x, axis=-1, keepdims=True)
    xn = jnp.maximum(jnp.sqrt(sq), MIN_NORM)
    z = jnp.clip(sc * xn, 0.0, 1.0 - 1e-5)
    t = jnp.tanh(0.5 * _atanh(z))
    return t * x / (sc * xn)


def _lam(x):
    return 2.0 / jnp.clip(1.0 - C * jnp.sum(x * x, axis=-1, keepdims=True), EPS, None)


def _fin_body(n0_ref, n1_ref, d_ref, h_ref, w_ref, b_ref, o_ref):
    nom = jnp.concatenate([n0_ref[...], n1_ref[...]], axis=1)
    den = d_ref[...]
    den = jnp.where(jnp.abs(den) < 1e-10, 1e-10, den)
    s = _project(_mobius_half(nom / den))

    h = h_ref[...]
    gs = _lam(s)
    gh = _lam(h)
    nom2 = (1.0 - ALPHA) * gs * s + ALPHA * gh * h
    den2 = (1.0 - ALPHA) * (gs - 1.0) + ALPHA * (gh - 1.0)
    den2 = jnp.where(jnp.abs(den2) < 1e-10, 1e-10, den2)
    s2 = _project(_mobius_half(nom2 / den2))

    sc = math.sqrt(C)
    sq = jnp.sum(s2 * s2, axis=-1, keepdims=True)
    xn = jnp.maximum(jnp.sqrt(sq), MIN_NORM)
    u = _atanh(jnp.clip(sc * xn, 0.0, 1.0 - 1e-5)) * s2 / (sc * xn)
    hl = lax.dot_general(u, w_ref[...], (((1,), (1,)), ((), ())),
                         preferred_element_type=jnp.float32) + b_ref[...]
    un = jnp.maximum(jnp.sqrt(jnp.sum(hl * hl, axis=-1, keepdims=True)), MIN_NORM)
    e = jnp.tanh(sc * un) * hl / (sc * un)
    o_ref[...] = _project(e)


def _finish(n0, n1, d, h_init, W, b2):
    BN = 1000
    return pl.pallas_call(
        _fin_body,
        grid=(N // BN,),
        in_specs=[
            pl.BlockSpec((BN, DH), lambda i: (i, 0)),
            pl.BlockSpec((BN, DH), lambda i: (i, 0)),
            pl.BlockSpec((BN, 1), lambda i: (i, 0)),
            pl.BlockSpec((BN, D), lambda i: (i, 0)),
            pl.BlockSpec((D, D), lambda i: (0, 0)),
            pl.BlockSpec((1, D), lambda i: (0, 0)),
        ],
        out_specs=pl.BlockSpec((BN, D), lambda i: (i, 0)),
        out_shape=jax.ShapeDtypeStruct((N, D), jnp.float32),
    )(n0, n1, d, h_init, W, b2)


@jax.jit
def kernel(input, edge_index, edge_weight, h_init, W, b):
    y2, g2d = _prep(input)
    gm1 = g2d[:, 0]
    pad = ((0, 0), (0, EPTP - EPT))
    src = jnp.pad(edge_index[0].reshape(NS, EPT), pad).reshape(NS, NCH, K)
    dst = jnp.pad(edge_index[1].reshape(NS, EPT), pad).reshape(NS, NCH, K)
    w = jnp.pad(edge_weight.reshape(NS, EPT), pad).reshape(NS, NCH, K)
    nom, denp = _sc_spmm(y2, gm1, src, dst, w)
    den = _dred(denp)[0, :N].reshape(N, 1)
    return _finish(nom[0], nom[1], den, h_init, W, b.reshape(1, D))

# --- scband reference (transcript-rebuilt; emitter-appended) ---
"""Pipeline reference for scband-hyperbolic-graph-convolution-62508954026440 (READ-ONLY COPY).

The authoritative reference and input builder live on the scoring server;
editing this copy changes nothing except your own understanding.
"""

import jax, jax.numpy as jnp
import numpy as np
import math

C = 1.0
EPS = 1e-5
MIN_NORM = 1e-7
ALPHA = 0.1
BETA = 0.5
LAYER_NUM = 2

def _lambda_x(x):
    return 2.0 / jnp.clip(1.0 - C * jnp.sum(x * x, axis=-1, keepdims=True), EPS, None)

def _project(x):
    norm = jnp.clip(jnp.linalg.norm(x, axis=-1, keepdims=True), MIN_NORM, None)
    maxnorm = (1.0 - 1e-5) / math.sqrt(C)
    return jnp.where(norm > maxnorm, x / norm * maxnorm, x)

def _mobius_scalar_mul(r, x):
    sc = math.sqrt(C)
    xn = jnp.clip(jnp.linalg.norm(x, axis=-1, keepdims=True), MIN_NORM, None)
    t = jnp.tanh(r * jnp.arctanh(jnp.clip(sc * xn, 0.0, 1.0 - 1e-5)))
    return t * x / (sc * xn)

def _logmap0(x):
    sc = math.sqrt(C)
    xn = jnp.clip(jnp.linalg.norm(x, axis=-1, keepdims=True), MIN_NORM, None)
    return jnp.arctanh(jnp.clip(sc * xn, 0.0, 1.0 - 1e-5)) * x / (sc * xn)

def _expmap0(u):
    sc = math.sqrt(C)
    un = jnp.clip(jnp.linalg.norm(u, axis=-1, keepdims=True), MIN_NORM, None)
    return jnp.tanh(sc * un) * u / (sc * un)

def weighted_midpoint_spmm(x, edge_index, edge_weight):
    # gyro-midpoint aggregation over graph neighborhoods via scatter-add
    n = x.shape[0]
    src = edge_index[0]
    dst = edge_index[1]
    g = _lambda_x(x)  # [N,1] conformal factors
    nom = jax.ops.segment_sum(edge_weight[:, None] * (g[src] * x[src]), dst, num_segments=n)
    den = jax.ops.segment_sum(edge_weight[:, None] * (g[src] - 1.0), dst, num_segments=n)
    den = jnp.where(jnp.abs(den) < 1e-10, 1e-10, den)
    return _project(_mobius_scalar_mul(0.5, nom / den))

def weighted_midpoint(xs, weights):
    # xs: [N, 2, D], weights: [2]; reducedim=[1]
    g = _lambda_x(xs)  # [N,2,1]
    w = weights[None, :, None]
    nom = jnp.sum(w * g * xs, axis=1)
    den = jnp.sum(w * (g - 1.0), axis=1)
    den = jnp.where(jnp.abs(den) < 1e-10, 1e-10, den)
    return _project(_mobius_scalar_mul(0.5, nom / den))

def mobius_linear(x, W, b):
    # MobiusLinearFast: logmap0 -> affine -> expmap0 (dropout=0, nonlin=None)
    u = _logmap0(x)
    h = u @ W.T + b
    return _project(_expmap0(h))

def setup_inputs(seed: int = 0):
    key = jax.random.key(seed)
    N, E, D = 10000, 320000, 128
    k1, k2, k3, k4, k5 = jax.random.split(key, 5)
    # points must lie strictly inside the Poincare ball -> small scale
    x = jax.random.normal(k1, (N, D), dtype=jnp.float32) * 0.01
    h_init = jax.random.normal(k2, (N, D), dtype=jnp.float32) * 0.01
    edge_index = jax.random.randint(k3, (2, E), 0, N, dtype=jnp.int32)
    edge_weight = jax.random.uniform(k4, (E,), dtype=jnp.float32, minval=0.05, maxval=1.0)
    W = jax.random.normal(k5, (D, D), dtype=jnp.float32) / math.sqrt(D)
    b = jnp.zeros((D,), dtype=jnp.float32)
    return {"input": x, "edge_index": edge_index, "edge_weight": edge_weight, "h_init": h_init, "W": W, "b": b}

def reference(input, edge_index, edge_weight, h_init, W, b):
    theta = math.log(BETA / LAYER_NUM + 1.0)  # computed as in torch forward (unused: final_agg=False)
    support = weighted_midpoint_spmm(input, edge_index, edge_weight)
    weight_residual = jnp.array([1.0 - ALPHA, ALPHA], dtype=jnp.float32)
    support = weighted_midpoint(jnp.stack([support, h_init], axis=1), weight_residual)
    support = mobius_linear(support, W, b)
    return support

if __name__ == "__main__":
    import jax
    _d = setup_inputs()
    print(jax.jit(kernel)(*tuple(_d.values())))

</pallas_src>

<mosaic_0001>
#map = affine_map<(d0, d1) -> (0, 0)>
#map1 = affine_map<(d0, d1) -> (0)>
#map2 = affine_map<(d0, d1) -> (0, 0, 0)>
module attributes {stable_mosaic.version = 14 : i64} {
  func.func @_sc_body(%arg0: i32, %arg1: i32, %arg2: memref<20000x64xf32, #tpu.memory_space<hbm>>, %arg3: memref<10000xf32, #tpu.memory_space<hbm>>, %arg4: memref<16x252x80xi32, #tpu.memory_space<hbm>>, %arg5: memref<16x252x80xi32, #tpu.memory_space<hbm>>, %arg6: memref<16x252x80xf32, #tpu.memory_space<hbm>>, %arg7: memref<625x64xf32, #tpu.memory_space<hbm>>, %arg8: memref<10240xf32, #tpu.memory_space<hbm>>, %arg9: memref<2x10000x64xf32, #tpu.memory_space<hbm>>, %arg10: memref<16x10240xf32, #tpu.memory_space<hbm>>, %arg11: memref<126x80xi32, #tpu.memory_space<vmem>>, %arg12: memref<126x80xi32, #tpu.memory_space<vmem>>, %arg13: memref<126x80xf32, #tpu.memory_space<vmem>>, %arg14: memref<80x64xf32, #tpu.memory_space<vmem>>, %arg15: memref<80x64xf32, #tpu.memory_space<vmem>>, %arg16: memref<80x64xf32, #tpu.memory_space<vmem>>, %arg17: memref<10000xf32, #tpu.memory_space<vmem>>, %arg18: memref<10240xf32, #tpu.memory_space<vmem>>, %arg19: memref<10000x64xf32, #tpu.memory_space<vmem_shared>>, %arg20: memref<!tpu.dma_semaphore, #tpu.memory_space<semaphore_mem>>, %arg21: memref<!tpu.dma_semaphore, #tpu.memory_space<semaphore_mem>>, %arg22: memref<!tpu.dma_semaphore, #tpu.memory_space<semaphore_mem>>, %arg23: memref<!tpu.dma_semaphore, #tpu.memory_space<semaphore_mem>>, %arg24: memref<!tpu.dma_semaphore, #tpu.memory_space<semaphore_mem>>, %arg25: memref<!tpu.dma_semaphore, #tpu.memory_space<semaphore_mem>>) attributes {dimension_semantics = [#tpu.dimension_semantics<core_parallel>, #tpu.dimension_semantics<subcore_parallel>], iteration_bounds = array<i64: 2, 16>, scalar_prefetch = 0 : i64, scratch_operands = 15 : i64, tpu.core_type = #tpu.core_type<sc_vector_subcore>, window_params = [{transform_indices = #map}, {transform_indices = #map1}, {transform_indices = #map2}, {transform_indices = #map2}, {transform_indices = #map2}, {transform_indices = #map}, {transform_indices = #map1}, {transform_indices = #map2}, {transform_indices = #map}]} {
    %mul3A = arith.constant 625 : i32
    %mul3A_0 = arith.muli %arg1, %mul3A : i32
    "tpu.region"() ({
      %run_scoped3A = tpu.sem_alloc : memref<!tpu.dma_semaphore, #tpu.memory_space<semaphore_mem>>
      %dma_start3A_102 = arith.constant 0 : i32
      %dma_start3A_103 = tpu.memref_slice %arg19[%mul3A_0, %dma_start3A_102] : memref<10000x64xf32, #tpu.memory_space<vmem_shared>> -> memref<625x64xf32, #tpu.memory_space<vmem_shared>>
      tpu.enqueue_dma source(%arg7 : memref<625x64xf32, #tpu.memory_space<hbm>>) target(%dma_start3A_103 : memref<625x64xf32, #tpu.memory_space<vmem_shared>>) target_semaphore(%run_scoped3A : memref<!tpu.dma_semaphore, #tpu.memory_space<semaphore_mem>>)
      %dma_wait3A_104 = arith.constant 0 : i32
      %dma_wait3A_105 = tpu.memref_slice %arg19[%mul3A_0, %dma_wait3A_104] : memref<10000x64xf32, #tpu.memory_space<vmem_shared>> -> memref<625x64xf32, #tpu.memory_space<vmem_shared>>
      tpu.wait_dma2 semaphore(%run_scoped3A : memref<!tpu.dma_semaphore, #tpu.memory_space<semaphore_mem>>) src(%arg7 : memref<625x64xf32, #tpu.memory_space<hbm>>) dst(%dma_wait3A_105 : memref<625x64xf32, #tpu.memory_space<vmem_shared>>)
      tpu.yield
    }) : () -> ()
    %eq3A = arith.constant 0 : i32
    %eq3A_1 = arith.cmpi eq, %arg0, %eq3A : i32
    %convert_element_type3A = arith.extui %eq3A_1 : i1 to i32
    %cond3A = arith.constant 0 : i32
    %cond3A_2 = arith.cmpi ne, %convert_element_type3A, %cond3A : i32
    scf.if %cond3A_2 {
      "tpu.region"() ({
        %run_scoped3A = tpu.sem_alloc : memref<!tpu.dma_semaphore, #tpu.memory_space<semaphore_mem>>
        tpu.enqueue_dma source(%arg3 : memref<10000xf32, #tpu.memory_space<hbm>>) target(%arg17 : memref<10000xf32, #tpu.memory_space<vmem>>) target_semaphore(%run_scoped3A : memref<!tpu.dma_semaphore, #tpu.memory_space<semaphore_mem>>)
        tpu.wait_dma2 semaphore(%run_scoped3A : memref<!tpu.dma_semaphore, #tpu.memory_space<semaphore_mem>>) src(%arg3 : memref<10000xf32, #tpu.memory_space<hbm>>) dst(%arg17 : memref<10000xf32, #tpu.memory_space<vmem>>)
        tpu.yield
      }) : () -> ()
      "tpu.region"() ({
        %run_scoped3A = tpu.sem_alloc : memref<!tpu.dma_semaphore, #tpu.memory_space<semaphore_mem>>
        tpu.enqueue_dma source(%arg8 : memref<10240xf32, #tpu.memory_space<hbm>>) target(%arg18 : memref<10240xf32, #tpu.memory_space<vmem>>) target_semaphore(%run_scoped3A : memref<!tpu.dma_semaphore, #tpu.memory_space<semaphore_mem>>)
        tpu.wait_dma2 semaphore(%run_scoped3A : memref<!tpu.dma_semaphore, #tpu.memory_space<semaphore_mem>>) src(%arg8 : memref<10240xf32, #tpu.memory_space<hbm>>) dst(%arg18 : memref<10240xf32, #tpu.memory_space<vmem>>)
        tpu.yield
      }) : () -> ()
    } else {
    }
    %barrier3A = arith.constant 0 : index
    tpu.barrier barrier_id(%barrier3A)
    %iota3A = tpu.iota {dimensions = array<i32: 0>} : vector<16xi32>
    "tpu.region"() ({
      %run_scoped3A = tpu.sem_alloc : memref<!tpu.dma_semaphore, #tpu.memory_space<semaphore_mem>>
      %dma_start3A_102 = arith.constant 0 : i32
      %dma_start3A_103 = arith.constant 0 : i32
      %dma_start3A_104 = tpu.memref_slice %arg4[%arg1, %dma_start3A_102, %dma_start3A_103] : memref<16x252x80xi32, #tpu.memory_space<hbm>> -> memref<1x126x80xi32, #tpu.memory_space<hbm>>
      %dma_start3A_105 = tpu.memref_squeeze %dma_start3A_104 : memref<1x126x80xi32, #tpu.memory_space<hbm>> -> memref<126x80xi32, #tpu.memory_space<hbm>>
      %dma_start3A_106 = arith.constant 0 : i32
      %dma_start3A_107 = arith.constant 0 : i32
      %dma_start3A_108 = tpu.memref_slice %arg4[%arg1, %dma_start3A_106, %dma_start3A_107] : memref<16x252x80xi32, #tpu.memory_space<hbm>> -> memref<1x126x80xi32, #tpu.memory_space<hbm>>
      %dma_start3A_109 = tpu.memref_squeeze %dma_start3A_108 : memref<1x126x80xi32, #tpu.memory_space<hbm>> -> memref<126x80xi32, #tpu.memory_space<hbm>>
      tpu.enqueue_dma source(%dma_start3A_109 : memref<126x80xi32, #tpu.memory_space<hbm>>) target(%arg11 : memref<126x80xi32, #tpu.memory_space<vmem>>) target_semaphore(%run_scoped3A : memref<!tpu.dma_semaphore, #tpu.memory_space<semaphore_mem>>)
      %dma_wait3A_110 = arith.constant 0 : i32
      %dma_wait3A_111 = arith.constant 0 : i32
      %dma_wait3A_112 = tpu.memref_slice %arg4[%arg1, %dma_wait3A_110, %dma_wait3A_111] : memref<16x252x80xi32, #tpu.memory_space<hbm>> -> memref<1x126x80xi32, #tpu.memory_space<hbm>>
      %dma_wait3A_113 = tpu.memref_squeeze %dma_wait3A_112 : memref<1x126x80xi32, #tpu.memory_space<hbm>> -> memref<126x80xi32, #tpu.memory_space<hbm>>
      %dma_wait3A_114 = arith.constant 0 : i32
      %dma_wait3A_115 = arith.constant 0 : i32
      %dma_wait3A_116 = tpu.memref_slice %arg4[%arg1, %dma_wait3A_114, %dma_wait3A_115] : memref<16x252x80xi32, #tpu.memory_space<hbm>> -> memref<1x126x80xi32, #tpu.memory_space<hbm>>
      %dma_wait3A_117 = tpu.memref_squeeze %dma_wait3A_116 : memref<1x126x80xi32, #tpu.memory_space<hbm>> -> memref<126x80xi32, #tpu.memory_space<hbm>>
      tpu.wait_dma2 semaphore(%run_scoped3A : memref<!tpu.dma_semaphore, #tpu.memory_space<semaphore_mem>>) src(%dma_wait3A_117 : memref<126x80xi32, #tpu.memory_space<hbm>>) dst(%arg11 : memref<126x80xi32, #tpu.memory_space<vmem>>)
      tpu.yield
    }) : () -> ()
    "tpu.region"() ({
      %run_scoped3A = tpu.sem_alloc : memref<!tpu.dma_semaphore, #tpu.memory_space<semaphore_mem>>
      %dma_start3A_102 = arith.constant 0 : i32
      %dma_start3A_103 = arith.constant 0 : i32
      %dma_start3A_104 = tpu.memref_slice %arg5[%arg1, %dma_start3A_102, %dma_start3A_103] : memref<16x252x80xi32, #tpu.memory_space<hbm>> -> memref<1x126x80xi32, #tpu.memory_space<hbm>>
      %dma_start3A_105 = tpu.memref_squeeze %dma_start3A_104 : memref<1x126x80xi32, #tpu.memory_space<hbm>> -> memref<126x80xi32, #tpu.memory_space<hbm>>
      %dma_start3A_106 = arith.constant 0 : i32
      %dma_start3A_107 = arith.constant 0 : i32
      %dma_start3A_108 = tpu.memref_slice %arg5[%arg1, %dma_start3A_106, %dma_start3A_107] : memref<16x252x80xi32, #tpu.memory_space<hbm>> -> memref<1x126x80xi32, #tpu.memory_space<hbm>>
      %dma_start3A_109 = tpu.memref_squeeze %dma_start3A_108 : memref<1x126x80xi32, #tpu.memory_space<hbm>> -> memref<126x80xi32, #tpu.memory_space<hbm>>
      tpu.enqueue_dma source(%dma_start3A_109 : memref<126x80xi32, #tpu.memory_space<hbm>>) target(%arg12 : memref<126x80xi32, #tpu.memory_space<vmem>>) target_semaphore(%run_scoped3A : memref<!tpu.dma_semaphore, #tpu.memory_space<semaphore_mem>>)
      %dma_wait3A_110 = arith.constant 0 : i32
      %dma_wait3A_111 = arith.constant 0 : i32
      %dma_wait3A_112 = tpu.memref_slice %arg5[%arg1, %dma_wait3A_110, %dma_wait3A_111] : memref<16x252x80xi32, #tpu.memory_space<hbm>> -> memref<1x126x80xi32, #tpu.memory_space<hbm>>
      %dma_wait3A_113 = tpu.memref_squeeze %dma_wait3A_112 : memref<1x126x80xi32, #tpu.memory_space<hbm>> -> memref<126x80xi32, #tpu.memory_space<hbm>>
      %dma_wait3A_114 = arith.constant 0 : i32
      %dma_wait3A_115 = arith.constant 0 : i32
      %dma_wait3A_116 = tpu.memref_slice %arg5[%arg1, %dma_wait3A_114, %dma_wait3A_115] : memref<16x252x80xi32, #tpu.memory_space<hbm>> -> memref<1x126x80xi32, #tpu.memory_space<hbm>>
      %dma_wait3A_117 = tpu.memref_squeeze %dma_wait3A_116 : memref<1x126x80xi32, #tpu.memory_space<hbm>> -> memref<126x80xi32, #tpu.memory_space<hbm>>
      tpu.wait_dma2 semaphore(%run_scoped3A : memref<!tpu.dma_semaphore, #tpu.memory_space<semaphore_mem>>) src(%dma_wait3A_117 : memref<126x80xi32, #tpu.memory_space<hbm>>) dst(%arg12 : memref<126x80xi32, #tpu.memory_space<vmem>>)
      tpu.yield
    }) : () -> ()
    "tpu.region"() ({
      %run_scoped3A = tpu.sem_alloc : memref<!tpu.dma_semaphore, #tpu.memory_space<semaphore_mem>>
      %dma_start3A_102 = arith.constant 0 : i32
      %dma_start3A_103 = arith.constant 0 : i32
      %dma_start3A_104 = tpu.memref_slice %arg6[%arg1, %dma_start3A_102, %dma_start3A_103] : memref<16x252x80xf32, #tpu.memory_space<hbm>> -> memref<1x126x80xf32, #tpu.memory_space<hbm>>
      %dma_start3A_105 = tpu.memref_squeeze %dma_start3A_104 : memref<1x126x80xf32, #tpu.memory_space<hbm>> -> memref<126x80xf32, #tpu.memory_space<hbm>>
      %dma_start3A_106 = arith.constant 0 : i32
      %dma_start3A_107 = arith.constant 0 : i32
      %dma_start3A_108 = tpu.memref_slice %arg6[%arg1, %dma_start3A_106, %dma_start3A_107] : memref<16x252x80xf32, #tpu.memory_space<hbm>> -> memref<1x126x80xf32, #tpu.memory_space<hbm>>
      %dma_start3A_109 = tpu.memref_squeeze %dma_start3A_108 : memref<1x126x80xf32, #tpu.memory_space<hbm>> -> memref<126x80xf32, #tpu.memory_space<hbm>>
      tpu.enqueue_dma source(%dma_start3A_109 : memref<126x80xf32, #tpu.memory_space<hbm>>) target(%arg13 : memref<126x80xf32, #tpu.memory_space<vmem>>) target_semaphore(%run_scoped3A : memref<!tpu.dma_semaphore, #tpu.memory_space<semaphore_mem>>)
      %dma_wait3A_110 = arith.constant 0 : i32
      %dma_wait3A_111 = arith.constant 0 : i32
      %dma_wait3A_112 = tpu.memref_slice %arg6[%arg1, %dma_wait3A_110, %dma_wait3A_111] : memref<16x252x80xf32, #tpu.memory_space<hbm>> -> memref<1x126x80xf32, #tpu.memory_space<hbm>>
      %dma_wait3A_113 = tpu.memref_squeeze %dma_wait3A_112 : memref<1x126x80xf32, #tpu.memory_space<hbm>> -> memref<126x80xf32, #tpu.memory_space<hbm>>
      %dma_wait3A_114 = arith.constant 0 : i32
      %dma_wait3A_115 = arith.constant 0 : i32
      %dma_wait3A_116 = tpu.memref_slice %arg6[%arg1, %dma_wait3A_114, %dma_wait3A_115] : memref<16x252x80xf32, #tpu.memory_space<hbm>> -> memref<1x126x80xf32, #tpu.memory_space<hbm>>
      %dma_wait3A_117 = tpu.memref_squeeze %dma_wait3A_116 : memref<1x126x80xf32, #tpu.memory_space<hbm>> -> memref<126x80xf32, #tpu.memory_space<hbm>>
      tpu.wait_dma2 semaphore(%run_scoped3A : memref<!tpu.dma_semaphore, #tpu.memory_space<semaphore_mem>>) src(%dma_wait3A_117 : memref<126x80xf32, #tpu.memory_space<hbm>>) dst(%arg13 : memref<126x80xf32, #tpu.memory_space<vmem>>)
      tpu.yield
    }) : () -> ()
    %eq3A_3 = arith.constant 1 : i32
    %eq3A_4 = arith.cmpi eq, %arg0, %eq3A_3 : i32
    %convert_element_type3A_5 = arith.extui %eq3A_4 : i1 to i32
    %cond3A_6 = arith.constant 0 : i32
    %cond3A_7 = arith.cmpi ne, %convert_element_type3A_5, %cond3A_6 : i32
    scf.if %cond3A_7 {
      %scan3A_102 = arith.constant 0 : i32
      %scan3A_103 = arith.constant 0 : i32
      %scan3A_104 = arith.constant 126 : i32
      %scan3A_105 = arith.addi %scan3A_103, %scan3A_104 : i32
      %scan3A_106 = arith.constant 1 : i32
      scf.for %scan3A_108 = %scan3A_103 to %scan3A_105 step %scan3A_106  : i32 {
        %get3A = arith.index_cast %scan3A_108 : i32 to index
        %get3A_109 = arith.constant 0 : index
        %get3A_110 = tpu.vector_load %arg11[%get3A, %get3A_109] {strides = array<i32>} : memref<126x80xi32, #tpu.memory_space<vmem>>, vector<16xi32>,
        %add3A = arith.constant 10000 : i32
        %add3A_111 = vector.broadcast %add3A : i32 to vector<16xi32>
        %add3A_112 = arith.addi %get3A_110, %add3A_111 : vector<16xi32>
        %swap3A = arith.index_cast %scan3A_108 : i32 to index
        %swap3A_113 = arith.constant 0 : index
        %swap3A_114 = tpu.vector_load %arg11[%swap3A, %swap3A_113] {strides = array<i32>} : memref<126x80xi32, #tpu.memory_space<vmem>>, vector<16xi32>,
        tpu.vector_store %arg11[%swap3A, %swap3A_113], %add3A_112 {strides = array<i32>} : memref<126x80xi32, #tpu.memory_space<vmem>>, vector<16xi32>,
        %get3A_115 = arith.index_cast %scan3A_108 : i32 to index
        %get3A_116 = arith.constant 16 : index
        %get3A_117 = tpu.vector_load %arg11[%get3A_115, %get3A_116] {strides = array<i32>} : memref<126x80xi32, #tpu.memory_space<vmem>>, vector<16xi32>,
        %add3A_118 = arith.constant 10000 : i32
        %add3A_119 = vector.broadcast %add3A_118 : i32 to vector<16xi32>
        %add3A_120 = arith.addi %get3A_117, %add3A_119 : vector<16xi32>
        %swap3A_121 = arith.index_cast %scan3A_108 : i32 to index
        %swap3A_122 = arith.constant 16 : index
        %swap3A_123 = tpu.vector_load %arg11[%swap3A_121, %swap3A_122] {strides = array<i32>} : memref<126x80xi32, #tpu.memory_space<vmem>>, vector<16xi32>,
        tpu.vector_store %arg11[%swap3A_121, %swap3A_122], %add3A_120 {strides = array<i32>} : memref<126x80xi32, #tpu.memory_space<vmem>>, vector<16xi32>,
        %get3A_124 = arith.index_cast %scan3A_108 : i32 to index
        %get3A_125 = arith.constant 32 : index
        %get3A_126 = tpu.vector_load %arg11[%get3A_124, %get3A_125] {strides = array<i32>} : memref<126x80xi32, #tpu.memory_space<vmem>>, vector<16xi32>,
        %add3A_127 = arith.constant 10000 : i32
        %add3A_128 = vector.broadcast %add3A_127 : i32 to vector<16xi32>
        %add3A_129 = arith.addi %get3A_126, %add3A_128 : vector<16xi32>
        %swap3A_130 = arith.index_cast %scan3A_108 : i32 to index
        %swap3A_131 = arith.constant 32 : index
        %swap3A_132 = tpu.vector_load %arg11[%swap3A_130, %swap3A_131] {strides = array<i32>} : memref<126x80xi32, #tpu.memory_space<vmem>>, vector<16xi32>,
        tpu.vector_store %arg11[%swap3A_130, %swap3A_131], %add3A_129 {strides = array<i32>} : memref<126x80xi32, #tpu.memory_space<vmem>>, vector<16xi32>,
        %get3A_133 = arith.index_cast %scan3A_108 : i32 to index
        %get3A_134 = arith.constant 48 : index
        %get3A_135 = tpu.vector_load %arg11[%get3A_133, %get3A_134] {strides = array<i32>} : memref<126x80xi32, #tpu.memory_space<vmem>>, vector<16xi32>,
        %add3A_136 = arith.constant 10000 : i32
        %add3A_137 = vector.broadcast %add3A_136 : i32 to vector<16xi32>
        %add3A_138 = arith.addi %get3A_135, %add3A_137 : vector<16xi32>
        %swap3A_139 = arith.index_cast %scan3A_108 : i32 to index
        %swap3A_140 = arith.constant 48 : index
        %swap3A_141 = tpu.vector_load %arg11[%swap3A_139, %swap3A_140] {strides = array<i32>} : memref<126x80xi32, #tpu.memory_space<vmem>>, vector<16xi32>,
        tpu.vector_store %arg11[%swap3A_139, %swap3A_140], %add3A_138 {strides = array<i32>} : memref<126x80xi32, #tpu.memory_space<vmem>>, vector<16xi32>,
        %get3A_142 = arith.index_cast %scan3A_108 : i32 to index
        %get3A_143 = arith.constant 64 : index
        %get3A_144 = tpu.vector_load %arg11[%get3A_142, %get3A_143] {strides = array<i32>} : memref<126x80xi32, #tpu.memory_space<vmem>>, vector<16xi32>,
        %add3A_145 = arith.constant 10000 : i32
        %add3A_146 = vector.broadcast %add3A_145 : i32 to vector<16xi32>
        %add3A_147 = arith.addi %get3A_144, %add3A_146 : vector<16xi32>
        %swap3A_148 = arith.index_cast %scan3A_108 : i32 to index
        %swap3A_149 = arith.constant 64 : index
        %swap3A_150 = tpu.vector_load %arg11[%swap3A_148, %swap3A_149] {strides = array<i32>} : memref<126x80xi32, #tpu.memory_space<vmem>>, vector<16xi32>,
        tpu.vector_store %arg11[%swap3A_148, %swap3A_149], %add3A_147 {strides = array<i32>} : memref<126x80xi32, #tpu.memory_space<vmem>>, vector<16xi32>,
      }
      %scan3A_107 = arith.constant 126 : i32
    } else {
    }
    %dma_start3A = arith.constant 0 : i32
    %dma_start3A_8 = arith.constant 0 : i32
    %dma_start3A_9 = tpu.memref_slice %arg11[%dma_start3A, %dma_start3A_8] : memref<126x80xi32, #tpu.memory_space<vmem>> -> memref<1x80xi32, #tpu.memory_space<vmem>>
    %dma_start3A_10 = tpu.memref_squeeze %dma_start3A_9 : memref<1x80xi32, #tpu.memory_space<vmem>> -> memref<80xi32, #tpu.memory_space<vmem>>
    %dma_start3A_11 = arith.constant 0 : i32
    %dma_start3A_12 = arith.constant 0 : i32
    %dma_start3A_13 = tpu.memref_slice %arg2[%dma_start3A_11, %dma_start3A_12] : memref<20000x64xf32, #tpu.memory_space<hbm>> -> memref<20000x64xf32, #tpu.memory_space<hbm>>
    tpu.enqueue_indirect_dma source(%dma_start3A_13 : memref<20000x64xf32, #tpu.memory_space<hbm>>) target(%arg14 : memref<80x64xf32, #tpu.memory_space<vmem>>) offsets(%dma_start3A_10 : memref<80xi32, #tpu.memory_space<vmem>>) semaphore(%arg20 : memref<!tpu.dma_semaphore, #tpu.memory_space<semaphore_mem>>)
    %dma_start3A_14 = arith.constant 1 : i32
    %dma_start3A_15 = arith.constant 0 : i32
    %dma_start3A_16 = tpu.memref_slice %arg11[%dma_start3A_14, %dma_start3A_15] : memref<126x80xi32, #tpu.memory_space<vmem>> -> memref<1x80xi32, #tpu.memory_space<vmem>>
    %dma_start3A_17 = tpu.memref_squeeze %dma_start3A_16 : memref<1x80xi32, #tpu.memory_space<vmem>> -> memref<80xi32, #tpu.memory_space<vmem>>
    %dma_start3A_18 = arith.constant 0 : i32
    %dma_start3A_19 = arith.constant 0 : i32
    %dma_start3A_20 = tpu.memref_slice %arg2[%dma_start3A_18, %dma_start3A_19] : memref<20000x64xf32, #tpu.memory_space<hbm>> -> memref<20000x64xf32, #tpu.memory_space<hbm>>
    tpu.enqueue_indirect_dma source(%dma_start3A_20 : memref<20000x64xf32, #tpu.memory_space<hbm>>) target(%arg15 : memref<80x64xf32, #tpu.memory_space<vmem>>) offsets(%dma_start3A_17 : memref<80xi32, #tpu.memory_space<vmem>>) semaphore(%arg21 : memref<!tpu.dma_semaphore, #tpu.memory_space<semaphore_mem>>)
    %scan3A = arith.constant 0 : i32
    %scan3A_21 = arith.constant 0 : i32
    %scan3A_22 = arith.constant 42 : i32
    %scan3A_23 = arith.addi %scan3A_21, %scan3A_22 : i32
    %scan3A_24 = arith.constant 1 : i32
    scf.for %scan3A_102 = %scan3A_21 to %scan3A_23 step %scan3A_24  : i32 {
      %mul3A_103 = arith.constant 3 : i32
      %mul3A_104 = arith.muli %mul3A_103, %scan3A_102 : i32
      %add3A = arith.constant 0 : i32
      %add3A_105 = arith.addi %mul3A_104, %add3A : i32
      %dma_wait3A_106 = arith.constant 0 : i32
      %dma_wait3A_107 = arith.constant 0 : i32
      %dma_wait3A_108 = tpu.memref_slice %arg11[%dma_wait3A_106, %dma_wait3A_107] : memref<126x80xi32, #tpu.memory_space<vmem>> -> memref<1x80xi32, #tpu.memory_space<vmem>>
      %dma_wait3A_109 = tpu.memref_squeeze %dma_wait3A_108 : memref<1x80xi32, #tpu.memory_space<vmem>> -> memref<80xi32, #tpu.memory_space<vmem>>
      %dma_wait3A_110 = arith.constant 0 : i32
      %dma_wait3A_111 = arith.constant 0 : i32
      %dma_wait3A_112 = tpu.memref_slice %arg2[%dma_wait3A_110, %dma_wait3A_111] : memref<20000x64xf32, #tpu.memory_space<hbm>> -> memref<20000x64xf32, #tpu.memory_space<hbm>>
      tpu.wait_indirect_dma semaphore(%arg20 : memref<!tpu.dma_semaphore, #tpu.memory_space<semaphore_mem>>) src(%dma_wait3A_112 : memref<20000x64xf32, #tpu.memory_space<hbm>>) dst(%arg14 : memref<80x64xf32, #tpu.memory_space<vmem>>)
      %eq3A_113 = arith.constant 0 : i32
      %eq3A_114 = arith.cmpi eq, %arg0, %eq3A_113 : i32
      %convert_element_type3A_115 = arith.extui %eq3A_114 : i1 to i32
      %cond3A_116 = arith.constant 0 : i32
      %cond3A_117 = arith.cmpi ne, %convert_element_type3A_115, %cond3A_116 : i32
      scf.if %cond3A_117 {
        %get3A = arith.index_cast %add3A_105 : i32 to index
        %get3A_202 = arith.constant 0 : index
        %get3A_203 = tpu.vector_load %arg11[%get3A, %get3A_202] {strides = array<i32>} : memref<126x80xi32, #tpu.memory_space<vmem>>, vector<16xi32>,
        %get3A_204 = arith.index_cast %add3A_105 : i32 to index
        %get3A_205 = arith.constant 0 : index
        %get3A_206 = tpu.vector_load %arg12[%get3A_204, %get3A_205] {strides = array<i32>} : memref<126x80xi32, #tpu.memory_space<vmem>>, vector<16xi32>,
        %get3A_207 = arith.index_cast %add3A_105 : i32 to index
        %get3A_208 = arith.constant 0 : index
        %get3A_209 = tpu.vector_load %arg13[%get3A_207, %get3A_208] {strides = array<i32>} : memref<126x80xf32, #tpu.memory_space<vmem>>, vector<16xf32>,
        %gather3A = tpu.vector_load_idx %arg17[%get3A_203] : memref<10000xf32, #tpu.memory_space<vmem>>[vector<16xi32>], vector<16xf32>,
        %mul3A_210 = arith.mulf %get3A_209, %gather3A : vector<16xf32>
        %eq3A_211 = arith.constant 0 : i32
        %eq3A_212 = vector.broadcast %eq3A_211 : i32 to vector<16xi32>
        %eq3A_213 = arith.cmpi eq, %iota3A, %eq3A_212 : vector<16xi32>
        tpu.vector_store_idx %arg18[%get3A_206], %mul3A_210 masked %eq3A_213 {add = true} : memref<10240xf32, #tpu.memory_space<vmem>>[vector<16xi32>], vector<16xf32>, vector<16xi1>
        %eq3A_214 = arith.constant 1 : i32
        %eq3A_215 = vector.broadcast %eq3A_214 : i32 to vector<16xi32>
        %eq3A_216 = arith.cmpi eq, %iota3A, %eq3A_215 : vector<16xi32>
        tpu.vector_store_idx %arg18[%get3A_206], %mul3A_210 masked %eq3A_216 {add = true} : memref<10240xf32, #tpu.memory_space<vmem>>[vector<16xi32>], vector<16xf32>, vector<16xi1>
        %eq3A_217 = arith.constant 2 : i32
        %eq3A_218 = vector.broadcast %eq3A_217 : i32 to vector<16xi32>
        %eq3A_219 = arith.cmpi eq, %iota3A, %eq3A_218 : vector<16xi32>
        tpu.vector_store_idx %arg18[%get3A_206], %mul3A_210 masked %eq3A_219 {add = true} : memref<10240xf32, #tpu.memory_space<vmem>>[vector<16xi32>], vector<16xf32>, vector<16xi1>
        %eq3A_220 = arith.constant 3 : i32
        %eq3A_221 = vector.broadcast %eq3A_220 : i32 to vector<16xi32>
        %eq3A_222 = arith.cmpi eq, %iota3A, %eq3A_221 : vector<16xi32>
        tpu.vector_store_idx %arg18[%get3A_206], %mul3A_210 masked %eq3A_222 {add = true} : memref<10240xf32, #tpu.memory_space<vmem>>[vector<16xi32>], vector<16xf32>, vector<16xi1>
        %eq3A_223 = arith.constant 4 : i32
        %eq3A_224 = vector.broadcast %eq3A_223 : i32 to vector<16xi32>
        %eq3A_225 = arith.cmpi eq, %iota3A, %eq3A_224 : vector<16xi32>
        tpu.vector_store_idx %arg18[%get3A_206], %mul3A_210 masked %eq3A_225 {add = true} : memref<10240xf32, #tpu.memory_space<vmem>>[vector<16xi32>], vector<16xf32>, vector<16xi1>
        %eq3A_226 = arith.constant 5 : i32
        %eq3A_227 = vector.broadcast %eq3A_226 : i32 to vector<16xi32>
        %eq3A_228 = arith.cmpi eq, %iota3A, %eq3A_227 : vector<16xi32>
        tpu.vector_store_idx %arg18[%get3A_206], %mul3A_210 masked %eq3A_228 {add = true} : memref<10240xf32, #tpu.memory_space<vmem>>[vector<16xi32>], vector<16xf32>, vector<16xi1>
        %eq3A_229 = arith.constant 6 : i32
        %eq3A_230 = vector.broadcast %eq3A_229 : i32 to vector<16xi32>
        %eq3A_231 = arith.cmpi eq, %iota3A, %eq3A_230 : vector<16xi32>
        tpu.vector_store_idx %arg18[%get3A_206], %mul3A_210 masked %eq3A_231 {add = true} : memref<10240xf32, #tpu.memory_space<vmem>>[vector<16xi32>], vector<16xf32>, vector<16xi1>
        %eq3A_232 = arith.constant 7 : i32
        %eq3A_233 = vector.broadcast %eq3A_232 : i32 to vector<16xi32>
        %eq3A_234 = arith.cmpi eq, %iota3A, %eq3A_233 : vector<16xi32>
        tpu.vector_store_idx %arg18[%get3A_206], %mul3A_210 masked %eq3A_234 {add = true} : memref<10240xf32, #tpu.memory_space<vmem>>[vector<16xi32>], vector<16xf32>, vector<16xi1>
        %eq3A_235 = arith.constant 8 : i32
        %eq3A_236 = vector.broadcast %eq3A_235 : i32 to vector<16xi32>
        %eq3A_237 = arith.cmpi eq, %iota3A, %eq3A_236 : vector<16xi32>
        tpu.vector_store_idx %arg18[%get3A_206], %mul3A_210 masked %eq3A_237 {add = true} : memref<10240xf32, #tpu.memory_space<vmem>>[vector<16xi32>], vector<16xf32>, vector<16xi1>
        %eq3A_238 = arith.constant 9 : i32
        %eq3A_239 = vector.broadcast %eq3A_238 : i32 to vector<16xi32>
        %eq3A_240 = arith.cmpi eq, %iota3A, %eq3A_239 : vector<16xi32>
        tpu.vector_store_idx %arg18[%get3A_206], %mul3A_210 masked %eq3A_240 {add = true} : memref<10240xf32, #tpu.memory_space<vmem>>[vector<16xi32>], vector<16xf32>, vector<16xi1>
        %eq3A_241 = arith.constant 10 : i32
        %eq3A_242 = vector.broadcast %eq3A_241 : i32 to vector<16xi32>
        %eq3A_243 = arith.cmpi eq, %iota3A, %eq3A_242 : vector<16xi32>
        tpu.vector_store_idx %arg18[%get3A_206], %mul3A_210 masked %eq3A_243 {add = true} : memref<10240xf32, #tpu.memory_space<vmem>>[vector<16xi32>], vector<16xf32>, vector<16xi1>
        %eq3A_244 = arith.constant 11 : i32
        %eq3A_245 = vector.broadcast %eq3A_244 : i32 to vector<16xi32>
        %eq3A_246 = arith.cmpi eq, %iota3A, %eq3A_245 : vector<16xi32>
        tpu.vector_store_idx %arg18[%get3A_206], %mul3A_210 masked %eq3A_246 {add = true} : memref<10240xf32, #tpu.memory_space<vmem>>[vector<16xi32>], vector<16xf32>, vector<16xi1>
        %eq3A_247 = arith.constant 12 : i32
        %eq3A_248 = vector.broadcast %eq3A_247 : i32 to vector<16xi32>
        %eq3A_249 = arith.cmpi eq, %iota3A, %eq3A_248 : vector<16xi32>
        tpu.vector_store_idx %arg18[%get3A_206], %mul3A_210 masked %eq3A_249 {add = true} : memref<10240xf32, #tpu.memory_space<vmem>>[vector<16xi32>], vector<16xf32>, vector<16xi1>
        %eq3A_250 = arith.constant 13 : i32
        %eq3A_251 = vector.broadcast %eq3A_250 : i32 to vector<16xi32>
        %eq3A_252 = arith.cmpi eq, %iota3A, %eq3A_251 : vector<16xi32>
        tpu.vector_store_idx %arg18[%get3A_206], %mul3A_210 masked %eq3A_252 {add = true} : memref<10240xf32, #tpu.memory_space<vmem>>[vector<16xi32>], vector<16xf32>, vector<16xi1>
        %eq3A_253 = arith.constant 14 : i32
        %eq3A_254 = vector.broadcast %eq3A_253 : i32 to vector<16xi32>
        %eq3A_255 = arith.cmpi eq, %iota3A, %eq3A_254 : vector<16xi32>
        tpu.vector_store_idx %arg18[%get3A_206], %mul3A_210 masked %eq3A_255 {add = true} : memref<10240xf32, #tpu.memory_space<vmem>>[vector<16xi32>], vector<16xf32>, vector<16xi1>
        %eq3A_256 = arith.constant 15 : i32
        %eq3A_257 = vector.broadcast %eq3A_256 : i32 to vector<16xi32>
        %eq3A_258 = arith.cmpi eq, %iota3A, %eq3A_257 : vector<16xi32>
        tpu.vector_store_idx %arg18[%get3A_206], %mul3A_210 masked %eq3A_258 {add = true} : memref<10240xf32, #tpu.memory_space<vmem>>[vector<16xi32>], vector<16xf32>, vector<16xi1>
        %get3A_259 = arith.index_cast %add3A_105 : i32 to index
        %get3A_260 = arith.constant 16 : index
        %get3A_261 = tpu.vector_load %arg11[%get3A_259, %get3A_260] {strides = array<i32>} : memref<126x80xi32, #tpu.memory_space<vmem>>, vector<16xi32>,
        %get3A_262 = arith.index_cast %add3A_105 : i32 to index
        %get3A_263 = arith.constant 16 : index
        %get3A_264 = tpu.vector_load %arg12[%get3A_262, %get3A_263] {strides = array<i32>} : memref<126x80xi32, #tpu.memory_space<vmem>>, vector<16xi32>,
        %get3A_265 = arith.index_cast %add3A_105 : i32 to index
        %get3A_266 = arith.constant 16 : index
        %get3A_267 = tpu.vector_load %arg13[%get3A_265, %get3A_266] {strides = array<i32>} : memref<126x80xf32, #tpu.memory_space<vmem>>, vector<16xf32>,
        %gather3A_268 = tpu.vector_load_idx %arg17[%get3A_261] : memref<10000xf32, #tpu.memory_space<vmem>>[vector<16xi32>], vector<16xf32>,
        %mul3A_269 = arith.mulf %get3A_267, %gather3A_268 : vector<16xf32>
        %eq3A_270 = arith.constant 0 : i32
        %eq3A_271 = vector.broadcast %eq3A_270 : i32 to vector<16xi32>
        %eq3A_272 = arith.cmpi eq, %iota3A, %eq3A_271 : vector<16xi32>
        tpu.vector_store_idx %arg18[%get3A_264], %mul3A_269 masked %eq3A_272 {add = true} : memref<10240xf32, #tpu.memory_space<vmem>>[vector<16xi32>], vector<16xf32>, vector<16xi1>
        %eq3A_273 = arith.constant 1 : i32
        %eq3A_274 = vector.broadcast %eq3A_273 : i32 to vector<16xi32>
        %eq3A_275 = arith.cmpi eq, %iota3A, %eq3A_274 : vector<16xi32>
        tpu.vector_store_idx %arg18[%get3A_264], %mul3A_269 masked %eq3A_275 {add = true} : memref<10240xf32, #tpu.memory_space<vmem>>[vector<16xi32>], vector<16xf32>, vector<16xi1>
        %eq3A_276 = arith.constant 2 : i32
        %eq3A_277 = vector.broadcast %eq3A_276 : i32 to vector<16xi32>
        %eq3A_278 = arith.cmpi eq, %iota3A, %eq3A_277 : vector<16xi32>
        tpu.vector_store_idx %arg18[%get3A_264], %mul3A_269 masked %eq3A_278 {add = true} : memref<10240xf32, #tpu.memory_space<vmem>>[vector<16xi32>], vector<16xf32>, vector<16xi1>
        %eq3A_279 = arith.constant 3 : i32
        %eq3A_280 = vector.broadcast %eq3A_279 : i32 to vector<16xi32>
        %eq3A_281 = arith.cmpi eq, %iota3A, %eq3A_280 : vector<16xi32>
        tpu.vector_store_idx %arg18[%get3A_264], %mul3A_269 masked %eq3A_281 {add = true} : memref<10240xf32, #tpu.memory_space<vmem>>[vector<16xi32>], vector<16xf32>, vector<16xi1>
        %eq3A_282 = arith.constant 4 : i32
        %eq3A_283 = vector.broadcast %eq3A_282 : i32 to vector<16xi32>
        %eq3A_284 = arith.cmpi eq, %iota3A, %eq3A_283 : vector<16xi32>
        tpu.vector_store_idx %arg18[%get3A_264], %mul3A_269 masked %eq3A_284 {add = true} : memref<10240xf32, #tpu.memory_space<vmem>>[vector<16xi32>], vector<16xf32>, vector<16xi1>
        %eq3A_285 = arith.constant 5 : i32
        %eq3A_286 = vector.broadcast %eq3A_285 : i32 to vector<16xi32>
        %eq3A_287 = arith.cmpi eq, %iota3A, %eq3A_286 : vector<16xi32>
        tpu.vector_store_idx %arg18[%get3A_264], %mul3A_269 masked %eq3A_287 {add = true} : memref<10240xf32, #tpu.memory_space<vmem>>[vector<16xi32>], vector<16xf32>, vector<16xi1>
        %eq3A_288 = arith.constant 6 : i32
        %eq3A_289 = vector.broadcast %eq3A_288 : i32 to vector<16xi32>
        %eq3A_290 = arith.cmpi eq, %iota3A, %eq3A_289 : vector<16xi32>
        tpu.vector_store_idx %arg18[%get3A_264], %mul3A_269 masked %eq3A_290 {add = true} : memref<10240xf32, #tpu.memory_space<vmem>>[vector<16xi32>], vector<16xf32>, vector<16xi1>
        %eq3A_291 = arith.constant 7 : i32
        %eq3A_292 = vector.broadcast %eq3A_291 : i32 to vector<16xi32>
        %eq3A_293 = arith.cmpi eq, %iota3A, %eq3A_292 : vector<16xi32>
        tpu.vector_store_idx %arg18[%get3A_264], %mul3A_269 masked %eq3A_293 {add = true} : memref<10240xf32, #tpu.memory_space<vmem>>[vector<16xi32>], vector<16xf32>, vector<16xi1>
        %eq3A_294 = arith.constant 8 : i32
        %eq3A_295 = vector.broadcast %eq3A_294 : i32 to vector<16xi32>
        %eq3A_296 = arith.cmpi eq, %iota3A, %eq3A_295 : vector<16xi32>
        tpu.vector_store_idx %arg18[%get3A_264], %mul3A_269 masked %eq3A_296 {add = true} : memref<10240xf32, #tpu.memory_space<vmem>>[vector<16xi32>], vector<16xf32>, vector<16xi1>
        %eq3A_297 = arith.constant 9 : i32
        %eq3A_298 = vector.broadcast %eq3A_297 : i32 to vector<16xi32>
        %eq3A_299 = arith.cmpi eq, %iota3A, %eq3A_298 : vector<16xi32>
        tpu.vector_store_idx %arg18[%get3A_264], %mul3A_269 masked %eq3A_299 {add = true} : memref<10240xf32, #tpu.memory_space<vmem>>[vector<16xi32>], vector<16xf32>, vector<16xi1>
        %eq3A_300 = arith.constant 10 : i32
        %eq3A_301 = vector.broadcast %eq3A_300 : i32 to vector<16xi32>
        %eq3A_302 = arith.cmpi eq, %iota3A, %eq3A_301 : vector<16xi32>
        tpu.vector_store_idx %arg18[%get3A_264], %mul3A_269 masked %eq3A_302 {add = true} : memref<10240xf32, #tpu.memory_space<vmem>>[vector<16xi32>], vector<16xf32>, vector<16xi1>
        %eq3A_303 = arith.constant 11 : i32
        %eq3A_304 = vector.broadcast %eq3A_303 : i32 to vector<16xi32>
        %eq3A_305 = arith.cmpi eq, %iota3A, %eq3A_304 : vector<16xi32>
        tpu.vector_store_idx %arg18[%get3A_264], %mul3A_269 masked %eq3A_305 {add = true} : memref<10240xf32, #tpu.memory_space<vmem>>[vector<16xi32>], vector<16xf32>, vector<16xi1>
        %eq3A_306 = arith.constant 12 : i32
        %eq3A_307 = vector.broadcast %eq3A_306 : i32 to vector<16xi32>
        %eq3A_308 = arith.cmpi eq, %iota3A, %eq3A_307 : vector<16xi32>
        tpu.vector_store_idx %arg18[%get3A_264], %mul3A_269 masked %eq3A_308 {add = true} : memref<10240xf32, #tpu.memory_space<vmem>>[vector<16xi32>], vector<16xf32>, vector<16xi1>
        %eq3A_309 = arith.constant 13 : i32
        %eq3A_310 = vector.broadcast %eq3A_309 : i32 to vector<16xi32>
        %eq3A_311 = arith.cmpi eq, %iota3A, %eq3A_310 : vector<16xi32>
        tpu.vector_store_idx %arg18[%get3A_264], %mul3A_269 masked %eq3A_311 {add = true} : memref<10240xf32, #tpu.memory_space<vmem>>[vector<16xi32>], vector<16xf32>, vector<16xi1>
        %eq3A_312 = arith.constant 14 : i32
        %eq3A_313 = vector.broadcast %eq3A_312 : i32 to vector<16xi32>
        %eq3A_314 = arith.cmpi eq, %iota3A, %eq3A_313 : vector<16xi32>
        tpu.vector_store_idx %arg18[%get3A_264], %mul3A_269 masked %eq3A_314 {add = true} : memref<10240xf32, #tpu.memory_space<vmem>>[vector<16xi32>], vector<16xf32>, vector<16xi1>
        %eq3A_315 = arith.constant 15 : i32
        %eq3A_316 = vector.broadcast %eq3A_315 : i32 to vector<16xi32>
        %eq3A_317 = arith.cmpi eq, %iota3A, %eq3A_316 : vector<16xi32>
        tpu.vector_store_idx %arg18[%get3A_264], %mul3A_269 masked %eq3A_317 {add = true} : memref<10240xf32, #tpu.memory_space<vmem>>[vector<16xi32>], vector<16xf32>, vector<16xi1>
        %get3A_318 = arith.index_cast %add3A_105 : i32 to index
        %get3A_319 = arith.constant 32 : index
        %get3A_320 = tpu.vector_load %arg11[%get3A_318, %get3A_319] {strides = array<i32>} : memref<126x80xi32, #tpu.memory_space<vmem>>, vector<16xi32>,
        %get3A_321 = arith.index_cast %add3A_105 : i32 to index
        %get3A_322 = arith.constant 32 : index
        %get3A_323 = tpu.vector_load %arg12[%get3A_321, %get3A_322] {strides = array<i32>} : memref<126x80xi32, #tpu.memory_space<vmem>>, vector<16xi32>,
        %get3A_324 = arith.index_cast %add3A_105 : i32 to index
        %get3A_325 = arith.constant 32 : index
        %get3A_326 = tpu.vector_load %arg13[%get3A_324, %get3A_325] {strides = array<i32>} : memref<126x80xf32, #tpu.memory_space<vmem>>, vector<16xf32>,
        %gather3A_327 = tpu.vector_load_idx %arg17[%get3A_320] : memref<10000xf32, #tpu.memory_space<vmem>>[vector<16xi32>], vector<16xf32>,
        %mul3A_328 = arith.mulf %get3A_326, %gather3A_327 : vector<16xf32>
        %eq3A_329 = arith.constant 0 : i32
        %eq3A_330 = vector.broadcast %eq3A_329 : i32 to vector<16xi32>
        %eq3A_331 = arith.cmpi eq, %iota3A, %eq3A_330 : vector<16xi32>
        tpu.vector_store_idx %arg18[%get3A_323], %mul3A_328 masked %eq3A_331 {add = true} : memref<10240xf32, #tpu.memory_space<vmem>>[vector<16xi32>], vector<16xf32>, vector<16xi1>
        %eq3A_332 = arith.constant 1 : i32
        %eq3A_333 = vector.broadcast %eq3A_332 : i32 to vector<16xi32>
        %eq3A_334 = arith.cmpi eq, %iota3A, %eq3A_333 : vector<16xi32>
        tpu.vector_store_idx %arg18[%get3A_323], %mul3A_328 masked %eq3A_334 {add = true} : memref<10240xf32, #tpu.memory_space<vmem>>[vector<16xi32>], vector<16xf32>, vector<16xi1>
        %eq3A_335 = arith.constant 2 : i32
        %eq3A_336 = vector.broadcast %eq3A_335 : i32 to vector<16xi32>
        %eq3A_337 = arith.cmpi eq, %iota3A, %eq3A_336 : vector<16xi32>
        tpu.vector_store_idx %arg18[%get3A_323], %mul3A_328 masked %eq3A_337 {add = true} : memref<10240xf32, #tpu.memory_space<vmem>>[vector<16xi32>], vector<16xf32>, vector<16xi1>
        %eq3A_338 = arith.constant 3 : i32
        %eq3A_339 = vector.broadcast %eq3A_338 : i32 to vector<16xi32>
        %eq3A_340 = arith.cmpi eq, %iota3A, %eq3A_339 : vector<16xi32>
        tpu.vector_store_idx %arg18[%get3A_323], %mul3A_328 masked %eq3A_340 {add = true} : memref<10240xf32, #tpu.memory_space<vmem>>[vector<16xi32>], vector<16xf32>, vector<16xi1>
        %eq3A_341 = arith.constant 4 : i32
        %eq3A_342 = vector.broadcast %eq3A_341 : i32 to vector<16xi32>
        %eq3A_343 = arith.cmpi eq, %iota3A, %eq3A_342 : vector<16xi32>
        tpu.vector_store_idx %arg18[%get3A_323], %mul3A_328 masked %eq3A_343 {add = true} : memref<10240xf32, #tpu.memory_space<vmem>>[vector<16xi32>], vector<16xf32>, vector<16xi1>
        %eq3A_344 = arith.constant 5 : i32
        %eq3A_345 = vector.broadcast %eq3A_344 : i32 to vector<16xi32>
        %eq3A_346 = arith.cmpi eq, %iota3A, %eq3A_345 : vector<16xi32>
        tpu.vector_store_idx %arg18[%get3A_323], %mul3A_328 masked %eq3A_346 {add = true} : memref<10240xf32, #tpu.memory_space<vmem>>[vector<16xi32>], vector<16xf32>, vector<16xi1>
        %eq3A_347 = arith.constant 6 : i32
        %eq3A_348 = vector.broadcast %eq3A_347 : i32 to vector<16xi32>
        %eq3A_349 = arith.cmpi eq, %iota3A, %eq3A_348 : vector<16xi32>
        tpu.vector_store_idx %arg18[%get3A_323], %mul3A_328 masked %eq3A_349 {add = true} : memref<10240xf32, #tpu.memory_space<vmem>>[vector<16xi32>], vector<16xf32>, vector<16xi1>
        %eq3A_350 = arith.constant 7 : i32
        %eq3A_351 = vector.broadcast %eq3A_350 : i32 to vector<16xi32>
        %eq3A_352 = arith.cmpi eq, %iota3A, %eq3A_351 : vector<16xi32>
        tpu.vector_store_idx %arg18[%get3A_323], %mul3A_328 masked %eq3A_352 {add = true} : memref<10240xf32, #tpu.memory_space<vmem>>[vector<16xi32>], vector<16xf32>, vector<16xi1>
        %eq3A_353 = arith.constant 8 : i32
        %eq3A_354 = vector.broadcast %eq3A_353 : i32 to vector<16xi32>
        %eq3A_355 = arith.cmpi eq, %iota3A, %eq3A_354 : vector<16xi32>
        tpu.vector_store_idx %arg18[%get3A_323], %mul3A_328 masked %eq3A_355 {add = true} : memref<10240xf32, #tpu.memory_space<vmem>>[vector<16xi32>], vector<16xf32>, vector<16xi1>
        %eq3A_356 = arith.constant 9 : i32
        %eq3A_357 = vector.broadcast %eq3A_356 : i32 to vector<16xi32>
        %eq3A_358 = arith.cmpi eq, %iota3A, %eq3A_357 : vector<16xi32>
        tpu.vector_store_idx %arg18[%get3A_323], %mul3A_328 masked %eq3A_358 {add = true} : memref<10240xf32, #tpu.memory_space<vmem>>[vector<16xi32>], vector<16xf32>, vector<16xi1>
        %eq3A_359 = arith.constant 10 : i32
        %eq3A_360 = vector.broadcast %eq3A_359 : i32 to vector<16xi32>
        %eq3A_361 = arith.cmpi eq, %iota3A, %eq3A_360 : vector<16xi32>
        tpu.vector_store_idx %arg18[%get3A_323], %mul3A_328 masked %eq3A_361 {add = true} : memref<10240xf32, #tpu.memory_space<vmem>>[vector<16xi32>], vector<16xf32>, vector<16xi1>
        %eq3A_362 = arith.constant 11 : i32
        %eq3A_363 = vector.broadcast %eq3A_362 : i32 to vector<16xi32>
        %eq3A_364 = arith.cmpi eq, %iota3A, %eq3A_363 : vector<16xi32>
        tpu.vector_store_idx %arg18[%get3A_323], %mul3A_328 masked %eq3A_364 {add = true} : memref<10240xf32, #tpu.memory_space<vmem>>[vector<16xi32>], vector<16xf32>, vector<16xi1>
        %eq3A_365 = arith.constant 12 : i32
        %eq3A_366 = vector.broadcast %eq3A_365 : i32 to vector<16xi32>
        %eq3A_367 = arith.cmpi eq, %iota3A, %eq3A_366 : vector<16xi32>
        tpu.vector_store_idx %arg18[%get3A_323], %mul3A_328 masked %eq3A_367 {add = true} : memref<10240xf32, #tpu.memory_space<vmem>>[vector<16xi32>], vector<16xf32>, vector<16xi1>
        %eq3A_368 = arith.constant 13 : i32
        %eq3A_369 = vector.broadcast %eq3A_368 : i32 to vector<16xi32>
        %eq3A_370 = arith.cmpi eq, %iota3A, %eq3A_369 : vector<16xi32>
        tpu.vector_store_idx %arg18[%get3A_323], %mul3A_328 masked %eq3A_370 {add = true} : memref<10240xf32, #tpu.memory_space<vmem>>[vector<16xi32>], vector<16xf32>, vector<16xi1>
        %eq3A_371 = arith.constant 14 : i32
        %eq3A_372 = vector.broadcast %eq3A_371 : i32 to vector<16xi32>
        %eq3A_373 = arith.cmpi eq, %iota3A, %eq3A_372 : vector<16xi32>
        tpu.vector_store_idx %arg18[%get3A_323], %mul3A_328 masked %eq3A_373 {add = true} : memref<10240xf32, #tpu.memory_space<vmem>>[vector<16xi32>], vector<16xf32>, vector<16xi1>
        %eq3A_374 = arith.constant 15 : i32
        %eq3A_375 = vector.broadcast %eq3A_374 : i32 to vector<16xi32>
        %eq3A_376 = arith.cmpi eq, %iota3A, %eq3A_375 : vector<16xi32>
        tpu.vector_store_idx %arg18[%get3A_323], %mul3A_328 masked %eq3A_376 {add = true} : memref<10240xf32, #tpu.memory_space<vmem>>[vector<16xi32>], vector<16xf32>, vector<16xi1>
        %get3A_377 = arith.index_cast %add3A_105 : i32 to index
        %get3A_378 = arith.constant 48 : index
        %get3A_379 = tpu.vector_load %arg11[%get3A_377, %get3A_378] {strides = array<i32>} : memref<126x80xi32, #tpu.memory_space<vmem>>, vector<16xi32>,
        %get3A_380 = arith.index_cast %add3A_105 : i32 to index
        %get3A_381 = arith.constant 48 : index
        %get3A_382 = tpu.vector_load %arg12[%get3A_380, %get3A_381] {strides = array<i32>} : memref<126x80xi32, #tpu.memory_space<vmem>>, vector<16xi32>,
        %get3A_383 = arith.index_cast %add3A_105 : i32 to index
        %get3A_384 = arith.constant 48 : index
        %get3A_385 = tpu.vector_load %arg13[%get3A_383, %get3A_384] {strides = array<i32>} : memref<126x80xf32, #tpu.memory_space<vmem>>, vector<16xf32>,
        %gather3A_386 = tpu.vector_load_idx %arg17[%get3A_379] : memref<10000xf32, #tpu.memory_space<vmem>>[vector<16xi32>], vector<16xf32>,
        %mul3A_387 = arith.mulf %get3A_385, %gather3A_386 : vector<16xf32>
        %eq3A_388 = arith.constant 0 : i32
        %eq3A_389 = vector.broadcast %eq3A_388 : i32 to vector<16xi32>
        %eq3A_390 = arith.cmpi eq, %iota3A, %eq3A_389 : vector<16xi32>
        tpu.vector_store_idx %arg18[%get3A_382], %mul3A_387 masked %eq3A_390 {add = true} : memref<10240xf32, #tpu.memory_space<vmem>>[vector<16xi32>], vector<16xf32>, vector<16xi1>
        %eq3A_391 = arith.constant 1 : i32
        %eq3A_392 = vector.broadcast %eq3A_391 : i32 to vector<16xi32>
        %eq3A_393 = arith.cmpi eq, %iota3A, %eq3A_392 : vector<16xi32>
        tpu.vector_store_idx %arg18[%get3A_382], %mul3A_387 masked %eq3A_393 {add = true} : memref<10240xf32, #tpu.memory_space<vmem>>[vector<16xi32>], vector<16xf32>, vector<16xi1>
        %eq3A_394 = arith.constant 2 : i32
        %eq3A_395 = vector.broadcast %eq3A_394 : i32 to vector<16xi32>
        %eq3A_396 = arith.cmpi eq, %iota3A, %eq3A_395 : vector<16xi32>
        tpu.vector_store_idx %arg18[%get3A_382], %mul3A_387 masked %eq3A_396 {add = true} : memref<10240xf32, #tpu.memory_space<vmem>>[vector<16xi32>], vector<16xf32>, vector<16xi1>
        %eq3A_397 = arith.constant 3 : i32
        %eq3A_398 = vector.broadcast %eq3A_397 : i32 to vector<16xi32>
        %eq3A_399 = arith.cmpi eq, %iota3A, %eq3A_398 : vector<16xi32>
        tpu.vector_store_idx %arg18[%get3A_382], %mul3A_387 masked %eq3A_399 {add = true} : memref<10240xf32, #tpu.memory_space<vmem>>[vector<16xi32>], vector<16xf32>, vector<16xi1>
        %eq3A_400 = arith.constant 4 : i32
        %eq3A_401 = vector.broadcast %eq3A_400 : i32 to vector<16xi32>
        %eq3A_402 = arith.cmpi eq, %iota3A, %eq3A_401 : vector<16xi32>
        tpu.vector_store_idx %arg18[%get3A_382], %mul3A_387 masked %eq3A_402 {add = true} : memref<10240xf32, #tpu.memory_space<vmem>>[vector<16xi32>], vector<16xf32>, vector<16xi1>
        %eq3A_403 = arith.constant 5 : i32
        %eq3A_404 = vector.broadcast %eq3A_403 : i32 to vector<16xi32>
        %eq3A_405 = arith.cmpi eq, %iota3A, %eq3A_404 : vector<16xi32>
        tpu.vector_store_idx %arg18[%get3A_382], %mul3A_387 masked %eq3A_405 {add = true} : memref<10240xf32, #tpu.memory_space<vmem>>[vector<16xi32>], vector<16xf32>, vector<16xi1>
        %eq3A_406 = arith.constant 6 : i32
        %eq3A_407 = vector.broadcast %eq3A_406 : i32 to vector<16xi32>
        %eq3A_408 = arith.cmpi eq, %iota3A, %eq3A_407 : vector<16xi32>
        tpu.vector_store_idx %arg18[%get3A_382], %mul3A_387 masked %eq3A_408 {add = true} : memref<10240xf32, #tpu.memory_space<vmem>>[vector<16xi32>], vector<16xf32>, vector<16xi1>
        %eq3A_409 = arith.constant 7 : i32
        %eq3A_410 = vector.broadcast %eq3A_409 : i32 to vector<16xi32>
        %eq3A_411 = arith.cmpi eq, %iota3A, %eq3A_410 : vector<16xi32>
        tpu.vector_store_idx %arg18[%get3A_382], %mul3A_387 masked %eq3A_411 {add = true} : memref<10240xf32, #tpu.memory_space<vmem>>[vector<16xi32>], vector<16xf32>, vector<16xi1>
        %eq3A_412 = arith.constant 8 : i32
        %eq3A_413 = vector.broadcast %eq3A_412 : i32 to vector<16xi32>
        %eq3A_414 = arith.cmpi eq, %iota3A, %eq3A_413 : vector<16xi32>
        tpu.vector_store_idx %arg18[%get3A_382], %mul3A_387 masked %eq3A_414 {add = true} : memref<10240xf32, #tpu.memory_space<vmem>>[vector<16xi32>], vector<16xf32>, vector<16xi1>
        %eq3A_415 = arith.constant 9 : i32
        %eq3A_416 = vector.broadcast %eq3A_415 : i32 to vector<16xi32>
        %eq3A_417 = arith.cmpi eq, %iota3A, %eq3A_416 : vector<16xi32>
        tpu.vector_store_idx %arg18[%get3A_382], %mul3A_387 masked %eq3A_417 {add = true} : memref<10240xf32, #tpu.memory_space<vmem>>[vector<16xi32>], vector<16xf32>, vector<16xi1>
        %eq3A_418 = arith.constant 10 : i32
        %eq3A_419 = vector.broadcast %eq3A_418 : i32 to vector<16xi32>
        %eq3A_420 = arith.cmpi eq, %iota3A, %eq3A_419 : vector<16xi32>
        tpu.vector_store_idx %arg18[%get3A_382], %mul3A_387 masked %eq3A_420 {add = true} : memref<10240xf32, #tpu.memory_space<vmem>>[vector<16xi32>], vector<16xf32>, vector<16xi1>
        %eq3A_421 = arith.constant 11 : i32
        %eq3A_422 = vector.broadcast %eq3A_421 : i32 to vector<16xi32>
        %eq3A_423 = arith.cmpi eq, %iota3A, %eq3A_422 : vector<16xi32>
        tpu.vector_store_idx %arg18[%get3A_382], %mul3A_387 masked %eq3A_423 {add = true} : memref<10240xf32, #tpu.memory_space<vmem>>[vector<16xi32>], vector<16xf32>, vector<16xi1>
        %eq3A_424 = arith.constant 12 : i32
        %eq3A_425 = vector.broadcast %eq3A_424 : i32 to vector<16xi32>
        %eq3A_426 = arith.cmpi eq, %iota3A, %eq3A_425 : vector<16xi32>
        tpu.vector_store_idx %arg18[%get3A_382], %mul3A_387 masked %eq3A_426 {add = true} : memref<10240xf32, #tpu.memory_space<vmem>>[vector<16xi32>], vector<16xf32>, vector<16xi1>
        %eq3A_427 = arith.constant 13 : i32
        %eq3A_428 = vector.broadcast %eq3A_427 : i32 to vector<16xi32>
        %eq3A_429 = arith.cmpi eq, %iota3A, %eq3A_428 : vector<16xi32>
        tpu.vector_store_idx %arg18[%get3A_382], %mul3A_387 masked %eq3A_429 {add = true} : memref<10240xf32, #tpu.memory_space<vmem>>[vector<16xi32>], vector<16xf32>, vector<16xi1>
        %eq3A_430 = arith.constant 14 : i32
        %eq3A_431 = vector.broadcast %eq3A_430 : i32 to vector<16xi32>
        %eq3A_432 = arith.cmpi eq, %iota3A, %eq3A_431 : vector<16xi32>
        tpu.vector_store_idx %arg18[%get3A_382], %mul3A_387 masked %eq3A_432 {add = true} : memref<10240xf32, #tpu.memory_space<vmem>>[vector<16xi32>], vector<16xf32>, vector<16xi1>
        %eq3A_433 = arith.constant 15 : i32
        %eq3A_434 = vector.broadcast %eq3A_433 : i32 to vector<16xi32>
        %eq3A_435 = arith.cmpi eq, %iota3A, %eq3A_434 : vector<16xi32>
        tpu.vector_store_idx %arg18[%get3A_382], %mul3A_387 masked %eq3A_435 {add = true} : memref<10240xf32, #tpu.memory_space<vmem>>[vector<16xi32>], vector<16xf32>, vector<16xi1>
        %get3A_436 = arith.index_cast %add3A_105 : i32 to index
        %get3A_437 = arith.constant 64 : index
        %get3A_438 = tpu.vector_load %arg11[%get3A_436, %get3A_437] {strides = array<i32>} : memref<126x80xi32, #tpu.memory_space<vmem>>, vector<16xi32>,
        %get3A_439 = arith.index_cast %add3A_105 : i32 to index
        %get3A_440 = arith.constant 64 : index
        %get3A_441 = tpu.vector_load %arg12[%get3A_439, %get3A_440] {strides = array<i32>} : memref<126x80xi32, #tpu.memory_space<vmem>>, vector<16xi32>,
        %get3A_442 = arith.index_cast %add3A_105 : i32 to index
        %get3A_443 = arith.constant 64 : index
        %get3A_444 = tpu.vector_load %arg13[%get3A_442, %get3A_443] {strides = array<i32>} : memref<126x80xf32, #tpu.memory_space<vmem>>, vector<16xf32>,
        %gather3A_445 = tpu.vector_load_idx %arg17[%get3A_438] : memref<10000xf32, #tpu.memory_space<vmem>>[vector<16xi32>], vector<16xf32>,
        %mul3A_446 = arith.mulf %get3A_444, %gather3A_445 : vector<16xf32>
        %eq3A_447 = arith.constant 0 : i32
        %eq3A_448 = vector.broadcast %eq3A_447 : i32 to vector<16xi32>
        %eq3A_449 = arith.cmpi eq, %iota3A, %eq3A_448 : vector<16xi32>
        tpu.vector_store_idx %arg18[%get3A_441], %mul3A_446 masked %eq3A_449 {add = true} : memref<10240xf32, #tpu.memory_space<vmem>>[vector<16xi32>], vector<16xf32>, vector<16xi1>
        %eq3A_450 = arith.constant 1 : i32
        %eq3A_451 = vector.broadcast %eq3A_450 : i32 to vector<16xi32>
        %eq3A_452 = arith.cmpi eq, %iota3A, %eq3A_451 : vector<16xi32>
        tpu.vector_store_idx %arg18[%get3A_441], %mul3A_446 masked %eq3A_452 {add = true} : memref<10240xf32, #tpu.memory_space<vmem>>[vector<16xi32>], vector<16xf32>, vector<16xi1>
        %eq3A_453 = arith.constant 2 : i32
        %eq3A_454 = vector.broadcast %eq3A_453 : i32 to vector<16xi32>
        %eq3A_455 = arith.cmpi eq, %iota3A, %eq3A_454 : vector<16xi32>
        tpu.vector_store_idx %arg18[%get3A_441], %mul3A_446 masked %eq3A_455 {add = true} : memref<10240xf32, #tpu.memory_space<vmem>>[vector<16xi32>], vector<16xf32>, vector<16xi1>
        %eq3A_456 = arith.constant 3 : i32
        %eq3A_457 = vector.broadcast %eq3A_456 : i32 to vector<16xi32>
        %eq3A_458 = arith.cmpi eq, %iota3A, %eq3A_457 : vector<16xi32>
        tpu.vector_store_idx %arg18[%get3A_441], %mul3A_446 masked %eq3A_458 {add = true} : memref<10240xf32, #tpu.memory_space<vmem>>[vector<16xi32>], vector<16xf32>, vector<16xi1>
        %eq3A_459 = arith.constant 4 : i32
        %eq3A_460 = vector.broadcast %eq3A_459 : i32 to vector<16xi32>
        %eq3A_461 = arith.cmpi eq, %iota3A, %eq3A_460 : vector<16xi32>
        tpu.vector_store_idx %arg18[%get3A_441], %mul3A_446 masked %eq3A_461 {add = true} : memref<10240xf32, #tpu.memory_space<vmem>>[vector<16xi32>], vector<16xf32>, vector<16xi1>
        %eq3A_462 = arith.constant 5 : i32
        %eq3A_463 = vector.broadcast %eq3A_462 : i32 to vector<16xi32>
        %eq3A_464 = arith.cmpi eq, %iota3A, %eq3A_463 : vector<16xi32>
        tpu.vector_store_idx %arg18[%get3A_441], %mul3A_446 masked %eq3A_464 {add = true} : memref<10240xf32, #tpu.memory_space<vmem>>[vector<16xi32>], vector<16xf32>, vector<16xi1>
        %eq3A_465 = arith.constant 6 : i32
        %eq3A_466 = vector.broadcast %eq3A_465 : i32 to vector<16xi32>
        %eq3A_467 = arith.cmpi eq, %iota3A, %eq3A_466 : vector<16xi32>
        tpu.vector_store_idx %arg18[%get3A_441], %mul3A_446 masked %eq3A_467 {add = true} : memref<10240xf32, #tpu.memory_space<vmem>>[vector<16xi32>], vector<16xf32>, vector<16xi1>
        %eq3A_468 = arith.constant 7 : i32
        %eq3A_469 = vector.broadcast %eq3A_468 : i32 to vector<16xi32>
        %eq3A_470 = arith.cmpi eq, %iota3A, %eq3A_469 : vector<16xi32>
        tpu.vector_store_idx %arg18[%get3A_441], %mul3A_446 masked %eq3A_470 {add = true} : memref<10240xf32, #tpu.memory_space<vmem>>[vector<16xi32>], vector<16xf32>, vector<16xi1>
        %eq3A_471 = arith.constant 8 : i32
        %eq3A_472 = vector.broadcast %eq3A_471 : i32 to vector<16xi32>
        %eq3A_473 = arith.cmpi eq, %iota3A, %eq3A_472 : vector<16xi32>
        tpu.vector_store_idx %arg18[%get3A_441], %mul3A_446 masked %eq3A_473 {add = true} : memref<10240xf32, #tpu.memory_space<vmem>>[vector<16xi32>], vector<16xf32>, vector<16xi1>
        %eq3A_474 = arith.constant 9 : i32
        %eq3A_475 = vector.broadcast %eq3A_474 : i32 to vector<16xi32>
        %eq3A_476 = arith.cmpi eq, %iota3A, %eq3A_475 : vector<16xi32>
        tpu.vector_store_idx %arg18[%get3A_441], %mul3A_446 masked %eq3A_476 {add = true} : memref<10240xf32, #tpu.memory_space<vmem>>[vector<16xi32>], vector<16xf32>, vector<16xi1>
        %eq3A_477 = arith.constant 10 : i32
        %eq3A_478 = vector.broadcast %eq3A_477 : i32 to vector<16xi32>
        %eq3A_479 = arith.cmpi eq, %iota3A, %eq3A_478 : vector<16xi32>
        tpu.vector_store_idx %arg18[%get3A_441], %mul3A_446 masked %eq3A_479 {add = true} : memref<10240xf32, #tpu.memory_space<vmem>>[vector<16xi32>], vector<16xf32>, vector<16xi1>
        %eq3A_480 = arith.constant 11 : i32
        %eq3A_481 = vector.broadcast %eq3A_480 : i32 to vector<16xi32>
        %eq3A_482 = arith.cmpi eq, %iota3A, %eq3A_481 : vector<16xi32>
        tpu.vector_store_idx %arg18[%get3A_441], %mul3A_446 masked %eq3A_482 {add = true} : memref<10240xf32, #tpu.memory_space<vmem>>[vector<16xi32>], vector<16xf32>, vector<16xi1>
        %eq3A_483 = arith.constant 12 : i32
        %eq3A_484 = vector.broadcast %eq3A_483 : i32 to vector<16xi32>
        %eq3A_485 = arith.cmpi eq, %iota3A, %eq3A_484 : vector<16xi32>
        tpu.vector_store_idx %arg18[%get3A_441], %mul3A_446 masked %eq3A_485 {add = true} : memref<10240xf32, #tpu.memory_space<vmem>>[vector<16xi32>], vector<16xf32>, vector<16xi1>
        %eq3A_486 = arith.constant 13 : i32
        %eq3A_487 = vector.broadcast %eq3A_486 : i32 to vector<16xi32>
        %eq3A_488 = arith.cmpi eq, %iota3A, %eq3A_487 : vector<16xi32>
        tpu.vector_store_idx %arg18[%get3A_441], %mul3A_446 masked %eq3A_488 {add = true} : memref<10240xf32, #tpu.memory_space<vmem>>[vector<16xi32>], vector<16xf32>, vector<16xi1>
        %eq3A_489 = arith.constant 14 : i32
        %eq3A_490 = vector.broadcast %eq3A_489 : i32 to vector<16xi32>
        %eq3A_491 = arith.cmpi eq, %iota3A, %eq3A_490 : vector<16xi32>
        tpu.vector_store_idx %arg18[%get3A_441], %mul3A_446 masked %eq3A_491 {add = true} : memref<10240xf32, #tpu.memory_space<vmem>>[vector<16xi32>], vector<16xf32>, vector<16xi1>
        %eq3A_492 = arith.constant 15 : i32
        %eq3A_493 = vector.broadcast %eq3A_492 : i32 to vector<16xi32>
        %eq3A_494 = arith.cmpi eq, %iota3A, %eq3A_493 : vector<16xi32>
        tpu.vector_store_idx %arg18[%get3A_441], %mul3A_446 masked %eq3A_494 {add = true} : memref<10240xf32, #tpu.memory_space<vmem>>[vector<16xi32>], vector<16xf32>, vector<16xi1>
      } else {
      }
      %scan3A_118 = arith.constant 0 : i32
      %scan3A_119 = arith.constant 0 : i32
      %scan3A_120 = arith.constant 80 : i32
      %scan3A_121 = arith.addi %scan3A_119, %scan3A_120 : i32
      %scan3A_122 = arith.constant 4 : i32
      scf.for %scan3A_202 = %scan3A_119 to %scan3A_121 step %scan3A_122  : i32 {
        %broadcast_in_dim3A = vector.broadcast %add3A_105 : i32 to vector<16xi32>
        %broadcast_in_dim3A_203 = vector.broadcast %scan3A_202 : i32 to vector<16xi32>
        %gather3A = tpu.vector_load_idx %arg13[%broadcast_in_dim3A, %broadcast_in_dim3A_203] : memref<126x80xf32, #tpu.memory_space<vmem>>[vector<16xi32>, vector<16xi32>], vector<16xf32>,
        %get3A = arith.index_cast %scan3A_202 : i32 to index
        %get3A_204 = arith.constant 0 : index
        %get3A_205 = tpu.vector_load %arg14[%get3A, %get3A_204] {strides = array<i32>} : memref<80x64xf32, #tpu.memory_space<vmem>>, vector<16xf32>,
        %mul3A_206 = arith.mulf %get3A_205, %gather3A : vector<16xf32>
        %swap3A = arith.index_cast %scan3A_202 : i32 to index
        %swap3A_207 = arith.constant 0 : index
        %swap3A_208 = tpu.vector_load %arg14[%swap3A, %swap3A_207] {strides = array<i32>} : memref<80x64xf32, #tpu.memory_space<vmem>>, vector<16xf32>,
        tpu.vector_store %arg14[%swap3A, %swap3A_207], %mul3A_206 {strides = array<i32>} : memref<80x64xf32, #tpu.memory_space<vmem>>, vector<16xf32>,
        %get3A_209 = arith.index_cast %scan3A_202 : i32 to index
        %get3A_210 = arith.constant 16 : index
        %get3A_211 = tpu.vector_load %arg14[%get3A_209, %get3A_210] {strides = array<i32>} : memref<80x64xf32, #tpu.memory_space<vmem>>, vector<16xf32>,
        %mul3A_212 = arith.mulf %get3A_211, %gather3A : vector<16xf32>
        %swap3A_213 = arith.index_cast %scan3A_202 : i32 to index
        %swap3A_214 = arith.constant 16 : index
        %swap3A_215 = tpu.vector_load %arg14[%swap3A_213, %swap3A_214] {strides = array<i32>} : memref<80x64xf32, #tpu.memory_space<vmem>>, vector<16xf32>,
        tpu.vector_store %arg14[%swap3A_213, %swap3A_214], %mul3A_212 {strides = array<i32>} : memref<80x64xf32, #tpu.memory_space<vmem>>, vector<16xf32>,
        %get3A_216 = arith.index_cast %scan3A_202 : i32 to index
        %get3A_217 = arith.constant 32 : index
        %get3A_218 = tpu.vector_load %arg14[%get3A_216, %get3A_217] {strides = array<i32>} : memref<80x64xf32, #tpu.memory_space<vmem>>, vector<16xf32>,
        %mul3A_219 = arith.mulf %get3A_218, %gather3A : vector<16xf32>
        %swap3A_220 = arith.index_cast %scan3A_202 : i32 to index
        %swap3A_221 = arith.constant 32 : index
        %swap3A_222 = tpu.vector_load %arg14[%swap3A_220, %swap3A_221] {strides = array<i32>} : memref<80x64xf32, #tpu.memory_space<vmem>>, vector<16xf32>,
        tpu.vector_store %arg14[%swap3A_220, %swap3A_221], %mul3A_219 {strides = array<i32>} : memref<80x64xf32, #tpu.memory_space<vmem>>, vector<16xf32>,
        %get3A_223 = arith.index_cast %scan3A_202 : i32 to index
        %get3A_224 = arith.constant 48 : index
        %get3A_225 = tpu.vector_load %arg14[%get3A_223, %get3A_224] {strides = array<i32>} : memref<80x64xf32, #tpu.memory_space<vmem>>, vector<16xf32>,
        %mul3A_226 = arith.mulf %get3A_225, %gather3A : vector<16xf32>
        %swap3A_227 = arith.index_cast %scan3A_202 : i32 to index
        %swap3A_228 = arith.constant 48 : index
        %swap3A_229 = tpu.vector_load %arg14[%swap3A_227, %swap3A_228] {strides = array<i32>} : memref<80x64xf32, #tpu.memory_space<vmem>>, vector<16xf32>,
        tpu.vector_store %arg14[%swap3A_227, %swap3A_228], %mul3A_226 {strides = array<i32>} : memref<80x64xf32, #tpu.memory_space<vmem>>, vector<16xf32>,
        %scan3A_230 = arith.constant 1 : i32
        %scan3A_231 = arith.addi %scan3A_202, %scan3A_230 : i32
        %broadcast_in_dim3A_232 = vector.broadcast %add3A_105 : i32 to vector<16xi32>
        %broadcast_in_dim3A_233 = vector.broadcast %scan3A_231 : i32 to vector<16xi32>
        %gather3A_234 = tpu.vector_load_idx %arg13[%broadcast_in_dim3A_232, %broadcast_in_dim3A_233] : memref<126x80xf32, #tpu.memory_space<vmem>>[vector<16xi32>, vector<16xi32>], vector<16xf32>,
        %get3A_235 = arith.index_cast %scan3A_231 : i32 to index
        %get3A_236 = arith.constant 0 : index
        %get3A_237 = tpu.vector_load %arg14[%get3A_235, %get3A_236] {strides = array<i32>} : memref<80x64xf32, #tpu.memory_space<vmem>>, vector<16xf32>,
        %mul3A_238 = arith.mulf %get3A_237, %gather3A_234 : vector<16xf32>
        %swap3A_239 = arith.index_cast %scan3A_231 : i32 to index
        %swap3A_240 = arith.constant 0 : index
        %swap3A_241 = tpu.vector_load %arg14[%swap3A_239, %swap3A_240] {strides = array<i32>} : memref<80x64xf32, #tpu.memory_space<vmem>>, vector<16xf32>,
        tpu.vector_store %arg14[%swap3A_239, %swap3A_240], %mul3A_238 {strides = array<i32>} : memref<80x64xf32, #tpu.memory_space<vmem>>, vector<16xf32>,
        %get3A_242 = arith.index_cast %scan3A_231 : i32 to index
        %get3A_243 = arith.constant 16 : index
        %get3A_244 = tpu.vector_load %arg14[%get3A_242, %get3A_243] {strides = array<i32>} : memref<80x64xf32, #tpu.memory_space<vmem>>, vector<16xf32>,
        %mul3A_245 = arith.mulf %get3A_244, %gather3A_234 : vector<16xf32>
        %swap3A_246 = arith.index_cast %scan3A_231 : i32 to index
        %swap3A_247 = arith.constant 16 : index
        %swap3A_248 = tpu.vector_load %arg14[%swap3A_246, %swap3A_247] {strides = array<i32>} : memref<80x64xf32, #tpu.memory_space<vmem>>, vector<16xf32>,
        tpu.vector_store %arg14[%swap3A_246, %swap3A_247], %mul3A_245 {strides = array<i32>} : memref<80x64xf32, #tpu.memory_space<vmem>>, vector<16xf32>,
        %get3A_249 = arith.index_cast %scan3A_231 : i32 to index
        %get3A_250 = arith.constant 32 : index
        %get3A_251 = tpu.vector_load %arg14[%get3A_249, %get3A_250] {strides = array<i32>} : memref<80x64xf32, #tpu.memory_space<vmem>>, vector<16xf32>,
        %mul3A_252 = arith.mulf %get3A_251, %gather3A_234 : vector<16xf32>
        %swap3A_253 = arith.index_cast %scan3A_231 : i32 to index
        %swap3A_254 = arith.constant 32 : index
        %swap3A_255 = tpu.vector_load %arg14[%swap3A_253, %swap3A_254] {strides = array<i32>} : memref<80x64xf32, #tpu.memory_space<vmem>>, vector<16xf32>,
        tpu.vector_store %arg14[%swap3A_253, %swap3A_254], %mul3A_252 {strides = array<i32>} : memref<80x64xf32, #tpu.memory_space<vmem>>, vector<16xf32>,
        %get3A_256 = arith.index_cast %scan3A_231 : i32 to index
        %get3A_257 = arith.constant 48 : index
        %get3A_258 = tpu.vector_load %arg14[%get3A_256, %get3A_257] {strides = array<i32>} : memref<80x64xf32, #tpu.memory_space<vmem>>, vector<16xf32>,
        %mul3A_259 = arith.mulf %get3A_258, %gather3A_234 : vector<16xf32>
        %swap3A_260 = arith.index_cast %scan3A_231 : i32 to index
        %swap3A_261 = arith.constant 48 : index
        %swap3A_262 = tpu.vector_load %arg14[%swap3A_260, %swap3A_261] {strides = array<i32>} : memref<80x64xf32, #tpu.memory_space<vmem>>, vector<16xf32>,
        tpu.vector_store %arg14[%swap3A_260, %swap3A_261], %mul3A_259 {strides = array<i32>} : memref<80x64xf32, #tpu.memory_space<vmem>>, vector<16xf32>,
        %scan3A_263 = arith.constant 2 : i32
        %scan3A_264 = arith.addi %scan3A_202, %scan3A_263 : i32
        %broadcast_in_dim3A_265 = vector.broadcast %add3A_105 : i32 to vector<16xi32>
        %broadcast_in_dim3A_266 = vector.broadcast %scan3A_264 : i32 to vector<16xi32>
        %gather3A_267 = tpu.vector_load_idx %arg13[%broadcast_in_dim3A_265, %broadcast_in_dim3A_266] : memref<126x80xf32, #tpu.memory_space<vmem>>[vector<16xi32>, vector<16xi32>], vector<16xf32>,
        %get3A_268 = arith.index_cast %scan3A_264 : i32 to index
        %get3A_269 = arith.constant 0 : index
        %get3A_270 = tpu.vector_load %arg14[%get3A_268, %get3A_269] {strides = array<i32>} : memref<80x64xf32, #tpu.memory_space<vmem>>, vector<16xf32>,
        %mul3A_271 = arith.mulf %get3A_270, %gather3A_267 : vector<16xf32>
        %swap3A_272 = arith.index_cast %scan3A_264 : i32 to index
        %swap3A_273 = arith.constant 0 : index
        %swap3A_274 = tpu.vector_load %arg14[%swap3A_272, %swap3A_273] {strides = array<i32>} : memref<80x64xf32, #tpu.memory_space<vmem>>, vector<16xf32>,
        tpu.vector_store %arg14[%swap3A_272, %swap3A_273], %mul3A_271 {strides = array<i32>} : memref<80x64xf32, #tpu.memory_space<vmem>>, vector<16xf32>,
        %get3A_275 = arith.index_cast %scan3A_264 : i32 to index
        %get3A_276 = arith.constant 16 : index
        %get3A_277 = tpu.vector_load %arg14[%get3A_275, %get3A_276] {strides = array<i32>} : memref<80x64xf32, #tpu.memory_space<vmem>>, vector<16xf32>,
        %mul3A_278 = arith.mulf %get3A_277, %gather3A_267 : vector<16xf32>
        %swap3A_279 = arith.index_cast %scan3A_264 : i32 to index
        %swap3A_280 = arith.constant 16 : index
        %swap3A_281 = tpu.vector_load %arg14[%swap3A_279, %swap3A_280] {strides = array<i32>} : memref<80x64xf32, #tpu.memory_space<vmem>>, vector<16xf32>,
        tpu.vector_store %arg14[%swap3A_279, %swap3A_280], %mul3A_278 {strides = array<i32>} : memref<80x64xf32, #tpu.memory_space<vmem>>, vector<16xf32>,
        %get3A_282 = arith.index_cast %scan3A_264 : i32 to index
        %get3A_283 = arith.constant 32 : index
        %get3A_284 = tpu.vector_load %arg14[%get3A_282, %get3A_283] {strides = array<i32>} : memref<80x64xf32, #tpu.memory_space<vmem>>, vector<16xf32>,
        %mul3A_285 = arith.mulf %get3A_284, %gather3A_267 : vector<16xf32>
        %swap3A_286 = arith.index_cast %scan3A_264 : i32 to index
        %swap3A_287 = arith.constant 32 : index
        %swap3A_288 = tpu.vector_load %arg14[%swap3A_286, %swap3A_287] {strides = array<i32>} : memref<80x64xf32, #tpu.memory_space<vmem>>, vector<16xf32>,
        tpu.vector_store %arg14[%swap3A_286, %swap3A_287], %mul3A_285 {strides = array<i32>} : memref<80x64xf32, #tpu.memory_space<vmem>>, vector<16xf32>,
        %get3A_289 = arith.index_cast %scan3A_264 : i32 to index
        %get3A_290 = arith.constant 48 : index
        %get3A_291 = tpu.vector_load %arg14[%get3A_289, %get3A_290] {strides = array<i32>} : memref<80x64xf32, #tpu.memory_space<vmem>>, vector<16xf32>,
        %mul3A_292 = arith.mulf %get3A_291, %gather3A_267 : vector<16xf32>
        %swap3A_293 = arith.index_cast %scan3A_264 : i32 to index
        %swap3A_294 = arith.constant 48 : index
        %swap3A_295 = tpu.vector_load %arg14[%swap3A_293, %swap3A_294] {strides = array<i32>} : memref<80x64xf32, #tpu.memory_space<vmem>>, vector<16xf32>,
        tpu.vector_store %arg14[%swap3A_293, %swap3A_294], %mul3A_292 {strides = array<i32>} : memref<80x64xf32, #tpu.memory_space<vmem>>, vector<16xf32>,
        %scan3A_296 = arith.constant 3 : i32
        %scan3A_297 = arith.addi %scan3A_202, %scan3A_296 : i32
        %broadcast_in_dim3A_298 = vector.broadcast %add3A_105 : i32 to vector<16xi32>
        %broadcast_in_dim3A_299 = vector.broadcast %scan3A_297 : i32 to vector<16xi32>
        %gather3A_300 = tpu.vector_load_idx %arg13[%broadcast_in_dim3A_298, %broadcast_in_dim3A_299] : memref<126x80xf32, #tpu.memory_space<vmem>>[vector<16xi32>, vector<16xi32>], vector<16xf32>,
        %get3A_301 = arith.index_cast %scan3A_297 : i32 to index
        %get3A_302 = arith.constant 0 : index
        %get3A_303 = tpu.vector_load %arg14[%get3A_301, %get3A_302] {strides = array<i32>} : memref<80x64xf32, #tpu.memory_space<vmem>>, vector<16xf32>,
        %mul3A_304 = arith.mulf %get3A_303, %gather3A_300 : vector<16xf32>
        %swap3A_305 = arith.index_cast %scan3A_297 : i32 to index
        %swap3A_306 = arith.constant 0 : index
        %swap3A_307 = tpu.vector_load %arg14[%swap3A_305, %swap3A_306] {strides = array<i32>} : memref<80x64xf32, #tpu.memory_space<vmem>>, vector<16xf32>,
        tpu.vector_store %arg14[%swap3A_305, %swap3A_306], %mul3A_304 {strides = array<i32>} : memref<80x64xf32, #tpu.memory_space<vmem>>, vector<16xf32>,
        %get3A_308 = arith.index_cast %scan3A_297 : i32 to index
        %get3A_309 = arith.constant 16 : index
        %get3A_310 = tpu.vector_load %arg14[%get3A_308, %get3A_309] {strides = array<i32>} : memref<80x64xf32, #tpu.memory_space<vmem>>, vector<16xf32>,
        %mul3A_311 = arith.mulf %get3A_310, %gather3A_300 : vector<16xf32>
        %swap3A_312 = arith.index_cast %scan3A_297 : i32 to index
        %swap3A_313 = arith.constant 16 : index
        %swap3A_314 = tpu.vector_load %arg14[%swap3A_312, %swap3A_313] {strides = array<i32>} : memref<80x64xf32, #tpu.memory_space<vmem>>, vector<16xf32>,
        tpu.vector_store %arg14[%swap3A_312, %swap3A_313], %mul3A_311 {strides = array<i32>} : memref<80x64xf32, #tpu.memory_space<vmem>>, vector<16xf32>,
        %get3A_315 = arith.index_cast %scan3A_297 : i32 to index
        %get3A_316 = arith.constant 32 : index
        %get3A_317 = tpu.vector_load %arg14[%get3A_315, %get3A_316] {strides = array<i32>} : memref<80x64xf32, #tpu.memory_space<vmem>>, vector<16xf32>,
        %mul3A_318 = arith.mulf %get3A_317, %gather3A_300 : vector<16xf32>
        %swap3A_319 = arith.index_cast %scan3A_297 : i32 to index
        %swap3A_320 = arith.constant 32 : index
        %swap3A_321 = tpu.vector_load %arg14[%swap3A_319, %swap3A_320] {strides = array<i32>} : memref<80x64xf32, #tpu.memory_space<vmem>>, vector<16xf32>,
        tpu.vector_store %arg14[%swap3A_319, %swap3A_320], %mul3A_318 {strides = array<i32>} : memref<80x64xf32, #tpu.memory_space<vmem>>, vector<16xf32>,
        %get3A_322 = arith.index_cast %scan3A_297 : i32 to index
        %get3A_323 = arith.constant 48 : index
        %get3A_324 = tpu.vector_load %arg14[%get3A_322, %get3A_323] {strides = array<i32>} : memref<80x64xf32, #tpu.memory_space<vmem>>, vector<16xf32>,
        %mul3A_325 = arith.mulf %get3A_324, %gather3A_300 : vector<16xf32>
        %swap3A_326 = arith.index_cast %scan3A_297 : i32 to index
        %swap3A_327 = arith.constant 48 : index
        %swap3A_328 = tpu.vector_load %arg14[%swap3A_326, %swap3A_327] {strides = array<i32>} : memref<80x64xf32, #tpu.memory_space<vmem>>, vector<16xf32>,
        tpu.vector_store %arg14[%swap3A_326, %swap3A_327], %mul3A_325 {strides = array<i32>} : memref<80x64xf32, #tpu.memory_space<vmem>>, vector<16xf32>,
      }
      %scan3A_123 = arith.constant 80 : i32
      %dma_start3A_124 = arith.constant 0 : i32
      %dma_start3A_125 = tpu.memref_slice %arg12[%add3A_105, %dma_start3A_124] : memref<126x80xi32, #tpu.memory_space<vmem>> -> memref<1x80xi32, #tpu.memory_space<vmem>>
      %dma_start3A_126 = tpu.memref_squeeze %dma_start3A_125 : memref<1x80xi32, #tpu.memory_space<vmem>> -> memref<80xi32, #tpu.memory_space<vmem>>
      %dma_start3A_127 = arith.constant 0 : i32
      %dma_start3A_128 = arith.constant 0 : i32
      %dma_start3A_129 = tpu.memref_slice %arg19[%dma_start3A_127, %dma_start3A_128] : memref<10000x64xf32, #tpu.memory_space<vmem_shared>> -> memref<10000x64xf32, #tpu.memory_space<vmem_shared>>
      tpu.enqueue_indirect_dma source(%arg14 : memref<80x64xf32, #tpu.memory_space<vmem>>) target(%dma_start3A_129 : memref<10000x64xf32, #tpu.memory_space<vmem_shared>>) offsets(%dma_start3A_126 : memref<80xi32, #tpu.memory_space<vmem>>) semaphore(%arg23 : memref<!tpu.dma_semaphore, #tpu.memory_space<semaphore_mem>>) {add = true}
      %add3A_130 = arith.constant 2 : i32
      %add3A_131 = arith.addi %add3A_105, %add3A_130 : i32
      %lt3A = arith.constant 126 : i32
      %lt3A_132 = arith.cmpi slt, %add3A_131, %lt3A : i32
      %convert_element_type3A_133 = arith.extui %lt3A_132 : i1 to i32
      %cond3A_134 = arith.constant 0 : i32
      %cond3A_135 = arith.cmpi ne, %convert_element_type3A_133, %cond3A_134 : i32
      scf.if %cond3A_135 {
        %ge3A = arith.constant 1 : i32
        %ge3A_202 = arith.cmpi sge, %add3A_105, %ge3A : i32
        %convert_element_type3A_203 = arith.extui %ge3A_202 : i1 to i32
        %cond3A_204 = arith.constant 0 : i32
        %cond3A_205 = arith.cmpi ne, %convert_element_type3A_203, %cond3A_204 : i32
        scf.if %cond3A_205 {
          %dma_wait3A_214 = arith.constant 0 : i32
          %dma_wait3A_215 = arith.constant 0 : i32
          %dma_wait3A_216 = tpu.memref_slice %arg12[%dma_wait3A_214, %dma_wait3A_215] : memref<126x80xi32, #tpu.memory_space<vmem>> -> memref<1x80xi32, #tpu.memory_space<vmem>>
          %dma_wait3A_217 = tpu.memref_squeeze %dma_wait3A_216 : memref<1x80xi32, #tpu.memory_space<vmem>> -> memref<80xi32, #tpu.memory_space<vmem>>
          %dma_wait3A_218 = arith.constant 0 : i32
          %dma_wait3A_219 = arith.constant 0 : i32
          %dma_wait3A_220 = tpu.memref_slice %arg19[%dma_wait3A_218, %dma_wait3A_219] : memref<10000x64xf32, #tpu.memory_space<vmem_shared>> -> memref<10000x64xf32, #tpu.memory_space<vmem_shared>>
          tpu.wait_indirect_dma semaphore(%arg25 : memref<!tpu.dma_semaphore, #tpu.memory_space<semaphore_mem>>) src(%arg16 : memref<80x64xf32, #tpu.memory_space<vmem>>) dst(%dma_wait3A_220 : memref<10000x64xf32, #tpu.memory_space<vmem_shared>>)
        } else {
        }
        %add3A_206 = arith.constant 2 : i32
        %add3A_207 = arith.addi %add3A_105, %add3A_206 : i32
        %dma_start3A_208 = arith.constant 0 : i32
        %dma_start3A_209 = tpu.memref_slice %arg11[%add3A_207, %dma_start3A_208] : memref<126x80xi32, #tpu.memory_space<vmem>> -> memref<1x80xi32, #tpu.memory_space<vmem>>
        %dma_start3A_210 = tpu.memref_squeeze %dma_start3A_209 : memref<1x80xi32, #tpu.memory_space<vmem>> -> memref<80xi32, #tpu.memory_space<vmem>>
        %dma_start3A_211 = arith.constant 0 : i32
        %dma_start3A_212 = arith.constant 0 : i32
        %dma_start3A_213 = tpu.memref_slice %arg2[%dma_start3A_211, %dma_start3A_212] : memref<20000x64xf32, #tpu.memory_space<hbm>> -> memref<20000x64xf32, #tpu.memory_space<hbm>>
        tpu.enqueue_indirect_dma source(%dma_start3A_213 : memref<20000x64xf32, #tpu.memory_space<hbm>>) target(%arg16 : memref<80x64xf32, #tpu.memory_space<vmem>>) offsets(%dma_start3A_210 : memref<80xi32, #tpu.memory_space<vmem>>) semaphore(%arg22 : memref<!tpu.dma_semaphore, #tpu.memory_space<semaphore_mem>>)
      } else {
      }
      %add3A_136 = arith.constant 1 : i32
      %add3A_137 = arith.addi %mul3A_104, %add3A_136 : i32
      %dma_wait3A_138 = arith.constant 0 : i32
      %dma_wait3A_139 = arith.constant 0 : i32
      %dma_wait3A_140 = tpu.memref_slice %arg11[%dma_wait3A_138, %dma_wait3A_139] : memref<126x80xi32, #tpu.memory_space<vmem>> -> memref<1x80xi32, #tpu.memory_space<vmem>>
      %dma_wait3A_141 = tpu.memref_squeeze %dma_wait3A_140 : memref<1x80xi32, #tpu.memory_space<vmem>> -> memref<80xi32, #tpu.memory_space<vmem>>
      %dma_wait3A_142 = arith.constant 0 : i32
      %dma_wait3A_143 = arith.constant 0 : i32
      %dma_wait3A_144 = tpu.memref_slice %arg2[%dma_wait3A_142, %dma_wait3A_143] : memref<20000x64xf32, #tpu.memory_space<hbm>> -> memref<20000x64xf32, #tpu.memory_space<hbm>>
      tpu.wait_indirect_dma semaphore(%arg21 : memref<!tpu.dma_semaphore, #tpu.memory_space<semaphore_mem>>) src(%dma_wait3A_144 : memref<20000x64xf32, #tpu.memory_space<hbm>>) dst(%arg15 : memref<80x64xf32, #tpu.memory_space<vmem>>)
      %eq3A_145 = arith.constant 0 : i32
      %eq3A_146 = arith.cmpi eq, %arg0, %eq3A_145 : i32
      %convert_element_type3A_147 = arith.extui %eq3A_146 : i1 to i32
      %cond3A_148 = arith.constant 0 : i32
      %cond3A_149 = arith.cmpi ne, %convert_element_type3A_147, %cond3A_148 : i32
      scf.if %cond3A_149 {
        %get3A = arith.index_cast %add3A_137 : i32 to index
        %get3A_202 = arith.constant 0 : index
        %get3A_203 = tpu.vector_load %arg11[%get3A, %get3A_202] {strides = array<i32>} : memref<126x80xi32, #tpu.memory_space<vmem>>, vector<16xi32>,
        %get3A_204 = arith.index_cast %add3A_137 : i32 to index
        %get3A_205 = arith.constant 0 : index
        %get3A_206 = tpu.vector_load %arg12[%get3A_204, %get3A_205] {strides = array<i32>} : memref<126x80xi32, #tpu.memory_space<vmem>>, vector<16xi32>,
        %get3A_207 = arith.index_cast %add3A_137 : i32 to index
        %get3A_208 = arith.constant 0 : index
        %get3A_209 = tpu.vector_load %arg13[%get3A_207, %get3A_208] {strides = array<i32>} : memref<126x80xf32, #tpu.memory_space<vmem>>, vector<16xf32>,
        %gather3A = tpu.vector_load_idx %arg17[%get3A_203] : memref<10000xf32, #tpu.memory_space<vmem>>[vector<16xi32>], vector<16xf32>,
        %mul3A_210 = arith.mulf %get3A_209, %gather3A : vector<16xf32>
        %eq3A_211 = arith.constant 0 : i32
        %eq3A_212 = vector.broadcast %eq3A_211 : i32 to vector<16xi32>
        %eq3A_213 = arith.cmpi eq, %iota3A, %eq3A_212 : vector<16xi32>
        tpu.vector_store_idx %arg18[%get3A_206], %mul3A_210 masked %eq3A_213 {add = true} : memref<10240xf32, #tpu.memory_space<vmem>>[vector<16xi32>], vector<16xf32>, vector<16xi1>
        %eq3A_214 = arith.constant 1 : i32
        %eq3A_215 = vector.broadcast %eq3A_214 : i32 to vector<16xi32>
        %eq3A_216 = arith.cmpi eq, %iota3A, %eq3A_215 : vector<16xi32>
        tpu.vector_store_idx %arg18[%get3A_206], %mul3A_210 masked %eq3A_216 {add = true} : memref<10240xf32, #tpu.memory_space<vmem>>[vector<16xi32>], vector<16xf32>, vector<16xi1>
        %eq3A_217 = arith.constant 2 : i32
        %eq3A_218 = vector.broadcast %eq3A_217 : i32 to vector<16xi32>
        %eq3A_219 = arith.cmpi eq, %iota3A, %eq3A_218 : vector<16xi32>
        tpu.vector_store_idx %arg18[%get3A_206], %mul3A_210 masked %eq3A_219 {add = true} : memref<10240xf32, #tpu.memory_space<vmem>>[vector<16xi32>], vector<16xf32>, vector<16xi1>
        %eq3A_220 = arith.constant 3 : i32
        %eq3A_221 = vector.broadcast %eq3A_220 : i32 to vector<16xi32>
        %eq3A_222 = arith.cmpi eq, %iota3A, %eq3A_221 : vector<16xi32>
        tpu.vector_store_idx %arg18[%get3A_206], %mul3A_210 masked %eq3A_222 {add = true} : memref<10240xf32, #tpu.memory_space<vmem>>[vector<16xi32>], vector<16xf32>, vector<16xi1>
        %eq3A_223 = arith.constant 4 : i32
        %eq3A_224 = vector.broadcast %eq3A_223 : i32 to vector<16xi32>
        %eq3A_225 = arith.cmpi eq, %iota3A, %eq3A_224 : vector<16xi32>
        tpu.vector_store_idx %arg18[%get3A_206], %mul3A_210 masked %eq3A_225 {add = true} : memref<10240xf32, #tpu.memory_space<vmem>>[vector<16xi32>], vector<16xf32>, vector<16xi1>
        %eq3A_226 = arith.constant 5 : i32
        %eq3A_227 = vector.broadcast %eq3A_226 : i32 to vector<16xi32>
        %eq3A_228 = arith.cmpi eq, %iota3A, %eq3A_227 : vector<16xi32>
        tpu.vector_store_idx %arg18[%get3A_206], %mul3A_210 masked %eq3A_228 {add = true} : memref<10240xf32, #tpu.memory_space<vmem>>[vector<16xi32>], vector<16xf32>, vector<16xi1>
        %eq3A_229 = arith.constant 6 : i32
        %eq3A_230 = vector.broadcast %eq3A_229 : i32 to vector<16xi32>
        %eq3A_231 = arith.cmpi eq, %iota3A, %eq3A_230 : vector<16xi32>
        tpu.vector_store_idx %arg18[%get3A_206], %mul3A_210 masked %eq3A_231 {add = true} : memref<10240xf32, #tpu.memory_space<vmem>>[vector<16xi32>], vector<16xf32>, vector<16xi1>
        %eq3A_232 = arith.constant 7 : i32
        %eq3A_233 = vector.broadcast %eq3A_232 : i32 to vector<16xi32>
        %eq3A_234 = arith.cmpi eq, %iota3A, %eq3A_233 : vector<16xi32>
        tpu.vector_store_idx %arg18[%get3A_206], %mul3A_210 masked %eq3A_234 {add = true} : memref<10240xf32, #tpu.memory_space<vmem>>[vector<16xi32>], vector<16xf32>, vector<16xi1>
        %eq3A_235 = arith.constant 8 : i32
        %eq3A_236 = vector.broadcast %eq3A_235 : i32 to vector<16xi32>
        %eq3A_237 = arith.cmpi eq, %iota3A, %eq3A_236 : vector<16xi32>
        tpu.vector_store_idx %arg18[%get3A_206], %mul3A_210 masked %eq3A_237 {add = true} : memref<10240xf32, #tpu.memory_space<vmem>>[vector<16xi32>], vector<16xf32>, vector<16xi1>
        %eq3A_238 = arith.constant 9 : i32
        %eq3A_239 = vector.broadcast %eq3A_238 : i32 to vector<16xi32>
        %eq3A_240 = arith.cmpi eq, %iota3A, %eq3A_239 : vector<16xi32>
        tpu.vector_store_idx %arg18[%get3A_206], %mul3A_210 masked %eq3A_240 {add = true} : memref<10240xf32, #tpu.memory_space<vmem>>[vector<16xi32>], vector<16xf32>, vector<16xi1>
        %eq3A_241 = arith.constant 10 : i32
        %eq3A_242 = vector.broadcast %eq3A_241 : i32 to vector<16xi32>
        %eq3A_243 = arith.cmpi eq, %iota3A, %eq3A_242 : vector<16xi32>
        tpu.vector_store_idx %arg18[%get3A_206], %mul3A_210 masked %eq3A_243 {add = true} : memref<10240xf32, #tpu.memory_space<vmem>>[vector<16xi32>], vector<16xf32>, vector<16xi1>
        %eq3A_244 = arith.constant 11 : i32
        %eq3A_245 = vector.broadcast %eq3A_244 : i32 to vector<16xi32>
        %eq3A_246 = arith.cmpi eq, %iota3A, %eq3A_245 : vector<16xi32>
        tpu.vector_store_idx %arg18[%get3A_206], %mul3A_210 masked %eq3A_246 {add = true} : memref<10240xf32, #tpu.memory_space<vmem>>[vector<16xi32>], vector<16xf32>, vector<16xi1>
        %eq3A_247 = arith.constant 12 : i32
        %eq3A_248 = vector.broadcast %eq3A_247 : i32 to vector<16xi32>
        %eq3A_249 = arith.cmpi eq, %iota3A, %eq3A_248 : vector<16xi32>
        tpu.vector_store_idx %arg18[%get3A_206], %mul3A_210 masked %eq3A_249 {add = true} : memref<10240xf32, #tpu.memory_space<vmem>>[vector<16xi32>], vector<16xf32>, vector<16xi1>
        %eq3A_250 = arith.constant 13 : i32
        %eq3A_251 = vector.broadcast %eq3A_250 : i32 to vector<16xi32>
        %eq3A_252 = arith.cmpi eq, %iota3A, %eq3A_251 : vector<16xi32>
        tpu.vector_store_idx %arg18[%get3A_206], %mul3A_210 masked %eq3A_252 {add = true} : memref<10240xf32, #tpu.memory_space<vmem>>[vector<16xi32>], vector<16xf32>, vector<16xi1>
        %eq3A_253 = arith.constant 14 : i32
        %eq3A_254 = vector.broadcast %eq3A_253 : i32 to vector<16xi32>
        %eq3A_255 = arith.cmpi eq, %iota3A, %eq3A_254 : vector<16xi32>
        tpu.vector_store_idx %arg18[%get3A_206], %mul3A_210 masked %eq3A_255 {add = true} : memref<10240xf32, #tpu.memory_space<vmem>>[vector<16xi32>], vector<16xf32>, vector<16xi1>
        %eq3A_256 = arith.constant 15 : i32
        %eq3A_257 = vector.broadcast %eq3A_256 : i32 to vector<16xi32>
        %eq3A_258 = arith.cmpi eq, %iota3A, %eq3A_257 : vector<16xi32>
        tpu.vector_store_idx %arg18[%get3A_206], %mul3A_210 masked %eq3A_258 {add = true} : memref<10240xf32, #tpu.memory_space<vmem>>[vector<16xi32>], vector<16xf32>, vector<16xi1>
        %get3A_259 = arith.index_cast %add3A_137 : i32 to index
        %get3A_260 = arith.constant 16 : index
        %get3A_261 = tpu.vector_load %arg11[%get3A_259, %get3A_260] {strides = array<i32>} : memref<126x80xi32, #tpu.memory_space<vmem>>, vector<16xi32>,
        %get3A_262 = arith.index_cast %add3A_137 : i32 to index
        %get3A_263 = arith.constant 16 : index
        %get3A_264 = tpu.vector_load %arg12[%get3A_262, %get3A_263] {strides = array<i32>} : memref<126x80xi32, #tpu.memory_space<vmem>>, vector<16xi32>,
        %get3A_265 = arith.index_cast %add3A_137 : i32 to index
        %get3A_266 = arith.constant 16 : index
        %get3A_267 = tpu.vector_load %arg13[%get3A_265, %get3A_266] {strides = array<i32>} : memref<126x80xf32, #tpu.memory_space<vmem>>, vector<16xf32>,
        %gather3A_268 = tpu.vector_load_idx %arg17[%get3A_261] : memref<10000xf32, #tpu.memory_space<vmem>>[vector<16xi32>], vector<16xf32>,
        %mul3A_269 = arith.mulf %get3A_267, %gather3A_268 : vector<16xf32>
        %eq3A_270 = arith.constant 0 : i32
        %eq3A_271 = vector.broadcast %eq3A_270 : i32 to vector<16xi32>
        %eq3A_272 = arith.cmpi eq, %iota3A, %eq3A_271 : vector<16xi32>
        tpu.vector_store_idx %arg18[%get3A_264], %mul3A_269 masked %eq3A_272 {add = true} : memref<10240xf32, #tpu.memory_space<vmem>>[vector<16xi32>], vector<16xf32>, vector<16xi1>
        %eq3A_273 = arith.constant 1 : i32
        %eq3A_274 = vector.broadcast %eq3A_273 : i32 to vector<16xi32>
        %eq3A_275 = arith.cmpi eq, %iota3A, %eq3A_274 : vector<16xi32>
        tpu.vector_store_idx %arg18[%get3A_264], %mul3A_269 masked %eq3A_275 {add = true} : memref<10240xf32, #tpu.memory_space<vmem>>[vector<16xi32>], vector<16xf32>, vector<16xi1>
        %eq3A_276 = arith.constant 2 : i32
        %eq3A_277 = vector.broadcast %eq3A_276 : i32 to vector<16xi32>
        %eq3A_278 = arith.cmpi eq, %iota3A, %eq3A_277 : vector<16xi32>
        tpu.vector_store_idx %arg18[%get3A_264], %mul3A_269 masked %eq3A_278 {add = true} : memref<10240xf32, #tpu.memory_space<vmem>>[vector<16xi32>], vector<16xf32>, vector<16xi1>
        %eq3A_279 = arith.constant 3 : i32
        %eq3A_280 = vector.broadcast %eq3A_279 : i32 to vector<16xi32>
        %eq3A_281 = arith.cmpi eq, %iota3A, %eq3A_280 : vector<16xi32>
        tpu.vector_store_idx %arg18[%get3A_264], %mul3A_269 masked %eq3A_281 {add = true} : memref<10240xf32, #tpu.memory_space<vmem>>[vector<16xi32>], vector<16xf32>, vector<16xi1>
        %eq3A_282 = arith.constant 4 : i32
        %eq3A_283 = vector.broadcast %eq3A_282 : i32 to vector<16xi32>
        %eq3A_284 = arith.cmpi eq, %iota3A, %eq3A_283 : vector<16xi32>
        tpu.vector_store_idx %arg18[%get3A_264], %mul3A_269 masked %eq3A_284 {add = true} : memref<10240xf32, #tpu.memory_space<vmem>>[vector<16xi32>], vector<16xf32>, vector<16xi1>
        %eq3A_285 = arith.constant 5 : i32
        %eq3A_286 = vector.broadcast %eq3A_285 : i32 to vector<16xi32>
        %eq3A_287 = arith.cmpi eq, %iota3A, %eq3A_286 : vector<16xi32>
        tpu.vector_store_idx %arg18[%get3A_264], %mul3A_269 masked %eq3A_287 {add = true} : memref<10240xf32, #tpu.memory_space<vmem>>[vector<16xi32>], vector<16xf32>, vector<16xi1>
        %eq3A_288 = arith.constant 6 : i32
        %eq3A_289 = vector.broadcast %eq3A_288 : i32 to vector<16xi32>
        %eq3A_290 = arith.cmpi eq, %iota3A, %eq3A_289 : vector<16xi32>
        tpu.vector_store_idx %arg18[%get3A_264], %mul3A_269 masked %eq3A_290 {add = true} : memref<10240xf32, #tpu.memory_space<vmem>>[vector<16xi32>], vector<16xf32>, vector<16xi1>
        %eq3A_291 = arith.constant 7 : i32
        %eq3A_292 = vector.broadcast %eq3A_291 : i32 to vector<16xi32>
        %eq3A_293 = arith.cmpi eq, %iota3A, %eq3A_292 : vector<16xi32>
        tpu.vector_store_idx %arg18[%get3A_264], %mul3A_269 masked %eq3A_293 {add = true} : memref<10240xf32, #tpu.memory_space<vmem>>[vector<16xi32>], vector<16xf32>, vector<16xi1>
        %eq3A_294 = arith.constant 8 : i32
        %eq3A_295 = vector.broadcast %eq3A_294 : i32 to vector<16xi32>
        %eq3A_296 = arith.cmpi eq, %iota3A, %eq3A_295 : vector<16xi32>
        tpu.vector_store_idx %arg18[%get3A_264], %mul3A_269 masked %eq3A_296 {add = true} : memref<10240xf32, #tpu.memory_space<vmem>>[vector<16xi32>], vector<16xf32>, vector<16xi1>
        %eq3A_297 = arith.constant 9 : i32
        %eq3A_298 = vector.broadcast %eq3A_297 : i32 to vector<16xi32>
        %eq3A_299 = arith.cmpi eq, %iota3A, %eq3A_298 : vector<16xi32>
        tpu.vector_store_idx %arg18[%get3A_264], %mul3A_269 masked %eq3A_299 {add = true} : memref<10240xf32, #tpu.memory_space<vmem>>[vector<16xi32>], vector<16xf32>, vector<16xi1>
        %eq3A_300 = arith.constant 10 : i32
        %eq3A_301 = vector.broadcast %eq3A_300 : i32 to vector<16xi32>
        %eq3A_302 = arith.cmpi eq, %iota3A, %eq3A_301 : vector<16xi32>
        tpu.vector_store_idx %arg18[%get3A_264], %mul3A_269 masked %eq3A_302 {add = true} : memref<10240xf32, #tpu.memory_space<vmem>>[vector<16xi32>], vector<16xf32>, vector<16xi1>
        %eq3A_303 = arith.constant 11 : i32
        %eq3A_304 = vector.broadcast %eq3A_303 : i32 to vector<16xi32>
        %eq3A_305 = arith.cmpi eq, %iota3A, %eq3A_304 : vector<16xi32>
        tpu.vector_store_idx %arg18[%get3A_264], %mul3A_269 masked %eq3A_305 {add = true} : memref<10240xf32, #tpu.memory_space<vmem>>[vector<16xi32>], vector<16xf32>, vector<16xi1>
        %eq3A_306 = arith.constant 12 : i32
        %eq3A_307 = vector.broadcast %eq3A_306 : i32 to vector<16xi32>
        %eq3A_308 = arith.cmpi eq, %iota3A, %eq3A_307 : vector<16xi32>
        tpu.vector_store_idx %arg18[%get3A_264], %mul3A_269 masked %eq3A_308 {add = true} : memref<10240xf32, #tpu.memory_space<vmem>>[vector<16xi32>], vector<16xf32>, vector<16xi1>
        %eq3A_309 = arith.constant 13 : i32
        %eq3A_310 = vector.broadcast %eq3A_309 : i32 to vector<16xi32>
        %eq3A_311 = arith.cmpi eq, %iota3A, %eq3A_310 : vector<16xi32>
        tpu.vector_store_idx %arg18[%get3A_264], %mul3A_269 masked %eq3A_311 {add = true} : memref<10240xf32, #tpu.memory_space<vmem>>[vector<16xi32>], vector<16xf32>, vector<16xi1>
        %eq3A_312 = arith.constant 14 : i32
        %eq3A_313 = vector.broadcast %eq3A_312 : i32 to vector<16xi32>
        %eq3A_314 = arith.cmpi eq, %iota3A, %eq3A_313 : vector<16xi32>
        tpu.vector_store_idx %arg18[%get3A_264], %mul3A_269 masked %eq3A_314 {add = true} : memref<10240xf32, #tpu.memory_space<vmem>>[vector<16xi32>], vector<16xf32>, vector<16xi1>
        %eq3A_315 = arith.constant 15 : i32
        %eq3A_316 = vector.broadcast %eq3A_315 : i32 to vector<16xi32>
        %eq3A_317 = arith.cmpi eq, %iota3A, %eq3A_316 : vector<16xi32>
        tpu.vector_store_idx %arg18[%get3A_264], %mul3A_269 masked %eq3A_317 {add = true} : memref<10240xf32, #tpu.memory_space<vmem>>[vector<16xi32>], vector<16xf32>, vector<16xi1>
        %get3A_318 = arith.index_cast %add3A_137 : i32 to index
        %get3A_319 = arith.constant 32 : index
        %get3A_320 = tpu.vector_load %arg11[%get3A_318, %get3A_319] {strides = array<i32>} : memref<126x80xi32, #tpu.memory_space<vmem>>, vector<16xi32>,
        %get3A_321 = arith.index_cast %add3A_137 : i32 to index
        %get3A_322 = arith.constant 32 : index
        %get3A_323 = tpu.vector_load %arg12[%get3A_321, %get3A_322] {strides = array<i32>} : memref<126x80xi32, #tpu.memory_space<vmem>>, vector<16xi32>,
        %get3A_324 = arith.index_cast %add3A_137 : i32 to index
        %get3A_325 = arith.constant 32 : index
        %get3A_326 = tpu.vector_load %arg13[%get3A_324, %get3A_325] {strides = array<i32>} : memref<126x80xf32, #tpu.memory_space<vmem>>, vector<16xf32>,
        %gather3A_327 = tpu.vector_load_idx %arg17[%get3A_320] : memref<10000xf32, #tpu.memory_space<vmem>>[vector<16xi32>], vector<16xf32>,
        %mul3A_328 = arith.mulf %get3A_326, %gather3A_327 : vector<16xf32>
        %eq3A_329 = arith.constant 0 : i32
        %eq3A_330 = vector.broadcast %eq3A_329 : i32 to vector<16xi32>
        %eq3A_331 = arith.cmpi eq, %iota3A, %eq3A_330 : vector<16xi32>
        tpu.vector_store_idx %arg18[%get3A_323], %mul3A_328 masked %eq3A_331 {add = true} : memref<10240xf32, #tpu.memory_space<vmem>>[vector<16xi32>], vector<16xf32>, vector<16xi1>
        %eq3A_332 = arith.constant 1 : i32
        %eq3A_333 = vector.broadcast %eq3A_332 : i32 to vector<16xi32>
        %eq3A_334 = arith.cmpi eq, %iota3A, %eq3A_333 : vector<16xi32>
        tpu.vector_store_idx %arg18[%get3A_323], %mul3A_328 masked %eq3A_334 {add = true} : memref<10240xf32, #tpu.memory_space<vmem>>[vector<16xi32>], vector<16xf32>, vector<16xi1>
        %eq3A_335 = arith.constant 2 : i32
        %eq3A_336 = vector.broadcast %eq3A_335 : i32 to vector<16xi32>
        %eq3A_337 = arith.cmpi eq, %iota3A, %eq3A_336 : vector<16xi32>
        tpu.vector_store_idx %arg18[%get3A_323], %mul3A_328 masked %eq3A_337 {add = true} : memref<10240xf32, #tpu.memory_space<vmem>>[vector<16xi32>], vector<16xf32>, vector<16xi1>
        %eq3A_338 = arith.constant 3 : i32
        %eq3A_339 = vector.broadcast %eq3A_338 : i32 to vector<16xi32>
        %eq3A_340 = arith.cmpi eq, %iota3A, %eq3A_339 : vector<16xi32>
        tpu.vector_store_idx %arg18[%get3A_323], %mul3A_328 masked %eq3A_340 {add = true} : memref<10240xf32, #tpu.memory_space<vmem>>[vector<16xi32>], vector<16xf32>, vector<16xi1>
        %eq3A_341 = arith.constant 4 : i32
        %eq3A_342 = vector.broadcast %eq3A_341 : i32 to vector<16xi32>
        %eq3A_343 = arith.cmpi eq, %iota3A, %eq3A_342 : vector<16xi32>
        tpu.vector_store_idx %arg18[%get3A_323], %mul3A_328 masked %eq3A_343 {add = true} : memref<10240xf32, #tpu.memory_space<vmem>>[vector<16xi32>], vector<16xf32>, vector<16xi1>
        %eq3A_344 = arith.constant 5 : i32
        %eq3A_345 = vector.broadcast %eq3A_344 : i32 to vector<16xi32>
        %eq3A_346 = arith.cmpi eq, %iota3A, %eq3A_345 : vector<16xi32>
        tpu.vector_store_idx %arg18[%get3A_323], %mul3A_328 masked %eq3A_346 {add = true} : memref<10240xf32, #tpu.memory_space<vmem>>[vector<16xi32>], vector<16xf32>, vector<16xi1>
        %eq3A_347 = arith.constant 6 : i32
        %eq3A_348 = vector.broadcast %eq3A_347 : i32 to vector<16xi32>
        %eq3A_349 = arith.cmpi eq, %iota3A, %eq3A_348 : vector<16xi32>
        tpu.vector_store_idx %arg18[%get3A_323], %mul3A_328 masked %eq3A_349 {add = true} : memref<10240xf32, #tpu.memory_space<vmem>>[vector<16xi32>], vector<16xf32>, vector<16xi1>
        %eq3A_350 = arith.constant 7 : i32
        %eq3A_351 = vector.broadcast %eq3A_350 : i32 to vector<16xi32>
        %eq3A_352 = arith.cmpi eq, %iota3A, %eq3A_351 : vector<16xi32>
        tpu.vector_store_idx %arg18[%get3A_323], %mul3A_328 masked %eq3A_352 {add = true} : memref<10240xf32, #tpu.memory_space<vmem>>[vector<16xi32>], vector<16xf32>, vector<16xi1>
        %eq3A_353 = arith.constant 8 : i32
        %eq3A_354 = vector.broadcast %eq3A_353 : i32 to vector<16xi32>
        %eq3A_355 = arith.cmpi eq, %iota3A, %eq3A_354 : vector<16xi32>
        tpu.vector_store_idx %arg18[%get3A_323], %mul3A_328 masked %eq3A_355 {add = true} : memref<10240xf32, #tpu.memory_space<vmem>>[vector<16xi32>], vector<16xf32>, vector<16xi1>
        %eq3A_356 = arith.constant 9 : i32
        %eq3A_357 = vector.broadcast %eq3A_356 : i32 to vector<16xi32>
        %eq3A_358 = arith.cmpi eq, %iota3A, %eq3A_357 : vector<16xi32>
        tpu.vector_store_idx %arg18[%get3A_323], %mul3A_328 masked %eq3A_358 {add = true} : memref<10240xf32, #tpu.memory_space<vmem>>[vector<16xi32>], vector<16xf32>, vector<16xi1>
        %eq3A_359 = arith.constant 10 : i32
        %eq3A_360 = vector.broadcast %eq3A_359 : i32 to vector<16xi32>
        %eq3A_361 = arith.cmpi eq, %iota3A, %eq3A_360 : vector<16xi32>
        tpu.vector_store_idx %arg18[%get3A_323], %mul3A_328 masked %eq3A_361 {add = true} : memref<10240xf32, #tpu.memory_space<vmem>>[vector<16xi32>], vector<16xf32>, vector<16xi1>
        %eq3A_362 = arith.constant 11 : i32
        %eq3A_363 = vector.broadcast %eq3A_362 : i32 to vector<16xi32>
        %eq3A_364 = arith.cmpi eq, %iota3A, %eq3A_363 : vector<16xi32>
        tpu.vector_store_idx %arg18[%get3A_323], %mul3A_328 masked %eq3A_364 {add = true} : memref<10240xf32, #tpu.memory_space<vmem>>[vector<16xi32>], vector<16xf32>, vector<16xi1>
        %eq3A_365 = arith.constant 12 : i32
        %eq3A_366 = vector.broadcast %eq3A_365 : i32 to vector<16xi32>
        %eq3A_367 = arith.cmpi eq, %iota3A, %eq3A_366 : vector<16xi32>
        tpu.vector_store_idx %arg18[%get3A_323], %mul3A_328 masked %eq3A_367 {add = true} : memref<10240xf32, #tpu.memory_space<vmem>>[vector<16xi32>], vector<16xf32>, vector<16xi1>
        %eq3A_368 = arith.constant 13 : i32
        %eq3A_369 = vector.broadcast %eq3A_368 : i32 to vector<16xi32>
        %eq3A_370 = arith.cmpi eq, %iota3A, %eq3A_369 : vector<16xi32>
        tpu.vector_store_idx %arg18[%get3A_323], %mul3A_328 masked %eq3A_370 {add = true} : memref<10240xf32, #tpu.memory_space<vmem>>[vector<16xi32>], vector<16xf32>, vector<16xi1>
        %eq3A_371 = arith.constant 14 : i32
        %eq3A_372 = vector.broadcast %eq3A_371 : i32 to vector<16xi32>
        %eq3A_373 = arith.cmpi eq, %iota3A, %eq3A_372 : vector<16xi32>
        tpu.vector_store_idx %arg18[%get3A_323], %mul3A_328 masked %eq3A_373 {add = true} : memref<10240xf32, #tpu.memory_space<vmem>>[vector<16xi32>], vector<16xf32>, vector<16xi1>
        %eq3A_374 = arith.constant 15 : i32
        %eq3A_375 = vector.broadcast %eq3A_374 : i32 to vector<16xi32>
        %eq3A_376 = arith.cmpi eq, %iota3A, %eq3A_375 : vector<16xi32>
        tpu.vector_store_idx %arg18[%get3A_323], %mul3A_328 masked %eq3A_376 {add = true} : memref<10240xf32, #tpu.memory_space<vmem>>[vector<16xi32>], vector<16xf32>, vector<16xi1>
        %get3A_377 = arith.index_cast %add3A_137 : i32 to index
        %get3A_378 = arith.constant 48 : index
        %get3A_379 = tpu.vector_load %arg11[%get3A_377, %get3A_378] {strides = array<i32>} : memref<126x80xi32, #tpu.memory_space<vmem>>, vector<16xi32>,
        %get3A_380 = arith.index_cast %add3A_137 : i32 to index
        %get3A_381 = arith.constant 48 : index
        %get3A_382 = tpu.vector_load %arg12[%get3A_380, %get3A_381] {strides = array<i32>} : memref<126x80xi32, #tpu.memory_space<vmem>>, vector<16xi32>,
        %get3A_383 = arith.index_cast %add3A_137 : i32 to index
        %get3A_384 = arith.constant 48 : index
        %get3A_385 = tpu.vector_load %arg13[%get3A_383, %get3A_384] {strides = array<i32>} : memref<126x80xf32, #tpu.memory_space<vmem>>, vector<16xf32>,
        %gather3A_386 = tpu.vector_load_idx %arg17[%get3A_379] : memref<10000xf32, #tpu.memory_space<vmem>>[vector<16xi32>], vector<16xf32>,
        %mul3A_387 = arith.mulf %get3A_385, %gather3A_386 : vector<16xf32>
        %eq3A_388 = arith.constant 0 : i32
        %eq3A_389 = vector.broadcast %eq3A_388 : i32 to vector<16xi32>
        %eq3A_390 = arith.cmpi eq, %iota3A, %eq3A_389 : vector<16xi32>
        tpu.vector_store_idx %arg18[%get3A_382], %mul3A_387 masked %eq3A_390 {add = true} : memref<10240xf32, #tpu.memory_space<vmem>>[vector<16xi32>], vector<16xf32>, vector<16xi1>
        %eq3A_391 = arith.constant 1 : i32
        %eq3A_392 = vector.broadcast %eq3A_391 : i32 to vector<16xi32>
        %eq3A_393 = arith.cmpi eq, %iota3A, %eq3A_392 : vector<16xi32>
        tpu.vector_store_idx %arg18[%get3A_382], %mul3A_387 masked %eq3A_393 {add = true} : memref<10240xf32, #tpu.memory_space<vmem>>[vector<16xi32>], vector<16xf32>, vector<16xi1>
        %eq3A_394 = arith.constant 2 : i32
        %eq3A_395 = vector.broadcast %eq3A_394 : i32 to vector<16xi32>
        %eq3A_396 = arith.cmpi eq, %iota3A, %eq3A_395 : vector<16xi32>
        tpu.vector_store_idx %arg18[%get3A_382], %mul3A_387 masked %eq3A_396 {add = true} : memref<10240xf32, #tpu.memory_space<vmem>>[vector<16xi32>], vector<16xf32>, vector<16xi1>
        %eq3A_397 = arith.constant 3 : i32
        %eq3A_398 = vector.broadcast %eq3A_397 : i32 to vector<16xi32>
        %eq3A_399 = arith.cmpi eq, %iota3A, %eq3A_398 : vector<16xi32>
        tpu.vector_store_idx %arg18[%get3A_382], %mul3A_387 masked %eq3A_399 {add = true} : memref<10240xf32, #tpu.memory_space<vmem>>[vector<16xi32>], vector<16xf32>, vector<16xi1>
        %eq3A_400 = arith.constant 4 : i32
        %eq3A_401 = vector.broadcast %eq3A_400 : i32 to vector<16xi32>
        %eq3A_402 = arith.cmpi eq, %iota3A, %eq3A_401 : vector<16xi32>
        tpu.vector_store_idx %arg18[%get3A_382], %mul3A_387 masked %eq3A_402 {add = true} : memref<10240xf32, #tpu.memory_space<vmem>>[vector<16xi32>], vector<16xf32>, vector<16xi1>
        %eq3A_403 = arith.constant 5 : i32
        %eq3A_404 = vector.broadcast %eq3A_403 : i32 to vector<16xi32>
        %eq3A_405 = arith.cmpi eq, %iota3A, %eq3A_404 : vector<16xi32>
        tpu.vector_store_idx %arg18[%get3A_382], %mul3A_387 masked %eq3A_405 {add = true} : memref<10240xf32, #tpu.memory_space<vmem>>[vector<16xi32>], vector<16xf32>, vector<16xi1>
        %eq3A_406 = arith.constant 6 : i32
        %eq3A_407 = vector.broadcast %eq3A_406 : i32 to vector<16xi32>
        %eq3A_408 = arith.cmpi eq, %iota3A, %eq3A_407 : vector<16xi32>
        tpu.vector_store_idx %arg18[%get3A_382], %mul3A_387 masked %eq3A_408 {add = true} : memref<10240xf32, #tpu.memory_space<vmem>>[vector<16xi32>], vector<16xf32>, vector<16xi1>
        %eq3A_409 = arith.constant 7 : i32
        %eq3A_410 = vector.broadcast %eq3A_409 : i32 to vector<16xi32>
        %eq3A_411 = arith.cmpi eq, %iota3A, %eq3A_410 : vector<16xi32>
        tpu.vector_store_idx %arg18[%get3A_382], %mul3A_387 masked %eq3A_411 {add = true} : memref<10240xf32, #tpu.memory_space<vmem>>[vector<16xi32>], vector<16xf32>, vector<16xi1>
        %eq3A_412 = arith.constant 8 : i32
        %eq3A_413 = vector.broadcast %eq3A_412 : i32 to vector<16xi32>
        %eq3A_414 = arith.cmpi eq, %iota3A, %eq3A_413 : vector<16xi32>
        tpu.vector_store_idx %arg18[%get3A_382], %mul3A_387 masked %eq3A_414 {add = true} : memref<10240xf32, #tpu.memory_space<vmem>>[vector<16xi32>], vector<16xf32>, vector<16xi1>
        %eq3A_415 = arith.constant 9 : i32
        %eq3A_416 = vector.broadcast %eq3A_415 : i32 to vector<16xi32>
        %eq3A_417 = arith.cmpi eq, %iota3A, %eq3A_416 : vector<16xi32>
        tpu.vector_store_idx %arg18[%get3A_382], %mul3A_387 masked %eq3A_417 {add = true} : memref<10240xf32, #tpu.memory_space<vmem>>[vector<16xi32>], vector<16xf32>, vector<16xi1>
        %eq3A_418 = arith.constant 10 : i32
        %eq3A_419 = vector.broadcast %eq3A_418 : i32 to vector<16xi32>
        %eq3A_420 = arith.cmpi eq, %iota3A, %eq3A_419 : vector<16xi32>
        tpu.vector_store_idx %arg18[%get3A_382], %mul3A_387 masked %eq3A_420 {add = true} : memref<10240xf32, #tpu.memory_space<vmem>>[vector<16xi32>], vector<16xf32>, vector<16xi1>
        %eq3A_421 = arith.constant 11 : i32
        %eq3A_422 = vector.broadcast %eq3A_421 : i32 to vector<16xi32>
        %eq3A_423 = arith.cmpi eq, %iota3A, %eq3A_422 : vector<16xi32>
        tpu.vector_store_idx %arg18[%get3A_382], %mul3A_387 masked %eq3A_423 {add = true} : memref<10240xf32, #tpu.memory_space<vmem>>[vector<16xi32>], vector<16xf32>, vector<16xi1>
        %eq3A_424 = arith.constant 12 : i32
        %eq3A_425 = vector.broadcast %eq3A_424 : i32 to vector<16xi32>
        %eq3A_426 = arith.cmpi eq, %iota3A, %eq3A_425 : vector<16xi32>
        tpu.vector_store_idx %arg18[%get3A_382], %mul3A_387 masked %eq3A_426 {add = true} : memref<10240xf32, #tpu.memory_space<vmem>>[vector<16xi32>], vector<16xf32>, vector<16xi1>
        %eq3A_427 = arith.constant 13 : i32
        %eq3A_428 = vector.broadcast %eq3A_427 : i32 to vector<16xi32>
        %eq3A_429 = arith.cmpi eq, %iota3A, %eq3A_428 : vector<16xi32>
        tpu.vector_store_idx %arg18[%get3A_382], %mul3A_387 masked %eq3A_429 {add = true} : memref<10240xf32, #tpu.memory_space<vmem>>[vector<16xi32>], vector<16xf32>, vector<16xi1>
        %eq3A_430 = arith.constant 14 : i32
        %eq3A_431 = vector.broadcast %eq3A_430 : i32 to vector<16xi32>
        %eq3A_432 = arith.cmpi eq, %iota3A, %eq3A_431 : vector<16xi32>
        tpu.vector_store_idx %arg18[%get3A_382], %mul3A_387 masked %eq3A_432 {add = true} : memref<10240xf32, #tpu.memory_space<vmem>>[vector<16xi32>], vector<16xf32>, vector<16xi1>
        %eq3A_433 = arith.constant 15 : i32
        %eq3A_434 = vector.broadcast %eq3A_433 : i32 to vector<16xi32>
        %eq3A_435 = arith.cmpi eq, %iota3A, %eq3A_434 : vector<16xi32>
        tpu.vector_store_idx %arg18[%get3A_382], %mul3A_387 masked %eq3A_435 {add = true} : memref<10240xf32, #tpu.memory_space<vmem>>[vector<16xi32>], vector<16xf32>, vector<16xi1>
        %get3A_436 = arith.index_cast %add3A_137 : i32 to index
        %get3A_437 = arith.constant 64 : index
        %get3A_438 = tpu.vector_load %arg11[%get3A_436, %get3A_437] {strides = array<i32>} : memref<126x80xi32, #tpu.memory_space<vmem>>, vector<16xi32>,
        %get3A_439 = arith.index_cast %add3A_137 : i32 to index
        %get3A_440 = arith.constant 64 : index
        %get3A_441 = tpu.vector_load %arg12[%get3A_439, %get3A_440] {strides = array<i32>} : memref<126x80xi32, #tpu.memory_space<vmem>>, vector<16xi32>,
        %get3A_442 = arith.index_cast %add3A_137 : i32 to index
        %get3A_443 = arith.constant 64 : index
        %get3A_444 = tpu.vector_load %arg13[%get3A_442, %get3A_443] {strides = array<i32>} : memref<126x80xf32, #tpu.memory_space<vmem>>, vector<16xf32>,
        %gather3A_445 = tpu.vector_load_idx %arg17[%get3A_438] : memref<10000xf32, #tpu.memory_space<vmem>>[vector<16xi32>], vector<16xf32>,
        %mul3A_446 = arith.mulf %get3A_444, %gather3A_445 : vector<16xf32>
        %eq3A_447 = arith.constant 0 : i32
        %eq3A_448 = vector.broadcast %eq3A_447 : i32 to vector<16xi32>
        %eq3A_449 = arith.cmpi eq, %iota3A, %eq3A_448 : vector<16xi32>
        tpu.vector_store_idx %arg18[%get3A_441], %mul3A_446 masked %eq3A_449 {add = true} : memref<10240xf32, #tpu.memory_space<vmem>>[vector<16xi32>], vector<16xf32>, vector<16xi1>
        %eq3A_450 = arith.constant 1 : i32
        %eq3A_451 = vector.broadcast %eq3A_450 : i32 to vector<16xi32>
        %eq3A_452 = arith.cmpi eq, %iota3A, %eq3A_451 : vector<16xi32>
        tpu.vector_store_idx %arg18[%get3A_441], %mul3A_446 masked %eq3A_452 {add = true} : memref<10240xf32, #tpu.memory_space<vmem>>[vector<16xi32>], vector<16xf32>, vector<16xi1>
        %eq3A_453 = arith.constant 2 : i32
        %eq3A_454 = vector.broadcast %eq3A_453 : i32 to vector<16xi32>
        %eq3A_455 = arith.cmpi eq, %iota3A, %eq3A_454 : vector<16xi32>
        tpu.vector_store_idx %arg18[%get3A_441], %mul3A_446 masked %eq3A_455 {add = true} : memref<10240xf32, #tpu.memory_space<vmem>>[vector<16xi32>], vector<16xf32>, vector<16xi1>
        %eq3A_456 = arith.constant 3 : i32
        %eq3A_457 = vector.broadcast %eq3A_456 : i32 to vector<16xi32>
        %eq3A_458 = arith.cmpi eq, %iota3A, %eq3A_457 : vector<16xi32>
        tpu.vector_store_idx %arg18[%get3A_441], %mul3A_446 masked %eq3A_458 {add = true} : memref<10240xf32, #tpu.memory_space<vmem>>[vector<16xi32>], vector<16xf32>, vector<16xi1>
        %eq3A_459 = arith.constant 4 : i32
        %eq3A_460 = vector.broadcast %eq3A_459 : i32 to vector<16xi32>
        %eq3A_461 = arith.cmpi eq, %iota3A, %eq3A_460 : vector<16xi32>
        tpu.vector_store_idx %arg18[%get3A_441], %mul3A_446 masked %eq3A_461 {add = true} : memref<10240xf32, #tpu.memory_space<vmem>>[vector<16xi32>], vector<16xf32>, vector<16xi1>
        %eq3A_462 = arith.constant 5 : i32
        %eq3A_463 = vector.broadcast %eq3A_462 : i32 to vector<16xi32>
        %eq3A_464 = arith.cmpi eq, %iota3A, %eq3A_463 : vector<16xi32>
        tpu.vector_store_idx %arg18[%get3A_441], %mul3A_446 masked %eq3A_464 {add = true} : memref<10240xf32, #tpu.memory_space<vmem>>[vector<16xi32>], vector<16xf32>, vector<16xi1>
        %eq3A_465 = arith.constant 6 : i32
        %eq3A_466 = vector.broadcast %eq3A_465 : i32 to vector<16xi32>
        %eq3A_467 = arith.cmpi eq, %iota3A, %eq3A_466 : vector<16xi32>
        tpu.vector_store_idx %arg18[%get3A_441], %mul3A_446 masked %eq3A_467 {add = true} : memref<10240xf32, #tpu.memory_space<vmem>>[vector<16xi32>], vector<16xf32>, vector<16xi1>
        %eq3A_468 = arith.constant 7 : i32
        %eq3A_469 = vector.broadcast %eq3A_468 : i32 to vector<16xi32>
        %eq3A_470 = arith.cmpi eq, %iota3A, %eq3A_469 : vector<16xi32>
        tpu.vector_store_idx %arg18[%get3A_441], %mul3A_446 masked %eq3A_470 {add = true} : memref<10240xf32, #tpu.memory_space<vmem>>[vector<16xi32>], vector<16xf32>, vector<16xi1>
        %eq3A_471 = arith.constant 8 : i32
        %eq3A_472 = vector.broadcast %eq3A_471 : i32 to vector<16xi32>
        %eq3A_473 = arith.cmpi eq, %iota3A, %eq3A_472 : vector<16xi32>
        tpu.vector_store_idx %arg18[%get3A_441], %mul3A_446 masked %eq3A_473 {add = true} : memref<10240xf32, #tpu.memory_space<vmem>>[vector<16xi32>], vector<16xf32>, vector<16xi1>
        %eq3A_474 = arith.constant 9 : i32
        %eq3A_475 = vector.broadcast %eq3A_474 : i32 to vector<16xi32>
        %eq3A_476 = arith.cmpi eq, %iota3A, %eq3A_475 : vector<16xi32>
        tpu.vector_store_idx %arg18[%get3A_441], %mul3A_446 masked %eq3A_476 {add = true} : memref<10240xf32, #tpu.memory_space<vmem>>[vector<16xi32>], vector<16xf32>, vector<16xi1>
        %eq3A_477 = arith.constant 10 : i32
        %eq3A_478 = vector.broadcast %eq3A_477 : i32 to vector<16xi32>
        %eq3A_479 = arith.cmpi eq, %iota3A, %eq3A_478 : vector<16xi32>
        tpu.vector_store_idx %arg18[%get3A_441], %mul3A_446 masked %eq3A_479 {add = true} : memref<10240xf32, #tpu.memory_space<vmem>>[vector<16xi32>], vector<16xf32>, vector<16xi1>
        %eq3A_480 = arith.constant 11 : i32
        %eq3A_481 = vector.broadcast %eq3A_480 : i32 to vector<16xi32>
        %eq3A_482 = arith.cmpi eq, %iota3A, %eq3A_481 : vector<16xi32>
        tpu.vector_store_idx %arg18[%get3A_441], %mul3A_446 masked %eq3A_482 {add = true} : memref<10240xf32, #tpu.memory_space<vmem>>[vector<16xi32>], vector<16xf32>, vector<16xi1>
        %eq3A_483 = arith.constant 12 : i32
        %eq3A_484 = vector.broadcast %eq3A_483 : i32 to vector<16xi32>
        %eq3A_485 = arith.cmpi eq, %iota3A, %eq3A_484 : vector<16xi32>
        tpu.vector_store_idx %arg18[%get3A_441], %mul3A_446 masked %eq3A_485 {add = true} : memref<10240xf32, #tpu.memory_space<vmem>>[vector<16xi32>], vector<16xf32>, vector<16xi1>
        %eq3A_486 = arith.constant 13 : i32
        %eq3A_487 = vector.broadcast %eq3A_486 : i32 to vector<16xi32>
        %eq3A_488 = arith.cmpi eq, %iota3A, %eq3A_487 : vector<16xi32>
        tpu.vector_store_idx %arg18[%get3A_441], %mul3A_446 masked %eq3A_488 {add = true} : memref<10240xf32, #tpu.memory_space<vmem>>[vector<16xi32>], vector<16xf32>, vector<16xi1>
        %eq3A_489 = arith.constant 14 : i32
        %eq3A_490 = vector.broadcast %eq3A_489 : i32 to vector<16xi32>
        %eq3A_491 = arith.cmpi eq, %iota3A, %eq3A_490 : vector<16xi32>
        tpu.vector_store_idx %arg18[%get3A_441], %mul3A_446 masked %eq3A_491 {add = true} : memref<10240xf32, #tpu.memory_space<vmem>>[vector<16xi32>], vector<16xf32>, vector<16xi1>
        %eq3A_492 = arith.constant 15 : i32
        %eq3A_493 = vector.broadcast %eq3A_492 : i32 to vector<16xi32>
        %eq3A_494 = arith.cmpi eq, %iota3A, %eq3A_493 : vector<16xi32>
        tpu.vector_store_idx %arg18[%get3A_441], %mul3A_446 masked %eq3A_494 {add = true} : memref<10240xf32, #tpu.memory_space<vmem>>[vector<16xi32>], vector<16xf32>, vector<16xi1>
      } else {
      }
      %scan3A_150 = arith.constant 0 : i32
      %scan3A_151 = arith.constant 0 : i32
      %scan3A_152 = arith.constant 80 : i32
      %scan3A_153 = arith.addi %scan3A_151, %scan3A_152 : i32
      %scan3A_154 = arith.constant 4 : i32
      scf.for %scan3A_202 = %scan3A_151 to %scan3A_153 step %scan3A_154  : i32 {
        %broadcast_in_dim3A = vector.broadcast %add3A_137 : i32 to vector<16xi32>
        %broadcast_in_dim3A_203 = vector.broadcast %scan3A_202 : i32 to vector<16xi32>
        %gather3A = tpu.vector_load_idx %arg13[%broadcast_in_dim3A, %broadcast_in_dim3A_203] : memref<126x80xf32, #tpu.memory_space<vmem>>[vector<16xi32>, vector<16xi32>], vector<16xf32>,
        %get3A = arith.index_cast %scan3A_202 : i32 to index
        %get3A_204 = arith.constant 0 : index
        %get3A_205 = tpu.vector_load %arg15[%get3A, %get3A_204] {strides = array<i32>} : memref<80x64xf32, #tpu.memory_space<vmem>>, vector<16xf32>,
        %mul3A_206 = arith.mulf %get3A_205, %gather3A : vector<16xf32>
        %swap3A = arith.index_cast %scan3A_202 : i32 to index
        %swap3A_207 = arith.constant 0 : index
        %swap3A_208 = tpu.vector_load %arg15[%swap3A, %swap3A_207] {strides = array<i32>} : memref<80x64xf32, #tpu.memory_space<vmem>>, vector<16xf32>,
        tpu.vector_store %arg15[%swap3A, %swap3A_207], %mul3A_206 {strides = array<i32>} : memref<80x64xf32, #tpu.memory_space<vmem>>, vector<16xf32>,
        %get3A_209 = arith.index_cast %scan3A_202 : i32 to index
        %get3A_210 = arith.constant 16 : index
        %get3A_211 = tpu.vector_load %arg15[%get3A_209, %get3A_210] {strides = array<i32>} : memref<80x64xf32, #tpu.memory_space<vmem>>, vector<16xf32>,
        %mul3A_212 = arith.mulf %get3A_211, %gather3A : vector<16xf32>
        %swap3A_213 = arith.index_cast %scan3A_202 : i32 to index
        %swap3A_214 = arith.constant 16 : index
        %swap3A_215 = tpu.vector_load %arg15[%swap3A_213, %swap3A_214] {strides = array<i32>} : memref<80x64xf32, #tpu.memory_space<vmem>>, vector<16xf32>,
        tpu.vector_store %arg15[%swap3A_213, %swap3A_214], %mul3A_212 {strides = array<i32>} : memref<80x64xf32, #tpu.memory_space<vmem>>, vector<16xf32>,
        %get3A_216 = arith.index_cast %scan3A_202 : i32 to index
        %get3A_217 = arith.constant 32 : index
        %get3A_218 = tpu.vector_load %arg15[%get3A_216, %get3A_217] {strides = array<i32>} : memref<80x64xf32, #tpu.memory_space<vmem>>, vector<16xf32>,
        %mul3A_219 = arith.mulf %get3A_218, %gather3A : vector<16xf32>
        %swap3A_220 = arith.index_cast %scan3A_202 : i32 to index
        %swap3A_221 = arith.constant 32 : index
        %swap3A_222 = tpu.vector_load %arg15[%swap3A_220, %swap3A_221] {strides = array<i32>} : memref<80x64xf32, #tpu.memory_space<vmem>>, vector<16xf32>,
        tpu.vector_store %arg15[%swap3A_220, %swap3A_221], %mul3A_219 {strides = array<i32>} : memref<80x64xf32, #tpu.memory_space<vmem>>, vector<16xf32>,
        %get3A_223 = arith.index_cast %scan3A_202 : i32 to index
        %get3A_224 = arith.constant 48 : index
        %get3A_225 = tpu.vector_load %arg15[%get3A_223, %get3A_224] {strides = array<i32>} : memref<80x64xf32, #tpu.memory_space<vmem>>, vector<16xf32>,
        %mul3A_226 = arith.mulf %get3A_225, %gather3A : vector<16xf32>
        %swap3A_227 = arith.index_cast %scan3A_202 : i32 to index
        %swap3A_228 = arith.constant 48 : index
        %swap3A_229 = tpu.vector_load %arg15[%swap3A_227, %swap3A_228] {strides = array<i32>} : memref<80x64xf32, #tpu.memory_space<vmem>>, vector<16xf32>,
        tpu.vector_store %arg15[%swap3A_227, %swap3A_228], %mul3A_226 {strides = array<i32>} : memref<80x64xf32, #tpu.memory_space<vmem>>, vector<16xf32>,
        %scan3A_230 = arith.constant 1 : i32
        %scan3A_231 = arith.addi %scan3A_202, %scan3A_230 : i32
        %broadcast_in_dim3A_232 = vector.broadcast %add3A_137 : i32 to vector<16xi32>
        %broadcast_in_dim3A_233 = vector.broadcast %scan3A_231 : i32 to vector<16xi32>
        %gather3A_234 = tpu.vector_load_idx %arg13[%broadcast_in_dim3A_232, %broadcast_in_dim3A_233] : memref<126x80xf32, #tpu.memory_space<vmem>>[vector<16xi32>, vector<16xi32>], vector<16xf32>,
        %get3A_235 = arith.index_cast %scan3A_231 : i32 to index
        %get3A_236 = arith.constant 0 : index
        %get3A_237 = tpu.vector_load %arg15[%get3A_235, %get3A_236] {strides = array<i32>} : memref<80x64xf32, #tpu.memory_space<vmem>>, vector<16xf32>,
        %mul3A_238 = arith.mulf %get3A_237, %gather3A_234 : vector<16xf32>
        %swap3A_239 = arith.index_cast %scan3A_231 : i32 to index
        %swap3A_240 = arith.constant 0 : index
        %swap3A_241 = tpu.vector_load %arg15[%swap3A_239, %swap3A_240] {strides = array<i32>} : memref<80x64xf32, #tpu.memory_space<vmem>>, vector<16xf32>,
        tpu.vector_store %arg15[%swap3A_239, %swap3A_240], %mul3A_238 {strides = array<i32>} : memref<80x64xf32, #tpu.memory_space<vmem>>, vector<16xf32>,
        %get3A_242 = arith.index_cast %scan3A_231 : i32 to index
        %get3A_243 = arith.constant 16 : index
        %get3A_244 = tpu.vector_load %arg15[%get3A_242, %get3A_243] {strides = array<i32>} : memref<80x64xf32, #tpu.memory_space<vmem>>, vector<16xf32>,
        %mul3A_245 = arith.mulf %get3A_244, %gather3A_234 : vector<16xf32>
        %swap3A_246 = arith.index_cast %scan3A_231 : i32 to index
        %swap3A_247 = arith.constant 16 : index
        %swap3A_248 = tpu.vector_load %arg15[%swap3A_246, %swap3A_247] {strides = array<i32>} : memref<80x64xf32, #tpu.memory_space<vmem>>, vector<16xf32>,
        tpu.vector_store %arg15[%swap3A_246, %swap3A_247], %mul3A_245 {strides = array<i32>} : memref<80x64xf32, #tpu.memory_space<vmem>>, vector<16xf32>,
        %get3A_249 = arith.index_cast %scan3A_231 : i32 to index
        %get3A_250 = arith.constant 32 : index
        %get3A_251 = tpu.vector_load %arg15[%get3A_249, %get3A_250] {strides = array<i32>} : memref<80x64xf32, #tpu.memory_space<vmem>>, vector<16xf32>,
        %mul3A_252 = arith.mulf %get3A_251, %gather3A_234 : vector<16xf32>
        %swap3A_253 = arith.index_cast %scan3A_231 : i32 to index
        %swap3A_254 = arith.constant 32 : index
        %swap3A_255 = tpu.vector_load %arg15[%swap3A_253, %swap3A_254] {strides = array<i32>} : memref<80x64xf32, #tpu.memory_space<vmem>>, vector<16xf32>,
        tpu.vector_store %arg15[%swap3A_253, %swap3A_254], %mul3A_252 {strides = array<i32>} : memref<80x64xf32, #tpu.memory_space<vmem>>, vector<16xf32>,
        %get3A_256 = arith.index_cast %scan3A_231 : i32 to index
        %get3A_257 = arith.constant 48 : index
        %get3A_258 = tpu.vector_load %arg15[%get3A_256, %get3A_257] {strides = array<i32>} : memref<80x64xf32, #tpu.memory_space<vmem>>, vector<16xf32>,
        %mul3A_259 = arith.mulf %get3A_258, %gather3A_234 : vector<16xf32>
        %swap3A_260 = arith.index_cast %scan3A_231 : i32 to index
        %swap3A_261 = arith.constant 48 : index
        %swap3A_262 = tpu.vector_load %arg15[%swap3A_260, %swap3A_261] {strides = array<i32>} : memref<80x64xf32, #tpu.memory_space<vmem>>, vector<16xf32>,
        tpu.vector_store %arg15[%swap3A_260, %swap3A_261], %mul3A_259 {strides = array<i32>} : memref<80x64xf32, #tpu.memory_space<vmem>>, vector<16xf32>,
        %scan3A_263 = arith.constant 2 : i32
        %scan3A_264 = arith.addi %scan3A_202, %scan3A_263 : i32
        %broadcast_in_dim3A_265 = vector.broadcast %add3A_137 : i32 to vector<16xi32>
        %broadcast_in_dim3A_266 = vector.broadcast %scan3A_264 : i32 to vector<16xi32>
        %gather3A_267 = tpu.vector_load_idx %arg13[%broadcast_in_dim3A_265, %broadcast_in_dim3A_266] : memref<126x80xf32, #tpu.memory_space<vmem>>[vector<16xi32>, vector<16xi32>], vector<16xf32>,
        %get3A_268 = arith.index_cast %scan3A_264 : i32 to index
        %get3A_269 = arith.constant 0 : index
        %get3A_270 = tpu.vector_load %arg15[%get3A_268, %get3A_269] {strides = array<i32>} : memref<80x64xf32, #tpu.memory_space<vmem>>, vector<16xf32>,
        %mul3A_271 = arith.mulf %get3A_270, %gather3A_267 : vector<16xf32>
        %swap3A_272 = arith.index_cast %scan3A_264 : i32 to index
        %swap3A_273 = arith.constant 0 : index
        %swap3A_274 = tpu.vector_load %arg15[%swap3A_272, %swap3A_273] {strides = array<i32>} : memref<80x64xf32, #tpu.memory_space<vmem>>, vector<16xf32>,
        tpu.vector_store %arg15[%swap3A_272, %swap3A_273], %mul3A_271 {strides = array<i32>} : memref<80x64xf32, #tpu.memory_space<vmem>>, vector<16xf32>,
        %get3A_275 = arith.index_cast %scan3A_264 : i32 to index
        %get3A_276 = arith.constant 16 : index
        %get3A_277 = tpu.vector_load %arg15[%get3A_275, %get3A_276] {strides = array<i32>} : memref<80x64xf32, #tpu.memory_space<vmem>>, vector<16xf32>,
        %mul3A_278 = arith.mulf %get3A_277, %gather3A_267 : vector<16xf32>
        %swap3A_279 = arith.index_cast %scan3A_264 : i32 to index
        %swap3A_280 = arith.constant 16 : index
        %swap3A_281 = tpu.vector_load %arg15[%swap3A_279, %swap3A_280] {strides = array<i32>} : memref<80x64xf32, #tpu.memory_space<vmem>>, vector<16xf32>,
        tpu.vector_store %arg15[%swap3A_279, %swap3A_280], %mul3A_278 {strides = array<i32>} : memref<80x64xf32, #tpu.memory_space<vmem>>, vector<16xf32>,
        %get3A_282 = arith.index_cast %scan3A_264 : i32 to index
        %get3A_283 = arith.constant 32 : index
        %get3A_284 = tpu.vector_load %arg15[%get3A_282, %get3A_283] {strides = array<i32>} : memref<80x64xf32, #tpu.memory_space<vmem>>, vector<16xf32>,
        %mul3A_285 = arith.mulf %get3A_284, %gather3A_267 : vector<16xf32>
        %swap3A_286 = arith.index_cast %scan3A_264 : i32 to index
        %swap3A_287 = arith.constant 32 : index
        %swap3A_288 = tpu.vector_load %arg15[%swap3A_286, %swap3A_287] {strides = array<i32>} : memref<80x64xf32, #tpu.memory_space<vmem>>, vector<16xf32>,
        tpu.vector_store %arg15[%swap3A_286, %swap3A_287], %mul3A_285 {strides = array<i32>} : memref<80x64xf32, #tpu.memory_space<vmem>>, vector<16xf32>,
        %get3A_289 = arith.index_cast %scan3A_264 : i32 to index
        %get3A_290 = arith.constant 48 : index
        %get3A_291 = tpu.vector_load %arg15[%get3A_289, %get3A_290] {strides = array<i32>} : memref<80x64xf32, #tpu.memory_space<vmem>>, vector<16xf32>,
        %mul3A_292 = arith.mulf %get3A_291, %gather3A_267 : vector<16xf32>
        %swap3A_293 = arith.index_cast %scan3A_264 : i32 to index
        %swap3A_294 = arith.constant 48 : index
        %swap3A_295 = tpu.vector_load %arg15[%swap3A_293, %swap3A_294] {strides = array<i32>} : memref<80x64xf32, #tpu.memory_space<vmem>>, vector<16xf32>,
        tpu.vector_store %arg15[%swap3A_293, %swap3A_294], %mul3A_292 {strides = array<i32>} : memref<80x64xf32, #tpu.memory_space<vmem>>, vector<16xf32>,
        %scan3A_296 = arith.constant 3 : i32
        %scan3A_297 = arith.addi %scan3A_202, %scan3A_296 : i32
        %broadcast_in_dim3A_298 = vector.broadcast %add3A_137 : i32 to vector<16xi32>
        %broadcast_in_dim3A_299 = vector.broadcast %scan3A_297 : i32 to vector<16xi32>
        %gather3A_300 = tpu.vector_load_idx %arg13[%broadcast_in_dim3A_298, %broadcast_in_dim3A_299] : memref<126x80xf32, #tpu.memory_space<vmem>>[vector<16xi32>, vector<16xi32>], vector<16xf32>,
        %get3A_301 = arith.index_cast %scan3A_297 : i32 to index
        %get3A_302 = arith.constant 0 : index
        %get3A_303 = tpu.vector_load %arg15[%get3A_301, %get3A_302] {strides = array<i32>} : memref<80x64xf32, #tpu.memory_space<vmem>>, vector<16xf32>,
        %mul3A_304 = arith.mulf %get3A_303, %gather3A_300 : vector<16xf32>
        %swap3A_305 = arith.index_cast %scan3A_297 : i32 to index
        %swap3A_306 = arith.constant 0 : index
        %swap3A_307 = tpu.vector_load %arg15[%swap3A_305, %swap3A_306] {strides = array<i32>} : memref<80x64xf32, #tpu.memory_space<vmem>>, vector<16xf32>,
        tpu.vector_store %arg15[%swap3A_305, %swap3A_306], %mul3A_304 {strides = array<i32>} : memref<80x64xf32, #tpu.memory_space<vmem>>, vector<16xf32>,
        %get3A_308 = arith.index_cast %scan3A_297 : i32 to index
        %get3A_309 = arith.constant 16 : index
        %get3A_310 = tpu.vector_load %arg15[%get3A_308, %get3A_309] {strides = array<i32>} : memref<80x64xf32, #tpu.memory_space<vmem>>, vector<16xf32>,
        %mul3A_311 = arith.mulf %get3A_310, %gather3A_300 : vector<16xf32>
        %swap3A_312 = arith.index_cast %scan3A_297 : i32 to index
        %swap3A_313 = arith.constant 16 : index
        %swap3A_314 = tpu.vector_load %arg15[%swap3A_312, %swap3A_313] {strides = array<i32>} : memref<80x64xf32, #tpu.memory_space<vmem>>, vector<16xf32>,
        tpu.vector_store %arg15[%swap3A_312, %swap3A_313], %mul3A_311 {strides = array<i32>} : memref<80x64xf32, #tpu.memory_space<vmem>>, vector<16xf32>,
        %get3A_315 = arith.index_cast %scan3A_297 : i32 to index
        %get3A_316 = arith.constant 32 : index
        %get3A_317 = tpu.vector_load %arg15[%get3A_315, %get3A_316] {strides = array<i32>} : memref<80x64xf32, #tpu.memory_space<vmem>>, vector<16xf32>,
        %mul3A_318 = arith.mulf %get3A_317, %gather3A_300 : vector<16xf32>
        %swap3A_319 = arith.index_cast %scan3A_297 : i32 to index
        %swap3A_320 = arith.constant 32 : index
        %swap3A_321 = tpu.vector_load %arg15[%swap3A_319, %swap3A_320] {strides = array<i32>} : memref<80x64xf32, #tpu.memory_space<vmem>>, vector<16xf32>,
        tpu.vector_store %arg15[%swap3A_319, %swap3A_320], %mul3A_318 {strides = array<i32>} : memref<80x64xf32, #tpu.memory_space<vmem>>, vector<16xf32>,
        %get3A_322 = arith.index_cast %scan3A_297 : i32 to index
        %get3A_323 = arith.constant 48 : index
        %get3A_324 = tpu.vector_load %arg15[%get3A_322, %get3A_323] {strides = array<i32>} : memref<80x64xf32, #tpu.memory_space<vmem>>, vector<16xf32>,
        %mul3A_325 = arith.mulf %get3A_324, %gather3A_300 : vector<16xf32>
        %swap3A_326 = arith.index_cast %scan3A_297 : i32 to index
        %swap3A_327 = arith.constant 48 : index
        %swap3A_328 = tpu.vector_load %arg15[%swap3A_326, %swap3A_327] {strides = array<i32>} : memref<80x64xf32, #tpu.memory_space<vmem>>, vector<16xf32>,
        tpu.vector_store %arg15[%swap3A_326, %swap3A_327], %mul3A_325 {strides = array<i32>} : memref<80x64xf32, #tpu.memory_space<vmem>>, vector<16xf32>,
      }
      %scan3A_155 = arith.constant 80 : i32
      %dma_start3A_156 = arith.constant 0 : i32
      %dma_start3A_157 = tpu.memref_slice %arg12[%add3A_137, %dma_start3A_156] : memref<126x80xi32, #tpu.memory_space<vmem>> -> memref<1x80xi32, #tpu.memory_space<vmem>>
      %dma_start3A_158 = tpu.memref_squeeze %dma_start3A_157 : memref<1x80xi32, #tpu.memory_space<vmem>> -> memref<80xi32, #tpu.memory_space<vmem>>
      %dma_start3A_159 = arith.constant 0 : i32
      %dma_start3A_160 = arith.constant 0 : i32
      %dma_start3A_161 = tpu.memref_slice %arg19[%dma_start3A_159, %dma_start3A_160] : memref<10000x64xf32, #tpu.memory_space<vmem_shared>> -> memref<10000x64xf32, #tpu.memory_space<vmem_shared>>
      tpu.enqueue_indirect_dma source(%arg15 : memref<80x64xf32, #tpu.memory_space<vmem>>) target(%dma_start3A_161 : memref<10000x64xf32, #tpu.memory_space<vmem_shared>>) offsets(%dma_start3A_158 : memref<80xi32, #tpu.memory_space<vmem>>) semaphore(%arg24 : memref<!tpu.dma_semaphore, #tpu.memory_space<semaphore_mem>>) {add = true}
      %add3A_162 = arith.constant 2 : i32
      %add3A_163 = arith.addi %add3A_137, %add3A_162 : i32
      %lt3A_164 = arith.constant 126 : i32
      %lt3A_165 = arith.cmpi slt, %add3A_163, %lt3A_164 : i32
      %convert_element_type3A_166 = arith.extui %lt3A_165 : i1 to i32
      %cond3A_167 = arith.constant 0 : i32
      %cond3A_168 = arith.cmpi ne, %convert_element_type3A_166, %cond3A_167 : i32
      scf.if %cond3A_168 {
        %ge3A = arith.constant 1 : i32
        %ge3A_202 = arith.cmpi sge, %add3A_137, %ge3A : i32
        %convert_element_type3A_203 = arith.extui %ge3A_202 : i1 to i32
        %cond3A_204 = arith.constant 0 : i32
        %cond3A_205 = arith.cmpi ne, %convert_element_type3A_203, %cond3A_204 : i32
        scf.if %cond3A_205 {
          %dma_wait3A_214 = arith.constant 0 : i32
          %dma_wait3A_215 = arith.constant 0 : i32
          %dma_wait3A_216 = tpu.memref_slice %arg12[%dma_wait3A_214, %dma_wait3A_215] : memref<126x80xi32, #tpu.memory_space<vmem>> -> memref<1x80xi32, #tpu.memory_space<vmem>>
          %dma_wait3A_217 = tpu.memref_squeeze %dma_wait3A_216 : memref<1x80xi32, #tpu.memory_space<vmem>> -> memref<80xi32, #tpu.memory_space<vmem>>
          %dma_wait3A_218 = arith.constant 0 : i32
          %dma_wait3A_219 = arith.constant 0 : i32
          %dma_wait3A_220 = tpu.memref_slice %arg19[%dma_wait3A_218, %dma_wait3A_219] : memref<10000x64xf32, #tpu.memory_space<vmem_shared>> -> memref<10000x64xf32, #tpu.memory_space<vmem_shared>>
          tpu.wait_indirect_dma semaphore(%arg23 : memref<!tpu.dma_semaphore, #tpu.memory_space<semaphore_mem>>) src(%arg14 : memref<80x64xf32, #tpu.memory_space<vmem>>) dst(%dma_wait3A_220 : memref<10000x64xf32, #tpu.memory_space<vmem_shared>>)
        } else {
        }
        %add3A_206 = arith.constant 2 : i32
        %add3A_207 = arith.addi %add3A_137, %add3A_206 : i32
        %dma_start3A_208 = arith.constant 0 : i32
        %dma_start3A_209 = tpu.memref_slice %arg11[%add3A_207, %dma_start3A_208] : memref<126x80xi32, #tpu.memory_space<vmem>> -> memref<1x80xi32, #tpu.memory_space<vmem>>
        %dma_start3A_210 = tpu.memref_squeeze %dma_start3A_209 : memref<1x80xi32, #tpu.memory_space<vmem>> -> memref<80xi32, #tpu.memory_space<vmem>>
        %dma_start3A_211 = arith.constant 0 : i32
        %dma_start3A_212 = arith.constant 0 : i32
        %dma_start3A_213 = tpu.memref_slice %arg2[%dma_start3A_211, %dma_start3A_212] : memref<20000x64xf32, #tpu.memory_space<hbm>> -> memref<20000x64xf32, #tpu.memory_space<hbm>>
        tpu.enqueue_indirect_dma source(%dma_start3A_213 : memref<20000x64xf32, #tpu.memory_space<hbm>>) target(%arg14 : memref<80x64xf32, #tpu.memory_space<vmem>>) offsets(%dma_start3A_210 : memref<80xi32, #tpu.memory_space<vmem>>) semaphore(%arg20 : memref<!tpu.dma_semaphore, #tpu.memory_space<semaphore_mem>>)
      } else {
      }
      %add3A_169 = arith.constant 2 : i32
      %add3A_170 = arith.addi %mul3A_104, %add3A_169 : i32
      %dma_wait3A_171 = arith.constant 0 : i32
      %dma_wait3A_172 = arith.constant 0 : i32
      %dma_wait3A_173 = tpu.memref_slice %arg11[%dma_wait3A_171, %dma_wait3A_172] : memref<126x80xi32, #tpu.memory_space<vmem>> -> memref<1x80xi32, #tpu.memory_space<vmem>>
      %dma_wait3A_174 = tpu.memref_squeeze %dma_wait3A_173 : memref<1x80xi32, #tpu.memory_space<vmem>> -> memref<80xi32, #tpu.memory_space<vmem>>
      %dma_wait3A_175 = arith.constant 0 : i32
      %dma_wait3A_176 = arith.constant 0 : i32
      %dma_wait3A_177 = tpu.memref_slice %arg2[%dma_wait3A_175, %dma_wait3A_176] : memref<20000x64xf32, #tpu.memory_space<hbm>> -> memref<20000x64xf32, #tpu.memory_space<hbm>>
      tpu.wait_indirect_dma semaphore(%arg22 : memref<!tpu.dma_semaphore, #tpu.memory_space<semaphore_mem>>) src(%dma_wait3A_177 : memref<20000x64xf32, #tpu.memory_space<hbm>>) dst(%arg16 : memref<80x64xf32, #tpu.memory_space<vmem>>)
      %eq3A_178 = arith.constant 0 : i32
      %eq3A_179 = arith.cmpi eq, %arg0, %eq3A_178 : i32
      %convert_element_type3A_180 = arith.extui %eq3A_179 : i1 to i32
      %cond3A_181 = arith.constant 0 : i32
      %cond3A_182 = arith.cmpi ne, %convert_element_type3A_180, %cond3A_181 : i32
      scf.if %cond3A_182 {
        %get3A = arith.index_cast %add3A_170 : i32 to index
        %get3A_202 = arith.constant 0 : index
        %get3A_203 = tpu.vector_load %arg11[%get3A, %get3A_202] {strides = array<i32>} : memref<126x80xi32, #tpu.memory_space<vmem>>, vector<16xi32>,
        %get3A_204 = arith.index_cast %add3A_170 : i32 to index
        %get3A_205 = arith.constant 0 : index
        %get3A_206 = tpu.vector_load %arg12[%get3A_204, %get3A_205] {strides = array<i32>} : memref<126x80xi32, #tpu.memory_space<vmem>>, vector<16xi32>,
        %get3A_207 = arith.index_cast %add3A_170 : i32 to index
        %get3A_208 = arith.constant 0 : index
        %get3A_209 = tpu.vector_load %arg13[%get3A_207, %get3A_208] {strides = array<i32>} : memref<126x80xf32, #tpu.memory_space<vmem>>, vector<16xf32>,
        %gather3A = tpu.vector_load_idx %arg17[%get3A_203] : memref<10000xf32, #tpu.memory_space<vmem>>[vector<16xi32>], vector<16xf32>,
        %mul3A_210 = arith.mulf %get3A_209, %gather3A : vector<16xf32>
        %eq3A_211 = arith.constant 0 : i32
        %eq3A_212 = vector.broadcast %eq3A_211 : i32 to vector<16xi32>
        %eq3A_213 = arith.cmpi eq, %iota3A, %eq3A_212 : vector<16xi32>
        tpu.vector_store_idx %arg18[%get3A_206], %mul3A_210 masked %eq3A_213 {add = true} : memref<10240xf32, #tpu.memory_space<vmem>>[vector<16xi32>], vector<16xf32>, vector<16xi1>
        %eq3A_214 = arith.constant 1 : i32
        %eq3A_215 = vector.broadcast %eq3A_214 : i32 to vector<16xi32>
        %eq3A_216 = arith.cmpi eq, %iota3A, %eq3A_215 : vector<16xi32>
        tpu.vector_store_idx %arg18[%get3A_206], %mul3A_210 masked %eq3A_216 {add = true} : memref<10240xf32, #tpu.memory_space<vmem>>[vector<16xi32>], vector<16xf32>, vector<16xi1>
        %eq3A_217 = arith.constant 2 : i32
        %eq3A_218 = vector.broadcast %eq3A_217 : i32 to vector<16xi32>
        %eq3A_219 = arith.cmpi eq, %iota3A, %eq3A_218 : vector<16xi32>
        tpu.vector_store_idx %arg18[%get3A_206], %mul3A_210 masked %eq3A_219 {add = true} : memref<10240xf32, #tpu.memory_space<vmem>>[vector<16xi32>], vector<16xf32>, vector<16xi1>
        %eq3A_220 = arith.constant 3 : i32
        %eq3A_221 = vector.broadcast %eq3A_220 : i32 to vector<16xi32>
        %eq3A_222 = arith.cmpi eq, %iota3A, %eq3A_221 : vector<16xi32>
        tpu.vector_store_idx %arg18[%get3A_206], %mul3A_210 masked %eq3A_222 {add = true} : memref<10240xf32, #tpu.memory_space<vmem>>[vector<16xi32>], vector<16xf32>, vector<16xi1>
        %eq3A_223 = arith.constant 4 : i32
        %eq3A_224 = vector.broadcast %eq3A_223 : i32 to vector<16xi32>
        %eq3A_225 = arith.cmpi eq, %iota3A, %eq3A_224 : vector<16xi32>
        tpu.vector_store_idx %arg18[%get3A_206], %mul3A_210 masked %eq3A_225 {add = true} : memref<10240xf32, #tpu.memory_space<vmem>>[vector<16xi32>], vector<16xf32>, vector<16xi1>
        %eq3A_226 = arith.constant 5 : i32
        %eq3A_227 = vector.broadcast %eq3A_226 : i32 to vector<16xi32>
        %eq3A_228 = arith.cmpi eq, %iota3A, %eq3A_227 : vector<16xi32>
        tpu.vector_store_idx %arg18[%get3A_206], %mul3A_210 masked %eq3A_228 {add = true} : memref<10240xf32, #tpu.memory_space<vmem>>[vector<16xi32>], vector<16xf32>, vector<16xi1>
        %eq3A_229 = arith.constant 6 : i32
        %eq3A_230 = vector.broadcast %eq3A_229 : i32 to vector<16xi32>
        %eq3A_231 = arith.cmpi eq, %iota3A, %eq3A_230 : vector<16xi32>
        tpu.vector_store_idx %arg18[%get3A_206], %mul3A_210 masked %eq3A_231 {add = true} : memref<10240xf32, #tpu.memory_space<vmem>>[vector<16xi32>], vector<16xf32>, vector<16xi1>
        %eq3A_232 = arith.constant 7 : i32
        %eq3A_233 = vector.broadcast %eq3A_232 : i32 to vector<16xi32>
        %eq3A_234 = arith.cmpi eq, %iota3A, %eq3A_233 : vector<16xi32>
        tpu.vector_store_idx %arg18[%get3A_206], %mul3A_210 masked %eq3A_234 {add = true} : memref<10240xf32, #tpu.memory_space<vmem>>[vector<16xi32>], vector<16xf32>, vector<16xi1>
        %eq3A_235 = arith.constant 8 : i32
        %eq3A_236 = vector.broadcast %eq3A_235 : i32 to vector<16xi32>
        %eq3A_237 = arith.cmpi eq, %iota3A, %eq3A_236 : vector<16xi32>
        tpu.vector_store_idx %arg18[%get3A_206], %mul3A_210 masked %eq3A_237 {add = true} : memref<10240xf32, #tpu.memory_space<vmem>>[vector<16xi32>], vector<16xf32>, vector<16xi1>
        %eq3A_238 = arith.constant 9 : i32
        %eq3A_239 = vector.broadcast %eq3A_238 : i32 to vector<16xi32>
        %eq3A_240 = arith.cmpi eq, %iota3A, %eq3A_239 : vector<16xi32>
        tpu.vector_store_idx %arg18[%get3A_206], %mul3A_210 masked %eq3A_240 {add = true} : memref<10240xf32, #tpu.memory_space<vmem>>[vector<16xi32>], vector<16xf32>, vector<16xi1>
        %eq3A_241 = arith.constant 10 : i32
        %eq3A_242 = vector.broadcast %eq3A_241 : i32 to vector<16xi32>
        %eq3A_243 = arith.cmpi eq, %iota3A, %eq3A_242 : vector<16xi32>
        tpu.vector_store_idx %arg18[%get3A_206], %mul3A_210 masked %eq3A_243 {add = true} : memref<10240xf32, #tpu.memory_space<vmem>>[vector<16xi32>], vector<16xf32>, vector<16xi1>
        %eq3A_244 = arith.constant 11 : i32
        %eq3A_245 = vector.broadcast %eq3A_244 : i32 to vector<16xi32>
        %eq3A_246 = arith.cmpi eq, %iota3A, %eq3A_245 : vector<16xi32>
        tpu.vector_store_idx %arg18[%get3A_206], %mul3A_210 masked %eq3A_246 {add = true} : memref<10240xf32, #tpu.memory_space<vmem>>[vector<16xi32>], vector<16xf32>, vector<16xi1>
        %eq3A_247 = arith.constant 12 : i32
        %eq3A_248 = vector.broadcast %eq3A_247 : i32 to vector<16xi32>
        %eq3A_249 = arith.cmpi eq, %iota3A, %eq3A_248 : vector<16xi32>
        tpu.vector_store_idx %arg18[%get3A_206], %mul3A_210 masked %eq3A_249 {add = true} : memref<10240xf32, #tpu.memory_space<vmem>>[vector<16xi32>], vector<16xf32>, vector<16xi1>
        %eq3A_250 = arith.constant 13 : i32
        %eq3A_251 = vector.broadcast %eq3A_250 : i32 to vector<16xi32>
        %eq3A_252 = arith.cmpi eq, %iota3A, %eq3A_251 : vector<16xi32>
        tpu.vector_store_idx %arg18[%get3A_206], %mul3A_210 masked %eq3A_252 {add = true} : memref<10240xf32, #tpu.memory_space<vmem>>[vector<16xi32>], vector<16xf32>, vector<16xi1>
        %eq3A_253 = arith.constant 14 : i32
        %eq3A_254 = vector.broadcast %eq3A_253 : i32 to vector<16xi32>
        %eq3A_255 = arith.cmpi eq, %iota3A, %eq3A_254 : vector<16xi32>
        tpu.vector_store_idx %arg18[%get3A_206], %mul3A_210 masked %eq3A_255 {add = true} : memref<10240xf32, #tpu.memory_space<vmem>>[vector<16xi32>], vector<16xf32>, vector<16xi1>
        %eq3A_256 = arith.constant 15 : i32
        %eq3A_257 = vector.broadcast %eq3A_256 : i32 to vector<16xi32>
        %eq3A_258 = arith.cmpi eq, %iota3A, %eq3A_257 : vector<16xi32>
        tpu.vector_store_idx %arg18[%get3A_206], %mul3A_210 masked %eq3A_258 {add = true} : memref<10240xf32, #tpu.memory_space<vmem>>[vector<16xi32>], vector<16xf32>, vector<16xi1>
        %get3A_259 = arith.index_cast %add3A_170 : i32 to index
        %get3A_260 = arith.constant 16 : index
        %get3A_261 = tpu.vector_load %arg11[%get3A_259, %get3A_260] {strides = array<i32>} : memref<126x80xi32, #tpu.memory_space<vmem>>, vector<16xi32>,
        %get3A_262 = arith.index_cast %add3A_170 : i32 to index
        %get3A_263 = arith.constant 16 : index
        %get3A_264 = tpu.vector_load %arg12[%get3A_262, %get3A_263] {strides = array<i32>} : memref<126x80xi32, #tpu.memory_space<vmem>>, vector<16xi32>,
        %get3A_265 = arith.index_cast %add3A_170 : i32 to index
        %get3A_266 = arith.constant 16 : index
        %get3A_267 = tpu.vector_load %arg13[%get3A_265, %get3A_266] {strides = array<i32>} : memref<126x80xf32, #tpu.memory_space<vmem>>, vector<16xf32>,
        %gather3A_268 = tpu.vector_load_idx %arg17[%get3A_261] : memref<10000xf32, #tpu.memory_space<vmem>>[vector<16xi32>], vector<16xf32>,
        %mul3A_269 = arith.mulf %get3A_267, %gather3A_268 : vector<16xf32>
        %eq3A_270 = arith.constant 0 : i32
        %eq3A_271 = vector.broadcast %eq3A_270 : i32 to vector<16xi32>
        %eq3A_272 = arith.cmpi eq, %iota3A, %eq3A_271 : vector<16xi32>
        tpu.vector_store_idx %arg18[%get3A_264], %mul3A_269 masked %eq3A_272 {add = true} : memref<10240xf32, #tpu.memory_space<vmem>>[vector<16xi32>], vector<16xf32>, vector<16xi1>
        %eq3A_273 = arith.constant 1 : i32
        %eq3A_274 = vector.broadcast %eq3A_273 : i32 to vector<16xi32>
        %eq3A_275 = arith.cmpi eq, %iota3A, %eq3A_274 : vector<16xi32>
        tpu.vector_store_idx %arg18[%get3A_264], %mul3A_269 masked %eq3A_275 {add = true} : memref<10240xf32, #tpu.memory_space<vmem>>[vector<16xi32>], vector<16xf32>, vector<16xi1>
        %eq3A_276 = arith.constant 2 : i32
        %eq3A_277 = vector.broadcast %eq3A_276 : i32 to vector<16xi32>
        %eq3A_278 = arith.cmpi eq, %iota3A, %eq3A_277 : vector<16xi32>
        tpu.vector_store_idx %arg18[%get3A_264], %mul3A_269 masked %eq3A_278 {add = true} : memref<10240xf32, #tpu.memory_space<vmem>>[vector<16xi32>], vector<16xf32>, vector<16xi1>
        %eq3A_279 = arith.constant 3 : i32
        %eq3A_280 = vector.broadcast %eq3A_279 : i32 to vector<16xi32>
        %eq3A_281 = arith.cmpi eq, %iota3A, %eq3A_280 : vector<16xi32>
        tpu.vector_store_idx %arg18[%get3A_264], %mul3A_269 masked %eq3A_281 {add = true} : memref<10240xf32, #tpu.memory_space<vmem>>[vector<16xi32>], vector<16xf32>, vector<16xi1>
        %eq3A_282 = arith.constant 4 : i32
        %eq3A_283 = vector.broadcast %eq3A_282 : i32 to vector<16xi32>
        %eq3A_284 = arith.cmpi eq, %iota3A, %eq3A_283 : vector<16xi32>
        tpu.vector_store_idx %arg18[%get3A_264], %mul3A_269 masked %eq3A_284 {add = true} : memref<10240xf32, #tpu.memory_space<vmem>>[vector<16xi32>], vector<16xf32>, vector<16xi1>
        %eq3A_285 = arith.constant 5 : i32
        %eq3A_286 = vector.broadcast %eq3A_285 : i32 to vector<16xi32>
        %eq3A_287 = arith.cmpi eq, %iota3A, %eq3A_286 : vector<16xi32>
        tpu.vector_store_idx %arg18[%get3A_264], %mul3A_269 masked %eq3A_287 {add = true} : memref<10240xf32, #tpu.memory_space<vmem>>[vector<16xi32>], vector<16xf32>, vector<16xi1>
        %eq3A_288 = arith.constant 6 : i32
        %eq3A_289 = vector.broadcast %eq3A_288 : i32 to vector<16xi32>
        %eq3A_290 = arith.cmpi eq, %iota3A, %eq3A_289 : vector<16xi32>
        tpu.vector_store_idx %arg18[%get3A_264], %mul3A_269 masked %eq3A_290 {add = true} : memref<10240xf32, #tpu.memory_space<vmem>>[vector<16xi32>], vector<16xf32>, vector<16xi1>
        %eq3A_291 = arith.constant 7 : i32
        %eq3A_292 = vector.broadcast %eq3A_291 : i32 to vector<16xi32>
        %eq3A_293 = arith.cmpi eq, %iota3A, %eq3A_292 : vector<16xi32>
        tpu.vector_store_idx %arg18[%get3A_264], %mul3A_269 masked %eq3A_293 {add = true} : memref<10240xf32, #tpu.memory_space<vmem>>[vector<16xi32>], vector<16xf32>, vector<16xi1>
        %eq3A_294 = arith.constant 8 : i32
        %eq3A_295 = vector.broadcast %eq3A_294 : i32 to vector<16xi32>
        %eq3A_296 = arith.cmpi eq, %iota3A, %eq3A_295 : vector<16xi32>
        tpu.vector_store_idx %arg18[%get3A_264], %mul3A_269 masked %eq3A_296 {add = true} : memref<10240xf32, #tpu.memory_space<vmem>>[vector<16xi32>], vector<16xf32>, vector<16xi1>
        %eq3A_297 = arith.constant 9 : i32
        %eq3A_298 = vector.broadcast %eq3A_297 : i32 to vector<16xi32>
        %eq3A_299 = arith.cmpi eq, %iota3A, %eq3A_298 : vector<16xi32>
        tpu.vector_store_idx %arg18[%get3A_264], %mul3A_269 masked %eq3A_299 {add = true} : memref<10240xf32, #tpu.memory_space<vmem>>[vector<16xi32>], vector<16xf32>, vector<16xi1>
        %eq3A_300 = arith.constant 10 : i32
        %eq3A_301 = vector.broadcast %eq3A_300 : i32 to vector<16xi32>
        %eq3A_302 = arith.cmpi eq, %iota3A, %eq3A_301 : vector<16xi32>
        tpu.vector_store_idx %arg18[%get3A_264], %mul3A_269 masked %eq3A_302 {add = true} : memref<10240xf32, #tpu.memory_space<vmem>>[vector<16xi32>], vector<16xf32>, vector<16xi1>
        %eq3A_303 = arith.constant 11 : i32
        %eq3A_304 = vector.broadcast %eq3A_303 : i32 to vector<16xi32>
        %eq3A_305 = arith.cmpi eq, %iota3A, %eq3A_304 : vector<16xi32>
        tpu.vector_store_idx %arg18[%get3A_264], %mul3A_269 masked %eq3A_305 {add = true} : memref<10240xf32, #tpu.memory_space<vmem>>[vector<16xi32>], vector<16xf32>, vector<16xi1>
        %eq3A_306 = arith.constant 12 : i32
        %eq3A_307 = vector.broadcast %eq3A_306 : i32 to vector<16xi32>
        %eq3A_308 = arith.cmpi eq, %iota3A, %eq3A_307 : vector<16xi32>
        tpu.vector_store_idx %arg18[%get3A_264], %mul3A_269 masked %eq3A_308 {add = true} : memref<10240xf32, #tpu.memory_space<vmem>>[vector<16xi32>], vector<16xf32>, vector<16xi1>
        %eq3A_309 = arith.constant 13 : i32
        %eq3A_310 = vector.broadcast %eq3A_309 : i32 to vector<16xi32>
        %eq3A_311 = arith.cmpi eq, %iota3A, %eq3A_310 : vector<16xi32>
        tpu.vector_store_idx %arg18[%get3A_264], %mul3A_269 masked %eq3A_311 {add = true} : memref<10240xf32, #tpu.memory_space<vmem>>[vector<16xi32>], vector<16xf32>, vector<16xi1>
        %eq3A_312 = arith.constant 14 : i32
        %eq3A_313 = vector.broadcast %eq3A_312 : i32 to vector<16xi32>
        %eq3A_314 = arith.cmpi eq, %iota3A, %eq3A_313 : vector<16xi32>
        tpu.vector_store_idx %arg18[%get3A_264], %mul3A_269 masked %eq3A_314 {add = true} : memref<10240xf32, #tpu.memory_space<vmem>>[vector<16xi32>], vector<16xf32>, vector<16xi1>
        %eq3A_315 = arith.constant 15 : i32
        %eq3A_316 = vector.broadcast %eq3A_315 : i32 to vector<16xi32>
        %eq3A_317 = arith.cmpi eq, %iota3A, %eq3A_316 : vector<16xi32>
        tpu.vector_store_idx %arg18[%get3A_264], %mul3A_269 masked %eq3A_317 {add = true} : memref<10240xf32, #tpu.memory_space<vmem>>[vector<16xi32>], vector<16xf32>, vector<16xi1>
        %get3A_318 = arith.index_cast %add3A_170 : i32 to index
        %get3A_319 = arith.constant 32 : index
        %get3A_320 = tpu.vector_load %arg11[%get3A_318, %get3A_319] {strides = array<i32>} : memref<126x80xi32, #tpu.memory_space<vmem>>, vector<16xi32>,
        %get3A_321 = arith.index_cast %add3A_170 : i32 to index
        %get3A_322 = arith.constant 32 : index
        %get3A_323 = tpu.vector_load %arg12[%get3A_321, %get3A_322] {strides = array<i32>} : memref<126x80xi32, #tpu.memory_space<vmem>>, vector<16xi32>,
        %get3A_324 = arith.index_cast %add3A_170 : i32 to index
        %get3A_325 = arith.constant 32 : index
        %get3A_326 = tpu.vector_load %arg13[%get3A_324, %get3A_325] {strides = array<i32>} : memref<126x80xf32, #tpu.memory_space<vmem>>, vector<16xf32>,
        %gather3A_327 = tpu.vector_load_idx %arg17[%get3A_320] : memref<10000xf32, #tpu.memory_space<vmem>>[vector<16xi32>], vector<16xf32>,
        %mul3A_328 = arith.mulf %get3A_326, %gather3A_327 : vector<16xf32>
        %eq3A_329 = arith.constant 0 : i32
        %eq3A_330 = vector.broadcast %eq3A_329 : i32 to vector<16xi32>
        %eq3A_331 = arith.cmpi eq, %iota3A, %eq3A_330 : vector<16xi32>
        tpu.vector_store_idx %arg18[%get3A_323], %mul3A_328 masked %eq3A_331 {add = true} : memref<10240xf32, #tpu.memory_space<vmem>>[vector<16xi32>], vector<16xf32>, vector<16xi1>
        %eq3A_332 = arith.constant 1 : i32
        %eq3A_333 = vector.broadcast %eq3A_332 : i32 to vector<16xi32>
        %eq3A_334 = arith.cmpi eq, %iota3A, %eq3A_333 : vector<16xi32>
        tpu.vector_store_idx %arg18[%get3A_323], %mul3A_328 masked %eq3A_334 {add = true} : memref<10240xf32, #tpu.memory_space<vmem>>[vector<16xi32>], vector<16xf32>, vector<16xi1>
        %eq3A_335 = arith.constant 2 : i32
        %eq3A_336 = vector.broadcast %eq3A_335 : i32 to vector<16xi32>
        %eq3A_337 = arith.cmpi eq, %iota3A, %eq3A_336 : vector<16xi32>
        tpu.vector_store_idx %arg18[%get3A_323], %mul3A_328 masked %eq3A_337 {add = true} : memref<10240xf32, #tpu.memory_space<vmem>>[vector<16xi32>], vector<16xf32>, vector<16xi1>
        %eq3A_338 = arith.constant 3 : i32
        %eq3A_339 = vector.broadcast %eq3A_338 : i32 to vector<16xi32>
        %eq3A_340 = arith.cmpi eq, %iota3A, %eq3A_339 : vector<16xi32>
        tpu.vector_store_idx %arg18[%get3A_323], %mul3A_328 masked %eq3A_340 {add = true} : memref<10240xf32, #tpu.memory_space<vmem>>[vector<16xi32>], vector<16xf32>, vector<16xi1>
        %eq3A_341 = arith.constant 4 : i32
        %eq3A_342 = vector.broadcast %eq3A_341 : i32 to vector<16xi32>
        %eq3A_343 = arith.cmpi eq, %iota3A, %eq3A_342 : vector<16xi32>
        tpu.vector_store_idx %arg18[%get3A_323], %mul3A_328 masked %eq3A_343 {add = true} : memref<10240xf32, #tpu.memory_space<vmem>>[vector<16xi32>], vector<16xf32>, vector<16xi1>
        %eq3A_344 = arith.constant 5 : i32
        %eq3A_345 = vector.broadcast %eq3A_344 : i32 to vector<16xi32>
        %eq3A_346 = arith.cmpi eq, %iota3A, %eq3A_345 : vector<16xi32>
        tpu.vector_store_idx %arg18[%get3A_323], %mul3A_328 masked %eq3A_346 {add = true} : memref<10240xf32, #tpu.memory_space<vmem>>[vector<16xi32>], vector<16xf32>, vector<16xi1>
        %eq3A_347 = arith.constant 6 : i32
        %eq3A_348 = vector.broadcast %eq3A_347 : i32 to vector<16xi32>
        %eq3A_349 = arith.cmpi eq, %iota3A, %eq3A_348 : vector<16xi32>
        tpu.vector_store_idx %arg18[%get3A_323], %mul3A_328 masked %eq3A_349 {add = true} : memref<10240xf32, #tpu.memory_space<vmem>>[vector<16xi32>], vector<16xf32>, vector<16xi1>
        %eq3A_350 = arith.constant 7 : i32
        %eq3A_351 = vector.broadcast %eq3A_350 : i32 to vector<16xi32>
        %eq3A_352 = arith.cmpi eq, %iota3A, %eq3A_351 : vector<16xi32>
        tpu.vector_store_idx %arg18[%get3A_323], %mul3A_328 masked %eq3A_352 {add = true} : memref<10240xf32, #tpu.memory_space<vmem>>[vector<16xi32>], vector<16xf32>, vector<16xi1>
        %eq3A_353 = arith.constant 8 : i32
        %eq3A_354 = vector.broadcast %eq3A_353 : i32 to vector<16xi32>
        %eq3A_355 = arith.cmpi eq, %iota3A, %eq3A_354 : vector<16xi32>
        tpu.vector_store_idx %arg18[%get3A_323], %mul3A_328 masked %eq3A_355 {add = true} : memref<10240xf32, #tpu.memory_space<vmem>>[vector<16xi32>], vector<16xf32>, vector<16xi1>
        %eq3A_356 = arith.constant 9 : i32
        %eq3A_357 = vector.broadcast %eq3A_356 : i32 to vector<16xi32>
        %eq3A_358 = arith.cmpi eq, %iota3A, %eq3A_357 : vector<16xi32>
        tpu.vector_store_idx %arg18[%get3A_323], %mul3A_328 masked %eq3A_358 {add = true} : memref<10240xf32, #tpu.memory_space<vmem>>[vector<16xi32>], vector<16xf32>, vector<16xi1>
        %eq3A_359 = arith.constant 10 : i32
        %eq3A_360 = vector.broadcast %eq3A_359 : i32 to vector<16xi32>
        %eq3A_361 = arith.cmpi eq, %iota3A, %eq3A_360 : vector<16xi32>
        tpu.vector_store_idx %arg18[%get3A_323], %mul3A_328 masked %eq3A_361 {add = true} : memref<10240xf32, #tpu.memory_space<vmem>>[vector<16xi32>], vector<16xf32>, vector<16xi1>
        %eq3A_362 = arith.constant 11 : i32
        %eq3A_363 = vector.broadcast %eq3A_362 : i32 to vector<16xi32>
        %eq3A_364 = arith.cmpi eq, %iota3A, %eq3A_363 : vector<16xi32>
        tpu.vector_store_idx %arg18[%get3A_323], %mul3A_328 masked %eq3A_364 {add = true} : memref<10240xf32, #tpu.memory_space<vmem>>[vector<16xi32>], vector<16xf32>, vector<16xi1>
        %eq3A_365 = arith.constant 12 : i32
        %eq3A_366 = vector.broadcast %eq3A_365 : i32 to vector<16xi32>
        %eq3A_367 = arith.cmpi eq, %iota3A, %eq3A_366 : vector<16xi32>
        tpu.vector_store_idx %arg18[%get3A_323], %mul3A_328 masked %eq3A_367 {add = true} : memref<10240xf32, #tpu.memory_space<vmem>>[vector<16xi32>], vector<16xf32>, vector<16xi1>
        %eq3A_368 = arith.constant 13 : i32
        %eq3A_369 = vector.broadcast %eq3A_368 : i32 to vector<16xi32>
        %eq3A_370 = arith.cmpi eq, %iota3A, %eq3A_369 : vector<16xi32>
        tpu.vector_store_idx %arg18[%get3A_323], %mul3A_328 masked %eq3A_370 {add = true} : memref<10240xf32, #tpu.memory_space<vmem>>[vector<16xi32>], vector<16xf32>, vector<16xi1>
        %eq3A_371 = arith.constant 14 : i32
        %eq3A_372 = vector.broadcast %eq3A_371 : i32 to vector<16xi32>
        %eq3A_373 = arith.cmpi eq, %iota3A, %eq3A_372 : vector<16xi32>
        tpu.vector_store_idx %arg18[%get3A_323], %mul3A_328 masked %eq3A_373 {add = true} : memref<10240xf32, #tpu.memory_space<vmem>>[vector<16xi32>], vector<16xf32>, vector<16xi1>
        %eq3A_374 = arith.constant 15 : i32
        %eq3A_375 = vector.broadcast %eq3A_374 : i32 to vector<16xi32>
        %eq3A_376 = arith.cmpi eq, %iota3A, %eq3A_375 : vector<16xi32>
        tpu.vector_store_idx %arg18[%get3A_323], %mul3A_328 masked %eq3A_376 {add = true} : memref<10240xf32, #tpu.memory_space<vmem>>[vector<16xi32>], vector<16xf32>, vector<16xi1>
        %get3A_377 = arith.index_cast %add3A_170 : i32 to index
        %get3A_378 = arith.constant 48 : index
        %get3A_379 = tpu.vector_load %arg11[%get3A_377, %get3A_378] {strides = array<i32>} : memref<126x80xi32, #tpu.memory_space<vmem>>, vector<16xi32>,
        %get3A_380 = arith.index_cast %add3A_170 : i32 to index
        %get3A_381 = arith.constant 48 : index
        %get3A_382 = tpu.vector_load %arg12[%get3A_380, %get3A_381] {strides = array<i32>} : memref<126x80xi32, #tpu.memory_space<vmem>>, vector<16xi32>,
        %get3A_383 = arith.index_cast %add3A_170 : i32 to index
        %get3A_384 = arith.constant 48 : index
        %get3A_385 = tpu.vector_load %arg13[%get3A_383, %get3A_384] {strides = array<i32>} : memref<126x80xf32, #tpu.memory_space<vmem>>, vector<16xf32>,
        %gather3A_386 = tpu.vector_load_idx %arg17[%get3A_379] : memref<10000xf32, #tpu.memory_space<vmem>>[vector<16xi32>], vector<16xf32>,
        %mul3A_387 = arith.mulf %get3A_385, %gather3A_386 : vector<16xf32>
        %eq3A_388 = arith.constant 0 : i32
        %eq3A_389 = vector.broadcast %eq3A_388 : i32 to vector<16xi32>
        %eq3A_390 = arith.cmpi eq, %iota3A, %eq3A_389 : vector<16xi32>
        tpu.vector_store_idx %arg18[%get3A_382], %mul3A_387 masked %eq3A_390 {add = true} : memref<10240xf32, #tpu.memory_space<vmem>>[vector<16xi32>], vector<16xf32>, vector<16xi1>
        %eq3A_391 = arith.constant 1 : i32
        %eq3A_392 = vector.broadcast %eq3A_391 : i32 to vector<16xi32>
        %eq3A_393 = arith.cmpi eq, %iota3A, %eq3A_392 : vector<16xi32>
        tpu.vector_store_idx %arg18[%get3A_382], %mul3A_387 masked %eq3A_393 {add = true} : memref<10240xf32, #tpu.memory_space<vmem>>[vector<16xi32>], vector<16xf32>, vector<16xi1>
        %eq3A_394 = arith.constant 2 : i32
        %eq3A_395 = vector.broadcast %eq3A_394 : i32 to vector<16xi32>
        %eq3A_396 = arith.cmpi eq, %iota3A, %eq3A_395 : vector<16xi32>
        tpu.vector_store_idx %arg18[%get3A_382], %mul3A_387 masked %eq3A_396 {add = true} : memref<10240xf32, #tpu.memory_space<vmem>>[vector<16xi32>], vector<16xf32>, vector<16xi1>
        %eq3A_397 = arith.constant 3 : i32
        %eq3A_398 = vector.broadcast %eq3A_397 : i32 to vector<16xi32>
        %eq3A_399 = arith.cmpi eq, %iota3A, %eq3A_398 : vector<16xi32>
        tpu.vector_store_idx %arg18[%get3A_382], %mul3A_387 masked %eq3A_399 {add = true} : memref<10240xf32, #tpu.memory_space<vmem>>[vector<16xi32>], vector<16xf32>, vector<16xi1>
        %eq3A_400 = arith.constant 4 : i32
        %eq3A_401 = vector.broadcast %eq3A_400 : i32 to vector<16xi32>
        %eq3A_402 = arith.cmpi eq, %iota3A, %eq3A_401 : vector<16xi32>
        tpu.vector_store_idx %arg18[%get3A_382], %mul3A_387 masked %eq3A_402 {add = true} : memref<10240xf32, #tpu.memory_space<vmem>>[vector<16xi32>], vector<16xf32>, vector<16xi1>
        %eq3A_403 = arith.constant 5 : i32
        %eq3A_404 = vector.broadcast %eq3A_403 : i32 to vector<16xi32>
        %eq3A_405 = arith.cmpi eq, %iota3A, %eq3A_404 : vector<16xi32>
        tpu.vector_store_idx %arg18[%get3A_382], %mul3A_387 masked %eq3A_405 {add = true} : memref<10240xf32, #tpu.memory_space<vmem>>[vector<16xi32>], vector<16xf32>, vector<16xi1>
        %eq3A_406 = arith.constant 6 : i32
        %eq3A_407 = vector.broadcast %eq3A_406 : i32 to vector<16xi32>
        %eq3A_408 = arith.cmpi eq, %iota3A, %eq3A_407 : vector<16xi32>
        tpu.vector_store_idx %arg18[%get3A_382], %mul3A_387 masked %eq3A_408 {add = true} : memref<10240xf32, #tpu.memory_space<vmem>>[vector<16xi32>], vector<16xf32>, vector<16xi1>
        %eq3A_409 = arith.constant 7 : i32
        %eq3A_410 = vector.broadcast %eq3A_409 : i32 to vector<16xi32>
        %eq3A_411 = arith.cmpi eq, %iota3A, %eq3A_410 : vector<16xi32>
        tpu.vector_store_idx %arg18[%get3A_382], %mul3A_387 masked %eq3A_411 {add = true} : memref<10240xf32, #tpu.memory_space<vmem>>[vector<16xi32>], vector<16xf32>, vector<16xi1>
        %eq3A_412 = arith.constant 8 : i32
        %eq3A_413 = vector.broadcast %eq3A_412 : i32 to vector<16xi32>
        %eq3A_414 = arith.cmpi eq, %iota3A, %eq3A_413 : vector<16xi32>
        tpu.vector_store_idx %arg18[%get3A_382], %mul3A_387 masked %eq3A_414 {add = true} : memref<10240xf32, #tpu.memory_space<vmem>>[vector<16xi32>], vector<16xf32>, vector<16xi1>
        %eq3A_415 = arith.constant 9 : i32
        %eq3A_416 = vector.broadcast %eq3A_415 : i32 to vector<16xi32>
        %eq3A_417 = arith.cmpi eq, %iota3A, %eq3A_416 : vector<16xi32>
        tpu.vector_store_idx %arg18[%get3A_382], %mul3A_387 masked %eq3A_417 {add = true} : memref<10240xf32, #tpu.memory_space<vmem>>[vector<16xi32>], vector<16xf32>, vector<16xi1>
        %eq3A_418 = arith.constant 10 : i32
        %eq3A_419 = vector.broadcast %eq3A_418 : i32 to vector<16xi32>
        %eq3A_420 = arith.cmpi eq, %iota3A, %eq3A_419 : vector<16xi32>
        tpu.vector_store_idx %arg18[%get3A_382], %mul3A_387 masked %eq3A_420 {add = true} : memref<10240xf32, #tpu.memory_space<vmem>>[vector<16xi32>], vector<16xf32>, vector<16xi1>
        %eq3A_421 = arith.constant 11 : i32
        %eq3A_422 = vector.broadcast %eq3A_421 : i32 to vector<16xi32>
        %eq3A_423 = arith.cmpi eq, %iota3A, %eq3A_422 : vector<16xi32>
        tpu.vector_store_idx %arg18[%get3A_382], %mul3A_387 masked %eq3A_423 {add = true} : memref<10240xf32, #tpu.memory_space<vmem>>[vector<16xi32>], vector<16xf32>, vector<16xi1>
        %eq3A_424 = arith.constant 12 : i32
        %eq3A_425 = vector.broadcast %eq3A_424 : i32 to vector<16xi32>
        %eq3A_426 = arith.cmpi eq, %iota3A, %eq3A_425 : vector<16xi32>
        tpu.vector_store_idx %arg18[%get3A_382], %mul3A_387 masked %eq3A_426 {add = true} : memref<10240xf32, #tpu.memory_space<vmem>>[vector<16xi32>], vector<16xf32>, vector<16xi1>
        %eq3A_427 = arith.constant 13 : i32
        %eq3A_428 = vector.broadcast %eq3A_427 : i32 to vector<16xi32>
        %eq3A_429 = arith.cmpi eq, %iota3A, %eq3A_428 : vector<16xi32>
        tpu.vector_store_idx %arg18[%get3A_382], %mul3A_387 masked %eq3A_429 {add = true} : memref<10240xf32, #tpu.memory_space<vmem>>[vector<16xi32>], vector<16xf32>, vector<16xi1>
        %eq3A_430 = arith.constant 14 : i32
        %eq3A_431 = vector.broadcast %eq3A_430 : i32 to vector<16xi32>
        %eq3A_432 = arith.cmpi eq, %iota3A, %eq3A_431 : vector<16xi32>
        tpu.vector_store_idx %arg18[%get3A_382], %mul3A_387 masked %eq3A_432 {add = true} : memref<10240xf32, #tpu.memory_space<vmem>>[vector<16xi32>], vector<16xf32>, vector<16xi1>
        %eq3A_433 = arith.constant 15 : i32
        %eq3A_434 = vector.broadcast %eq3A_433 : i32 to vector<16xi32>
        %eq3A_435 = arith.cmpi eq, %iota3A, %eq3A_434 : vector<16xi32>
        tpu.vector_store_idx %arg18[%get3A_382], %mul3A_387 masked %eq3A_435 {add = true} : memref<10240xf32, #tpu.memory_space<vmem>>[vector<16xi32>], vector<16xf32>, vector<16xi1>
        %get3A_436 = arith.index_cast %add3A_170 : i32 to index
        %get3A_437 = arith.constant 64 : index
        %get3A_438 = tpu.vector_load %arg11[%get3A_436, %get3A_437] {strides = array<i32>} : memref<126x80xi32, #tpu.memory_space<vmem>>, vector<16xi32>,
        %get3A_439 = arith.index_cast %add3A_170 : i32 to index
        %get3A_440 = arith.constant 64 : index
        %get3A_441 = tpu.vector_load %arg12[%get3A_439, %get3A_440] {strides = array<i32>} : memref<126x80xi32, #tpu.memory_space<vmem>>, vector<16xi32>,
        %get3A_442 = arith.index_cast %add3A_170 : i32 to index
        %get3A_443 = arith.constant 64 : index
        %get3A_444 = tpu.vector_load %arg13[%get3A_442, %get3A_443] {strides = array<i32>} : memref<126x80xf32, #tpu.memory_space<vmem>>, vector<16xf32>,
        %gather3A_445 = tpu.vector_load_idx %arg17[%get3A_438] : memref<10000xf32, #tpu.memory_space<vmem>>[vector<16xi32>], vector<16xf32>,
        %mul3A_446 = arith.mulf %get3A_444, %gather3A_445 : vector<16xf32>
        %eq3A_447 = arith.constant 0 : i32
        %eq3A_448 = vector.broadcast %eq3A_447 : i32 to vector<16xi32>
        %eq3A_449 = arith.cmpi eq, %iota3A, %eq3A_448 : vector<16xi32>
        tpu.vector_store_idx %arg18[%get3A_441], %mul3A_446 masked %eq3A_449 {add = true} : memref<10240xf32, #tpu.memory_space<vmem>>[vector<16xi32>], vector<16xf32>, vector<16xi1>
        %eq3A_450 = arith.constant 1 : i32
        %eq3A_451 = vector.broadcast %eq3A_450 : i32 to vector<16xi32>
        %eq3A_452 = arith.cmpi eq, %iota3A, %eq3A_451 : vector<16xi32>
        tpu.vector_store_idx %arg18[%get3A_441], %mul3A_446 masked %eq3A_452 {add = true} : memref<10240xf32, #tpu.memory_space<vmem>>[vector<16xi32>], vector<16xf32>, vector<16xi1>
        %eq3A_453 = arith.constant 2 : i32
        %eq3A_454 = vector.broadcast %eq3A_453 : i32 to vector<16xi32>
        %eq3A_455 = arith.cmpi eq, %iota3A, %eq3A_454 : vector<16xi32>
        tpu.vector_store_idx %arg18[%get3A_441], %mul3A_446 masked %eq3A_455 {add = true} : memref<10240xf32, #tpu.memory_space<vmem>>[vector<16xi32>], vector<16xf32>, vector<16xi1>
        %eq3A_456 = arith.constant 3 : i32
        %eq3A_457 = vector.broadcast %eq3A_456 : i32 to vector<16xi32>
        %eq3A_458 = arith.cmpi eq, %iota3A, %eq3A_457 : vector<16xi32>
        tpu.vector_store_idx %arg18[%get3A_441], %mul3A_446 masked %eq3A_458 {add = true} : memref<10240xf32, #tpu.memory_space<vmem>>[vector<16xi32>], vector<16xf32>, vector<16xi1>
        %eq3A_459 = arith.constant 4 : i32
        %eq3A_460 = vector.broadcast %eq3A_459 : i32 to vector<16xi32>
        %eq3A_461 = arith.cmpi eq, %iota3A, %eq3A_460 : vector<16xi32>
        tpu.vector_store_idx %arg18[%get3A_441], %mul3A_446 masked %eq3A_461 {add = true} : memref<10240xf32, #tpu.memory_space<vmem>>[vector<16xi32>], vector<16xf32>, vector<16xi1>
        %eq3A_462 = arith.constant 5 : i32
        %eq3A_463 = vector.broadcast %eq3A_462 : i32 to vector<16xi32>
        %eq3A_464 = arith.cmpi eq, %iota3A, %eq3A_463 : vector<16xi32>
        tpu.vector_store_idx %arg18[%get3A_441], %mul3A_446 masked %eq3A_464 {add = true} : memref<10240xf32, #tpu.memory_space<vmem>>[vector<16xi32>], vector<16xf32>, vector<16xi1>
        %eq3A_465 = arith.constant 6 : i32
        %eq3A_466 = vector.broadcast %eq3A_465 : i32 to vector<16xi32>
        %eq3A_467 = arith.cmpi eq, %iota3A, %eq3A_466 : vector<16xi32>
        tpu.vector_store_idx %arg18[%get3A_441], %mul3A_446 masked %eq3A_467 {add = true} : memref<10240xf32, #tpu.memory_space<vmem>>[vector<16xi32>], vector<16xf32>, vector<16xi1>
        %eq3A_468 = arith.constant 7 : i32
        %eq3A_469 = vector.broadcast %eq3A_468 : i32 to vector<16xi32>
        %eq3A_470 = arith.cmpi eq, %iota3A, %eq3A_469 : vector<16xi32>
        tpu.vector_store_idx %arg18[%get3A_441], %mul3A_446 masked %eq3A_470 {add = true} : memref<10240xf32, #tpu.memory_space<vmem>>[vector<16xi32>], vector<16xf32>, vector<16xi1>
        %eq3A_471 = arith.constant 8 : i32
        %eq3A_472 = vector.broadcast %eq3A_471 : i32 to vector<16xi32>
        %eq3A_473 = arith.cmpi eq, %iota3A, %eq3A_472 : vector<16xi32>
        tpu.vector_store_idx %arg18[%get3A_441], %mul3A_446 masked %eq3A_473 {add = true} : memref<10240xf32, #tpu.memory_space<vmem>>[vector<16xi32>], vector<16xf32>, vector<16xi1>
        %eq3A_474 = arith.constant 9 : i32
        %eq3A_475 = vector.broadcast %eq3A_474 : i32 to vector<16xi32>
        %eq3A_476 = arith.cmpi eq, %iota3A, %eq3A_475 : vector<16xi32>
        tpu.vector_store_idx %arg18[%get3A_441], %mul3A_446 masked %eq3A_476 {add = true} : memref<10240xf32, #tpu.memory_space<vmem>>[vector<16xi32>], vector<16xf32>, vector<16xi1>
        %eq3A_477 = arith.constant 10 : i32
        %eq3A_478 = vector.broadcast %eq3A_477 : i32 to vector<16xi32>
        %eq3A_479 = arith.cmpi eq, %iota3A, %eq3A_478 : vector<16xi32>
        tpu.vector_store_idx %arg18[%get3A_441], %mul3A_446 masked %eq3A_479 {add = true} : memref<10240xf32, #tpu.memory_space<vmem>>[vector<16xi32>], vector<16xf32>, vector<16xi1>
        %eq3A_480 = arith.constant 11 : i32
        %eq3A_481 = vector.broadcast %eq3A_480 : i32 to vector<16xi32>
        %eq3A_482 = arith.cmpi eq, %iota3A, %eq3A_481 : vector<16xi32>
        tpu.vector_store_idx %arg18[%get3A_441], %mul3A_446 masked %eq3A_482 {add = true} : memref<10240xf32, #tpu.memory_space<vmem>>[vector<16xi32>], vector<16xf32>, vector<16xi1>
        %eq3A_483 = arith.constant 12 : i32
        %eq3A_484 = vector.broadcast %eq3A_483 : i32 to vector<16xi32>
        %eq3A_485 = arith.cmpi eq, %iota3A, %eq3A_484 : vector<16xi32>
        tpu.vector_store_idx %arg18[%get3A_441], %mul3A_446 masked %eq3A_485 {add = true} : memref<10240xf32, #tpu.memory_space<vmem>>[vector<16xi32>], vector<16xf32>, vector<16xi1>
        %eq3A_486 = arith.constant 13 : i32
        %eq3A_487 = vector.broadcast %eq3A_486 : i32 to vector<16xi32>
        %eq3A_488 = arith.cmpi eq, %iota3A, %eq3A_487 : vector<16xi32>
        tpu.vector_store_idx %arg18[%get3A_441], %mul3A_446 masked %eq3A_488 {add = true} : memref<10240xf32, #tpu.memory_space<vmem>>[vector<16xi32>], vector<16xf32>, vector<16xi1>
        %eq3A_489 = arith.constant 14 : i32
        %eq3A_490 = vector.broadcast %eq3A_489 : i32 to vector<16xi32>
        %eq3A_491 = arith.cmpi eq, %iota3A, %eq3A_490 : vector<16xi32>
        tpu.vector_store_idx %arg18[%get3A_441], %mul3A_446 masked %eq3A_491 {add = true} : memref<10240xf32, #tpu.memory_space<vmem>>[vector<16xi32>], vector<16xf32>, vector<16xi1>
        %eq3A_492 = arith.constant 15 : i32
        %eq3A_493 = vector.broadcast %eq3A_492 : i32 to vector<16xi32>
        %eq3A_494 = arith.cmpi eq, %iota3A, %eq3A_493 : vector<16xi32>
        tpu.vector_store_idx %arg18[%get3A_441], %mul3A_446 masked %eq3A_494 {add = true} : memref<10240xf32, #tpu.memory_space<vmem>>[vector<16xi32>], vector<16xf32>, vector<16xi1>
      } else {
      }
      %scan3A_183 = arith.constant 0 : i32
      %scan3A_184 = arith.constant 0 : i32
      %scan3A_185 = arith.constant 80 : i32
      %scan3A_186 = arith.addi %scan3A_184, %scan3A_185 : i32
      %scan3A_187 = arith.constant 4 : i32
      scf.for %scan3A_202 = %scan3A_184 to %scan3A_186 step %scan3A_187  : i32 {
        %broadcast_in_dim3A = vector.broadcast %add3A_170 : i32 to vector<16xi32>
        %broadcast_in_dim3A_203 = vector.broadcast %scan3A_202 : i32 to vector<16xi32>
        %gather3A = tpu.vector_load_idx %arg13[%broadcast_in_dim3A, %broadcast_in_dim3A_203] : memref<126x80xf32, #tpu.memory_space<vmem>>[vector<16xi32>, vector<16xi32>], vector<16xf32>,
        %get3A = arith.index_cast %scan3A_202 : i32 to index
        %get3A_204 = arith.constant 0 : index
        %get3A_205 = tpu.vector_load %arg16[%get3A, %get3A_204] {strides = array<i32>} : memref<80x64xf32, #tpu.memory_space<vmem>>, vector<16xf32>,
        %mul3A_206 = arith.mulf %get3A_205, %gather3A : vector<16xf32>
        %swap3A = arith.index_cast %scan3A_202 : i32 to index
        %swap3A_207 = arith.constant 0 : index
        %swap3A_208 = tpu.vector_load %arg16[%swap3A, %swap3A_207] {strides = array<i32>} : memref<80x64xf32, #tpu.memory_space<vmem>>, vector<16xf32>,
        tpu.vector_store %arg16[%swap3A, %swap3A_207], %mul3A_206 {strides = array<i32>} : memref<80x64xf32, #tpu.memory_space<vmem>>, vector<16xf32>,
        %get3A_209 = arith.index_cast %scan3A_202 : i32 to index
        %get3A_210 = arith.constant 16 : index
        %get3A_211 = tpu.vector_load %arg16[%get3A_209, %get3A_210] {strides = array<i32>} : memref<80x64xf32, #tpu.memory_space<vmem>>, vector<16xf32>,
        %mul3A_212 = arith.mulf %get3A_211, %gather3A : vector<16xf32>
        %swap3A_213 = arith.index_cast %scan3A_202 : i32 to index
        %swap3A_214 = arith.constant 16 : index
        %swap3A_215 = tpu.vector_load %arg16[%swap3A_213, %swap3A_214] {strides = array<i32>} : memref<80x64xf32, #tpu.memory_space<vmem>>, vector<16xf32>,
        tpu.vector_store %arg16[%swap3A_213, %swap3A_214], %mul3A_212 {strides = array<i32>} : memref<80x64xf32, #tpu.memory_space<vmem>>, vector<16xf32>,
        %get3A_216 = arith.index_cast %scan3A_202 : i32 to index
        %get3A_217 = arith.constant 32 : index
        %get3A_218 = tpu.vector_load %arg16[%get3A_216, %get3A_217] {strides = array<i32>} : memref<80x64xf32, #tpu.memory_space<vmem>>, vector<16xf32>,
        %mul3A_219 = arith.mulf %get3A_218, %gather3A : vector<16xf32>
        %swap3A_220 = arith.index_cast %scan3A_202 : i32 to index
        %swap3A_221 = arith.constant 32 : index
        %swap3A_222 = tpu.vector_load %arg16[%swap3A_220, %swap3A_221] {strides = array<i32>} : memref<80x64xf32, #tpu.memory_space<vmem>>, vector<16xf32>,
        tpu.vector_store %arg16[%swap3A_220, %swap3A_221], %mul3A_219 {strides = array<i32>} : memref<80x64xf32, #tpu.memory_space<vmem>>, vector<16xf32>,
        %get3A_223 = arith.index_cast %scan3A_202 : i32 to index
        %get3A_224 = arith.constant 48 : index
        %get3A_225 = tpu.vector_load %arg16[%get3A_223, %get3A_224] {strides = array<i32>} : memref<80x64xf32, #tpu.memory_space<vmem>>, vector<16xf32>,
        %mul3A_226 = arith.mulf %get3A_225, %gather3A : vector<16xf32>
        %swap3A_227 = arith.index_cast %scan3A_202 : i32 to index
        %swap3A_228 = arith.constant 48 : index
        %swap3A_229 = tpu.vector_load %arg16[%swap3A_227, %swap3A_228] {strides = array<i32>} : memref<80x64xf32, #tpu.memory_space<vmem>>, vector<16xf32>,
        tpu.vector_store %arg16[%swap3A_227, %swap3A_228], %mul3A_226 {strides = array<i32>} : memref<80x64xf32, #tpu.memory_space<vmem>>, vector<16xf32>,
        %scan3A_230 = arith.constant 1 : i32
        %scan3A_231 = arith.addi %scan3A_202, %scan3A_230 : i32
        %broadcast_in_dim3A_232 = vector.broadcast %add3A_170 : i32 to vector<16xi32>
        %broadcast_in_dim3A_233 = vector.broadcast %scan3A_231 : i32 to vector<16xi32>
        %gather3A_234 = tpu.vector_load_idx %arg13[%broadcast_in_dim3A_232, %broadcast_in_dim3A_233] : memref<126x80xf32, #tpu.memory_space<vmem>>[vector<16xi32>, vector<16xi32>], vector<16xf32>,
        %get3A_235 = arith.index_cast %scan3A_231 : i32 to index
        %get3A_236 = arith.constant 0 : index
        %get3A_237 = tpu.vector_load %arg16[%get3A_235, %get3A_236] {strides = array<i32>} : memref<80x64xf32, #tpu.memory_space<vmem>>, vector<16xf32>,
        %mul3A_238 = arith.mulf %get3A_237, %gather3A_234 : vector<16xf32>
        %swap3A_239 = arith.index_cast %scan3A_231 : i32 to index
        %swap3A_240 = arith.constant 0 : index
        %swap3A_241 = tpu.vector_load %arg16[%swap3A_239, %swap3A_240] {strides = array<i32>} : memref<80x64xf32, #tpu.memory_space<vmem>>, vector<16xf32>,
        tpu.vector_store %arg16[%swap3A_239, %swap3A_240], %mul3A_238 {strides = array<i32>} : memref<80x64xf32, #tpu.memory_space<vmem>>, vector<16xf32>,
        %get3A_242 = arith.index_cast %scan3A_231 : i32 to index
        %get3A_243 = arith.constant 16 : index
        %get3A_244 = tpu.vector_load %arg16[%get3A_242, %get3A_243] {strides = array<i32>} : memref<80x64xf32, #tpu.memory_space<vmem>>, vector<16xf32>,
        %mul3A_245 = arith.mulf %get3A_244, %gather3A_234 : vector<16xf32>
        %swap3A_246 = arith.index_cast %scan3A_231 : i32 to index
        %swap3A_247 = arith.constant 16 : index
        %swap3A_248 = tpu.vector_load %arg16[%swap3A_246, %swap3A_247] {strides = array<i32>} : memref<80x64xf32, #tpu.memory_space<vmem>>, vector<16xf32>,
        tpu.vector_store %arg16[%swap3A_246, %swap3A_247], %mul3A_245 {strides = array<i32>} : memref<80x64xf32, #tpu.memory_space<vmem>>, vector<16xf32>,
        %get3A_249 = arith.index_cast %scan3A_231 : i32 to index
        %get3A_250 = arith.constant 32 : index
        %get3A_251 = tpu.vector_load %arg16[%get3A_249, %get3A_250] {strides = array<i32>} : memref<80x64xf32, #tpu.memory_space<vmem>>, vector<16xf32>,
        %mul3A_252 = arith.mulf %get3A_251, %gather3A_234 : vector<16xf32>
        %swap3A_253 = arith.index_cast %scan3A_231 : i32 to index
        %swap3A_254 = arith.constant 32 : index
        %swap3A_255 = tpu.vector_load %arg16[%swap3A_253, %swap3A_254] {strides = array<i32>} : memref<80x64xf32, #tpu.memory_space<vmem>>, vector<16xf32>,
        tpu.vector_store %arg16[%swap3A_253, %swap3A_254], %mul3A_252 {strides = array<i32>} : memref<80x64xf32, #tpu.memory_space<vmem>>, vector<16xf32>,
        %get3A_256 = arith.index_cast %scan3A_231 : i32 to index
        %get3A_257 = arith.constant 48 : index
        %get3A_258 = tpu.vector_load %arg16[%get3A_256, %get3A_257] {strides = array<i32>} : memref<80x64xf32, #tpu.memory_space<vmem>>, vector<16xf32>,
        %mul3A_259 = arith.mulf %get3A_258, %gather3A_234 : vector<16xf32>
        %swap3A_260 = arith.index_cast %scan3A_231 : i32 to index
        %swap3A_261 = arith.constant 48 : index
        %swap3A_262 = tpu.vector_load %arg16[%swap3A_260, %swap3A_261] {strides = array<i32>} : memref<80x64xf32, #tpu.memory_space<vmem>>, vector<16xf32>,
        tpu.vector_store %arg16[%swap3A_260, %swap3A_261], %mul3A_259 {strides = array<i32>} : memref<80x64xf32, #tpu.memory_space<vmem>>, vector<16xf32>,
        %scan3A_263 = arith.constant 2 : i32
        %scan3A_264 = arith.addi %scan3A_202, %scan3A_263 : i32
        %broadcast_in_dim3A_265 = vector.broadcast %add3A_170 : i32 to vector<16xi32>
        %broadcast_in_dim3A_266 = vector.broadcast %scan3A_264 : i32 to vector<16xi32>
        %gather3A_267 = tpu.vector_load_idx %arg13[%broadcast_in_dim3A_265, %broadcast_in_dim3A_266] : memref<126x80xf32, #tpu.memory_space<vmem>>[vector<16xi32>, vector<16xi32>], vector<16xf32>,
        %get3A_268 = arith.index_cast %scan3A_264 : i32 to index
        %get3A_269 = arith.constant 0 : index
        %get3A_270 = tpu.vector_load %arg16[%get3A_268, %get3A_269] {strides = array<i32>} : memref<80x64xf32, #tpu.memory_space<vmem>>, vector<16xf32>,
        %mul3A_271 = arith.mulf %get3A_270, %gather3A_267 : vector<16xf32>
        %swap3A_272 = arith.index_cast %scan3A_264 : i32 to index
        %swap3A_273 = arith.constant 0 : index
        %swap3A_274 = tpu.vector_load %arg16[%swap3A_272, %swap3A_273] {strides = array<i32>} : memref<80x64xf32, #tpu.memory_space<vmem>>, vector<16xf32>,
        tpu.vector_store %arg16[%swap3A_272, %swap3A_273], %mul3A_271 {strides = array<i32>} : memref<80x64xf32, #tpu.memory_space<vmem>>, vector<16xf32>,
        %get3A_275 = arith.index_cast %scan3A_264 : i32 to index
        %get3A_276 = arith.constant 16 : index
        %get3A_277 = tpu.vector_load %arg16[%get3A_275, %get3A_276] {strides = array<i32>} : memref<80x64xf32, #tpu.memory_space<vmem>>, vector<16xf32>,
        %mul3A_278 = arith.mulf %get3A_277, %gather3A_267 : vector<16xf32>
        %swap3A_279 = arith.index_cast %scan3A_264 : i32 to index
        %swap3A_280 = arith.constant 16 : index
        %swap3A_281 = tpu.vector_load %arg16[%swap3A_279, %swap3A_280] {strides = array<i32>} : memref<80x64xf32, #tpu.memory_space<vmem>>, vector<16xf32>,
        tpu.vector_store %arg16[%swap3A_279, %swap3A_280], %mul3A_278 {strides = array<i32>} : memref<80x64xf32, #tpu.memory_space<vmem>>, vector<16xf32>,
        %get3A_282 = arith.index_cast %scan3A_264 : i32 to index
        %get3A_283 = arith.constant 32 : index
        %get3A_284 = tpu.vector_load %arg16[%get3A_282, %get3A_283] {strides = array<i32>} : memref<80x64xf32, #tpu.memory_space<vmem>>, vector<16xf32>,
        %mul3A_285 = arith.mulf %get3A_284, %gather3A_267 : vector<16xf32>
        %swap3A_286 = arith.index_cast %scan3A_264 : i32 to index
        %swap3A_287 = arith.constant 32 : index
        %swap3A_288 = tpu.vector_load %arg16[%swap3A_286, %swap3A_287] {strides = array<i32>} : memref<80x64xf32, #tpu.memory_space<vmem>>, vector<16xf32>,
        tpu.vector_store %arg16[%swap3A_286, %swap3A_287], %mul3A_285 {strides = array<i32>} : memref<80x64xf32, #tpu.memory_space<vmem>>, vector<16xf32>,
        %get3A_289 = arith.index_cast %scan3A_264 : i32 to index
        %get3A_290 = arith.constant 48 : index
        %get3A_291 = tpu.vector_load %arg16[%get3A_289, %get3A_290] {strides = array<i32>} : memref<80x64xf32, #tpu.memory_space<vmem>>, vector<16xf32>,
        %mul3A_292 = arith.mulf %get3A_291, %gather3A_267 : vector<16xf32>
        %swap3A_293 = arith.index_cast %scan3A_264 : i32 to index
        %swap3A_294 = arith.constant 48 : index
        %swap3A_295 = tpu.vector_load %arg16[%swap3A_293, %swap3A_294] {strides = array<i32>} : memref<80x64xf32, #tpu.memory_space<vmem>>, vector<16xf32>,
        tpu.vector_store %arg16[%swap3A_293, %swap3A_294], %mul3A_292 {strides = array<i32>} : memref<80x64xf32, #tpu.memory_space<vmem>>, vector<16xf32>,
        %scan3A_296 = arith.constant 3 : i32
        %scan3A_297 = arith.addi %scan3A_202, %scan3A_296 : i32
        %broadcast_in_dim3A_298 = vector.broadcast %add3A_170 : i32 to vector<16xi32>
        %broadcast_in_dim3A_299 = vector.broadcast %scan3A_297 : i32 to vector<16xi32>
        %gather3A_300 = tpu.vector_load_idx %arg13[%broadcast_in_dim3A_298, %broadcast_in_dim3A_299] : memref<126x80xf32, #tpu.memory_space<vmem>>[vector<16xi32>, vector<16xi32>], vector<16xf32>,
        %get3A_301 = arith.index_cast %scan3A_297 : i32 to index
        %get3A_302 = arith.constant 0 : index
        %get3A_303 = tpu.vector_load %arg16[%get3A_301, %get3A_302] {strides = array<i32>} : memref<80x64xf32, #tpu.memory_space<vmem>>, vector<16xf32>,
        %mul3A_304 = arith.mulf %get3A_303, %gather3A_300 : vector<16xf32>
        %swap3A_305 = arith.index_cast %scan3A_297 : i32 to index
        %swap3A_306 = arith.constant 0 : index
        %swap3A_307 = tpu.vector_load %arg16[%swap3A_305, %swap3A_306] {strides = array<i32>} : memref<80x64xf32, #tpu.memory_space<vmem>>, vector<16xf32>,
        tpu.vector_store %arg16[%swap3A_305, %swap3A_306], %mul3A_304 {strides = array<i32>} : memref<80x64xf32, #tpu.memory_space<vmem>>, vector<16xf32>,
        %get3A_308 = arith.index_cast %scan3A_297 : i32 to index
        %get3A_309 = arith.constant 16 : index
        %get3A_310 = tpu.vector_load %arg16[%get3A_308, %get3A_309] {strides = array<i32>} : memref<80x64xf32, #tpu.memory_space<vmem>>, vector<16xf32>,
        %mul3A_311 = arith.mulf %get3A_310, %gather3A_300 : vector<16xf32>
        %swap3A_312 = arith.index_cast %scan3A_297 : i32 to index
        %swap3A_313 = arith.constant 16 : index
        %swap3A_314 = tpu.vector_load %arg16[%swap3A_312, %swap3A_313] {strides = array<i32>} : memref<80x64xf32, #tpu.memory_space<vmem>>, vector<16xf32>,
        tpu.vector_store %arg16[%swap3A_312, %swap3A_313], %mul3A_311 {strides = array<i32>} : memref<80x64xf32, #tpu.memory_space<vmem>>, vector<16xf32>,
        %get3A_315 = arith.index_cast %scan3A_297 : i32 to index
        %get3A_316 = arith.constant 32 : index
        %get3A_317 = tpu.vector_load %arg16[%get3A_315, %get3A_316] {strides = array<i32>} : memref<80x64xf32, #tpu.memory_space<vmem>>, vector<16xf32>,
        %mul3A_318 = arith.mulf %get3A_317, %gather3A_300 : vector<16xf32>
        %swap3A_319 = arith.index_cast %scan3A_297 : i32 to index
        %swap3A_320 = arith.constant 32 : index
        %swap3A_321 = tpu.vector_load %arg16[%swap3A_319, %swap3A_320] {strides = array<i32>} : memref<80x64xf32, #tpu.memory_space<vmem>>, vector<16xf32>,
        tpu.vector_store %arg16[%swap3A_319, %swap3A_320], %mul3A_318 {strides = array<i32>} : memref<80x64xf32, #tpu.memory_space<vmem>>, vector<16xf32>,
        %get3A_322 = arith.index_cast %scan3A_297 : i32 to index
        %get3A_323 = arith.constant 48 : index
        %get3A_324 = tpu.vector_load %arg16[%get3A_322, %get3A_323] {strides = array<i32>} : memref<80x64xf32, #tpu.memory_space<vmem>>, vector<16xf32>,
        %mul3A_325 = arith.mulf %get3A_324, %gather3A_300 : vector<16xf32>
        %swap3A_326 = arith.index_cast %scan3A_297 : i32 to index
        %swap3A_327 = arith.constant 48 : index
        %swap3A_328 = tpu.vector_load %arg16[%swap3A_326, %swap3A_327] {strides = array<i32>} : memref<80x64xf32, #tpu.memory_space<vmem>>, vector<16xf32>,
        tpu.vector_store %arg16[%swap3A_326, %swap3A_327], %mul3A_325 {strides = array<i32>} : memref<80x64xf32, #tpu.memory_space<vmem>>, vector<16xf32>,
      }
      %scan3A_188 = arith.constant 80 : i32
      %dma_start3A_189 = arith.constant 0 : i32
      %dma_start3A_190 = tpu.memref_slice %arg12[%add3A_170, %dma_start3A_189] : memref<126x80xi32, #tpu.memory_space<vmem>> -> memref<1x80xi32, #tpu.memory_space<vmem>>
      %dma_start3A_191 = tpu.memref_squeeze %dma_start3A_190 : memref<1x80xi32, #tpu.memory_space<vmem>> -> memref<80xi32, #tpu.memory_space<vmem>>
      %dma_start3A_192 = arith.constant 0 : i32
      %dma_start3A_193 = arith.constant 0 : i32
      %dma_start3A_194 = tpu.memref_slice %arg19[%dma_start3A_192, %dma_start3A_193] : memref<10000x64xf32, #tpu.memory_space<vmem_shared>> -> memref<10000x64xf32, #tpu.memory_space<vmem_shared>>
      tpu.enqueue_indirect_dma source(%arg16 : memref<80x64xf32, #tpu.memory_space<vmem>>) target(%dma_start3A_194 : memref<10000x64xf32, #tpu.memory_space<vmem_shared>>) offsets(%dma_start3A_191 : memref<80xi32, #tpu.memory_space<vmem>>) semaphore(%arg25 : memref<!tpu.dma_semaphore, #tpu.memory_space<semaphore_mem>>) {add = true}
      %add3A_195 = arith.constant 2 : i32
      %add3A_196 = arith.addi %add3A_170, %add3A_195 : i32
      %lt3A_197 = arith.constant 126 : i32
      %lt3A_198 = arith.cmpi slt, %add3A_196, %lt3A_197 : i32
      %convert_element_type3A_199 = arith.extui %lt3A_198 : i1 to i32
      %cond3A_200 = arith.constant 0 : i32
      %cond3A_201 = arith.cmpi ne, %convert_element_type3A_199, %cond3A_200 : i32
      scf.if %cond3A_201 {
        %ge3A = arith.constant 1 : i32
        %ge3A_202 = arith.cmpi sge, %add3A_170, %ge3A : i32
        %convert_element_type3A_203 = arith.extui %ge3A_202 : i1 to i32
        %cond3A_204 = arith.constant 0 : i32
        %cond3A_205 = arith.cmpi ne, %convert_element_type3A_203, %cond3A_204 : i32
        scf.if %cond3A_205 {
          %dma_wait3A_214 = arith.constant 0 : i32
          %dma_wait3A_215 = arith.constant 0 : i32
          %dma_wait3A_216 = tpu.memref_slice %arg12[%dma_wait3A_214, %dma_wait3A_215] : memref<126x80xi32, #tpu.memory_space<vmem>> -> memref<1x80xi32, #tpu.memory_space<vmem>>
          %dma_wait3A_217 = tpu.memref_squeeze %dma_wait3A_216 : memref<1x80xi32, #tpu.memory_space<vmem>> -> memref<80xi32, #tpu.memory_space<vmem>>
          %dma_wait3A_218 = arith.constant 0 : i32
          %dma_wait3A_219 = arith.constant 0 : i32
          %dma_wait3A_220 = tpu.memref_slice %arg19[%dma_wait3A_218, %dma_wait3A_219] : memref<10000x64xf32, #tpu.memory_space<vmem_shared>> -> memref<10000x64xf32, #tpu.memory_space<vmem_shared>>
          tpu.wait_indirect_dma semaphore(%arg24 : memref<!tpu.dma_semaphore, #tpu.memory_space<semaphore_mem>>) src(%arg15 : memref<80x64xf32, #tpu.memory_space<vmem>>) dst(%dma_wait3A_220 : memref<10000x64xf32, #tpu.memory_space<vmem_shared>>)
        } else {
        }
        %add3A_206 = arith.constant 2 : i32
        %add3A_207 = arith.addi %add3A_170, %add3A_206 : i32
        %dma_start3A_208 = arith.constant 0 : i32
        %dma_start3A_209 = tpu.memref_slice %arg11[%add3A_207, %dma_start3A_208] : memref<126x80xi32, #tpu.memory_space<vmem>> -> memref<1x80xi32, #tpu.memory_space<vmem>>
        %dma_start3A_210 = tpu.memref_squeeze %dma_start3A_209 : memref<1x80xi32, #tpu.memory_space<vmem>> -> memref<80xi32, #tpu.memory_space<vmem>>
        %dma_start3A_211 = arith.constant 0 : i32
        %dma_start3A_212 = arith.constant 0 : i32
        %dma_start3A_213 = tpu.memref_slice %arg2[%dma_start3A_211, %dma_start3A_212] : memref<20000x64xf32, #tpu.memory_space<hbm>> -> memref<20000x64xf32, #tpu.memory_space<hbm>>
        tpu.enqueue_indirect_dma source(%dma_start3A_213 : memref<20000x64xf32, #tpu.memory_space<hbm>>) target(%arg15 : memref<80x64xf32, #tpu.memory_space<vmem>>) offsets(%dma_start3A_210 : memref<80xi32, #tpu.memory_space<vmem>>) semaphore(%arg21 : memref<!tpu.dma_semaphore, #tpu.memory_space<semaphore_mem>>)
      } else {
      }
    }
    %scan3A_25 = arith.constant 42 : i32
    %dma_wait3A = arith.constant 0 : i32
    %dma_wait3A_26 = arith.constant 0 : i32
    %dma_wait3A_27 = tpu.memref_slice %arg12[%dma_wait3A, %dma_wait3A_26] : memref<126x80xi32, #tpu.memory_space<vmem>> -> memref<1x80xi32, #tpu.memory_space<vmem>>
    %dma_wait3A_28 = tpu.memref_squeeze %dma_wait3A_27 : memref<1x80xi32, #tpu.memory_space<vmem>> -> memref<80xi32, #tpu.memory_space<vmem>>
    %dma_wait3A_29 = arith.constant 0 : i32
    %dma_wait3A_30 = arith.constant 0 : i32
    %dma_wait3A_31 = tpu.memref_slice %arg19[%dma_wait3A_29, %dma_wait3A_30] : memref<10000x64xf32, #tpu.memory_space<vmem_shared>> -> memref<10000x64xf32, #tpu.memory_space<vmem_shared>>
    tpu.wait_indirect_dma semaphore(%arg23 : memref<!tpu.dma_semaphore, #tpu.memory_space<semaphore_mem>>) src(%arg14 : memref<80x64xf32, #tpu.memory_space<vmem>>) dst(%dma_wait3A_31 : memref<10000x64xf32, #tpu.memory_space<vmem_shared>>)
    %dma_wait3A_32 = arith.constant 0 : i32
    %dma_wait3A_33 = arith.constant 0 : i32
    %dma_wait3A_34 = tpu.memref_slice %arg12[%dma_wait3A_32, %dma_wait3A_33] : memref<126x80xi32, #tpu.memory_space<vmem>> -> memref<1x80xi32, #tpu.memory_space<vmem>>
    %dma_wait3A_35 = tpu.memref_squeeze %dma_wait3A_34 : memref<1x80xi32, #tpu.memory_space<vmem>> -> memref<80xi32, #tpu.memory_space<vmem>>
    %dma_wait3A_36 = arith.constant 0 : i32
    %dma_wait3A_37 = arith.constant 0 : i32
    %dma_wait3A_38 = tpu.memref_slice %arg19[%dma_wait3A_36, %dma_wait3A_37] : memref<10000x64xf32, #tpu.memory_space<vmem_shared>> -> memref<10000x64xf32, #tpu.memory_space<vmem_shared>>
    tpu.wait_indirect_dma semaphore(%arg24 : memref<!tpu.dma_semaphore, #tpu.memory_space<semaphore_mem>>) src(%arg15 : memref<80x64xf32, #tpu.memory_space<vmem>>) dst(%dma_wait3A_38 : memref<10000x64xf32, #tpu.memory_space<vmem_shared>>)
    %dma_wait3A_39 = arith.constant 0 : i32
    %dma_wait3A_40 = arith.constant 0 : i32
    %dma_wait3A_41 = tpu.memref_slice %arg12[%dma_wait3A_39, %dma_wait3A_40] : memref<126x80xi32, #tpu.memory_space<vmem>> -> memref<1x80xi32, #tpu.memory_space<vmem>>
    %dma_wait3A_42 = tpu.memref_squeeze %dma_wait3A_41 : memref<1x80xi32, #tpu.memory_space<vmem>> -> memref<80xi32, #tpu.memory_space<vmem>>
    %dma_wait3A_43 = arith.constant 0 : i32
    %dma_wait3A_44 = arith.constant 0 : i32
    %dma_wait3A_45 = tpu.memref_slice %arg19[%dma_wait3A_43, %dma_wait3A_44] : memref<10000x64xf32, #tpu.memory_space<vmem_shared>> -> memref<10000x64xf32, #tpu.memory_space<vmem_shared>>
    tpu.wait_indirect_dma semaphore(%arg25 : memref<!tpu.dma_semaphore, #tpu.memory_space<semaphore_mem>>) src(%arg16 : memref<80x64xf32, #tpu.memory_space<vmem>>) dst(%dma_wait3A_45 : memref<10000x64xf32, #tpu.memory_space<vmem_shared>>)
    "tpu.region"() ({
      %run_scoped3A = tpu.sem_alloc : memref<!tpu.dma_semaphore, #tpu.memory_space<semaphore_mem>>
      %dma_start3A_102 = arith.constant 126 : i32
      %dma_start3A_103 = arith.constant 0 : i32
      %dma_start3A_104 = tpu.memref_slice %arg4[%arg1, %dma_start3A_102, %dma_start3A_103] : memref<16x252x80xi32, #tpu.memory_space<hbm>> -> memref<1x126x80xi32, #tpu.memory_space<hbm>>
      %dma_start3A_105 = tpu.memref_squeeze %dma_start3A_104 : memref<1x126x80xi32, #tpu.memory_space<hbm>> -> memref<126x80xi32, #tpu.memory_space<hbm>>
      %dma_start3A_106 = arith.constant 126 : i32
      %dma_start3A_107 = arith.constant 0 : i32
      %dma_start3A_108 = tpu.memref_slice %arg4[%arg1, %dma_start3A_106, %dma_start3A_107] : memref<16x252x80xi32, #tpu.memory_space<hbm>> -> memref<1x126x80xi32, #tpu.memory_space<hbm>>
      %dma_start3A_109 = tpu.memref_squeeze %dma_start3A_108 : memref<1x126x80xi32, #tpu.memory_space<hbm>> -> memref<126x80xi32, #tpu.memory_space<hbm>>
      tpu.enqueue_dma source(%dma_start3A_109 : memref<126x80xi32, #tpu.memory_space<hbm>>) target(%arg11 : memref<126x80xi32, #tpu.memory_space<vmem>>) target_semaphore(%run_scoped3A : memref<!tpu.dma_semaphore, #tpu.memory_space<semaphore_mem>>)
      %dma_wait3A_110 = arith.constant 126 : i32
      %dma_wait3A_111 = arith.constant 0 : i32
      %dma_wait3A_112 = tpu.memref_slice %arg4[%arg1, %dma_wait3A_110, %dma_wait3A_111] : memref<16x252x80xi32, #tpu.memory_space<hbm>> -> memref<1x126x80xi32, #tpu.memory_space<hbm>>
      %dma_wait3A_113 = tpu.memref_squeeze %dma_wait3A_112 : memref<1x126x80xi32, #tpu.memory_space<hbm>> -> memref<126x80xi32, #tpu.memory_space<hbm>>
      %dma_wait3A_114 = arith.constant 126 : i32
      %dma_wait3A_115 = arith.constant 0 : i32
      %dma_wait3A_116 = tpu.memref_slice %arg4[%arg1, %dma_wait3A_114, %dma_wait3A_115] : memref<16x252x80xi32, #tpu.memory_space<hbm>> -> memref<1x126x80xi32, #tpu.memory_space<hbm>>
      %dma_wait3A_117 = tpu.memref_squeeze %dma_wait3A_116 : memref<1x126x80xi32, #tpu.memory_space<hbm>> -> memref<126x80xi32, #tpu.memory_space<hbm>>
      tpu.wait_dma2 semaphore(%run_scoped3A : memref<!tpu.dma_semaphore, #tpu.memory_space<semaphore_mem>>) src(%dma_wait3A_117 : memref<126x80xi32, #tpu.memory_space<hbm>>) dst(%arg11 : memref<126x80xi32, #tpu.memory_space<vmem>>)
      tpu.yield
    }) : () -> ()
    "tpu.region"() ({
      %run_scoped3A = tpu.sem_alloc : memref<!tpu.dma_semaphore, #tpu.memory_space<semaphore_mem>>
      %dma_start3A_102 = arith.constant 126 : i32
      %dma_start3A_103 = arith.constant 0 : i32
      %dma_start3A_104 = tpu.memref_slice %arg5[%arg1, %dma_start3A_102, %dma_start3A_103] : memref<16x252x80xi32, #tpu.memory_space<hbm>> -> memref<1x126x80xi32, #tpu.memory_space<hbm>>
      %dma_start3A_105 = tpu.memref_squeeze %dma_start3A_104 : memref<1x126x80xi32, #tpu.memory_space<hbm>> -> memref<126x80xi32, #tpu.memory_space<hbm>>
      %dma_start3A_106 = arith.constant 126 : i32
      %dma_start3A_107 = arith.constant 0 : i32
      %dma_start3A_108 = tpu.memref_slice %arg5[%arg1, %dma_start3A_106, %dma_start3A_107] : memref<16x252x80xi32, #tpu.memory_space<hbm>> -> memref<1x126x80xi32, #tpu.memory_space<hbm>>
      %dma_start3A_109 = tpu.memref_squeeze %dma_start3A_108 : memref<1x126x80xi32, #tpu.memory_space<hbm>> -> memref<126x80xi32, #tpu.memory_space<hbm>>
      tpu.enqueue_dma source(%dma_start3A_109 : memref<126x80xi32, #tpu.memory_space<hbm>>) target(%arg12 : memref<126x80xi32, #tpu.memory_space<vmem>>) target_semaphore(%run_scoped3A : memref<!tpu.dma_semaphore, #tpu.memory_space<semaphore_mem>>)
      %dma_wait3A_110 = arith.constant 126 : i32
      %dma_wait3A_111 = arith.constant 0 : i32
      %dma_wait3A_112 = tpu.memref_slice %arg5[%arg1, %dma_wait3A_110, %dma_wait3A_111] : memref<16x252x80xi32, #tpu.memory_space<hbm>> -> memref<1x126x80xi32, #tpu.memory_space<hbm>>
      %dma_wait3A_113 = tpu.memref_squeeze %dma_wait3A_112 : memref<1x126x80xi32, #tpu.memory_space<hbm>> -> memref<126x80xi32, #tpu.memory_space<hbm>>
      %dma_wait3A_114 = arith.constant 126 : i32
      %dma_wait3A_115 = arith.constant 0 : i32
      %dma_wait3A_116 = tpu.memref_slice %arg5[%arg1, %dma_wait3A_114, %dma_wait3A_115] : memref<16x252x80xi32, #tpu.memory_space<hbm>> -> memref<1x126x80xi32, #tpu.memory_space<hbm>>
      %dma_wait3A_117 = tpu.memref_squeeze %dma_wait3A_116 : memref<1x126x80xi32, #tpu.memory_space<hbm>> -> memref<126x80xi32, #tpu.memory_space<hbm>>
      tpu.wait_dma2 semaphore(%run_scoped3A : memref<!tpu.dma_semaphore, #tpu.memory_space<semaphore_mem>>) src(%dma_wait3A_117 : memref<126x80xi32, #tpu.memory_space<hbm>>) dst(%arg12 : memref<126x80xi32, #tpu.memory_space<vmem>>)
      tpu.yield
    }) : () -> ()
    "tpu.region"() ({
      %run_scoped3A = tpu.sem_alloc : memref<!tpu.dma_semaphore, #tpu.memory_space<semaphore_mem>>
      %dma_start3A_102 = arith.constant 126 : i32
      %dma_start3A_103 = arith.constant 0 : i32
      %dma_start3A_104 = tpu.memref_slice %arg6[%arg1, %dma_start3A_102, %dma_start3A_103] : memref<16x252x80xf32, #tpu.memory_space<hbm>> -> memref<1x126x80xf32, #tpu.memory_space<hbm>>
      %dma_start3A_105 = tpu.memref_squeeze %dma_start3A_104 : memref<1x126x80xf32, #tpu.memory_space<hbm>> -> memref<126x80xf32, #tpu.memory_space<hbm>>
      %dma_start3A_106 = arith.constant 126 : i32
      %dma_start3A_107 = arith.constant 0 : i32
      %dma_start3A_108 = tpu.memref_slice %arg6[%arg1, %dma_start3A_106, %dma_start3A_107] : memref<16x252x80xf32, #tpu.memory_space<hbm>> -> memref<1x126x80xf32, #tpu.memory_space<hbm>>
      %dma_start3A_109 = tpu.memref_squeeze %dma_start3A_108 : memref<1x126x80xf32, #tpu.memory_space<hbm>> -> memref<126x80xf32, #tpu.memory_space<hbm>>
      tpu.enqueue_dma source(%dma_start3A_109 : memref<126x80xf32, #tpu.memory_space<hbm>>) target(%arg13 : memref<126x80xf32, #tpu.memory_space<vmem>>) target_semaphore(%run_scoped3A : memref<!tpu.dma_semaphore, #tpu.memory_space<semaphore_mem>>)
      %dma_wait3A_110 = arith.constant 126 : i32
      %dma_wait3A_111 = arith.constant 0 : i32
      %dma_wait3A_112 = tpu.memref_slice %arg6[%arg1, %dma_wait3A_110, %dma_wait3A_111] : memref<16x252x80xf32, #tpu.memory_space<hbm>> -> memref<1x126x80xf32, #tpu.memory_space<hbm>>
      %dma_wait3A_113 = tpu.memref_squeeze %dma_wait3A_112 : memref<1x126x80xf32, #tpu.memory_space<hbm>> -> memref<126x80xf32, #tpu.memory_space<hbm>>
      %dma_wait3A_114 = arith.constant 126 : i32
      %dma_wait3A_115 = arith.constant 0 : i32
      %dma_wait3A_116 = tpu.memref_slice %arg6[%arg1, %dma_wait3A_114, %dma_wait3A_115] : memref<16x252x80xf32, #tpu.memory_space<hbm>> -> memref<1x126x80xf32, #tpu.memory_space<hbm>>
      %dma_wait3A_117 = tpu.memref_squeeze %dma_wait3A_116 : memref<1x126x80xf32, #tpu.memory_space<hbm>> -> memref<126x80xf32, #tpu.memory_space<hbm>>
      tpu.wait_dma2 semaphore(%run_scoped3A : memref<!tpu.dma_semaphore, #tpu.memory_space<semaphore_mem>>) src(%dma_wait3A_117 : memref<126x80xf32, #tpu.memory_space<hbm>>) dst(%arg13 : memref<126x80xf32, #tpu.memory_space<vmem>>)
      tpu.yield
    }) : () -> ()
    %eq3A_46 = arith.constant 1 : i32
    %eq3A_47 = arith.cmpi eq, %arg0, %eq3A_46 : i32
    %convert_element_type3A_48 = arith.extui %eq3A_47 : i1 to i32
    %cond3A_49 = arith.constant 0 : i32
    %cond3A_50 = arith.cmpi ne, %convert_element_type3A_48, %cond3A_49 : i32
    scf.if %cond3A_50 {
      %scan3A_102 = arith.constant 0 : i32
      %scan3A_103 = arith.constant 0 : i32
      %scan3A_104 = arith.constant 126 : i32
      %scan3A_105 = arith.addi %scan3A_103, %scan3A_104 : i32
      %scan3A_106 = arith.constant 1 : i32
      scf.for %scan3A_108 = %scan3A_103 to %scan3A_105 step %scan3A_106  : i32 {
        %get3A = arith.index_cast %scan3A_108 : i32 to index
        %get3A_109 = arith.constant 0 : index
        %get3A_110 = tpu.vector_load %arg11[%get3A, %get3A_109] {strides = array<i32>} : memref<126x80xi32, #tpu.memory_space<vmem>>, vector<16xi32>,
        %add3A = arith.constant 10000 : i32
        %add3A_111 = vector.broadcast %add3A : i32 to vector<16xi32>
        %add3A_112 = arith.addi %get3A_110, %add3A_111 : vector<16xi32>
        %swap3A = arith.index_cast %scan3A_108 : i32 to index
        %swap3A_113 = arith.constant 0 : index
        %swap3A_114 = tpu.vector_load %arg11[%swap3A, %swap3A_113] {strides = array<i32>} : memref<126x80xi32, #tpu.memory_space<vmem>>, vector<16xi32>,
        tpu.vector_store %arg11[%swap3A, %swap3A_113], %add3A_112 {strides = array<i32>} : memref<126x80xi32, #tpu.memory_space<vmem>>, vector<16xi32>,
        %get3A_115 = arith.index_cast %scan3A_108 : i32 to index
        %get3A_116 = arith.constant 16 : index
        %get3A_117 = tpu.vector_load %arg11[%get3A_115, %get3A_116] {strides = array<i32>} : memref<126x80xi32, #tpu.memory_space<vmem>>, vector<16xi32>,
        %add3A_118 = arith.constant 10000 : i32
        %add3A_119 = vector.broadcast %add3A_118 : i32 to vector<16xi32>
        %add3A_120 = arith.addi %get3A_117, %add3A_119 : vector<16xi32>
        %swap3A_121 = arith.index_cast %scan3A_108 : i32 to index
        %swap3A_122 = arith.constant 16 : index
        %swap3A_123 = tpu.vector_load %arg11[%swap3A_121, %swap3A_122] {strides = array<i32>} : memref<126x80xi32, #tpu.memory_space<vmem>>, vector<16xi32>,
        tpu.vector_store %arg11[%swap3A_121, %swap3A_122], %add3A_120 {strides = array<i32>} : memref<126x80xi32, #tpu.memory_space<vmem>>, vector<16xi32>,
        %get3A_124 = arith.index_cast %scan3A_108 : i32 to index
        %get3A_125 = arith.constant 32 : index
        %get3A_126 = tpu.vector_load %arg11[%get3A_124, %get3A_125] {strides = array<i32>} : memref<126x80xi32, #tpu.memory_space<vmem>>, vector<16xi32>,
        %add3A_127 = arith.constant 10000 : i32
        %add3A_128 = vector.broadcast %add3A_127 : i32 to vector<16xi32>
        %add3A_129 = arith.addi %get3A_126, %add3A_128 : vector<16xi32>
        %swap3A_130 = arith.index_cast %scan3A_108 : i32 to index
        %swap3A_131 = arith.constant 32 : index
        %swap3A_132 = tpu.vector_load %arg11[%swap3A_130, %swap3A_131] {strides = array<i32>} : memref<126x80xi32, #tpu.memory_space<vmem>>, vector<16xi32>,
        tpu.vector_store %arg11[%swap3A_130, %swap3A_131], %add3A_129 {strides = array<i32>} : memref<126x80xi32, #tpu.memory_space<vmem>>, vector<16xi32>,
        %get3A_133 = arith.index_cast %scan3A_108 : i32 to index
        %get3A_134 = arith.constant 48 : index
        %get3A_135 = tpu.vector_load %arg11[%get3A_133, %get3A_134] {strides = array<i32>} : memref<126x80xi32, #tpu.memory_space<vmem>>, vector<16xi32>,
        %add3A_136 = arith.constant 10000 : i32
        %add3A_137 = vector.broadcast %add3A_136 : i32 to vector<16xi32>
        %add3A_138 = arith.addi %get3A_135, %add3A_137 : vector<16xi32>
        %swap3A_139 = arith.index_cast %scan3A_108 : i32 to index
        %swap3A_140 = arith.constant 48 : index
        %swap3A_141 = tpu.vector_load %arg11[%swap3A_139, %swap3A_140] {strides = array<i32>} : memref<126x80xi32, #tpu.memory_space<vmem>>, vector<16xi32>,
        tpu.vector_store %arg11[%swap3A_139, %swap3A_140], %add3A_138 {strides = array<i32>} : memref<126x80xi32, #tpu.memory_space<vmem>>, vector<16xi32>,
        %get3A_142 = arith.index_cast %scan3A_108 : i32 to index
        %get3A_143 = arith.constant 64 : index
        %get3A_144 = tpu.vector_load %arg11[%get3A_142, %get3A_143] {strides = array<i32>} : memref<126x80xi32, #tpu.memory_space<vmem>>, vector<16xi32>,
        %add3A_145 = arith.constant 10000 : i32
        %add3A_146 = vector.broadcast %add3A_145 : i32 to vector<16xi32>
        %add3A_147 = arith.addi %get3A_144, %add3A_146 : vector<16xi32>
        %swap3A_148 = arith.index_cast %scan3A_108 : i32 to index
        %swap3A_149 = arith.constant 64 : index
        %swap3A_150 = tpu.vector_load %arg11[%swap3A_148, %swap3A_149] {strides = array<i32>} : memref<126x80xi32, #tpu.memory_space<vmem>>, vector<16xi32>,
        tpu.vector_store %arg11[%swap3A_148, %swap3A_149], %add3A_147 {strides = array<i32>} : memref<126x80xi32, #tpu.memory_space<vmem>>, vector<16xi32>,
      }
      %scan3A_107 = arith.constant 126 : i32
    } else {
    }
    %dma_start3A_51 = arith.constant 0 : i32
    %dma_start3A_52 = arith.constant 0 : i32
    %dma_start3A_53 = tpu.memref_slice %arg11[%dma_start3A_51, %dma_start3A_52] : memref<126x80xi32, #tpu.memory_space<vmem>> -> memref<1x80xi32, #tpu.memory_space<vmem>>
    %dma_start3A_54 = tpu.memref_squeeze %dma_start3A_53 : memref<1x80xi32, #tpu.memory_space<vmem>> -> memref<80xi32, #tpu.memory_space<vmem>>
    %dma_start3A_55 = arith.constant 0 : i32
    %dma_start3A_56 = arith.constant 0 : i32
    %dma_start3A_57 = tpu.memref_slice %arg2[%dma_start3A_55, %dma_start3A_56] : memref<20000x64xf32, #tpu.memory_space<hbm>> -> memref<20000x64xf32, #tpu.memory_space<hbm>>
    tpu.enqueue_indirect_dma source(%dma_start3A_57 : memref<20000x64xf32, #tpu.memory_space<hbm>>) target(%arg14 : memref<80x64xf32, #tpu.memory_space<vmem>>) offsets(%dma_start3A_54 : memref<80xi32, #tpu.memory_space<vmem>>) semaphore(%arg20 : memref<!tpu.dma_semaphore, #tpu.memory_space<semaphore_mem>>)
    %dma_start3A_58 = arith.constant 1 : i32
    %dma_start3A_59 = arith.constant 0 : i32
    %dma_start3A_60 = tpu.memref_slice %arg11[%dma_start3A_58, %dma_start3A_59] : memref<126x80xi32, #tpu.memory_space<vmem>> -> memref<1x80xi32, #tpu.memory_space<vmem>>
    %dma_start3A_61 = tpu.memref_squeeze %dma_start3A_60 : memref<1x80xi32, #tpu.memory_space<vmem>> -> memref<80xi32, #tpu.memory_space<vmem>>
    %dma_start3A_62 = arith.constant 0 : i32
    %dma_start3A_63 = arith.constant 0 : i32
    %dma_start3A_64 = tpu.memref_slice %arg2[%dma_start3A_62, %dma_start3A_63] : memref<20000x64xf32, #tpu.memory_space<hbm>> -> memref<20000x64xf32, #tpu.memory_space<hbm>>
    tpu.enqueue_indirect_dma source(%dma_start3A_64 : memref<20000x64xf32, #tpu.memory_space<hbm>>) target(%arg15 : memref<80x64xf32, #tpu.memory_space<vmem>>) offsets(%dma_start3A_61 : memref<80xi32, #tpu.memory_space<vmem>>) semaphore(%arg21 : memref<!tpu.dma_semaphore, #tpu.memory_space<semaphore_mem>>)
    %scan3A_65 = arith.constant 0 : i32
    %scan3A_66 = arith.constant 0 : i32
    %scan3A_67 = arith.constant 42 : i32
    %scan3A_68 = arith.addi %scan3A_66, %scan3A_67 : i32
    %scan3A_69 = arith.constant 1 : i32
    scf.for %scan3A_102 = %scan3A_66 to %scan3A_68 step %scan3A_69  : i32 {
      %mul3A_103 = arith.constant 3 : i32
      %mul3A_104 = arith.muli %mul3A_103, %scan3A_102 : i32
      %add3A = arith.constant 0 : i32
      %add3A_105 = arith.addi %mul3A_104, %add3A : i32
      %dma_wait3A_106 = arith.constant 0 : i32
      %dma_wait3A_107 = arith.constant 0 : i32
      %dma_wait3A_108 = tpu.memref_slice %arg11[%dma_wait3A_106, %dma_wait3A_107] : memref<126x80xi32, #tpu.memory_space<vmem>> -> memref<1x80xi32, #tpu.memory_space<vmem>>
      %dma_wait3A_109 = tpu.memref_squeeze %dma_wait3A_108 : memref<1x80xi32, #tpu.memory_space<vmem>> -> memref<80xi32, #tpu.memory_space<vmem>>
      %dma_wait3A_110 = arith.constant 0 : i32
      %dma_wait3A_111 = arith.constant 0 : i32
      %dma_wait3A_112 = tpu.memref_slice %arg2[%dma_wait3A_110, %dma_wait3A_111] : memref<20000x64xf32, #tpu.memory_space<hbm>> -> memref<20000x64xf32, #tpu.memory_space<hbm>>
      tpu.wait_indirect_dma semaphore(%arg20 : memref<!tpu.dma_semaphore, #tpu.memory_space<semaphore_mem>>) src(%dma_wait3A_112 : memref<20000x64xf32, #tpu.memory_space<hbm>>) dst(%arg14 : memref<80x64xf32, #tpu.memory_space<vmem>>)
      %eq3A_113 = arith.constant 0 : i32
      %eq3A_114 = arith.cmpi eq, %arg0, %eq3A_113 : i32
      %convert_element_type3A_115 = arith.extui %eq3A_114 : i1 to i32
      %cond3A_116 = arith.constant 0 : i32
      %cond3A_117 = arith.cmpi ne, %convert_element_type3A_115, %cond3A_116 : i32
      scf.if %cond3A_117 {
        %get3A = arith.index_cast %add3A_105 : i32 to index
        %get3A_202 = arith.constant 0 : index
        %get3A_203 = tpu.vector_load %arg11[%get3A, %get3A_202] {strides = array<i32>} : memref<126x80xi32, #tpu.memory_space<vmem>>, vector<16xi32>,
        %get3A_204 = arith.index_cast %add3A_105 : i32 to index
        %get3A_205 = arith.constant 0 : index
        %get3A_206 = tpu.vector_load %arg12[%get3A_204, %get3A_205] {strides = array<i32>} : memref<126x80xi32, #tpu.memory_space<vmem>>, vector<16xi32>,
        %get3A_207 = arith.index_cast %add3A_105 : i32 to index
        %get3A_208 = arith.constant 0 : index
        %get3A_209 = tpu.vector_load %arg13[%get3A_207, %get3A_208] {strides = array<i32>} : memref<126x80xf32, #tpu.memory_space<vmem>>, vector<16xf32>,
        %gather3A = tpu.vector_load_idx %arg17[%get3A_203] : memref<10000xf32, #tpu.memory_space<vmem>>[vector<16xi32>], vector<16xf32>,
        %mul3A_210 = arith.mulf %get3A_209, %gather3A : vector<16xf32>
        %eq3A_211 = arith.constant 0 : i32
        %eq3A_212 = vector.broadcast %eq3A_211 : i32 to vector<16xi32>
        %eq3A_213 = arith.cmpi eq, %iota3A, %eq3A_212 : vector<16xi32>
        tpu.vector_store_idx %arg18[%get3A_206], %mul3A_210 masked %eq3A_213 {add = true} : memref<10240xf32, #tpu.memory_space<vmem>>[vector<16xi32>], vector<16xf32>, vector<16xi1>
        %eq3A_214 = arith.constant 1 : i32
        %eq3A_215 = vector.broadcast %eq3A_214 : i32 to vector<16xi32>
        %eq3A_216 = arith.cmpi eq, %iota3A, %eq3A_215 : vector<16xi32>
        tpu.vector_store_idx %arg18[%get3A_206], %mul3A_210 masked %eq3A_216 {add = true} : memref<10240xf32, #tpu.memory_space<vmem>>[vector<16xi32>], vector<16xf32>, vector<16xi1>
        %eq3A_217 = arith.constant 2 : i32
        %eq3A_218 = vector.broadcast %eq3A_217 : i32 to vector<16xi32>
        %eq3A_219 = arith.cmpi eq, %iota3A, %eq3A_218 : vector<16xi32>
        tpu.vector_store_idx %arg18[%get3A_206], %mul3A_210 masked %eq3A_219 {add = true} : memref<10240xf32, #tpu.memory_space<vmem>>[vector<16xi32>], vector<16xf32>, vector<16xi1>
        %eq3A_220 = arith.constant 3 : i32
        %eq3A_221 = vector.broadcast %eq3A_220 : i32 to vector<16xi32>
        %eq3A_222 = arith.cmpi eq, %iota3A, %eq3A_221 : vector<16xi32>
        tpu.vector_store_idx %arg18[%get3A_206], %mul3A_210 masked %eq3A_222 {add = true} : memref<10240xf32, #tpu.memory_space<vmem>>[vector<16xi32>], vector<16xf32>, vector<16xi1>
        %eq3A_223 = arith.constant 4 : i32
        %eq3A_224 = vector.broadcast %eq3A_223 : i32 to vector<16xi32>
        %eq3A_225 = arith.cmpi eq, %iota3A, %eq3A_224 : vector<16xi32>
        tpu.vector_store_idx %arg18[%get3A_206], %mul3A_210 masked %eq3A_225 {add = true} : memref<10240xf32, #tpu.memory_space<vmem>>[vector<16xi32>], vector<16xf32>, vector<16xi1>
        %eq3A_226 = arith.constant 5 : i32
        %eq3A_227 = vector.broadcast %eq3A_226 : i32 to vector<16xi32>
        %eq3A_228 = arith.cmpi eq, %iota3A, %eq3A_227 : vector<16xi32>
        tpu.vector_store_idx %arg18[%get3A_206], %mul3A_210 masked %eq3A_228 {add = true} : memref<10240xf32, #tpu.memory_space<vmem>>[vector<16xi32>], vector<16xf32>, vector<16xi1>
        %eq3A_229 = arith.constant 6 : i32
        %eq3A_230 = vector.broadcast %eq3A_229 : i32 to vector<16xi32>
        %eq3A_231 = arith.cmpi eq, %iota3A, %eq3A_230 : vector<16xi32>
        tpu.vector_store_idx %arg18[%get3A_206], %mul3A_210 masked %eq3A_231 {add = true} : memref<10240xf32, #tpu.memory_space<vmem>>[vector<16xi32>], vector<16xf32>, vector<16xi1>
        %eq3A_232 = arith.constant 7 : i32
        %eq3A_233 = vector.broadcast %eq3A_232 : i32 to vector<16xi32>
        %eq3A_234 = arith.cmpi eq, %iota3A, %eq3A_233 : vector<16xi32>
        tpu.vector_store_idx %arg18[%get3A_206], %mul3A_210 masked %eq3A_234 {add = true} : memref<10240xf32, #tpu.memory_space<vmem>>[vector<16xi32>], vector<16xf32>, vector<16xi1>
        %eq3A_235 = arith.constant 8 : i32
        %eq3A_236 = vector.broadcast %eq3A_235 : i32 to vector<16xi32>
        %eq3A_237 = arith.cmpi eq, %iota3A, %eq3A_236 : vector<16xi32>
        tpu.vector_store_idx %arg18[%get3A_206], %mul3A_210 masked %eq3A_237 {add = true} : memref<10240xf32, #tpu.memory_space<vmem>>[vector<16xi32>], vector<16xf32>, vector<16xi1>
        %eq3A_238 = arith.constant 9 : i32
        %eq3A_239 = vector.broadcast %eq3A_238 : i32 to vector<16xi32>
        %eq3A_240 = arith.cmpi eq, %iota3A, %eq3A_239 : vector<16xi32>
        tpu.vector_store_idx %arg18[%get3A_206], %mul3A_210 masked %eq3A_240 {add = true} : memref<10240xf32, #tpu.memory_space<vmem>>[vector<16xi32>], vector<16xf32>, vector<16xi1>
        %eq3A_241 = arith.constant 10 : i32
        %eq3A_242 = vector.broadcast %eq3A_241 : i32 to vector<16xi32>
        %eq3A_243 = arith.cmpi eq, %iota3A, %eq3A_242 : vector<16xi32>
        tpu.vector_store_idx %arg18[%get3A_206], %mul3A_210 masked %eq3A_243 {add = true} : memref<10240xf32, #tpu.memory_space<vmem>>[vector<16xi32>], vector<16xf32>, vector<16xi1>
        %eq3A_244 = arith.constant 11 : i32
        %eq3A_245 = vector.broadcast %eq3A_244 : i32 to vector<16xi32>
        %eq3A_246 = arith.cmpi eq, %iota3A, %eq3A_245 : vector<16xi32>
        tpu.vector_store_idx %arg18[%get3A_206], %mul3A_210 masked %eq3A_246 {add = true} : memref<10240xf32, #tpu.memory_space<vmem>>[vector<16xi32>], vector<16xf32>, vector<16xi1>
        %eq3A_247 = arith.constant 12 : i32
        %eq3A_248 = vector.broadcast %eq3A_247 : i32 to vector<16xi32>
        %eq3A_249 = arith.cmpi eq, %iota3A, %eq3A_248 : vector<16xi32>
        tpu.vector_store_idx %arg18[%get3A_206], %mul3A_210 masked %eq3A_249 {add = true} : memref<10240xf32, #tpu.memory_space<vmem>>[vector<16xi32>], vector<16xf32>, vector<16xi1>
        %eq3A_250 = arith.constant 13 : i32
        %eq3A_251 = vector.broadcast %eq3A_250 : i32 to vector<16xi32>
        %eq3A_252 = arith.cmpi eq, %iota3A, %eq3A_251 : vector<16xi32>
        tpu.vector_store_idx %arg18[%get3A_206], %mul3A_210 masked %eq3A_252 {add = true} : memref<10240xf32, #tpu.memory_space<vmem>>[vector<16xi32>], vector<16xf32>, vector<16xi1>
        %eq3A_253 = arith.constant 14 : i32
        %eq3A_254 = vector.broadcast %eq3A_253 : i32 to vector<16xi32>
        %eq3A_255 = arith.cmpi eq, %iota3A, %eq3A_254 : vector<16xi32>
        tpu.vector_store_idx %arg18[%get3A_206], %mul3A_210 masked %eq3A_255 {add = true} : memref<10240xf32, #tpu.memory_space<vmem>>[vector<16xi32>], vector<16xf32>, vector<16xi1>
        %eq3A_256 = arith.constant 15 : i32
        %eq3A_257 = vector.broadcast %eq3A_256 : i32 to vector<16xi32>
        %eq3A_258 = arith.cmpi eq, %iota3A, %eq3A_257 : vector<16xi32>
        tpu.vector_store_idx %arg18[%get3A_206], %mul3A_210 masked %eq3A_258 {add = true} : memref<10240xf32, #tpu.memory_space<vmem>>[vector<16xi32>], vector<16xf32>, vector<16xi1>
        %get3A_259 = arith.index_cast %add3A_105 : i32 to index
        %get3A_260 = arith.constant 16 : index
        %get3A_261 = tpu.vector_load %arg11[%get3A_259, %get3A_260] {strides = array<i32>} : memref<126x80xi32, #tpu.memory_space<vmem>>, vector<16xi32>,
        %get3A_262 = arith.index_cast %add3A_105 : i32 to index
        %get3A_263 = arith.constant 16 : index
        %get3A_264 = tpu.vector_load %arg12[%get3A_262, %get3A_263] {strides = array<i32>} : memref<126x80xi32, #tpu.memory_space<vmem>>, vector<16xi32>,
        %get3A_265 = arith.index_cast %add3A_105 : i32 to index
        %get3A_266 = arith.constant 16 : index
        %get3A_267 = tpu.vector_load %arg13[%get3A_265, %get3A_266] {strides = array<i32>} : memref<126x80xf32, #tpu.memory_space<vmem>>, vector<16xf32>,
        %gather3A_268 = tpu.vector_load_idx %arg17[%get3A_261] : memref<10000xf32, #tpu.memory_space<vmem>>[vector<16xi32>], vector<16xf32>,
        %mul3A_269 = arith.mulf %get3A_267, %gather3A_268 : vector<16xf32>
        %eq3A_270 = arith.constant 0 : i32
        %eq3A_271 = vector.broadcast %eq3A_270 : i32 to vector<16xi32>
        %eq3A_272 = arith.cmpi eq, %iota3A, %eq3A_271 : vector<16xi32>
        tpu.vector_store_idx %arg18[%get3A_264], %mul3A_269 masked %eq3A_272 {add = true} : memref<10240xf32, #tpu.memory_space<vmem>>[vector<16xi32>], vector<16xf32>, vector<16xi1>
        %eq3A_273 = arith.constant 1 : i32
        %eq3A_274 = vector.broadcast %eq3A_273 : i32 to vector<16xi32>
        %eq3A_275 = arith.cmpi eq, %iota3A, %eq3A_274 : vector<16xi32>
        tpu.vector_store_idx %arg18[%get3A_264], %mul3A_269 masked %eq3A_275 {add = true} : memref<10240xf32, #tpu.memory_space<vmem>>[vector<16xi32>], vector<16xf32>, vector<16xi1>
        %eq3A_276 = arith.constant 2 : i32
        %eq3A_277 = vector.broadcast %eq3A_276 : i32 to vector<16xi32>
        %eq3A_278 = arith.cmpi eq, %iota3A, %eq3A_277 : vector<16xi32>
        tpu.vector_store_idx %arg18[%get3A_264], %mul3A_269 masked %eq3A_278 {add = true} : memref<10240xf32, #tpu.memory_space<vmem>>[vector<16xi32>], vector<16xf32>, vector<16xi1>
        %eq3A_279 = arith.constant 3 : i32
        %eq3A_280 = vector.broadcast %eq3A_279 : i32 to vector<16xi32>
        %eq3A_281 = arith.cmpi eq, %iota3A, %eq3A_280 : vector<16xi32>
        tpu.vector_store_idx %arg18[%get3A_264], %mul3A_269 masked %eq3A_281 {add = true} : memref<10240xf32, #tpu.memory_space<vmem>>[vector<16xi32>], vector<16xf32>, vector<16xi1>
        %eq3A_282 = arith.constant 4 : i32
        %eq3A_283 = vector.broadcast %eq3A_282 : i32 to vector<16xi32>
        %eq3A_284 = arith.cmpi eq, %iota3A, %eq3A_283 : vector<16xi32>
        tpu.vector_store_idx %arg18[%get3A_264], %mul3A_269 masked %eq3A_284 {add = true} : memref<10240xf32, #tpu.memory_space<vmem>>[vector<16xi32>], vector<16xf32>, vector<16xi1>
        %eq3A_285 = arith.constant 5 : i32
        %eq3A_286 = vector.broadcast %eq3A_285 : i32 to vector<16xi32>
        %eq3A_287 = arith.cmpi eq, %iota3A, %eq3A_286 : vector<16xi32>
        tpu.vector_store_idx %arg18[%get3A_264], %mul3A_269 masked %eq3A_287 {add = true} : memref<10240xf32, #tpu.memory_space<vmem>>[vector<16xi32>], vector<16xf32>, vector<16xi1>
        %eq3A_288 = arith.constant 6 : i32
        %eq3A_289 = vector.broadcast %eq3A_288 : i32 to vector<16xi32>
        %eq3A_290 = arith.cmpi eq, %iota3A, %eq3A_289 : vector<16xi32>
        tpu.vector_store_idx %arg18[%get3A_264], %mul3A_269 masked %eq3A_290 {add = true} : memref<10240xf32, #tpu.memory_space<vmem>>[vector<16xi32>], vector<16xf32>, vector<16xi1>
        %eq3A_291 = arith.constant 7 : i32
        %eq3A_292 = vector.broadcast %eq3A_291 : i32 to vector<16xi32>
        %eq3A_293 = arith.cmpi eq, %iota3A, %eq3A_292 : vector<16xi32>
        tpu.vector_store_idx %arg18[%get3A_264], %mul3A_269 masked %eq3A_293 {add = true} : memref<10240xf32, #tpu.memory_space<vmem>>[vector<16xi32>], vector<16xf32>, vector<16xi1>
        %eq3A_294 = arith.constant 8 : i32
        %eq3A_295 = vector.broadcast %eq3A_294 : i32 to vector<16xi32>
        %eq3A_296 = arith.cmpi eq, %iota3A, %eq3A_295 : vector<16xi32>
        tpu.vector_store_idx %arg18[%get3A_264], %mul3A_269 masked %eq3A_296 {add = true} : memref<10240xf32, #tpu.memory_space<vmem>>[vector<16xi32>], vector<16xf32>, vector<16xi1>
        %eq3A_297 = arith.constant 9 : i32
        %eq3A_298 = vector.broadcast %eq3A_297 : i32 to vector<16xi32>
        %eq3A_299 = arith.cmpi eq, %iota3A, %eq3A_298 : vector<16xi32>
        tpu.vector_store_idx %arg18[%get3A_264], %mul3A_269 masked %eq3A_299 {add = true} : memref<10240xf32, #tpu.memory_space<vmem>>[vector<16xi32>], vector<16xf32>, vector<16xi1>
        %eq3A_300 = arith.constant 10 : i32
        %eq3A_301 = vector.broadcast %eq3A_300 : i32 to vector<16xi32>
        %eq3A_302 = arith.cmpi eq, %iota3A, %eq3A_301 : vector<16xi32>
        tpu.vector_store_idx %arg18[%get3A_264], %mul3A_269 masked %eq3A_302 {add = true} : memref<10240xf32, #tpu.memory_space<vmem>>[vector<16xi32>], vector<16xf32>, vector<16xi1>
        %eq3A_303 = arith.constant 11 : i32
        %eq3A_304 = vector.broadcast %eq3A_303 : i32 to vector<16xi32>
        %eq3A_305 = arith.cmpi eq, %iota3A, %eq3A_304 : vector<16xi32>
        tpu.vector_store_idx %arg18[%get3A_264], %mul3A_269 masked %eq3A_305 {add = true} : memref<10240xf32, #tpu.memory_space<vmem>>[vector<16xi32>], vector<16xf32>, vector<16xi1>
        %eq3A_306 = arith.constant 12 : i32
        %eq3A_307 = vector.broadcast %eq3A_306 : i32 to vector<16xi32>
        %eq3A_308 = arith.cmpi eq, %iota3A, %eq3A_307 : vector<16xi32>
        tpu.vector_store_idx %arg18[%get3A_264], %mul3A_269 masked %eq3A_308 {add = true} : memref<10240xf32, #tpu.memory_space<vmem>>[vector<16xi32>], vector<16xf32>, vector<16xi1>
        %eq3A_309 = arith.constant 13 : i32
        %eq3A_310 = vector.broadcast %eq3A_309 : i32 to vector<16xi32>
        %eq3A_311 = arith.cmpi eq, %iota3A, %eq3A_310 : vector<16xi32>
        tpu.vector_store_idx %arg18[%get3A_264], %mul3A_269 masked %eq3A_311 {add = true} : memref<10240xf32, #tpu.memory_space<vmem>>[vector<16xi32>], vector<16xf32>, vector<16xi1>
        %eq3A_312 = arith.constant 14 : i32
        %eq3A_313 = vector.broadcast %eq3A_312 : i32 to vector<16xi32>
        %eq3A_314 = arith.cmpi eq, %iota3A, %eq3A_313 : vector<16xi32>
        tpu.vector_store_idx %arg18[%get3A_264], %mul3A_269 masked %eq3A_314 {add = true} : memref<10240xf32, #tpu.memory_space<vmem>>[vector<16xi32>], vector<16xf32>, vector<16xi1>
        %eq3A_315 = arith.constant 15 : i32
        %eq3A_316 = vector.broadcast %eq3A_315 : i32 to vector<16xi32>
        %eq3A_317 = arith.cmpi eq, %iota3A, %eq3A_316 : vector<16xi32>
        tpu.vector_store_idx %arg18[%get3A_264], %mul3A_269 masked %eq3A_317 {add = true} : memref<10240xf32, #tpu.memory_space<vmem>>[vector<16xi32>], vector<16xf32>, vector<16xi1>
        %get3A_318 = arith.index_cast %add3A_105 : i32 to index
        %get3A_319 = arith.constant 32 : index
        %get3A_320 = tpu.vector_load %arg11[%get3A_318, %get3A_319] {strides = array<i32>} : memref<126x80xi32, #tpu.memory_space<vmem>>, vector<16xi32>,
        %get3A_321 = arith.index_cast %add3A_105 : i32 to index
        %get3A_322 = arith.constant 32 : index
        %get3A_323 = tpu.vector_load %arg12[%get3A_321, %get3A_322] {strides = array<i32>} : memref<126x80xi32, #tpu.memory_space<vmem>>, vector<16xi32>,
        %get3A_324 = arith.index_cast %add3A_105 : i32 to index
        %get3A_325 = arith.constant 32 : index
        %get3A_326 = tpu.vector_load %arg13[%get3A_324, %get3A_325] {strides = array<i32>} : memref<126x80xf32, #tpu.memory_space<vmem>>, vector<16xf32>,
        %gather3A_327 = tpu.vector_load_idx %arg17[%get3A_320] : memref<10000xf32, #tpu.memory_space<vmem>>[vector<16xi32>], vector<16xf32>,
        %mul3A_328 = arith.mulf %get3A_326, %gather3A_327 : vector<16xf32>
        %eq3A_329 = arith.constant 0 : i32
        %eq3A_330 = vector.broadcast %eq3A_329 : i32 to vector<16xi32>
        %eq3A_331 = arith.cmpi eq, %iota3A, %eq3A_330 : vector<16xi32>
        tpu.vector_store_idx %arg18[%get3A_323], %mul3A_328 masked %eq3A_331 {add = true} : memref<10240xf32, #tpu.memory_space<vmem>>[vector<16xi32>], vector<16xf32>, vector<16xi1>
        %eq3A_332 = arith.constant 1 : i32
        %eq3A_333 = vector.broadcast %eq3A_332 : i32 to vector<16xi32>
        %eq3A_334 = arith.cmpi eq, %iota3A, %eq3A_333 : vector<16xi32>
        tpu.vector_store_idx %arg18[%get3A_323], %mul3A_328 masked %eq3A_334 {add = true} : memref<10240xf32, #tpu.memory_space<vmem>>[vector<16xi32>], vector<16xf32>, vector<16xi1>
        %eq3A_335 = arith.constant 2 : i32
        %eq3A_336 = vector.broadcast %eq3A_335 : i32 to vector<16xi32>
        %eq3A_337 = arith.cmpi eq, %iota3A, %eq3A_336 : vector<16xi32>
        tpu.vector_store_idx %arg18[%get3A_323], %mul3A_328 masked %eq3A_337 {add = true} : memref<10240xf32, #tpu.memory_space<vmem>>[vector<16xi32>], vector<16xf32>, vector<16xi1>
        %eq3A_338 = arith.constant 3 : i32
        %eq3A_339 = vector.broadcast %eq3A_338 : i32 to vector<16xi32>
        %eq3A_340 = arith.cmpi eq, %iota3A, %eq3A_339 : vector<16xi32>
        tpu.vector_store_idx %arg18[%get3A_323], %mul3A_328 masked %eq3A_340 {add = true} : memref<10240xf32, #tpu.memory_space<vmem>>[vector<16xi32>], vector<16xf32>, vector<16xi1>
        %eq3A_341 = arith.constant 4 : i32
        %eq3A_342 = vector.broadcast %eq3A_341 : i32 to vector<16xi32>
        %eq3A_343 = arith.cmpi eq, %iota3A, %eq3A_342 : vector<16xi32>
        tpu.vector_store_idx %arg18[%get3A_323], %mul3A_328 masked %eq3A_343 {add = true} : memref<10240xf32, #tpu.memory_space<vmem>>[vector<16xi32>], vector<16xf32>, vector<16xi1>
        %eq3A_344 = arith.constant 5 : i32
        %eq3A_345 = vector.broadcast %eq3A_344 : i32 to vector<16xi32>
        %eq3A_346 = arith.cmpi eq, %iota3A, %eq3A_345 : vector<16xi32>
        tpu.vector_store_idx %arg18[%get3A_323], %mul3A_328 masked %eq3A_346 {add = true} : memref<10240xf32, #tpu.memory_space<vmem>>[vector<16xi32>], vector<16xf32>, vector<16xi1>
        %eq3A_347 = arith.constant 6 : i32
        %eq3A_348 = vector.broadcast %eq3A_347 : i32 to vector<16xi32>
        %eq3A_349 = arith.cmpi eq, %iota3A, %eq3A_348 : vector<16xi32>
        tpu.vector_store_idx %arg18[%get3A_323], %mul3A_328 masked %eq3A_349 {add = true} : memref<10240xf32, #tpu.memory_space<vmem>>[vector<16xi32>], vector<16xf32>, vector<16xi1>
        %eq3A_350 = arith.constant 7 : i32
        %eq3A_351 = vector.broadcast %eq3A_350 : i32 to vector<16xi32>
        %eq3A_352 = arith.cmpi eq, %iota3A, %eq3A_351 : vector<16xi32>
        tpu.vector_store_idx %arg18[%get3A_323], %mul3A_328 masked %eq3A_352 {add = true} : memref<10240xf32, #tpu.memory_space<vmem>>[vector<16xi32>], vector<16xf32>, vector<16xi1>
        %eq3A_353 = arith.constant 8 : i32
        %eq3A_354 = vector.broadcast %eq3A_353 : i32 to vector<16xi32>
        %eq3A_355 = arith.cmpi eq, %iota3A, %eq3A_354 : vector<16xi32>
        tpu.vector_store_idx %arg18[%get3A_323], %mul3A_328 masked %eq3A_355 {add = true} : memref<10240xf32, #tpu.memory_space<vmem>>[vector<16xi32>], vector<16xf32>, vector<16xi1>
        %eq3A_356 = arith.constant 9 : i32
        %eq3A_357 = vector.broadcast %eq3A_356 : i32 to vector<16xi32>
        %eq3A_358 = arith.cmpi eq, %iota3A, %eq3A_357 : vector<16xi32>
        tpu.vector_store_idx %arg18[%get3A_323], %mul3A_328 masked %eq3A_358 {add = true} : memref<10240xf32, #tpu.memory_space<vmem>>[vector<16xi32>], vector<16xf32>, vector<16xi1>
        %eq3A_359 = arith.constant 10 : i32
        %eq3A_360 = vector.broadcast %eq3A_359 : i32 to vector<16xi32>
        %eq3A_361 = arith.cmpi eq, %iota3A, %eq3A_360 : vector<16xi32>
        tpu.vector_store_idx %arg18[%get3A_323], %mul3A_328 masked %eq3A_361 {add = true} : memref<10240xf32, #tpu.memory_space<vmem>>[vector<16xi32>], vector<16xf32>, vector<16xi1>
        %eq3A_362 = arith.constant 11 : i32
        %eq3A_363 = vector.broadcast %eq3A_362 : i32 to vector<16xi32>
        %eq3A_364 = arith.cmpi eq, %iota3A, %eq3A_363 : vector<16xi32>
        tpu.vector_store_idx %arg18[%get3A_323], %mul3A_328 masked %eq3A_364 {add = true} : memref<10240xf32, #tpu.memory_space<vmem>>[vector<16xi32>], vector<16xf32>, vector<16xi1>
        %eq3A_365 = arith.constant 12 : i32
        %eq3A_366 = vector.broadcast %eq3A_365 : i32 to vector<16xi32>
        %eq3A_367 = arith.cmpi eq, %iota3A, %eq3A_366 : vector<16xi32>
        tpu.vector_store_idx %arg18[%get3A_323], %mul3A_328 masked %eq3A_367 {add = true} : memref<10240xf32, #tpu.memory_space<vmem>>[vector<16xi32>], vector<16xf32>, vector<16xi1>
        %eq3A_368 = arith.constant 13 : i32
        %eq3A_369 = vector.broadcast %eq3A_368 : i32 to vector<16xi32>
        %eq3A_370 = arith.cmpi eq, %iota3A, %eq3A_369 : vector<16xi32>
        tpu.vector_store_idx %arg18[%get3A_323], %mul3A_328 masked %eq3A_370 {add = true} : memref<10240xf32, #tpu.memory_space<vmem>>[vector<16xi32>], vector<16xf32>, vector<16xi1>
        %eq3A_371 = arith.constant 14 : i32
        %eq3A_372 = vector.broadcast %eq3A_371 : i32 to vector<16xi32>
        %eq3A_373 = arith.cmpi eq, %iota3A, %eq3A_372 : vector<16xi32>
        tpu.vector_store_idx %arg18[%get3A_323], %mul3A_328 masked %eq3A_373 {add = true} : memref<10240xf32, #tpu.memory_space<vmem>>[vector<16xi32>], vector<16xf32>, vector<16xi1>
        %eq3A_374 = arith.constant 15 : i32
        %eq3A_375 = vector.broadcast %eq3A_374 : i32 to vector<16xi32>
        %eq3A_376 = arith.cmpi eq, %iota3A, %eq3A_375 : vector<16xi32>
        tpu.vector_store_idx %arg18[%get3A_323], %mul3A_328 masked %eq3A_376 {add = true} : memref<10240xf32, #tpu.memory_space<vmem>>[vector<16xi32>], vector<16xf32>, vector<16xi1>
        %get3A_377 = arith.index_cast %add3A_105 : i32 to index
        %get3A_378 = arith.constant 48 : index
        %get3A_379 = tpu.vector_load %arg11[%get3A_377, %get3A_378] {strides = array<i32>} : memref<126x80xi32, #tpu.memory_space<vmem>>, vector<16xi32>,
        %get3A_380 = arith.index_cast %add3A_105 : i32 to index
        %get3A_381 = arith.constant 48 : index
        %get3A_382 = tpu.vector_load %arg12[%get3A_380, %get3A_381] {strides = array<i32>} : memref<126x80xi32, #tpu.memory_space<vmem>>, vector<16xi32>,
        %get3A_383 = arith.index_cast %add3A_105 : i32 to index
        %get3A_384 = arith.constant 48 : index
        %get3A_385 = tpu.vector_load %arg13[%get3A_383, %get3A_384] {strides = array<i32>} : memref<126x80xf32, #tpu.memory_space<vmem>>, vector<16xf32>,
        %gather3A_386 = tpu.vector_load_idx %arg17[%get3A_379] : memref<10000xf32, #tpu.memory_space<vmem>>[vector<16xi32>], vector<16xf32>,
        %mul3A_387 = arith.mulf %get3A_385, %gather3A_386 : vector<16xf32>
        %eq3A_388 = arith.constant 0 : i32
        %eq3A_389 = vector.broadcast %eq3A_388 : i32 to vector<16xi32>
        %eq3A_390 = arith.cmpi eq, %iota3A, %eq3A_389 : vector<16xi32>
        tpu.vector_store_idx %arg18[%get3A_382], %mul3A_387 masked %eq3A_390 {add = true} : memref<10240xf32, #tpu.memory_space<vmem>>[vector<16xi32>], vector<16xf32>, vector<16xi1>
        %eq3A_391 = arith.constant 1 : i32
        %eq3A_392 = vector.broadcast %eq3A_391 : i32 to vector<16xi32>
        %eq3A_393 = arith.cmpi eq, %iota3A, %eq3A_392 : vector<16xi32>
        tpu.vector_store_idx %arg18[%get3A_382], %mul3A_387 masked %eq3A_393 {add = true} : memref<10240xf32, #tpu.memory_space<vmem>>[vector<16xi32>], vector<16xf32>, vector<16xi1>
        %eq3A_394 = arith.constant 2 : i32
        %eq3A_395 = vector.broadcast %eq3A_394 : i32 to vector<16xi32>
        %eq3A_396 = arith.cmpi eq, %iota3A, %eq3A_395 : vector<16xi32>
        tpu.vector_store_idx %arg18[%get3A_382], %mul3A_387 masked %eq3A_396 {add = true} : memref<10240xf32, #tpu.memory_space<vmem>>[vector<16xi32>], vector<16xf32>, vector<16xi1>
        %eq3A_397 = arith.constant 3 : i32
        %eq3A_398 = vector.broadcast %eq3A_397 : i32 to vector<16xi32>
        %eq3A_399 = arith.cmpi eq, %iota3A, %eq3A_398 : vector<16xi32>
        tpu.vector_store_idx %arg18[%get3A_382], %mul3A_387 masked %eq3A_399 {add = true} : memref<10240xf32, #tpu.memory_space<vmem>>[vector<16xi32>], vector<16xf32>, vector<16xi1>
        %eq3A_400 = arith.constant 4 : i32
        %eq3A_401 = vector.broadcast %eq3A_400 : i32 to vector<16xi32>
        %eq3A_402 = arith.cmpi eq, %iota3A, %eq3A_401 : vector<16xi32>
        tpu.vector_store_idx %arg18[%get3A_382], %mul3A_387 masked %eq3A_402 {add = true} : memref<10240xf32, #tpu.memory_space<vmem>>[vector<16xi32>], vector<16xf32>, vector<16xi1>
        %eq3A_403 = arith.constant 5 : i32
        %eq3A_404 = vector.broadcast %eq3A_403 : i32 to vector<16xi32>
        %eq3A_405 = arith.cmpi eq, %iota3A, %eq3A_404 : vector<16xi32>
        tpu.vector_store_idx %arg18[%get3A_382], %mul3A_387 masked %eq3A_405 {add = true} : memref<10240xf32, #tpu.memory_space<vmem>>[vector<16xi32>], vector<16xf32>, vector<16xi1>
        %eq3A_406 = arith.constant 6 : i32
        %eq3A_407 = vector.broadcast %eq3A_406 : i32 to vector<16xi32>
        %eq3A_408 = arith.cmpi eq, %iota3A, %eq3A_407 : vector<16xi32>
        tpu.vector_store_idx %arg18[%get3A_382], %mul3A_387 masked %eq3A_408 {add = true} : memref<10240xf32, #tpu.memory_space<vmem>>[vector<16xi32>], vector<16xf32>, vector<16xi1>
        %eq3A_409 = arith.constant 7 : i32
        %eq3A_410 = vector.broadcast %eq3A_409 : i32 to vector<16xi32>
        %eq3A_411 = arith.cmpi eq, %iota3A, %eq3A_410 : vector<16xi32>
        tpu.vector_store_idx %arg18[%get3A_382], %mul3A_387 masked %eq3A_411 {add = true} : memref<10240xf32, #tpu.memory_space<vmem>>[vector<16xi32>], vector<16xf32>, vector<16xi1>
        %eq3A_412 = arith.constant 8 : i32
        %eq3A_413 = vector.broadcast %eq3A_412 : i32 to vector<16xi32>
        %eq3A_414 = arith.cmpi eq, %iota3A, %eq3A_413 : vector<16xi32>
        tpu.vector_store_idx %arg18[%get3A_382], %mul3A_387 masked %eq3A_414 {add = true} : memref<10240xf32, #tpu.memory_space<vmem>>[vector<16xi32>], vector<16xf32>, vector<16xi1>
        %eq3A_415 = arith.constant 9 : i32
        %eq3A_416 = vector.broadcast %eq3A_415 : i32 to vector<16xi32>
        %eq3A_417 = arith.cmpi eq, %iota3A, %eq3A_416 : vector<16xi32>
        tpu.vector_store_idx %arg18[%get3A_382], %mul3A_387 masked %eq3A_417 {add = true} : memref<10240xf32, #tpu.memory_space<vmem>>[vector<16xi32>], vector<16xf32>, vector<16xi1>
        %eq3A_418 = arith.constant 10 : i32
        %eq3A_419 = vector.broadcast %eq3A_418 : i32 to vector<16xi32>
        %eq3A_420 = arith.cmpi eq, %iota3A, %eq3A_419 : vector<16xi32>
        tpu.vector_store_idx %arg18[%get3A_382], %mul3A_387 masked %eq3A_420 {add = true} : memref<10240xf32, #tpu.memory_space<vmem>>[vector<16xi32>], vector<16xf32>, vector<16xi1>
        %eq3A_421 = arith.constant 11 : i32
        %eq3A_422 = vector.broadcast %eq3A_421 : i32 to vector<16xi32>
        %eq3A_423 = arith.cmpi eq, %iota3A, %eq3A_422 : vector<16xi32>
        tpu.vector_store_idx %arg18[%get3A_382], %mul3A_387 masked %eq3A_423 {add = true} : memref<10240xf32, #tpu.memory_space<vmem>>[vector<16xi32>], vector<16xf32>, vector<16xi1>
        %eq3A_424 = arith.constant 12 : i32
        %eq3A_425 = vector.broadcast %eq3A_424 : i32 to vector<16xi32>
        %eq3A_426 = arith.cmpi eq, %iota3A, %eq3A_425 : vector<16xi32>
        tpu.vector_store_idx %arg18[%get3A_382], %mul3A_387 masked %eq3A_426 {add = true} : memref<10240xf32, #tpu.memory_space<vmem>>[vector<16xi32>], vector<16xf32>, vector<16xi1>
        %eq3A_427 = arith.constant 13 : i32
        %eq3A_428 = vector.broadcast %eq3A_427 : i32 to vector<16xi32>
        %eq3A_429 = arith.cmpi eq, %iota3A, %eq3A_428 : vector<16xi32>
        tpu.vector_store_idx %arg18[%get3A_382], %mul3A_387 masked %eq3A_429 {add = true} : memref<10240xf32, #tpu.memory_space<vmem>>[vector<16xi32>], vector<16xf32>, vector<16xi1>
        %eq3A_430 = arith.constant 14 : i32
        %eq3A_431 = vector.broadcast %eq3A_430 : i32 to vector<16xi32>
        %eq3A_432 = arith.cmpi eq, %iota3A, %eq3A_431 : vector<16xi32>
        tpu.vector_store_idx %arg18[%get3A_382], %mul3A_387 masked %eq3A_432 {add = true} : memref<10240xf32, #tpu.memory_space<vmem>>[vector<16xi32>], vector<16xf32>, vector<16xi1>
        %eq3A_433 = arith.constant 15 : i32
        %eq3A_434 = vector.broadcast %eq3A_433 : i32 to vector<16xi32>
        %eq3A_435 = arith.cmpi eq, %iota3A, %eq3A_434 : vector<16xi32>
        tpu.vector_store_idx %arg18[%get3A_382], %mul3A_387 masked %eq3A_435 {add = true} : memref<10240xf32, #tpu.memory_space<vmem>>[vector<16xi32>], vector<16xf32>, vector<16xi1>
        %get3A_436 = arith.index_cast %add3A_105 : i32 to index
        %get3A_437 = arith.constant 64 : index
        %get3A_438 = tpu.vector_load %arg11[%get3A_436, %get3A_437] {strides = array<i32>} : memref<126x80xi32, #tpu.memory_space<vmem>>, vector<16xi32>,
        %get3A_439 = arith.index_cast %add3A_105 : i32 to index
        %get3A_440 = arith.constant 64 : index
        %get3A_441 = tpu.vector_load %arg12[%get3A_439, %get3A_440] {strides = array<i32>} : memref<126x80xi32, #tpu.memory_space<vmem>>, vector<16xi32>,
        %get3A_442 = arith.index_cast %add3A_105 : i32 to index
        %get3A_443 = arith.constant 64 : index
        %get3A_444 = tpu.vector_load %arg13[%get3A_442, %get3A_443] {strides = array<i32>} : memref<126x80xf32, #tpu.memory_space<vmem>>, vector<16xf32>,
        %gather3A_445 = tpu.vector_load_idx %arg17[%get3A_438] : memref<10000xf32, #tpu.memory_space<vmem>>[vector<16xi32>], vector<16xf32>,
        %mul3A_446 = arith.mulf %get3A_444, %gather3A_445 : vector<16xf32>
        %eq3A_447 = arith.constant 0 : i32
        %eq3A_448 = vector.broadcast %eq3A_447 : i32 to vector<16xi32>
        %eq3A_449 = arith.cmpi eq, %iota3A, %eq3A_448 : vector<16xi32>
        tpu.vector_store_idx %arg18[%get3A_441], %mul3A_446 masked %eq3A_449 {add = true} : memref<10240xf32, #tpu.memory_space<vmem>>[vector<16xi32>], vector<16xf32>, vector<16xi1>
        %eq3A_450 = arith.constant 1 : i32
        %eq3A_451 = vector.broadcast %eq3A_450 : i32 to vector<16xi32>
        %eq3A_452 = arith.cmpi eq, %iota3A, %eq3A_451 : vector<16xi32>
        tpu.vector_store_idx %arg18[%get3A_441], %mul3A_446 masked %eq3A_452 {add = true} : memref<10240xf32, #tpu.memory_space<vmem>>[vector<16xi32>], vector<16xf32>, vector<16xi1>
        %eq3A_453 = arith.constant 2 : i32
        %eq3A_454 = vector.broadcast %eq3A_453 : i32 to vector<16xi32>
        %eq3A_455 = arith.cmpi eq, %iota3A, %eq3A_454 : vector<16xi32>
        tpu.vector_store_idx %arg18[%get3A_441], %mul3A_446 masked %eq3A_455 {add = true} : memref<10240xf32, #tpu.memory_space<vmem>>[vector<16xi32>], vector<16xf32>, vector<16xi1>
        %eq3A_456 = arith.constant 3 : i32
        %eq3A_457 = vector.broadcast %eq3A_456 : i32 to vector<16xi32>
        %eq3A_458 = arith.cmpi eq, %iota3A, %eq3A_457 : vector<16xi32>
        tpu.vector_store_idx %arg18[%get3A_441], %mul3A_446 masked %eq3A_458 {add = true} : memref<10240xf32, #tpu.memory_space<vmem>>[vector<16xi32>], vector<16xf32>, vector<16xi1>
        %eq3A_459 = arith.constant 4 : i32
        %eq3A_460 = vector.broadcast %eq3A_459 : i32 to vector<16xi32>
        %eq3A_461 = arith.cmpi eq, %iota3A, %eq3A_460 : vector<16xi32>
        tpu.vector_store_idx %arg18[%get3A_441], %mul3A_446 masked %eq3A_461 {add = true} : memref<10240xf32, #tpu.memory_space<vmem>>[vector<16xi32>], vector<16xf32>, vector<16xi1>
        %eq3A_462 = arith.constant 5 : i32
        %eq3A_463 = vector.broadcast %eq3A_462 : i32 to vector<16xi32>
        %eq3A_464 = arith.cmpi eq, %iota3A, %eq3A_463 : vector<16xi32>
        tpu.vector_store_idx %arg18[%get3A_441], %mul3A_446 masked %eq3A_464 {add = true} : memref<10240xf32, #tpu.memory_space<vmem>>[vector<16xi32>], vector<16xf32>, vector<16xi1>
        %eq3A_465 = arith.constant 6 : i32
        %eq3A_466 = vector.broadcast %eq3A_465 : i32 to vector<16xi32>
        %eq3A_467 = arith.cmpi eq, %iota3A, %eq3A_466 : vector<16xi32>
        tpu.vector_store_idx %arg18[%get3A_441], %mul3A_446 masked %eq3A_467 {add = true} : memref<10240xf32, #tpu.memory_space<vmem>>[vector<16xi32>], vector<16xf32>, vector<16xi1>
        %eq3A_468 = arith.constant 7 : i32
        %eq3A_469 = vector.broadcast %eq3A_468 : i32 to vector<16xi32>
        %eq3A_470 = arith.cmpi eq, %iota3A, %eq3A_469 : vector<16xi32>
        tpu.vector_store_idx %arg18[%get3A_441], %mul3A_446 masked %eq3A_470 {add = true} : memref<10240xf32, #tpu.memory_space<vmem>>[vector<16xi32>], vector<16xf32>, vector<16xi1>
        %eq3A_471 = arith.constant 8 : i32
        %eq3A_472 = vector.broadcast %eq3A_471 : i32 to vector<16xi32>
        %eq3A_473 = arith.cmpi eq, %iota3A, %eq3A_472 : vector<16xi32>
        tpu.vector_store_idx %arg18[%get3A_441], %mul3A_446 masked %eq3A_473 {add = true} : memref<10240xf32, #tpu.memory_space<vmem>>[vector<16xi32>], vector<16xf32>, vector<16xi1>
        %eq3A_474 = arith.constant 9 : i32
        %eq3A_475 = vector.broadcast %eq3A_474 : i32 to vector<16xi32>
        %eq3A_476 = arith.cmpi eq, %iota3A, %eq3A_475 : vector<16xi32>
        tpu.vector_store_idx %arg18[%get3A_441], %mul3A_446 masked %eq3A_476 {add = true} : memref<10240xf32, #tpu.memory_space<vmem>>[vector<16xi32>], vector<16xf32>, vector<16xi1>
        %eq3A_477 = arith.constant 10 : i32
        %eq3A_478 = vector.broadcast %eq3A_477 : i32 to vector<16xi32>
        %eq3A_479 = arith.cmpi eq, %iota3A, %eq3A_478 : vector<16xi32>
        tpu.vector_store_idx %arg18[%get3A_441], %mul3A_446 masked %eq3A_479 {add = true} : memref<10240xf32, #tpu.memory_space<vmem>>[vector<16xi32>], vector<16xf32>, vector<16xi1>
        %eq3A_480 = arith.constant 11 : i32
        %eq3A_481 = vector.broadcast %eq3A_480 : i32 to vector<16xi32>
        %eq3A_482 = arith.cmpi eq, %iota3A, %eq3A_481 : vector<16xi32>
        tpu.vector_store_idx %arg18[%get3A_441], %mul3A_446 masked %eq3A_482 {add = true} : memref<10240xf32, #tpu.memory_space<vmem>>[vector<16xi32>], vector<16xf32>, vector<16xi1>
        %eq3A_483 = arith.constant 12 : i32
        %eq3A_484 = vector.broadcast %eq3A_483 : i32 to vector<16xi32>
        %eq3A_485 = arith.cmpi eq, %iota3A, %eq3A_484 : vector<16xi32>
        tpu.vector_store_idx %arg18[%get3A_441], %mul3A_446 masked %eq3A_485 {add = true} : memref<10240xf32, #tpu.memory_space<vmem>>[vector<16xi32>], vector<16xf32>, vector<16xi1>
        %eq3A_486 = arith.constant 13 : i32
        %eq3A_487 = vector.broadcast %eq3A_486 : i32 to vector<16xi32>
        %eq3A_488 = arith.cmpi eq, %iota3A, %eq3A_487 : vector<16xi32>
        tpu.vector_store_idx %arg18[%get3A_441], %mul3A_446 masked %eq3A_488 {add = true} : memref<10240xf32, #tpu.memory_space<vmem>>[vector<16xi32>], vector<16xf32>, vector<16xi1>
        %eq3A_489 = arith.constant 14 : i32
        %eq3A_490 = vector.broadcast %eq3A_489 : i32 to vector<16xi32>
        %eq3A_491 = arith.cmpi eq, %iota3A, %eq3A_490 : vector<16xi32>
        tpu.vector_store_idx %arg18[%get3A_441], %mul3A_446 masked %eq3A_491 {add = true} : memref<10240xf32, #tpu.memory_space<vmem>>[vector<16xi32>], vector<16xf32>, vector<16xi1>
        %eq3A_492 = arith.constant 15 : i32
        %eq3A_493 = vector.broadcast %eq3A_492 : i32 to vector<16xi32>
        %eq3A_494 = arith.cmpi eq, %iota3A, %eq3A_493 : vector<16xi32>
        tpu.vector_store_idx %arg18[%get3A_441], %mul3A_446 masked %eq3A_494 {add = true} : memref<10240xf32, #tpu.memory_space<vmem>>[vector<16xi32>], vector<16xf32>, vector<16xi1>
      } else {
      }
      %scan3A_118 = arith.constant 0 : i32
      %scan3A_119 = arith.constant 0 : i32
      %scan3A_120 = arith.constant 80 : i32
      %scan3A_121 = arith.addi %scan3A_119, %scan3A_120 : i32
      %scan3A_122 = arith.constant 4 : i32
      scf.for %scan3A_202 = %scan3A_119 to %scan3A_121 step %scan3A_122  : i32 {
        %broadcast_in_dim3A = vector.broadcast %add3A_105 : i32 to vector<16xi32>
        %broadcast_in_dim3A_203 = vector.broadcast %scan3A_202 : i32 to vector<16xi32>
        %gather3A = tpu.vector_load_idx %arg13[%broadcast_in_dim3A, %broadcast_in_dim3A_203] : memref<126x80xf32, #tpu.memory_space<vmem>>[vector<16xi32>, vector<16xi32>], vector<16xf32>,
        %get3A = arith.index_cast %scan3A_202 : i32 to index
        %get3A_204 = arith.constant 0 : index
        %get3A_205 = tpu.vector_load %arg14[%get3A, %get3A_204] {strides = array<i32>} : memref<80x64xf32, #tpu.memory_space<vmem>>, vector<16xf32>,
        %mul3A_206 = arith.mulf %get3A_205, %gather3A : vector<16xf32>
        %swap3A = arith.index_cast %scan3A_202 : i32 to index
        %swap3A_207 = arith.constant 0 : index
        %swap3A_208 = tpu.vector_load %arg14[%swap3A, %swap3A_207] {strides = array<i32>} : memref<80x64xf32, #tpu.memory_space<vmem>>, vector<16xf32>,
        tpu.vector_store %arg14[%swap3A, %swap3A_207], %mul3A_206 {strides = array<i32>} : memref<80x64xf32, #tpu.memory_space<vmem>>, vector<16xf32>,
        %get3A_209 = arith.index_cast %scan3A_202 : i32 to index
        %get3A_210 = arith.constant 16 : index
        %get3A_211 = tpu.vector_load %arg14[%get3A_209, %get3A_210] {strides = array<i32>} : memref<80x64xf32, #tpu.memory_space<vmem>>, vector<16xf32>,
        %mul3A_212 = arith.mulf %get3A_211, %gather3A : vector<16xf32>
        %swap3A_213 = arith.index_cast %scan3A_202 : i32 to index
        %swap3A_214 = arith.constant 16 : index
        %swap3A_215 = tpu.vector_load %arg14[%swap3A_213, %swap3A_214] {strides = array<i32>} : memref<80x64xf32, #tpu.memory_space<vmem>>, vector<16xf32>,
        tpu.vector_store %arg14[%swap3A_213, %swap3A_214], %mul3A_212 {strides = array<i32>} : memref<80x64xf32, #tpu.memory_space<vmem>>, vector<16xf32>,
        %get3A_216 = arith.index_cast %scan3A_202 : i32 to index
        %get3A_217 = arith.constant 32 : index
        %get3A_218 = tpu.vector_load %arg14[%get3A_216, %get3A_217] {strides = array<i32>} : memref<80x64xf32, #tpu.memory_space<vmem>>, vector<16xf32>,
        %mul3A_219 = arith.mulf %get3A_218, %gather3A : vector<16xf32>
        %swap3A_220 = arith.index_cast %scan3A_202 : i32 to index
        %swap3A_221 = arith.constant 32 : index
        %swap3A_222 = tpu.vector_load %arg14[%swap3A_220, %swap3A_221] {strides = array<i32>} : memref<80x64xf32, #tpu.memory_space<vmem>>, vector<16xf32>,
        tpu.vector_store %arg14[%swap3A_220, %swap3A_221], %mul3A_219 {strides = array<i32>} : memref<80x64xf32, #tpu.memory_space<vmem>>, vector<16xf32>,
        %get3A_223 = arith.index_cast %scan3A_202 : i32 to index
        %get3A_224 = arith.constant 48 : index
        %get3A_225 = tpu.vector_load %arg14[%get3A_223, %get3A_224] {strides = array<i32>} : memref<80x64xf32, #tpu.memory_space<vmem>>, vector<16xf32>,
        %mul3A_226 = arith.mulf %get3A_225, %gather3A : vector<16xf32>
        %swap3A_227 = arith.index_cast %scan3A_202 : i32 to index
        %swap3A_228 = arith.constant 48 : index
        %swap3A_229 = tpu.vector_load %arg14[%swap3A_227, %swap3A_228] {strides = array<i32>} : memref<80x64xf32, #tpu.memory_space<vmem>>, vector<16xf32>,
        tpu.vector_store %arg14[%swap3A_227, %swap3A_228], %mul3A_226 {strides = array<i32>} : memref<80x64xf32, #tpu.memory_space<vmem>>, vector<16xf32>,
        %scan3A_230 = arith.constant 1 : i32
        %scan3A_231 = arith.addi %scan3A_202, %scan3A_230 : i32
        %broadcast_in_dim3A_232 = vector.broadcast %add3A_105 : i32 to vector<16xi32>
        %broadcast_in_dim3A_233 = vector.broadcast %scan3A_231 : i32 to vector<16xi32>
        %gather3A_234 = tpu.vector_load_idx %arg13[%broadcast_in_dim3A_232, %broadcast_in_dim3A_233] : memref<126x80xf32, #tpu.memory_space<vmem>>[vector<16xi32>, vector<16xi32>], vector<16xf32>,
        %get3A_235 = arith.index_cast %scan3A_231 : i32 to index
        %get3A_236 = arith.constant 0 : index
        %get3A_237 = tpu.vector_load %arg14[%get3A_235, %get3A_236] {strides = array<i32>} : memref<80x64xf32, #tpu.memory_space<vmem>>, vector<16xf32>,
        %mul3A_238 = arith.mulf %get3A_237, %gather3A_234 : vector<16xf32>
        %swap3A_239 = arith.index_cast %scan3A_231 : i32 to index
        %swap3A_240 = arith.constant 0 : index
        %swap3A_241 = tpu.vector_load %arg14[%swap3A_239, %swap3A_240] {strides = array<i32>} : memref<80x64xf32, #tpu.memory_space<vmem>>, vector<16xf32>,
        tpu.vector_store %arg14[%swap3A_239, %swap3A_240], %mul3A_238 {strides = array<i32>} : memref<80x64xf32, #tpu.memory_space<vmem>>, vector<16xf32>,
        %get3A_242 = arith.index_cast %scan3A_231 : i32 to index
        %get3A_243 = arith.constant 16 : index
        %get3A_244 = tpu.vector_load %arg14[%get3A_242, %get3A_243] {strides = array<i32>} : memref<80x64xf32, #tpu.memory_space<vmem>>, vector<16xf32>,
        %mul3A_245 = arith.mulf %get3A_244, %gather3A_234 : vector<16xf32>
        %swap3A_246 = arith.index_cast %scan3A_231 : i32 to index
        %swap3A_247 = arith.constant 16 : index
        %swap3A_248 = tpu.vector_load %arg14[%swap3A_246, %swap3A_247] {strides = array<i32>} : memref<80x64xf32, #tpu.memory_space<vmem>>, vector<16xf32>,
        tpu.vector_store %arg14[%swap3A_246, %swap3A_247], %mul3A_245 {strides = array<i32>} : memref<80x64xf32, #tpu.memory_space<vmem>>, vector<16xf32>,
        %get3A_249 = arith.index_cast %scan3A_231 : i32 to index
        %get3A_250 = arith.constant 32 : index
        %get3A_251 = tpu.vector_load %arg14[%get3A_249, %get3A_250] {strides = array<i32>} : memref<80x64xf32, #tpu.memory_space<vmem>>, vector<16xf32>,
        %mul3A_252 = arith.mulf %get3A_251, %gather3A_234 : vector<16xf32>
        %swap3A_253 = arith.index_cast %scan3A_231 : i32 to index
        %swap3A_254 = arith.constant 32 : index
        %swap3A_255 = tpu.vector_load %arg14[%swap3A_253, %swap3A_254] {strides = array<i32>} : memref<80x64xf32, #tpu.memory_space<vmem>>, vector<16xf32>,
        tpu.vector_store %arg14[%swap3A_253, %swap3A_254], %mul3A_252 {strides = array<i32>} : memref<80x64xf32, #tpu.memory_space<vmem>>, vector<16xf32>,
        %get3A_256 = arith.index_cast %scan3A_231 : i32 to index
        %get3A_257 = arith.constant 48 : index
        %get3A_258 = tpu.vector_load %arg14[%get3A_256, %get3A_257] {strides = array<i32>} : memref<80x64xf32, #tpu.memory_space<vmem>>, vector<16xf32>,
        %mul3A_259 = arith.mulf %get3A_258, %gather3A_234 : vector<16xf32>
        %swap3A_260 = arith.index_cast %scan3A_231 : i32 to index
        %swap3A_261 = arith.constant 48 : index
        %swap3A_262 = tpu.vector_load %arg14[%swap3A_260, %swap3A_261] {strides = array<i32>} : memref<80x64xf32, #tpu.memory_space<vmem>>, vector<16xf32>,
        tpu.vector_store %arg14[%swap3A_260, %swap3A_261], %mul3A_259 {strides = array<i32>} : memref<80x64xf32, #tpu.memory_space<vmem>>, vector<16xf32>,
        %scan3A_263 = arith.constant 2 : i32
        %scan3A_264 = arith.addi %scan3A_202, %scan3A_263 : i32
        %broadcast_in_dim3A_265 = vector.broadcast %add3A_105 : i32 to vector<16xi32>
        %broadcast_in_dim3A_266 = vector.broadcast %scan3A_264 : i32 to vector<16xi32>
        %gather3A_267 = tpu.vector_load_idx %arg13[%broadcast_in_dim3A_265, %broadcast_in_dim3A_266] : memref<126x80xf32, #tpu.memory_space<vmem>>[vector<16xi32>, vector<16xi32>], vector<16xf32>,
        %get3A_268 = arith.index_cast %scan3A_264 : i32 to index
        %get3A_269 = arith.constant 0 : index
        %get3A_270 = tpu.vector_load %arg14[%get3A_268, %get3A_269] {strides = array<i32>} : memref<80x64xf32, #tpu.memory_space<vmem>>, vector<16xf32>,
        %mul3A_271 = arith.mulf %get3A_270, %gather3A_267 : vector<16xf32>
        %swap3A_272 = arith.index_cast %scan3A_264 : i32 to index
        %swap3A_273 = arith.constant 0 : index
        %swap3A_274 = tpu.vector_load %arg14[%swap3A_272, %swap3A_273] {strides = array<i32>} : memref<80x64xf32, #tpu.memory_space<vmem>>, vector<16xf32>,
        tpu.vector_store %arg14[%swap3A_272, %swap3A_273], %mul3A_271 {strides = array<i32>} : memref<80x64xf32, #tpu.memory_space<vmem>>, vector<16xf32>,
        %get3A_275 = arith.index_cast %scan3A_264 : i32 to index
        %get3A_276 = arith.constant 16 : index
        %get3A_277 = tpu.vector_load %arg14[%get3A_275, %get3A_276] {strides = array<i32>} : memref<80x64xf32, #tpu.memory_space<vmem>>, vector<16xf32>,
        %mul3A_278 = arith.mulf %get3A_277, %gather3A_267 : vector<16xf32>
        %swap3A_279 = arith.index_cast %scan3A_264 : i32 to index
        %swap3A_280 = arith.constant 16 : index
        %swap3A_281 = tpu.vector_load %arg14[%swap3A_279, %swap3A_280] {strides = array<i32>} : memref<80x64xf32, #tpu.memory_space<vmem>>, vector<16xf32>,
        tpu.vector_store %arg14[%swap3A_279, %swap3A_280], %mul3A_278 {strides = array<i32>} : memref<80x64xf32, #tpu.memory_space<vmem>>, vector<16xf32>,
        %get3A_282 = arith.index_cast %scan3A_264 : i32 to index
        %get3A_283 = arith.constant 32 : index
        %get3A_284 = tpu.vector_load %arg14[%get3A_282, %get3A_283] {strides = array<i32>} : memref<80x64xf32, #tpu.memory_space<vmem>>, vector<16xf32>,
        %mul3A_285 = arith.mulf %get3A_284, %gather3A_267 : vector<16xf32>
        %swap3A_286 = arith.index_cast %scan3A_264 : i32 to index
        %swap3A_287 = arith.constant 32 : index
        %swap3A_288 = tpu.vector_load %arg14[%swap3A_286, %swap3A_287] {strides = array<i32>} : memref<80x64xf32, #tpu.memory_space<vmem>>, vector<16xf32>,
        tpu.vector_store %arg14[%swap3A_286, %swap3A_287], %mul3A_285 {strides = array<i32>} : memref<80x64xf32, #tpu.memory_space<vmem>>, vector<16xf32>,
        %get3A_289 = arith.index_cast %scan3A_264 : i32 to index
        %get3A_290 = arith.constant 48 : index
        %get3A_291 = tpu.vector_load %arg14[%get3A_289, %get3A_290] {strides = array<i32>} : memref<80x64xf32, #tpu.memory_space<vmem>>, vector<16xf32>,
        %mul3A_292 = arith.mulf %get3A_291, %gather3A_267 : vector<16xf32>
        %swap3A_293 = arith.index_cast %scan3A_264 : i32 to index
        %swap3A_294 = arith.constant 48 : index
        %swap3A_295 = tpu.vector_load %arg14[%swap3A_293, %swap3A_294] {strides = array<i32>} : memref<80x64xf32, #tpu.memory_space<vmem>>, vector<16xf32>,
        tpu.vector_store %arg14[%swap3A_293, %swap3A_294], %mul3A_292 {strides = array<i32>} : memref<80x64xf32, #tpu.memory_space<vmem>>, vector<16xf32>,
        %scan3A_296 = arith.constant 3 : i32
        %scan3A_297 = arith.addi %scan3A_202, %scan3A_296 : i32
        %broadcast_in_dim3A_298 = vector.broadcast %add3A_105 : i32 to vector<16xi32>
        %broadcast_in_dim3A_299 = vector.broadcast %scan3A_297 : i32 to vector<16xi32>
        %gather3A_300 = tpu.vector_load_idx %arg13[%broadcast_in_dim3A_298, %broadcast_in_dim3A_299] : memref<126x80xf32, #tpu.memory_space<vmem>>[vector<16xi32>, vector<16xi32>], vector<16xf32>,
        %get3A_301 = arith.index_cast %scan3A_297 : i32 to index
        %get3A_302 = arith.constant 0 : index
        %get3A_303 = tpu.vector_load %arg14[%get3A_301, %get3A_302] {strides = array<i32>} : memref<80x64xf32, #tpu.memory_space<vmem>>, vector<16xf32>,
        %mul3A_304 = arith.mulf %get3A_303, %gather3A_300 : vector<16xf32>
        %swap3A_305 = arith.index_cast %scan3A_297 : i32 to index
        %swap3A_306 = arith.constant 0 : index
        %swap3A_307 = tpu.vector_load %arg14[%swap3A_305, %swap3A_306] {strides = array<i32>} : memref<80x64xf32, #tpu.memory_space<vmem>>, vector<16xf32>,
        tpu.vector_store %arg14[%swap3A_305, %swap3A_306], %mul3A_304 {strides = array<i32>} : memref<80x64xf32, #tpu.memory_space<vmem>>, vector<16xf32>,
        %get3A_308 = arith.index_cast %scan3A_297 : i32 to index
        %get3A_309 = arith.constant 16 : index
        %get3A_310 = tpu.vector_load %arg14[%get3A_308, %get3A_309] {strides = array<i32>} : memref<80x64xf32, #tpu.memory_space<vmem>>, vector<16xf32>,
        %mul3A_311 = arith.mulf %get3A_310, %gather3A_300 : vector<16xf32>
        %swap3A_312 = arith.index_cast %scan3A_297 : i32 to index
        %swap3A_313 = arith.constant 16 : index
        %swap3A_314 = tpu.vector_load %arg14[%swap3A_312, %swap3A_313] {strides = array<i32>} : memref<80x64xf32, #tpu.memory_space<vmem>>, vector<16xf32>,
        tpu.vector_store %arg14[%swap3A_312, %swap3A_313], %mul3A_311 {strides = array<i32>} : memref<80x64xf32, #tpu.memory_space<vmem>>, vector<16xf32>,
        %get3A_315 = arith.index_cast %scan3A_297 : i32 to index
        %get3A_316 = arith.constant 32 : index
        %get3A_317 = tpu.vector_load %arg14[%get3A_315, %get3A_316] {strides = array<i32>} : memref<80x64xf32, #tpu.memory_space<vmem>>, vector<16xf32>,
        %mul3A_318 = arith.mulf %get3A_317, %gather3A_300 : vector<16xf32>
        %swap3A_319 = arith.index_cast %scan3A_297 : i32 to index
        %swap3A_320 = arith.constant 32 : index
        %swap3A_321 = tpu.vector_load %arg14[%swap3A_319, %swap3A_320] {strides = array<i32>} : memref<80x64xf32, #tpu.memory_space<vmem>>, vector<16xf32>,
        tpu.vector_store %arg14[%swap3A_319, %swap3A_320], %mul3A_318 {strides = array<i32>} : memref<80x64xf32, #tpu.memory_space<vmem>>, vector<16xf32>,
        %get3A_322 = arith.index_cast %scan3A_297 : i32 to index
        %get3A_323 = arith.constant 48 : index
        %get3A_324 = tpu.vector_load %arg14[%get3A_322, %get3A_323] {strides = array<i32>} : memref<80x64xf32, #tpu.memory_space<vmem>>, vector<16xf32>,
        %mul3A_325 = arith.mulf %get3A_324, %gather3A_300 : vector<16xf32>
        %swap3A_326 = arith.index_cast %scan3A_297 : i32 to index
        %swap3A_327 = arith.constant 48 : index
        %swap3A_328 = tpu.vector_load %arg14[%swap3A_326, %swap3A_327] {strides = array<i32>} : memref<80x64xf32, #tpu.memory_space<vmem>>, vector<16xf32>,
        tpu.vector_store %arg14[%swap3A_326, %swap3A_327], %mul3A_325 {strides = array<i32>} : memref<80x64xf32, #tpu.memory_space<vmem>>, vector<16xf32>,
      }
      %scan3A_123 = arith.constant 80 : i32
      %dma_start3A_124 = arith.constant 0 : i32
      %dma_start3A_125 = tpu.memref_slice %arg12[%add3A_105, %dma_start3A_124] : memref<126x80xi32, #tpu.memory_space<vmem>> -> memref<1x80xi32, #tpu.memory_space<vmem>>
      %dma_start3A_126 = tpu.memref_squeeze %dma_start3A_125 : memref<1x80xi32, #tpu.memory_space<vmem>> -> memref<80xi32, #tpu.memory_space<vmem>>
      %dma_start3A_127 = arith.constant 0 : i32
      %dma_start3A_128 = arith.constant 0 : i32
      %dma_start3A_129 = tpu.memref_slice %arg19[%dma_start3A_127, %dma_start3A_128] : memref<10000x64xf32, #tpu.memory_space<vmem_shared>> -> memref<10000x64xf32, #tpu.memory_space<vmem_shared>>
      tpu.enqueue_indirect_dma source(%arg14 : memref<80x64xf32, #tpu.memory_space<vmem>>) target(%dma_start3A_129 : memref<10000x64xf32, #tpu.memory_space<vmem_shared>>) offsets(%dma_start3A_126 : memref<80xi32, #tpu.memory_space<vmem>>) semaphore(%arg23 : memref<!tpu.dma_semaphore, #tpu.memory_space<semaphore_mem>>) {add = true}
      %add3A_130 = arith.constant 2 : i32
      %add3A_131 = arith.addi %add3A_105, %add3A_130 : i32
      %lt3A = arith.constant 126 : i32
      %lt3A_132 = arith.cmpi slt, %add3A_131, %lt3A : i32
      %convert_element_type3A_133 = arith.extui %lt3A_132 : i1 to i32
      %cond3A_134 = arith.constant 0 : i32
      %cond3A_135 = arith.cmpi ne, %convert_element_type3A_133, %cond3A_134 : i32
      scf.if %cond3A_135 {
        %ge3A = arith.constant 1 : i32
        %ge3A_202 = arith.cmpi sge, %add3A_105, %ge3A : i32
        %convert_element_type3A_203 = arith.extui %ge3A_202 : i1 to i32
        %cond3A_204 = arith.constant 0 : i32
        %cond3A_205 = arith.cmpi ne, %convert_element_type3A_203, %cond3A_204 : i32
        scf.if %cond3A_205 {
          %dma_wait3A_214 = arith.constant 0 : i32
          %dma_wait3A_215 = arith.constant 0 : i32
          %dma_wait3A_216 = tpu.memref_slice %arg12[%dma_wait3A_214, %dma_wait3A_215] : memref<126x80xi32, #tpu.memory_space<vmem>> -> memref<1x80xi32, #tpu.memory_space<vmem>>
          %dma_wait3A_217 = tpu.memref_squeeze %dma_wait3A_216 : memref<1x80xi32, #tpu.memory_space<vmem>> -> memref<80xi32, #tpu.memory_space<vmem>>
          %dma_wait3A_218 = arith.constant 0 : i32
          %dma_wait3A_219 = arith.constant 0 : i32
          %dma_wait3A_220 = tpu.memref_slice %arg19[%dma_wait3A_218, %dma_wait3A_219] : memref<10000x64xf32, #tpu.memory_space<vmem_shared>> -> memref<10000x64xf32, #tpu.memory_space<vmem_shared>>
          tpu.wait_indirect_dma semaphore(%arg25 : memref<!tpu.dma_semaphore, #tpu.memory_space<semaphore_mem>>) src(%arg16 : memref<80x64xf32, #tpu.memory_space<vmem>>) dst(%dma_wait3A_220 : memref<10000x64xf32, #tpu.memory_space<vmem_shared>>)
        } else {
        }
        %add3A_206 = arith.constant 2 : i32
        %add3A_207 = arith.addi %add3A_105, %add3A_206 : i32
        %dma_start3A_208 = arith.constant 0 : i32
        %dma_start3A_209 = tpu.memref_slice %arg11[%add3A_207, %dma_start3A_208] : memref<126x80xi32, #tpu.memory_space<vmem>> -> memref<1x80xi32, #tpu.memory_space<vmem>>
        %dma_start3A_210 = tpu.memref_squeeze %dma_start3A_209 : memref<1x80xi32, #tpu.memory_space<vmem>> -> memref<80xi32, #tpu.memory_space<vmem>>
        %dma_start3A_211 = arith.constant 0 : i32
        %dma_start3A_212 = arith.constant 0 : i32
        %dma_start3A_213 = tpu.memref_slice %arg2[%dma_start3A_211, %dma_start3A_212] : memref<20000x64xf32, #tpu.memory_space<hbm>> -> memref<20000x64xf32, #tpu.memory_space<hbm>>
        tpu.enqueue_indirect_dma source(%dma_start3A_213 : memref<20000x64xf32, #tpu.memory_space<hbm>>) target(%arg16 : memref<80x64xf32, #tpu.memory_space<vmem>>) offsets(%dma_start3A_210 : memref<80xi32, #tpu.memory_space<vmem>>) semaphore(%arg22 : memref<!tpu.dma_semaphore, #tpu.memory_space<semaphore_mem>>)
      } else {
      }
      %add3A_136 = arith.constant 1 : i32
      %add3A_137 = arith.addi %mul3A_104, %add3A_136 : i32
      %dma_wait3A_138 = arith.constant 0 : i32
      %dma_wait3A_139 = arith.constant 0 : i32
      %dma_wait3A_140 = tpu.memref_slice %arg11[%dma_wait3A_138, %dma_wait3A_139] : memref<126x80xi32, #tpu.memory_space<vmem>> -> memref<1x80xi32, #tpu.memory_space<vmem>>
      %dma_wait3A_141 = tpu.memref_squeeze %dma_wait3A_140 : memref<1x80xi32, #tpu.memory_space<vmem>> -> memref<80xi32, #tpu.memory_space<vmem>>
      %dma_wait3A_142 = arith.constant 0 : i32
      %dma_wait3A_143 = arith.constant 0 : i32
      %dma_wait3A_144 = tpu.memref_slice %arg2[%dma_wait3A_142, %dma_wait3A_143] : memref<20000x64xf32, #tpu.memory_space<hbm>> -> memref<20000x64xf32, #tpu.memory_space<hbm>>
      tpu.wait_indirect_dma semaphore(%arg21 : memref<!tpu.dma_semaphore, #tpu.memory_space<semaphore_mem>>) src(%dma_wait3A_144 : memref<20000x64xf32, #tpu.memory_space<hbm>>) dst(%arg15 : memref<80x64xf32, #tpu.memory_space<vmem>>)
      %eq3A_145 = arith.constant 0 : i32
      %eq3A_146 = arith.cmpi eq, %arg0, %eq3A_145 : i32
      %convert_element_type3A_147 = arith.extui %eq3A_146 : i1 to i32
      %cond3A_148 = arith.constant 0 : i32
      %cond3A_149 = arith.cmpi ne, %convert_element_type3A_147, %cond3A_148 : i32
      scf.if %cond3A_149 {
        %get3A = arith.index_cast %add3A_137 : i32 to index
        %get3A_202 = arith.constant 0 : index
        %get3A_203 = tpu.vector_load %arg11[%get3A, %get3A_202] {strides = array<i32>} : memref<126x80xi32, #tpu.memory_space<vmem>>, vector<16xi32>,
        %get3A_204 = arith.index_cast %add3A_137 : i32 to index
        %get3A_205 = arith.constant 0 : index
        %get3A_206 = tpu.vector_load %arg12[%get3A_204, %get3A_205] {strides = array<i32>} : memref<126x80xi32, #tpu.memory_space<vmem>>, vector<16xi32>,
        %get3A_207 = arith.index_cast %add3A_137 : i32 to index
        %get3A_208 = arith.constant 0 : index
        %get3A_209 = tpu.vector_load %arg13[%get3A_207, %get3A_208] {strides = array<i32>} : memref<126x80xf32, #tpu.memory_space<vmem>>, vector<16xf32>,
        %gather3A = tpu.vector_load_idx %arg17[%get3A_203] : memref<10000xf32, #tpu.memory_space<vmem>>[vector<16xi32>], vector<16xf32>,
        %mul3A_210 = arith.mulf %get3A_209, %gather3A : vector<16xf32>
        %eq3A_211 = arith.constant 0 : i32
        %eq3A_212 = vector.broadcast %eq3A_211 : i32 to vector<16xi32>
        %eq3A_213 = arith.cmpi eq, %iota3A, %eq3A_212 : vector<16xi32>
        tpu.vector_store_idx %arg18[%get3A_206], %mul3A_210 masked %eq3A_213 {add = true} : memref<10240xf32, #tpu.memory_space<vmem>>[vector<16xi32>], vector<16xf32>, vector<16xi1>
        %eq3A_214 = arith.constant 1 : i32
        %eq3A_215 = vector.broadcast %eq3A_214 : i32 to vector<16xi32>
        %eq3A_216 = arith.cmpi eq, %iota3A, %eq3A_215 : vector<16xi32>
        tpu.vector_store_idx %arg18[%get3A_206], %mul3A_210 masked %eq3A_216 {add = true} : memref<10240xf32, #tpu.memory_space<vmem>>[vector<16xi32>], vector<16xf32>, vector<16xi1>
        %eq3A_217 = arith.constant 2 : i32
        %eq3A_218 = vector.broadcast %eq3A_217 : i32 to vector<16xi32>
        %eq3A_219 = arith.cmpi eq, %iota3A, %eq3A_218 : vector<16xi32>
        tpu.vector_store_idx %arg18[%get3A_206], %mul3A_210 masked %eq3A_219 {add = true} : memref<10240xf32, #tpu.memory_space<vmem>>[vector<16xi32>], vector<16xf32>, vector<16xi1>
        %eq3A_220 = arith.constant 3 : i32
        %eq3A_221 = vector.broadcast %eq3A_220 : i32 to vector<16xi32>
        %eq3A_222 = arith.cmpi eq, %iota3A, %eq3A_221 : vector<16xi32>
        tpu.vector_store_idx %arg18[%get3A_206], %mul3A_210 masked %eq3A_222 {add = true} : memref<10240xf32, #tpu.memory_space<vmem>>[vector<16xi32>], vector<16xf32>, vector<16xi1>
        %eq3A_223 = arith.constant 4 : i32
        %eq3A_224 = vector.broadcast %eq3A_223 : i32 to vector<16xi32>
        %eq3A_225 = arith.cmpi eq, %iota3A, %eq3A_224 : vector<16xi32>
        tpu.vector_store_idx %arg18[%get3A_206], %mul3A_210 masked %eq3A_225 {add = true} : memref<10240xf32, #tpu.memory_space<vmem>>[vector<16xi32>], vector<16xf32>, vector<16xi1>
        %eq3A_226 = arith.constant 5 : i32
        %eq3A_227 = vector.broadcast %eq3A_226 : i32 to vector<16xi32>
        %eq3A_228 = arith.cmpi eq, %iota3A, %eq3A_227 : vector<16xi32>
        tpu.vector_store_idx %arg18[%get3A_206], %mul3A_210 masked %eq3A_228 {add = true} : memref<10240xf32, #tpu.memory_space<vmem>>[vector<16xi32>], vector<16xf32>, vector<16xi1>
        %eq3A_229 = arith.constant 6 : i32
        %eq3A_230 = vector.broadcast %eq3A_229 : i32 to vector<16xi32>
        %eq3A_231 = arith.cmpi eq, %iota3A, %eq3A_230 : vector<16xi32>
        tpu.vector_store_idx %arg18[%get3A_206], %mul3A_210 masked %eq3A_231 {add = true} : memref<10240xf32, #tpu.memory_space<vmem>>[vector<16xi32>], vector<16xf32>, vector<16xi1>
        %eq3A_232 = arith.constant 7 : i32
        %eq3A_233 = vector.broadcast %eq3A_232 : i32 to vector<16xi32>
        %eq3A_234 = arith.cmpi eq, %iota3A, %eq3A_233 : vector<16xi32>
        tpu.vector_store_idx %arg18[%get3A_206], %mul3A_210 masked %eq3A_234 {add = true} : memref<10240xf32, #tpu.memory_space<vmem>>[vector<16xi32>], vector<16xf32>, vector<16xi1>
        %eq3A_235 = arith.constant 8 : i32
        %eq3A_236 = vector.broadcast %eq3A_235 : i32 to vector<16xi32>
        %eq3A_237 = arith.cmpi eq, %iota3A, %eq3A_236 : vector<16xi32>
        tpu.vector_store_idx %arg18[%get3A_206], %mul3A_210 masked %eq3A_237 {add = true} : memref<10240xf32, #tpu.memory_space<vmem>>[vector<16xi32>], vector<16xf32>, vector<16xi1>
        %eq3A_238 = arith.constant 9 : i32
        %eq3A_239 = vector.broadcast %eq3A_238 : i32 to vector<16xi32>
        %eq3A_240 = arith.cmpi eq, %iota3A, %eq3A_239 : vector<16xi32>
        tpu.vector_store_idx %arg18[%get3A_206], %mul3A_210 masked %eq3A_240 {add = true} : memref<10240xf32, #tpu.memory_space<vmem>>[vector<16xi32>], vector<16xf32>, vector<16xi1>
        %eq3A_241 = arith.constant 10 : i32
        %eq3A_242 = vector.broadcast %eq3A_241 : i32 to vector<16xi32>
        %eq3A_243 = arith.cmpi eq, %iota3A, %eq3A_242 : vector<16xi32>
        tpu.vector_store_idx %arg18[%get3A_206], %mul3A_210 masked %eq3A_243 {add = true} : memref<10240xf32, #tpu.memory_space<vmem>>[vector<16xi32>], vector<16xf32>, vector<16xi1>
        %eq3A_244 = arith.constant 11 : i32
        %eq3A_245 = vector.broadcast %eq3A_244 : i32 to vector<16xi32>
        %eq3A_246 = arith.cmpi eq, %iota3A, %eq3A_245 : vector<16xi32>
        tpu.vector_store_idx %arg18[%get3A_206], %mul3A_210 masked %eq3A_246 {add = true} : memref<10240xf32, #tpu.memory_space<vmem>>[vector<16xi32>], vector<16xf32>, vector<16xi1>
        %eq3A_247 = arith.constant 12 : i32
        %eq3A_248 = vector.broadcast %eq3A_247 : i32 to vector<16xi32>
        %eq3A_249 = arith.cmpi eq, %iota3A, %eq3A_248 : vector<16xi32>
        tpu.vector_store_idx %arg18[%get3A_206], %mul3A_210 masked %eq3A_249 {add = true} : memref<10240xf32, #tpu.memory_space<vmem>>[vector<16xi32>], vector<16xf32>, vector<16xi1>
        %eq3A_250 = arith.constant 13 : i32
        %eq3A_251 = vector.broadcast %eq3A_250 : i32 to vector<16xi32>
        %eq3A_252 = arith.cmpi eq, %iota3A, %eq3A_251 : vector<16xi32>
        tpu.vector_store_idx %arg18[%get3A_206], %mul3A_210 masked %eq3A_252 {add = true} : memref<10240xf32, #tpu.memory_space<vmem>>[vector<16xi32>], vector<16xf32>, vector<16xi1>
        %eq3A_253 = arith.constant 14 : i32
        %eq3A_254 = vector.broadcast %eq3A_253 : i32 to vector<16xi32>
        %eq3A_255 = arith.cmpi eq, %iota3A, %eq3A_254 : vector<16xi32>
        tpu.vector_store_idx %arg18[%get3A_206], %mul3A_210 masked %eq3A_255 {add = true} : memref<10240xf32, #tpu.memory_space<vmem>>[vector<16xi32>], vector<16xf32>, vector<16xi1>
        %eq3A_256 = arith.constant 15 : i32
        %eq3A_257 = vector.broadcast %eq3A_256 : i32 to vector<16xi32>
        %eq3A_258 = arith.cmpi eq, %iota3A, %eq3A_257 : vector<16xi32>
        tpu.vector_store_idx %arg18[%get3A_206], %mul3A_210 masked %eq3A_258 {add = true} : memref<10240xf32, #tpu.memory_space<vmem>>[vector<16xi32>], vector<16xf32>, vector<16xi1>
        %get3A_259 = arith.index_cast %add3A_137 : i32 to index
        %get3A_260 = arith.constant 16 : index
        %get3A_261 = tpu.vector_load %arg11[%get3A_259, %get3A_260] {strides = array<i32>} : memref<126x80xi32, #tpu.memory_space<vmem>>, vector<16xi32>,
        %get3A_262 = arith.index_cast %add3A_137 : i32 to index
        %get3A_263 = arith.constant 16 : index
        %get3A_264 = tpu.vector_load %arg12[%get3A_262, %get3A_263] {strides = array<i32>} : memref<126x80xi32, #tpu.memory_space<vmem>>, vector<16xi32>,
        %get3A_265 = arith.index_cast %add3A_137 : i32 to index
        %get3A_266 = arith.constant 16 : index
        %get3A_267 = tpu.vector_load %arg13[%get3A_265, %get3A_266] {strides = array<i32>} : memref<126x80xf32, #tpu.memory_space<vmem>>, vector<16xf32>,
        %gather3A_268 = tpu.vector_load_idx %arg17[%get3A_261] : memref<10000xf32, #tpu.memory_space<vmem>>[vector<16xi32>], vector<16xf32>,
        %mul3A_269 = arith.mulf %get3A_267, %gather3A_268 : vector<16xf32>
        %eq3A_270 = arith.constant 0 : i32
        %eq3A_271 = vector.broadcast %eq3A_270 : i32 to vector<16xi32>
        %eq3A_272 = arith.cmpi eq, %iota3A, %eq3A_271 : vector<16xi32>
        tpu.vector_store_idx %arg18[%get3A_264], %mul3A_269 masked %eq3A_272 {add = true} : memref<10240xf32, #tpu.memory_space<vmem>>[vector<16xi32>], vector<16xf32>, vector<16xi1>
        %eq3A_273 = arith.constant 1 : i32
        %eq3A_274 = vector.broadcast %eq3A_273 : i32 to vector<16xi32>
        %eq3A_275 = arith.cmpi eq, %iota3A, %eq3A_274 : vector<16xi32>
        tpu.vector_store_idx %arg18[%get3A_264], %mul3A_269 masked %eq3A_275 {add = true} : memref<10240xf32, #tpu.memory_space<vmem>>[vector<16xi32>], vector<16xf32>, vector<16xi1>
        %eq3A_276 = arith.constant 2 : i32
        %eq3A_277 = vector.broadcast %eq3A_276 : i32 to vector<16xi32>
        %eq3A_278 = arith.cmpi eq, %iota3A, %eq3A_277 : vector<16xi32>
        tpu.vector_store_idx %arg18[%get3A_264], %mul3A_269 masked %eq3A_278 {add = true} : memref<10240xf32, #tpu.memory_space<vmem>>[vector<16xi32>], vector<16xf32>, vector<16xi1>
        %eq3A_279 = arith.constant 3 : i32
        %eq3A_280 = vector.broadcast %eq3A_279 : i32 to vector<16xi32>
        %eq3A_281 = arith.cmpi eq, %iota3A, %eq3A_280 : vector<16xi32>
        tpu.vector_store_idx %arg18[%get3A_264], %mul3A_269 masked %eq3A_281 {add = true} : memref<10240xf32, #tpu.memory_space<vmem>>[vector<16xi32>], vector<16xf32>, vector<16xi1>
        %eq3A_282 = arith.constant 4 : i32
        %eq3A_283 = vector.broadcast %eq3A_282 : i32 to vector<16xi32>
        %eq3A_284 = arith.cmpi eq, %iota3A, %eq3A_283 : vector<16xi32>
        tpu.vector_store_idx %arg18[%get3A_264], %mul3A_269 masked %eq3A_284 {add = true} : memref<10240xf32, #tpu.memory_space<vmem>>[vector<16xi32>], vector<16xf32>, vector<16xi1>
        %eq3A_285 = arith.constant 5 : i32
        %eq3A_286 = vector.broadcast %eq3A_285 : i32 to vector<16xi32>
        %eq3A_287 = arith.cmpi eq, %iota3A, %eq3A_286 : vector<16xi32>
        tpu.vector_store_idx %arg18[%get3A_264], %mul3A_269 masked %eq3A_287 {add = true} : memref<10240xf32, #tpu.memory_space<vmem>>[vector<16xi32>], vector<16xf32>, vector<16xi1>
        %eq3A_288 = arith.constant 6 : i32
        %eq3A_289 = vector.broadcast %eq3A_288 : i32 to vector<16xi32>
        %eq3A_290 = arith.cmpi eq, %iota3A, %eq3A_289 : vector<16xi32>
        tpu.vector_store_idx %arg18[%get3A_264], %mul3A_269 masked %eq3A_290 {add = true} : memref<10240xf32, #tpu.memory_space<vmem>>[vector<16xi32>], vector<16xf32>, vector<16xi1>
        %eq3A_291 = arith.constant 7 : i32
        %eq3A_292 = vector.broadcast %eq3A_291 : i32 to vector<16xi32>
        %eq3A_293 = arith.cmpi eq, %iota3A, %eq3A_292 : vector<16xi32>
        tpu.vector_store_idx %arg18[%get3A_264], %mul3A_269 masked %eq3A_293 {add = true} : memref<10240xf32, #tpu.memory_space<vmem>>[vector<16xi32>], vector<16xf32>, vector<16xi1>
        %eq3A_294 = arith.constant 8 : i32
        %eq3A_295 = vector.broadcast %eq3A_294 : i32 to vector<16xi32>
        %eq3A_296 = arith.cmpi eq, %iota3A, %eq3A_295 : vector<16xi32>
        tpu.vector_store_idx %arg18[%get3A_264], %mul3A_269 masked %eq3A_296 {add = true} : memref<10240xf32, #tpu.memory_space<vmem>>[vector<16xi32>], vector<16xf32>, vector<16xi1>
        %eq3A_297 = arith.constant 9 : i32
        %eq3A_298 = vector.broadcast %eq3A_297 : i32 to vector<16xi32>
        %eq3A_299 = arith.cmpi eq, %iota3A, %eq3A_298 : vector<16xi32>
        tpu.vector_store_idx %arg18[%get3A_264], %mul3A_269 masked %eq3A_299 {add = true} : memref<10240xf32, #tpu.memory_space<vmem>>[vector<16xi32>], vector<16xf32>, vector<16xi1>
        %eq3A_300 = arith.constant 10 : i32
        %eq3A_301 = vector.broadcast %eq3A_300 : i32 to vector<16xi32>
        %eq3A_302 = arith.cmpi eq, %iota3A, %eq3A_301 : vector<16xi32>
        tpu.vector_store_idx %arg18[%get3A_264], %mul3A_269 masked %eq3A_302 {add = true} : memref<10240xf32, #tpu.memory_space<vmem>>[vector<16xi32>], vector<16xf32>, vector<16xi1>
        %eq3A_303 = arith.constant 11 : i32
        %eq3A_304 = vector.broadcast %eq3A_303 : i32 to vector<16xi32>
        %eq3A_305 = arith.cmpi eq, %iota3A, %eq3A_304 : vector<16xi32>
        tpu.vector_store_idx %arg18[%get3A_264], %mul3A_269 masked %eq3A_305 {add = true} : memref<10240xf32, #tpu.memory_space<vmem>>[vector<16xi32>], vector<16xf32>, vector<16xi1>
        %eq3A_306 = arith.constant 12 : i32
        %eq3A_307 = vector.broadcast %eq3A_306 : i32 to vector<16xi32>
        %eq3A_308 = arith.cmpi eq, %iota3A, %eq3A_307 : vector<16xi32>
        tpu.vector_store_idx %arg18[%get3A_264], %mul3A_269 masked %eq3A_308 {add = true} : memref<10240xf32, #tpu.memory_space<vmem>>[vector<16xi32>], vector<16xf32>, vector<16xi1>
        %eq3A_309 = arith.constant 13 : i32
        %eq3A_310 = vector.broadcast %eq3A_309 : i32 to vector<16xi32>
        %eq3A_311 = arith.cmpi eq, %iota3A, %eq3A_310 : vector<16xi32>
        tpu.vector_store_idx %arg18[%get3A_264], %mul3A_269 masked %eq3A_311 {add = true} : memref<10240xf32, #tpu.memory_space<vmem>>[vector<16xi32>], vector<16xf32>, vector<16xi1>
        %eq3A_312 = arith.constant 14 : i32
        %eq3A_313 = vector.broadcast %eq3A_312 : i32 to vector<16xi32>
        %eq3A_314 = arith.cmpi eq, %iota3A, %eq3A_313 : vector<16xi32>
        tpu.vector_store_idx %arg18[%get3A_264], %mul3A_269 masked %eq3A_314 {add = true} : memref<10240xf32, #tpu.memory_space<vmem>>[vector<16xi32>], vector<16xf32>, vector<16xi1>
        %eq3A_315 = arith.constant 15 : i32
        %eq3A_316 = vector.broadcast %eq3A_315 : i32 to vector<16xi32>
        %eq3A_317 = arith.cmpi eq, %iota3A, %eq3A_316 : vector<16xi32>
        tpu.vector_store_idx %arg18[%get3A_264], %mul3A_269 masked %eq3A_317 {add = true} : memref<10240xf32, #tpu.memory_space<vmem>>[vector<16xi32>], vector<16xf32>, vector<16xi1>
        %get3A_318 = arith.index_cast %add3A_137 : i32 to index
        %get3A_319 = arith.constant 32 : index
        %get3A_320 = tpu.vector_load %arg11[%get3A_318, %get3A_319] {strides = array<i32>} : memref<126x80xi32, #tpu.memory_space<vmem>>, vector<16xi32>,
        %get3A_321 = arith.index_cast %add3A_137 : i32 to index
        %get3A_322 = arith.constant 32 : index
        %get3A_323 = tpu.vector_load %arg12[%get3A_321, %get3A_322] {strides = array<i32>} : memref<126x80xi32, #tpu.memory_space<vmem>>, vector<16xi32>,
        %get3A_324 = arith.index_cast %add3A_137 : i32 to index
        %get3A_325 = arith.constant 32 : index
        %get3A_326 = tpu.vector_load %arg13[%get3A_324, %get3A_325] {strides = array<i32>} : memref<126x80xf32, #tpu.memory_space<vmem>>, vector<16xf32>,
        %gather3A_327 = tpu.vector_load_idx %arg17[%get3A_320] : memref<10000xf32, #tpu.memory_space<vmem>>[vector<16xi32>], vector<16xf32>,
        %mul3A_328 = arith.mulf %get3A_326, %gather3A_327 : vector<16xf32>
        %eq3A_329 = arith.constant 0 : i32
        %eq3A_330 = vector.broadcast %eq3A_329 : i32 to vector<16xi32>
        %eq3A_331 = arith.cmpi eq, %iota3A, %eq3A_330 : vector<16xi32>
        tpu.vector_store_idx %arg18[%get3A_323], %mul3A_328 masked %eq3A_331 {add = true} : memref<10240xf32, #tpu.memory_space<vmem>>[vector<16xi32>], vector<16xf32>, vector<16xi1>
        %eq3A_332 = arith.constant 1 : i32
        %eq3A_333 = vector.broadcast %eq3A_332 : i32 to vector<16xi32>
        %eq3A_334 = arith.cmpi eq, %iota3A, %eq3A_333 : vector<16xi32>
        tpu.vector_store_idx %arg18[%get3A_323], %mul3A_328 masked %eq3A_334 {add = true} : memref<10240xf32, #tpu.memory_space<vmem>>[vector<16xi32>], vector<16xf32>, vector<16xi1>
        %eq3A_335 = arith.constant 2 : i32
        %eq3A_336 = vector.broadcast %eq3A_335 : i32 to vector<16xi32>
        %eq3A_337 = arith.cmpi eq, %iota3A, %eq3A_336 : vector<16xi32>
        tpu.vector_store_idx %arg18[%get3A_323], %mul3A_328 masked %eq3A_337 {add = true} : memref<10240xf32, #tpu.memory_space<vmem>>[vector<16xi32>], vector<16xf32>, vector<16xi1>
        %eq3A_338 = arith.constant 3 : i32
        %eq3A_339 = vector.broadcast %eq3A_338 : i32 to vector<16xi32>
        %eq3A_340 = arith.cmpi eq, %iota3A, %eq3A_339 : vector<16xi32>
        tpu.vector_store_idx %arg18[%get3A_323], %mul3A_328 masked %eq3A_340 {add = true} : memref<10240xf32, #tpu.memory_space<vmem>>[vector<16xi32>], vector<16xf32>, vector<16xi1>
        %eq3A_341 = arith.constant 4 : i32
        %eq3A_342 = vector.broadcast %eq3A_341 : i32 to vector<16xi32>
        %eq3A_343 = arith.cmpi eq, %iota3A, %eq3A_342 : vector<16xi32>
        tpu.vector_store_idx %arg18[%get3A_323], %mul3A_328 masked %eq3A_343 {add = true} : memref<10240xf32, #tpu.memory_space<vmem>>[vector<16xi32>], vector<16xf32>, vector<16xi1>
        %eq3A_344 = arith.constant 5 : i32
        %eq3A_345 = vector.broadcast %eq3A_344 : i32 to vector<16xi32>
        %eq3A_346 = arith.cmpi eq, %iota3A, %eq3A_345 : vector<16xi32>
        tpu.vector_store_idx %arg18[%get3A_323], %mul3A_328 masked %eq3A_346 {add = true} : memref<10240xf32, #tpu.memory_space<vmem>>[vector<16xi32>], vector<16xf32>, vector<16xi1>
        %eq3A_347 = arith.constant 6 : i32
        %eq3A_348 = vector.broadcast %eq3A_347 : i32 to vector<16xi32>
        %eq3A_349 = arith.cmpi eq, %iota3A, %eq3A_348 : vector<16xi32>
        tpu.vector_store_idx %arg18[%get3A_323], %mul3A_328 masked %eq3A_349 {add = true} : memref<10240xf32, #tpu.memory_space<vmem>>[vector<16xi32>], vector<16xf32>, vector<16xi1>
        %eq3A_350 = arith.constant 7 : i32
        %eq3A_351 = vector.broadcast %eq3A_350 : i32 to vector<16xi32>
        %eq3A_352 = arith.cmpi eq, %iota3A, %eq3A_351 : vector<16xi32>
        tpu.vector_store_idx %arg18[%get3A_323], %mul3A_328 masked %eq3A_352 {add = true} : memref<10240xf32, #tpu.memory_space<vmem>>[vector<16xi32>], vector<16xf32>, vector<16xi1>
        %eq3A_353 = arith.constant 8 : i32
        %eq3A_354 = vector.broadcast %eq3A_353 : i32 to vector<16xi32>
        %eq3A_355 = arith.cmpi eq, %iota3A, %eq3A_354 : vector<16xi32>
        tpu.vector_store_idx %arg18[%get3A_323], %mul3A_328 masked %eq3A_355 {add = true} : memref<10240xf32, #tpu.memory_space<vmem>>[vector<16xi32>], vector<16xf32>, vector<16xi1>
        %eq3A_356 = arith.constant 9 : i32
        %eq3A_357 = vector.broadcast %eq3A_356 : i32 to vector<16xi32>
        %eq3A_358 = arith.cmpi eq, %iota3A, %eq3A_357 : vector<16xi32>
        tpu.vector_store_idx %arg18[%get3A_323], %mul3A_328 masked %eq3A_358 {add = true} : memref<10240xf32, #tpu.memory_space<vmem>>[vector<16xi32>], vector<16xf32>, vector<16xi1>
        %eq3A_359 = arith.constant 10 : i32
        %eq3A_360 = vector.broadcast %eq3A_359 : i32 to vector<16xi32>
        %eq3A_361 = arith.cmpi eq, %iota3A, %eq3A_360 : vector<16xi32>
        tpu.vector_store_idx %arg18[%get3A_323], %mul3A_328 masked %eq3A_361 {add = true} : memref<10240xf32, #tpu.memory_space<vmem>>[vector<16xi32>], vector<16xf32>, vector<16xi1>
        %eq3A_362 = arith.constant 11 : i32
        %eq3A_363 = vector.broadcast %eq3A_362 : i32 to vector<16xi32>
        %eq3A_364 = arith.cmpi eq, %iota3A, %eq3A_363 : vector<16xi32>
        tpu.vector_store_idx %arg18[%get3A_323], %mul3A_328 masked %eq3A_364 {add = true} : memref<10240xf32, #tpu.memory_space<vmem>>[vector<16xi32>], vector<16xf32>, vector<16xi1>
        %eq3A_365 = arith.constant 12 : i32
        %eq3A_366 = vector.broadcast %eq3A_365 : i32 to vector<16xi32>
        %eq3A_367 = arith.cmpi eq, %iota3A, %eq3A_366 : vector<16xi32>
        tpu.vector_store_idx %arg18[%get3A_323], %mul3A_328 masked %eq3A_367 {add = true} : memref<10240xf32, #tpu.memory_space<vmem>>[vector<16xi32>], vector<16xf32>, vector<16xi1>
        %eq3A_368 = arith.constant 13 : i32
        %eq3A_369 = vector.broadcast %eq3A_368 : i32 to vector<16xi32>
        %eq3A_370 = arith.cmpi eq, %iota3A, %eq3A_369 : vector<16xi32>
        tpu.vector_store_idx %arg18[%get3A_323], %mul3A_328 masked %eq3A_370 {add = true} : memref<10240xf32, #tpu.memory_space<vmem>>[vector<16xi32>], vector<16xf32>, vector<16xi1>
        %eq3A_371 = arith.constant 14 : i32
        %eq3A_372 = vector.broadcast %eq3A_371 : i32 to vector<16xi32>
        %eq3A_373 = arith.cmpi eq, %iota3A, %eq3A_372 : vector<16xi32>
        tpu.vector_store_idx %arg18[%get3A_323], %mul3A_328 masked %eq3A_373 {add = true} : memref<10240xf32, #tpu.memory_space<vmem>>[vector<16xi32>], vector<16xf32>, vector<16xi1>
        %eq3A_374 = arith.constant 15 : i32
        %eq3A_375 = vector.broadcast %eq3A_374 : i32 to vector<16xi32>
        %eq3A_376 = arith.cmpi eq, %iota3A, %eq3A_375 : vector<16xi32>
        tpu.vector_store_idx %arg18[%get3A_323], %mul3A_328 masked %eq3A_376 {add = true} : memref<10240xf32, #tpu.memory_space<vmem>>[vector<16xi32>], vector<16xf32>, vector<16xi1>
        %get3A_377 = arith.index_cast %add3A_137 : i32 to index
        %get3A_378 = arith.constant 48 : index
        %get3A_379 = tpu.vector_load %arg11[%get3A_377, %get3A_378] {strides = array<i32>} : memref<126x80xi32, #tpu.memory_space<vmem>>, vector<16xi32>,
        %get3A_380 = arith.index_cast %add3A_137 : i32 to index
        %get3A_381 = arith.constant 48 : index
        %get3A_382 = tpu.vector_load %arg12[%get3A_380, %get3A_381] {strides = array<i32>} : memref<126x80xi32, #tpu.memory_space<vmem>>, vector<16xi32>,
        %get3A_383 = arith.index_cast %add3A_137 : i32 to index
        %get3A_384 = arith.constant 48 : index
        %get3A_385 = tpu.vector_load %arg13[%get3A_383, %get3A_384] {strides = array<i32>} : memref<126x80xf32, #tpu.memory_space<vmem>>, vector<16xf32>,
        %gather3A_386 = tpu.vector_load_idx %arg17[%get3A_379] : memref<10000xf32, #tpu.memory_space<vmem>>[vector<16xi32>], vector<16xf32>,
        %mul3A_387 = arith.mulf %get3A_385, %gather3A_386 : vector<16xf32>
        %eq3A_388 = arith.constant 0 : i32
        %eq3A_389 = vector.broadcast %eq3A_388 : i32 to vector<16xi32>
        %eq3A_390 = arith.cmpi eq, %iota3A, %eq3A_389 : vector<16xi32>
        tpu.vector_store_idx %arg18[%get3A_382], %mul3A_387 masked %eq3A_390 {add = true} : memref<10240xf32, #tpu.memory_space<vmem>>[vector<16xi32>], vector<16xf32>, vector<16xi1>
        %eq3A_391 = arith.constant 1 : i32
        %eq3A_392 = vector.broadcast %eq3A_391 : i32 to vector<16xi32>
        %eq3A_393 = arith.cmpi eq, %iota3A, %eq3A_392 : vector<16xi32>
        tpu.vector_store_idx %arg18[%get3A_382], %mul3A_387 masked %eq3A_393 {add = true} : memref<10240xf32, #tpu.memory_space<vmem>>[vector<16xi32>], vector<16xf32>, vector<16xi1>
        %eq3A_394 = arith.constant 2 : i32
        %eq3A_395 = vector.broadcast %eq3A_394 : i32 to vector<16xi32>
        %eq3A_396 = arith.cmpi eq, %iota3A, %eq3A_395 : vector<16xi32>
        tpu.vector_store_idx %arg18[%get3A_382], %mul3A_387 masked %eq3A_396 {add = true} : memref<10240xf32, #tpu.memory_space<vmem>>[vector<16xi32>], vector<16xf32>, vector<16xi1>
        %eq3A_397 = arith.constant 3 : i32
        %eq3A_398 = vector.broadcast %eq3A_397 : i32 to vector<16xi32>
        %eq3A_399 = arith.cmpi eq, %iota3A, %eq3A_398 : vector<16xi32>
        tpu.vector_store_idx %arg18[%get3A_382], %mul3A_387 masked %eq3A_399 {add = true} : memref<10240xf32, #tpu.memory_space<vmem>>[vector<16xi32>], vector<16xf32>, vector<16xi1>
        %eq3A_400 = arith.constant 4 : i32
        %eq3A_401 = vector.broadcast %eq3A_400 : i32 to vector<16xi32>
        %eq3A_402 = arith.cmpi eq, %iota3A, %eq3A_401 : vector<16xi32>
        tpu.vector_store_idx %arg18[%get3A_382], %mul3A_387 masked %eq3A_402 {add = true} : memref<10240xf32, #tpu.memory_space<vmem>>[vector<16xi32>], vector<16xf32>, vector<16xi1>
        %eq3A_403 = arith.constant 5 : i32
        %eq3A_404 = vector.broadcast %eq3A_403 : i32 to vector<16xi32>
        %eq3A_405 = arith.cmpi eq, %iota3A, %eq3A_404 : vector<16xi32>
        tpu.vector_store_idx %arg18[%get3A_382], %mul3A_387 masked %eq3A_405 {add = true} : memref<10240xf32, #tpu.memory_space<vmem>>[vector<16xi32>], vector<16xf32>, vector<16xi1>
        %eq3A_406 = arith.constant 6 : i32
        %eq3A_407 = vector.broadcast %eq3A_406 : i32 to vector<16xi32>
        %eq3A_408 = arith.cmpi eq, %iota3A, %eq3A_407 : vector<16xi32>
        tpu.vector_store_idx %arg18[%get3A_382], %mul3A_387 masked %eq3A_408 {add = true} : memref<10240xf32, #tpu.memory_space<vmem>>[vector<16xi32>], vector<16xf32>, vector<16xi1>
        %eq3A_409 = arith.constant 7 : i32
        %eq3A_410 = vector.broadcast %eq3A_409 : i32 to vector<16xi32>
        %eq3A_411 = arith.cmpi eq, %iota3A, %eq3A_410 : vector<16xi32>
        tpu.vector_store_idx %arg18[%get3A_382], %mul3A_387 masked %eq3A_411 {add = true} : memref<10240xf32, #tpu.memory_space<vmem>>[vector<16xi32>], vector<16xf32>, vector<16xi1>
        %eq3A_412 = arith.constant 8 : i32
        %eq3A_413 = vector.broadcast %eq3A_412 : i32 to vector<16xi32>
        %eq3A_414 = arith.cmpi eq, %iota3A, %eq3A_413 : vector<16xi32>
        tpu.vector_store_idx %arg18[%get3A_382], %mul3A_387 masked %eq3A_414 {add = true} : memref<10240xf32, #tpu.memory_space<vmem>>[vector<16xi32>], vector<16xf32>, vector<16xi1>
        %eq3A_415 = arith.constant 9 : i32
        %eq3A_416 = vector.broadcast %eq3A_415 : i32 to vector<16xi32>
        %eq3A_417 = arith.cmpi eq, %iota3A, %eq3A_416 : vector<16xi32>
        tpu.vector_store_idx %arg18[%get3A_382], %mul3A_387 masked %eq3A_417 {add = true} : memref<10240xf32, #tpu.memory_space<vmem>>[vector<16xi32>], vector<16xf32>, vector<16xi1>
        %eq3A_418 = arith.constant 10 : i32
        %eq3A_419 = vector.broadcast %eq3A_418 : i32 to vector<16xi32>
        %eq3A_420 = arith.cmpi eq, %iota3A, %eq3A_419 : vector<16xi32>
        tpu.vector_store_idx %arg18[%get3A_382], %mul3A_387 masked %eq3A_420 {add = true} : memref<10240xf32, #tpu.memory_space<vmem>>[vector<16xi32>], vector<16xf32>, vector<16xi1>
        %eq3A_421 = arith.constant 11 : i32
        %eq3A_422 = vector.broadcast %eq3A_421 : i32 to vector<16xi32>
        %eq3A_423 = arith.cmpi eq, %iota3A, %eq3A_422 : vector<16xi32>
        tpu.vector_store_idx %arg18[%get3A_382], %mul3A_387 masked %eq3A_423 {add = true} : memref<10240xf32, #tpu.memory_space<vmem>>[vector<16xi32>], vector<16xf32>, vector<16xi1>
        %eq3A_424 = arith.constant 12 : i32
        %eq3A_425 = vector.broadcast %eq3A_424 : i32 to vector<16xi32>
        %eq3A_426 = arith.cmpi eq, %iota3A, %eq3A_425 : vector<16xi32>
        tpu.vector_store_idx %arg18[%get3A_382], %mul3A_387 masked %eq3A_426 {add = true} : memref<10240xf32, #tpu.memory_space<vmem>>[vector<16xi32>], vector<16xf32>, vector<16xi1>
        %eq3A_427 = arith.constant 13 : i32
        %eq3A_428 = vector.broadcast %eq3A_427 : i32 to vector<16xi32>
        %eq3A_429 = arith.cmpi eq, %iota3A, %eq3A_428 : vector<16xi32>
        tpu.vector_store_idx %arg18[%get3A_382], %mul3A_387 masked %eq3A_429 {add = true} : memref<10240xf32, #tpu.memory_space<vmem>>[vector<16xi32>], vector<16xf32>, vector<16xi1>
        %eq3A_430 = arith.constant 14 : i32
        %eq3A_431 = vector.broadcast %eq3A_430 : i32 to vector<16xi32>
        %eq3A_432 = arith.cmpi eq, %iota3A, %eq3A_431 : vector<16xi32>
        tpu.vector_store_idx %arg18[%get3A_382], %mul3A_387 masked %eq3A_432 {add = true} : memref<10240xf32, #tpu.memory_space<vmem>>[vector<16xi32>], vector<16xf32>, vector<16xi1>
        %eq3A_433 = arith.constant 15 : i32
        %eq3A_434 = vector.broadcast %eq3A_433 : i32 to vector<16xi32>
        %eq3A_435 = arith.cmpi eq, %iota3A, %eq3A_434 : vector<16xi32>
        tpu.vector_store_idx %arg18[%get3A_382], %mul3A_387 masked %eq3A_435 {add = true} : memref<10240xf32, #tpu.memory_space<vmem>>[vector<16xi32>], vector<16xf32>, vector<16xi1>
        %get3A_436 = arith.index_cast %add3A_137 : i32 to index
        %get3A_437 = arith.constant 64 : index
        %get3A_438 = tpu.vector_load %arg11[%get3A_436, %get3A_437] {strides = array<i32>} : memref<126x80xi32, #tpu.memory_space<vmem>>, vector<16xi32>,
        %get3A_439 = arith.index_cast %add3A_137 : i32 to index
        %get3A_440 = arith.constant 64 : index
        %get3A_441 = tpu.vector_load %arg12[%get3A_439, %get3A_440] {strides = array<i32>} : memref<126x80xi32, #tpu.memory_space<vmem>>, vector<16xi32>,
        %get3A_442 = arith.index_cast %add3A_137 : i32 to index
        %get3A_443 = arith.constant 64 : index
        %get3A_444 = tpu.vector_load %arg13[%get3A_442, %get3A_443] {strides = array<i32>} : memref<126x80xf32, #tpu.memory_space<vmem>>, vector<16xf32>,
        %gather3A_445 = tpu.vector_load_idx %arg17[%get3A_438] : memref<10000xf32, #tpu.memory_space<vmem>>[vector<16xi32>], vector<16xf32>,
        %mul3A_446 = arith.mulf %get3A_444, %gather3A_445 : vector<16xf32>
        %eq3A_447 = arith.constant 0 : i32
        %eq3A_448 = vector.broadcast %eq3A_447 : i32 to vector<16xi32>
        %eq3A_449 = arith.cmpi eq, %iota3A, %eq3A_448 : vector<16xi32>
        tpu.vector_store_idx %arg18[%get3A_441], %mul3A_446 masked %eq3A_449 {add = true} : memref<10240xf32, #tpu.memory_space<vmem>>[vector<16xi32>], vector<16xf32>, vector<16xi1>
        %eq3A_450 = arith.constant 1 : i32
        %eq3A_451 = vector.broadcast %eq3A_450 : i32 to vector<16xi32>
        %eq3A_452 = arith.cmpi eq, %iota3A, %eq3A_451 : vector<16xi32>
        tpu.vector_store_idx %arg18[%get3A_441], %mul3A_446 masked %eq3A_452 {add = true} : memref<10240xf32, #tpu.memory_space<vmem>>[vector<16xi32>], vector<16xf32>, vector<16xi1>
        %eq3A_453 = arith.constant 2 : i32
        %eq3A_454 = vector.broadcast %eq3A_453 : i32 to vector<16xi32>
        %eq3A_455 = arith.cmpi eq, %iota3A, %eq3A_454 : vector<16xi32>
        tpu.vector_store_idx %arg18[%get3A_441], %mul3A_446 masked %eq3A_455 {add = true} : memref<10240xf32, #tpu.memory_space<vmem>>[vector<16xi32>], vector<16xf32>, vector<16xi1>
        %eq3A_456 = arith.constant 3 : i32
        %eq3A_457 = vector.broadcast %eq3A_456 : i32 to vector<16xi32>
        %eq3A_458 = arith.cmpi eq, %iota3A, %eq3A_457 : vector<16xi32>
        tpu.vector_store_idx %arg18[%get3A_441], %mul3A_446 masked %eq3A_458 {add = true} : memref<10240xf32, #tpu.memory_space<vmem>>[vector<16xi32>], vector<16xf32>, vector<16xi1>
        %eq3A_459 = arith.constant 4 : i32
        %eq3A_460 = vector.broadcast %eq3A_459 : i32 to vector<16xi32>
        %eq3A_461 = arith.cmpi eq, %iota3A, %eq3A_460 : vector<16xi32>
        tpu.vector_store_idx %arg18[%get3A_441], %mul3A_446 masked %eq3A_461 {add = true} : memref<10240xf32, #tpu.memory_space<vmem>>[vector<16xi32>], vector<16xf32>, vector<16xi1>
        %eq3A_462 = arith.constant 5 : i32
        %eq3A_463 = vector.broadcast %eq3A_462 : i32 to vector<16xi32>
        %eq3A_464 = arith.cmpi eq, %iota3A, %eq3A_463 : vector<16xi32>
        tpu.vector_store_idx %arg18[%get3A_441], %mul3A_446 masked %eq3A_464 {add = true} : memref<10240xf32, #tpu.memory_space<vmem>>[vector<16xi32>], vector<16xf32>, vector<16xi1>
        %eq3A_465 = arith.constant 6 : i32
        %eq3A_466 = vector.broadcast %eq3A_465 : i32 to vector<16xi32>
        %eq3A_467 = arith.cmpi eq, %iota3A, %eq3A_466 : vector<16xi32>
        tpu.vector_store_idx %arg18[%get3A_441], %mul3A_446 masked %eq3A_467 {add = true} : memref<10240xf32, #tpu.memory_space<vmem>>[vector<16xi32>], vector<16xf32>, vector<16xi1>
        %eq3A_468 = arith.constant 7 : i32
        %eq3A_469 = vector.broadcast %eq3A_468 : i32 to vector<16xi32>
        %eq3A_470 = arith.cmpi eq, %iota3A, %eq3A_469 : vector<16xi32>
        tpu.vector_store_idx %arg18[%get3A_441], %mul3A_446 masked %eq3A_470 {add = true} : memref<10240xf32, #tpu.memory_space<vmem>>[vector<16xi32>], vector<16xf32>, vector<16xi1>
        %eq3A_471 = arith.constant 8 : i32
        %eq3A_472 = vector.broadcast %eq3A_471 : i32 to vector<16xi32>
        %eq3A_473 = arith.cmpi eq, %iota3A, %eq3A_472 : vector<16xi32>
        tpu.vector_store_idx %arg18[%get3A_441], %mul3A_446 masked %eq3A_473 {add = true} : memref<10240xf32, #tpu.memory_space<vmem>>[vector<16xi32>], vector<16xf32>, vector<16xi1>
        %eq3A_474 = arith.constant 9 : i32
        %eq3A_475 = vector.broadcast %eq3A_474 : i32 to vector<16xi32>
        %eq3A_476 = arith.cmpi eq, %iota3A, %eq3A_475 : vector<16xi32>
        tpu.vector_store_idx %arg18[%get3A_441], %mul3A_446 masked %eq3A_476 {add = true} : memref<10240xf32, #tpu.memory_space<vmem>>[vector<16xi32>], vector<16xf32>, vector<16xi1>
        %eq3A_477 = arith.constant 10 : i32
        %eq3A_478 = vector.broadcast %eq3A_477 : i32 to vector<16xi32>
        %eq3A_479 = arith.cmpi eq, %iota3A, %eq3A_478 : vector<16xi32>
        tpu.vector_store_idx %arg18[%get3A_441], %mul3A_446 masked %eq3A_479 {add = true} : memref<10240xf32, #tpu.memory_space<vmem>>[vector<16xi32>], vector<16xf32>, vector<16xi1>
        %eq3A_480 = arith.constant 11 : i32
        %eq3A_481 = vector.broadcast %eq3A_480 : i32 to vector<16xi32>
        %eq3A_482 = arith.cmpi eq, %iota3A, %eq3A_481 : vector<16xi32>
        tpu.vector_store_idx %arg18[%get3A_441], %mul3A_446 masked %eq3A_482 {add = true} : memref<10240xf32, #tpu.memory_space<vmem>>[vector<16xi32>], vector<16xf32>, vector<16xi1>
        %eq3A_483 = arith.constant 12 : i32
        %eq3A_484 = vector.broadcast %eq3A_483 : i32 to vector<16xi32>
        %eq3A_485 = arith.cmpi eq, %iota3A, %eq3A_484 : vector<16xi32>
        tpu.vector_store_idx %arg18[%get3A_441], %mul3A_446 masked %eq3A_485 {add = true} : memref<10240xf32, #tpu.memory_space<vmem>>[vector<16xi32>], vector<16xf32>, vector<16xi1>
        %eq3A_486 = arith.constant 13 : i32
        %eq3A_487 = vector.broadcast %eq3A_486 : i32 to vector<16xi32>
        %eq3A_488 = arith.cmpi eq, %iota3A, %eq3A_487 : vector<16xi32>
        tpu.vector_store_idx %arg18[%get3A_441], %mul3A_446 masked %eq3A_488 {add = true} : memref<10240xf32, #tpu.memory_space<vmem>>[vector<16xi32>], vector<16xf32>, vector<16xi1>
        %eq3A_489 = arith.constant 14 : i32
        %eq3A_490 = vector.broadcast %eq3A_489 : i32 to vector<16xi32>
        %eq3A_491 = arith.cmpi eq, %iota3A, %eq3A_490 : vector<16xi32>
        tpu.vector_store_idx %arg18[%get3A_441], %mul3A_446 masked %eq3A_491 {add = true} : memref<10240xf32, #tpu.memory_space<vmem>>[vector<16xi32>], vector<16xf32>, vector<16xi1>
        %eq3A_492 = arith.constant 15 : i32
        %eq3A_493 = vector.broadcast %eq3A_492 : i32 to vector<16xi32>
        %eq3A_494 = arith.cmpi eq, %iota3A, %eq3A_493 : vector<16xi32>
        tpu.vector_store_idx %arg18[%get3A_441], %mul3A_446 masked %eq3A_494 {add = true} : memref<10240xf32, #tpu.memory_space<vmem>>[vector<16xi32>], vector<16xf32>, vector<16xi1>
      } else {
      }
      %scan3A_150 = arith.constant 0 : i32
      %scan3A_151 = arith.constant 0 : i32
      %scan3A_152 = arith.constant 80 : i32
      %scan3A_153 = arith.addi %scan3A_151, %scan3A_152 : i32
      %scan3A_154 = arith.constant 4 : i32
      scf.for %scan3A_202 = %scan3A_151 to %scan3A_153 step %scan3A_154  : i32 {
        %broadcast_in_dim3A = vector.broadcast %add3A_137 : i32 to vector<16xi32>
        %broadcast_in_dim3A_203 = vector.broadcast %scan3A_202 : i32 to vector<16xi32>
        %gather3A = tpu.vector_load_idx %arg13[%broadcast_in_dim3A, %broadcast_in_dim3A_203] : memref<126x80xf32, #tpu.memory_space<vmem>>[vector<16xi32>, vector<16xi32>], vector<16xf32>,
        %get3A = arith.index_cast %scan3A_202 : i32 to index
        %get3A_204 = arith.constant 0 : index
        %get3A_205 = tpu.vector_load %arg15[%get3A, %get3A_204] {strides = array<i32>} : memref<80x64xf32, #tpu.memory_space<vmem>>, vector<16xf32>,
        %mul3A_206 = arith.mulf %get3A_205, %gather3A : vector<16xf32>
        %swap3A = arith.index_cast %scan3A_202 : i32 to index
        %swap3A_207 = arith.constant 0 : index
        %swap3A_208 = tpu.vector_load %arg15[%swap3A, %swap3A_207] {strides = array<i32>} : memref<80x64xf32, #tpu.memory_space<vmem>>, vector<16xf32>,
        tpu.vector_store %arg15[%swap3A, %swap3A_207], %mul3A_206 {strides = array<i32>} : memref<80x64xf32, #tpu.memory_space<vmem>>, vector<16xf32>,
        %get3A_209 = arith.index_cast %scan3A_202 : i32 to index
        %get3A_210 = arith.constant 16 : index
        %get3A_211 = tpu.vector_load %arg15[%get3A_209, %get3A_210] {strides = array<i32>} : memref<80x64xf32, #tpu.memory_space<vmem>>, vector<16xf32>,
        %mul3A_212 = arith.mulf %get3A_211, %gather3A : vector<16xf32>
        %swap3A_213 = arith.index_cast %scan3A_202 : i32 to index
        %swap3A_214 = arith.constant 16 : index
        %swap3A_215 = tpu.vector_load %arg15[%swap3A_213, %swap3A_214] {strides = array<i32>} : memref<80x64xf32, #tpu.memory_space<vmem>>, vector<16xf32>,
        tpu.vector_store %arg15[%swap3A_213, %swap3A_214], %mul3A_212 {strides = array<i32>} : memref<80x64xf32, #tpu.memory_space<vmem>>, vector<16xf32>,
        %get3A_216 = arith.index_cast %scan3A_202 : i32 to index
        %get3A_217 = arith.constant 32 : index
        %get3A_218 = tpu.vector_load %arg15[%get3A_216, %get3A_217] {strides = array<i32>} : memref<80x64xf32, #tpu.memory_space<vmem>>, vector<16xf32>,
        %mul3A_219 = arith.mulf %get3A_218, %gather3A : vector<16xf32>
        %swap3A_220 = arith.index_cast %scan3A_202 : i32 to index
        %swap3A_221 = arith.constant 32 : index
        %swap3A_222 = tpu.vector_load %arg15[%swap3A_220, %swap3A_221] {strides = array<i32>} : memref<80x64xf32, #tpu.memory_space<vmem>>, vector<16xf32>,
        tpu.vector_store %arg15[%swap3A_220, %swap3A_221], %mul3A_219 {strides = array<i32>} : memref<80x64xf32, #tpu.memory_space<vmem>>, vector<16xf32>,
        %get3A_223 = arith.index_cast %scan3A_202 : i32 to index
        %get3A_224 = arith.constant 48 : index
        %get3A_225 = tpu.vector_load %arg15[%get3A_223, %get3A_224] {strides = array<i32>} : memref<80x64xf32, #tpu.memory_space<vmem>>, vector<16xf32>,
        %mul3A_226 = arith.mulf %get3A_225, %gather3A : vector<16xf32>
        %swap3A_227 = arith.index_cast %scan3A_202 : i32 to index
        %swap3A_228 = arith.constant 48 : index
        %swap3A_229 = tpu.vector_load %arg15[%swap3A_227, %swap3A_228] {strides = array<i32>} : memref<80x64xf32, #tpu.memory_space<vmem>>, vector<16xf32>,
        tpu.vector_store %arg15[%swap3A_227, %swap3A_228], %mul3A_226 {strides = array<i32>} : memref<80x64xf32, #tpu.memory_space<vmem>>, vector<16xf32>,
        %scan3A_230 = arith.constant 1 : i32
        %scan3A_231 = arith.addi %scan3A_202, %scan3A_230 : i32
        %broadcast_in_dim3A_232 = vector.broadcast %add3A_137 : i32 to vector<16xi32>
        %broadcast_in_dim3A_233 = vector.broadcast %scan3A_231 : i32 to vector<16xi32>
        %gather3A_234 = tpu.vector_load_idx %arg13[%broadcast_in_dim3A_232, %broadcast_in_dim3A_233] : memref<126x80xf32, #tpu.memory_space<vmem>>[vector<16xi32>, vector<16xi32>], vector<16xf32>,
        %get3A_235 = arith.index_cast %scan3A_231 : i32 to index
        %get3A_236 = arith.constant 0 : index
        %get3A_237 = tpu.vector_load %arg15[%get3A_235, %get3A_236] {strides = array<i32>} : memref<80x64xf32, #tpu.memory_space<vmem>>, vector<16xf32>,
        %mul3A_238 = arith.mulf %get3A_237, %gather3A_234 : vector<16xf32>
        %swap3A_239 = arith.index_cast %scan3A_231 : i32 to index
        %swap3A_240 = arith.constant 0 : index
        %swap3A_241 = tpu.vector_load %arg15[%swap3A_239, %swap3A_240] {strides = array<i32>} : memref<80x64xf32, #tpu.memory_space<vmem>>, vector<16xf32>,
        tpu.vector_store %arg15[%swap3A_239, %swap3A_240], %mul3A_238 {strides = array<i32>} : memref<80x64xf32, #tpu.memory_space<vmem>>, vector<16xf32>,
        %get3A_242 = arith.index_cast %scan3A_231 : i32 to index
        %get3A_243 = arith.constant 16 : index
        %get3A_244 = tpu.vector_load %arg15[%get3A_242, %get3A_243] {strides = array<i32>} : memref<80x64xf32, #tpu.memory_space<vmem>>, vector<16xf32>,
        %mul3A_245 = arith.mulf %get3A_244, %gather3A_234 : vector<16xf32>
        %swap3A_246 = arith.index_cast %scan3A_231 : i32 to index
        %swap3A_247 = arith.constant 16 : index
        %swap3A_248 = tpu.vector_load %arg15[%swap3A_246, %swap3A_247] {strides = array<i32>} : memref<80x64xf32, #tpu.memory_space<vmem>>, vector<16xf32>,
        tpu.vector_store %arg15[%swap3A_246, %swap3A_247], %mul3A_245 {strides = array<i32>} : memref<80x64xf32, #tpu.memory_space<vmem>>, vector<16xf32>,
        %get3A_249 = arith.index_cast %scan3A_231 : i32 to index
        %get3A_250 = arith.constant 32 : index
        %get3A_251 = tpu.vector_load %arg15[%get3A_249, %get3A_250] {strides = array<i32>} : memref<80x64xf32, #tpu.memory_space<vmem>>, vector<16xf32>,
        %mul3A_252 = arith.mulf %get3A_251, %gather3A_234 : vector<16xf32>
        %swap3A_253 = arith.index_cast %scan3A_231 : i32 to index
        %swap3A_254 = arith.constant 32 : index
        %swap3A_255 = tpu.vector_load %arg15[%swap3A_253, %swap3A_254] {strides = array<i32>} : memref<80x64xf32, #tpu.memory_space<vmem>>, vector<16xf32>,
        tpu.vector_store %arg15[%swap3A_253, %swap3A_254], %mul3A_252 {strides = array<i32>} : memref<80x64xf32, #tpu.memory_space<vmem>>, vector<16xf32>,
        %get3A_256 = arith.index_cast %scan3A_231 : i32 to index
        %get3A_257 = arith.constant 48 : index
        %get3A_258 = tpu.vector_load %arg15[%get3A_256, %get3A_257] {strides = array<i32>} : memref<80x64xf32, #tpu.memory_space<vmem>>, vector<16xf32>,
        %mul3A_259 = arith.mulf %get3A_258, %gather3A_234 : vector<16xf32>
        %swap3A_260 = arith.index_cast %scan3A_231 : i32 to index
        %swap3A_261 = arith.constant 48 : index
        %swap3A_262 = tpu.vector_load %arg15[%swap3A_260, %swap3A_261] {strides = array<i32>} : memref<80x64xf32, #tpu.memory_space<vmem>>, vector<16xf32>,
        tpu.vector_store %arg15[%swap3A_260, %swap3A_261], %mul3A_259 {strides = array<i32>} : memref<80x64xf32, #tpu.memory_space<vmem>>, vector<16xf32>,
        %scan3A_263 = arith.constant 2 : i32
        %scan3A_264 = arith.addi %scan3A_202, %scan3A_263 : i32
        %broadcast_in_dim3A_265 = vector.broadcast %add3A_137 : i32 to vector<16xi32>
        %broadcast_in_dim3A_266 = vector.broadcast %scan3A_264 : i32 to vector<16xi32>
        %gather3A_267 = tpu.vector_load_idx %arg13[%broadcast_in_dim3A_265, %broadcast_in_dim3A_266] : memref<126x80xf32, #tpu.memory_space<vmem>>[vector<16xi32>, vector<16xi32>], vector<16xf32>,
        %get3A_268 = arith.index_cast %scan3A_264 : i32 to index
        %get3A_269 = arith.constant 0 : index
        %get3A_270 = tpu.vector_load %arg15[%get3A_268, %get3A_269] {strides = array<i32>} : memref<80x64xf32, #tpu.memory_space<vmem>>, vector<16xf32>,
        %mul3A_271 = arith.mulf %get3A_270, %gather3A_267 : vector<16xf32>
        %swap3A_272 = arith.index_cast %scan3A_264 : i32 to index
        %swap3A_273 = arith.constant 0 : index
        %swap3A_274 = tpu.vector_load %arg15[%swap3A_272, %swap3A_273] {strides = array<i32>} : memref<80x64xf32, #tpu.memory_space<vmem>>, vector<16xf32>,
        tpu.vector_store %arg15[%swap3A_272, %swap3A_273], %mul3A_271 {strides = array<i32>} : memref<80x64xf32, #tpu.memory_space<vmem>>, vector<16xf32>,
        %get3A_275 = arith.index_cast %scan3A_264 : i32 to index
        %get3A_276 = arith.constant 16 : index
        %get3A_277 = tpu.vector_load %arg15[%get3A_275, %get3A_276] {strides = array<i32>} : memref<80x64xf32, #tpu.memory_space<vmem>>, vector<16xf32>,
        %mul3A_278 = arith.mulf %get3A_277, %gather3A_267 : vector<16xf32>
        %swap3A_279 = arith.index_cast %scan3A_264 : i32 to index
        %swap3A_280 = arith.constant 16 : index
        %swap3A_281 = tpu.vector_load %arg15[%swap3A_279, %swap3A_280] {strides = array<i32>} : memref<80x64xf32, #tpu.memory_space<vmem>>, vector<16xf32>,
        tpu.vector_store %arg15[%swap3A_279, %swap3A_280], %mul3A_278 {strides = array<i32>} : memref<80x64xf32, #tpu.memory_space<vmem>>, vector<16xf32>,
        %get3A_282 = arith.index_cast %scan3A_264 : i32 to index
        %get3A_283 = arith.constant 32 : index
        %get3A_284 = tpu.vector_load %arg15[%get3A_282, %get3A_283] {strides = array<i32>} : memref<80x64xf32, #tpu.memory_space<vmem>>, vector<16xf32>,
        %mul3A_285 = arith.mulf %get3A_284, %gather3A_267 : vector<16xf32>
        %swap3A_286 = arith.index_cast %scan3A_264 : i32 to index
        %swap3A_287 = arith.constant 32 : index
        %swap3A_288 = tpu.vector_load %arg15[%swap3A_286, %swap3A_287] {strides = array<i32>} : memref<80x64xf32, #tpu.memory_space<vmem>>, vector<16xf32>,
        tpu.vector_store %arg15[%swap3A_286, %swap3A_287], %mul3A_285 {strides = array<i32>} : memref<80x64xf32, #tpu.memory_space<vmem>>, vector<16xf32>,
        %get3A_289 = arith.index_cast %scan3A_264 : i32 to index
        %get3A_290 = arith.constant 48 : index
        %get3A_291 = tpu.vector_load %arg15[%get3A_289, %get3A_290] {strides = array<i32>} : memref<80x64xf32, #tpu.memory_space<vmem>>, vector<16xf32>,
        %mul3A_292 = arith.mulf %get3A_291, %gather3A_267 : vector<16xf32>
        %swap3A_293 = arith.index_cast %scan3A_264 : i32 to index
        %swap3A_294 = arith.constant 48 : index
        %swap3A_295 = tpu.vector_load %arg15[%swap3A_293, %swap3A_294] {strides = array<i32>} : memref<80x64xf32, #tpu.memory_space<vmem>>, vector<16xf32>,
        tpu.vector_store %arg15[%swap3A_293, %swap3A_294], %mul3A_292 {strides = array<i32>} : memref<80x64xf32, #tpu.memory_space<vmem>>, vector<16xf32>,
        %scan3A_296 = arith.constant 3 : i32
        %scan3A_297 = arith.addi %scan3A_202, %scan3A_296 : i32
        %broadcast_in_dim3A_298 = vector.broadcast %add3A_137 : i32 to vector<16xi32>
        %broadcast_in_dim3A_299 = vector.broadcast %scan3A_297 : i32 to vector<16xi32>
        %gather3A_300 = tpu.vector_load_idx %arg13[%broadcast_in_dim3A_298, %broadcast_in_dim3A_299] : memref<126x80xf32, #tpu.memory_space<vmem>>[vector<16xi32>, vector<16xi32>], vector<16xf32>,
        %get3A_301 = arith.index_cast %scan3A_297 : i32 to index
        %get3A_302 = arith.constant 0 : index
        %get3A_303 = tpu.vector_load %arg15[%get3A_301, %get3A_302] {strides = array<i32>} : memref<80x64xf32, #tpu.memory_space<vmem>>, vector<16xf32>,
        %mul3A_304 = arith.mulf %get3A_303, %gather3A_300 : vector<16xf32>
        %swap3A_305 = arith.index_cast %scan3A_297 : i32 to index
        %swap3A_306 = arith.constant 0 : index
        %swap3A_307 = tpu.vector_load %arg15[%swap3A_305, %swap3A_306] {strides = array<i32>} : memref<80x64xf32, #tpu.memory_space<vmem>>, vector<16xf32>,
        tpu.vector_store %arg15[%swap3A_305, %swap3A_306], %mul3A_304 {strides = array<i32>} : memref<80x64xf32, #tpu.memory_space<vmem>>, vector<16xf32>,
        %get3A_308 = arith.index_cast %scan3A_297 : i32 to index
        %get3A_309 = arith.constant 16 : index
        %get3A_310 = tpu.vector_load %arg15[%get3A_308, %get3A_309] {strides = array<i32>} : memref<80x64xf32, #tpu.memory_space<vmem>>, vector<16xf32>,
        %mul3A_311 = arith.mulf %get3A_310, %gather3A_300 : vector<16xf32>
        %swap3A_312 = arith.index_cast %scan3A_297 : i32 to index
        %swap3A_313 = arith.constant 16 : index
        %swap3A_314 = tpu.vector_load %arg15[%swap3A_312, %swap3A_313] {strides = array<i32>} : memref<80x64xf32, #tpu.memory_space<vmem>>, vector<16xf32>,
        tpu.vector_store %arg15[%swap3A_312, %swap3A_313], %mul3A_311 {strides = array<i32>} : memref<80x64xf32, #tpu.memory_space<vmem>>, vector<16xf32>,
        %get3A_315 = arith.index_cast %scan3A_297 : i32 to index
        %get3A_316 = arith.constant 32 : index
        %get3A_317 = tpu.vector_load %arg15[%get3A_315, %get3A_316] {strides = array<i32>} : memref<80x64xf32, #tpu.memory_space<vmem>>, vector<16xf32>,
        %mul3A_318 = arith.mulf %get3A_317, %gather3A_300 : vector<16xf32>
        %swap3A_319 = arith.index_cast %scan3A_297 : i32 to index
        %swap3A_320 = arith.constant 32 : index
        %swap3A_321 = tpu.vector_load %arg15[%swap3A_319, %swap3A_320] {strides = array<i32>} : memref<80x64xf32, #tpu.memory_space<vmem>>, vector<16xf32>,
        tpu.vector_store %arg15[%swap3A_319, %swap3A_320], %mul3A_318 {strides = array<i32>} : memref<80x64xf32, #tpu.memory_space<vmem>>, vector<16xf32>,
        %get3A_322 = arith.index_cast %scan3A_297 : i32 to index
        %get3A_323 = arith.constant 48 : index
        %get3A_324 = tpu.vector_load %arg15[%get3A_322, %get3A_323] {strides = array<i32>} : memref<80x64xf32, #tpu.memory_space<vmem>>, vector<16xf32>,
        %mul3A_325 = arith.mulf %get3A_324, %gather3A_300 : vector<16xf32>
        %swap3A_326 = arith.index_cast %scan3A_297 : i32 to index
        %swap3A_327 = arith.constant 48 : index
        %swap3A_328 = tpu.vector_load %arg15[%swap3A_326, %swap3A_327] {strides = array<i32>} : memref<80x64xf32, #tpu.memory_space<vmem>>, vector<16xf32>,
        tpu.vector_store %arg15[%swap3A_326, %swap3A_327], %mul3A_325 {strides = array<i32>} : memref<80x64xf32, #tpu.memory_space<vmem>>, vector<16xf32>,
      }
      %scan3A_155 = arith.constant 80 : i32
      %dma_start3A_156 = arith.constant 0 : i32
      %dma_start3A_157 = tpu.memref_slice %arg12[%add3A_137, %dma_start3A_156] : memref<126x80xi32, #tpu.memory_space<vmem>> -> memref<1x80xi32, #tpu.memory_space<vmem>>
      %dma_start3A_158 = tpu.memref_squeeze %dma_start3A_157 : memref<1x80xi32, #tpu.memory_space<vmem>> -> memref<80xi32, #tpu.memory_space<vmem>>
      %dma_start3A_159 = arith.constant 0 : i32
      %dma_start3A_160 = arith.constant 0 : i32
      %dma_start3A_161 = tpu.memref_slice %arg19[%dma_start3A_159, %dma_start3A_160] : memref<10000x64xf32, #tpu.memory_space<vmem_shared>> -> memref<10000x64xf32, #tpu.memory_space<vmem_shared>>
      tpu.enqueue_indirect_dma source(%arg15 : memref<80x64xf32, #tpu.memory_space<vmem>>) target(%dma_start3A_161 : memref<10000x64xf32, #tpu.memory_space<vmem_shared>>) offsets(%dma_start3A_158 : memref<80xi32, #tpu.memory_space<vmem>>) semaphore(%arg24 : memref<!tpu.dma_semaphore, #tpu.memory_space<semaphore_mem>>) {add = true}
      %add3A_162 = arith.constant 2 : i32
      %add3A_163 = arith.addi %add3A_137, %add3A_162 : i32
      %lt3A_164 = arith.constant 126 : i32
      %lt3A_165 = arith.cmpi slt, %add3A_163, %lt3A_164 : i32
      %convert_element_type3A_166 = arith.extui %lt3A_165 : i1 to i32
      %cond3A_167 = arith.constant 0 : i32
      %cond3A_168 = arith.cmpi ne, %convert_element_type3A_166, %cond3A_167 : i32
      scf.if %cond3A_168 {
        %ge3A = arith.constant 1 : i32
        %ge3A_202 = arith.cmpi sge, %add3A_137, %ge3A : i32
        %convert_element_type3A_203 = arith.extui %ge3A_202 : i1 to i32
        %cond3A_204 = arith.constant 0 : i32
        %cond3A_205 = arith.cmpi ne, %convert_element_type3A_203, %cond3A_204 : i32
        scf.if %cond3A_205 {
          %dma_wait3A_214 = arith.constant 0 : i32
          %dma_wait3A_215 = arith.constant 0 : i32
          %dma_wait3A_216 = tpu.memref_slice %arg12[%dma_wait3A_214, %dma_wait3A_215] : memref<126x80xi32, #tpu.memory_space<vmem>> -> memref<1x80xi32, #tpu.memory_space<vmem>>
          %dma_wait3A_217 = tpu.memref_squeeze %dma_wait3A_216 : memref<1x80xi32, #tpu.memory_space<vmem>> -> memref<80xi32, #tpu.memory_space<vmem>>
          %dma_wait3A_218 = arith.constant 0 : i32
          %dma_wait3A_219 = arith.constant 0 : i32
          %dma_wait3A_220 = tpu.memref_slice %arg19[%dma_wait3A_218, %dma_wait3A_219] : memref<10000x64xf32, #tpu.memory_space<vmem_shared>> -> memref<10000x64xf32, #tpu.memory_space<vmem_shared>>
          tpu.wait_indirect_dma semaphore(%arg23 : memref<!tpu.dma_semaphore, #tpu.memory_space<semaphore_mem>>) src(%arg14 : memref<80x64xf32, #tpu.memory_space<vmem>>) dst(%dma_wait3A_220 : memref<10000x64xf32, #tpu.memory_space<vmem_shared>>)
        } else {
        }
        %add3A_206 = arith.constant 2 : i32
        %add3A_207 = arith.addi %add3A_137, %add3A_206 : i32
        %dma_start3A_208 = arith.constant 0 : i32
        %dma_start3A_209 = tpu.memref_slice %arg11[%add3A_207, %dma_start3A_208] : memref<126x80xi32, #tpu.memory_space<vmem>> -> memref<1x80xi32, #tpu.memory_space<vmem>>
        %dma_start3A_210 = tpu.memref_squeeze %dma_start3A_209 : memref<1x80xi32, #tpu.memory_space<vmem>> -> memref<80xi32, #tpu.memory_space<vmem>>
        %dma_start3A_211 = arith.constant 0 : i32
        %dma_start3A_212 = arith.constant 0 : i32
        %dma_start3A_213 = tpu.memref_slice %arg2[%dma_start3A_211, %dma_start3A_212] : memref<20000x64xf32, #tpu.memory_space<hbm>> -> memref<20000x64xf32, #tpu.memory_space<hbm>>
        tpu.enqueue_indirect_dma source(%dma_start3A_213 : memref<20000x64xf32, #tpu.memory_space<hbm>>) target(%arg14 : memref<80x64xf32, #tpu.memory_space<vmem>>) offsets(%dma_start3A_210 : memref<80xi32, #tpu.memory_space<vmem>>) semaphore(%arg20 : memref<!tpu.dma_semaphore, #tpu.memory_space<semaphore_mem>>)
      } else {
      }
      %add3A_169 = arith.constant 2 : i32
      %add3A_170 = arith.addi %mul3A_104, %add3A_169 : i32
      %dma_wait3A_171 = arith.constant 0 : i32
      %dma_wait3A_172 = arith.constant 0 : i32
      %dma_wait3A_173 = tpu.memref_slice %arg11[%dma_wait3A_171, %dma_wait3A_172] : memref<126x80xi32, #tpu.memory_space<vmem>> -> memref<1x80xi32, #tpu.memory_space<vmem>>
      %dma_wait3A_174 = tpu.memref_squeeze %dma_wait3A_173 : memref<1x80xi32, #tpu.memory_space<vmem>> -> memref<80xi32, #tpu.memory_space<vmem>>
      %dma_wait3A_175 = arith.constant 0 : i32
      %dma_wait3A_176 = arith.constant 0 : i32
      %dma_wait3A_177 = tpu.memref_slice %arg2[%dma_wait3A_175, %dma_wait3A_176] : memref<20000x64xf32, #tpu.memory_space<hbm>> -> memref<20000x64xf32, #tpu.memory_space<hbm>>
      tpu.wait_indirect_dma semaphore(%arg22 : memref<!tpu.dma_semaphore, #tpu.memory_space<semaphore_mem>>) src(%dma_wait3A_177 : memref<20000x64xf32, #tpu.memory_space<hbm>>) dst(%arg16 : memref<80x64xf32, #tpu.memory_space<vmem>>)
      %eq3A_178 = arith.constant 0 : i32
      %eq3A_179 = arith.cmpi eq, %arg0, %eq3A_178 : i32
      %convert_element_type3A_180 = arith.extui %eq3A_179 : i1 to i32
      %cond3A_181 = arith.constant 0 : i32
      %cond3A_182 = arith.cmpi ne, %convert_element_type3A_180, %cond3A_181 : i32
      scf.if %cond3A_182 {
        %get3A = arith.index_cast %add3A_170 : i32 to index
        %get3A_202 = arith.constant 0 : index
        %get3A_203 = tpu.vector_load %arg11[%get3A, %get3A_202] {strides = array<i32>} : memref<126x80xi32, #tpu.memory_space<vmem>>, vector<16xi32>,
        %get3A_204 = arith.index_cast %add3A_170 : i32 to index
        %get3A_205 = arith.constant 0 : index
        %get3A_206 = tpu.vector_load %arg12[%get3A_204, %get3A_205] {strides = array<i32>} : memref<126x80xi32, #tpu.memory_space<vmem>>, vector<16xi32>,
        %get3A_207 = arith.index_cast %add3A_170 : i32 to index
        %get3A_208 = arith.constant 0 : index
        %get3A_209 = tpu.vector_load %arg13[%get3A_207, %get3A_208] {strides = array<i32>} : memref<126x80xf32, #tpu.memory_space<vmem>>, vector<16xf32>,
        %gather3A = tpu.vector_load_idx %arg17[%get3A_203] : memref<10000xf32, #tpu.memory_space<vmem>>[vector<16xi32>], vector<16xf32>,
        %mul3A_210 = arith.mulf %get3A_209, %gather3A : vector<16xf32>
        %eq3A_211 = arith.constant 0 : i32
        %eq3A_212 = vector.broadcast %eq3A_211 : i32 to vector<16xi32>
        %eq3A_213 = arith.cmpi eq, %iota3A, %eq3A_212 : vector<16xi32>
        tpu.vector_store_idx %arg18[%get3A_206], %mul3A_210 masked %eq3A_213 {add = true} : memref<10240xf32, #tpu.memory_space<vmem>>[vector<16xi32>], vector<16xf32>, vector<16xi1>
        %eq3A_214 = arith.constant 1 : i32
        %eq3A_215 = vector.broadcast %eq3A_214 : i32 to vector<16xi32>
        %eq3A_216 = arith.cmpi eq, %iota3A, %eq3A_215 : vector<16xi32>
        tpu.vector_store_idx %arg18[%get3A_206], %mul3A_210 masked %eq3A_216 {add = true} : memref<10240xf32, #tpu.memory_space<vmem>>[vector<16xi32>], vector<16xf32>, vector<16xi1>
        %eq3A_217 = arith.constant 2 : i32
        %eq3A_218 = vector.broadcast %eq3A_217 : i32 to vector<16xi32>
        %eq3A_219 = arith.cmpi eq, %iota3A, %eq3A_218 : vector<16xi32>
        tpu.vector_store_idx %arg18[%get3A_206], %mul3A_210 masked %eq3A_219 {add = true} : memref<10240xf32, #tpu.memory_space<vmem>>[vector<16xi32>], vector<16xf32>, vector<16xi1>
        %eq3A_220 = arith.constant 3 : i32
        %eq3A_221 = vector.broadcast %eq3A_220 : i32 to vector<16xi32>
        %eq3A_222 = arith.cmpi eq, %iota3A, %eq3A_221 : vector<16xi32>
        tpu.vector_store_idx %arg18[%get3A_206], %mul3A_210 masked %eq3A_222 {add = true} : memref<10240xf32, #tpu.memory_space<vmem>>[vector<16xi32>], vector<16xf32>, vector<16xi1>
        %eq3A_223 = arith.constant 4 : i32
        %eq3A_224 = vector.broadcast %eq3A_223 : i32 to vector<16xi32>
        %eq3A_225 = arith.cmpi eq, %iota3A, %eq3A_224 : vector<16xi32>
        tpu.vector_store_idx %arg18[%get3A_206], %mul3A_210 masked %eq3A_225 {add = true} : memref<10240xf32, #tpu.memory_space<vmem>>[vector<16xi32>], vector<16xf32>, vector<16xi1>
        %eq3A_226 = arith.constant 5 : i32
        %eq3A_227 = vector.broadcast %eq3A_226 : i32 to vector<16xi32>
        %eq3A_228 = arith.cmpi eq, %iota3A, %eq3A_227 : vector<16xi32>
        tpu.vector_store_idx %arg18[%get3A_206], %mul3A_210 masked %eq3A_228 {add = true} : memref<10240xf32, #tpu.memory_space<vmem>>[vector<16xi32>], vector<16xf32>, vector<16xi1>
        %eq3A_229 = arith.constant 6 : i32
        %eq3A_230 = vector.broadcast %eq3A_229 : i32 to vector<16xi32>
        %eq3A_231 = arith.cmpi eq, %iota3A, %eq3A_230 : vector<16xi32>
        tpu.vector_store_idx %arg18[%get3A_206], %mul3A_210 masked %eq3A_231 {add = true} : memref<10240xf32, #tpu.memory_space<vmem>>[vector<16xi32>], vector<16xf32>, vector<16xi1>
        %eq3A_232 = arith.constant 7 : i32
        %eq3A_233 = vector.broadcast %eq3A_232 : i32 to vector<16xi32>
        %eq3A_234 = arith.cmpi eq, %iota3A, %eq3A_233 : vector<16xi32>
        tpu.vector_store_idx %arg18[%get3A_206], %mul3A_210 masked %eq3A_234 {add = true} : memref<10240xf32, #tpu.memory_space<vmem>>[vector<16xi32>], vector<16xf32>, vector<16xi1>
        %eq3A_235 = arith.constant 8 : i32
        %eq3A_236 = vector.broadcast %eq3A_235 : i32 to vector<16xi32>
        %eq3A_237 = arith.cmpi eq, %iota3A, %eq3A_236 : vector<16xi32>
        tpu.vector_store_idx %arg18[%get3A_206], %mul3A_210 masked %eq3A_237 {add = true} : memref<10240xf32, #tpu.memory_space<vmem>>[vector<16xi32>], vector<16xf32>, vector<16xi1>
        %eq3A_238 = arith.constant 9 : i32
        %eq3A_239 = vector.broadcast %eq3A_238 : i32 to vector<16xi32>
        %eq3A_240 = arith.cmpi eq, %iota3A, %eq3A_239 : vector<16xi32>
        tpu.vector_store_idx %arg18[%get3A_206], %mul3A_210 masked %eq3A_240 {add = true} : memref<10240xf32, #tpu.memory_space<vmem>>[vector<16xi32>], vector<16xf32>, vector<16xi1>
        %eq3A_241 = arith.constant 10 : i32
        %eq3A_242 = vector.broadcast %eq3A_241 : i32 to vector<16xi32>
        %eq3A_243 = arith.cmpi eq, %iota3A, %eq3A_242 : vector<16xi32>
        tpu.vector_store_idx %arg18[%get3A_206], %mul3A_210 masked %eq3A_243 {add = true} : memref<10240xf32, #tpu.memory_space<vmem>>[vector<16xi32>], vector<16xf32>, vector<16xi1>
        %eq3A_244 = arith.constant 11 : i32
        %eq3A_245 = vector.broadcast %eq3A_244 : i32 to vector<16xi32>
        %eq3A_246 = arith.cmpi eq, %iota3A, %eq3A_245 : vector<16xi32>
        tpu.vector_store_idx %arg18[%get3A_206], %mul3A_210 masked %eq3A_246 {add = true} : memref<10240xf32, #tpu.memory_space<vmem>>[vector<16xi32>], vector<16xf32>, vector<16xi1>
        %eq3A_247 = arith.constant 12 : i32
        %eq3A_248 = vector.broadcast %eq3A_247 : i32 to vector<16xi32>
        %eq3A_249 = arith.cmpi eq, %iota3A, %eq3A_248 : vector<16xi32>
        tpu.vector_store_idx %arg18[%get3A_206], %mul3A_210 masked %eq3A_249 {add = true} : memref<10240xf32, #tpu.memory_space<vmem>>[vector<16xi32>], vector<16xf32>, vector<16xi1>
        %eq3A_250 = arith.constant 13 : i32
        %eq3A_251 = vector.broadcast %eq3A_250 : i32 to vector<16xi32>
        %eq3A_252 = arith.cmpi eq, %iota3A, %eq3A_251 : vector<16xi32>
        tpu.vector_store_idx %arg18[%get3A_206], %mul3A_210 masked %eq3A_252 {add = true} : memref<10240xf32, #tpu.memory_space<vmem>>[vector<16xi32>], vector<16xf32>, vector<16xi1>
        %eq3A_253 = arith.constant 14 : i32
        %eq3A_254 = vector.broadcast %eq3A_253 : i32 to vector<16xi32>
        %eq3A_255 = arith.cmpi eq, %iota3A, %eq3A_254 : vector<16xi32>
        tpu.vector_store_idx %arg18[%get3A_206], %mul3A_210 masked %eq3A_255 {add = true} : memref<10240xf32, #tpu.memory_space<vmem>>[vector<16xi32>], vector<16xf32>, vector<16xi1>
        %eq3A_256 = arith.constant 15 : i32
        %eq3A_257 = vector.broadcast %eq3A_256 : i32 to vector<16xi32>
        %eq3A_258 = arith.cmpi eq, %iota3A, %eq3A_257 : vector<16xi32>
        tpu.vector_store_idx %arg18[%get3A_206], %mul3A_210 masked %eq3A_258 {add = true} : memref<10240xf32, #tpu.memory_space<vmem>>[vector<16xi32>], vector<16xf32>, vector<16xi1>
        %get3A_259 = arith.index_cast %add3A_170 : i32 to index
        %get3A_260 = arith.constant 16 : index
        %get3A_261 = tpu.vector_load %arg11[%get3A_259, %get3A_260] {strides = array<i32>} : memref<126x80xi32, #tpu.memory_space<vmem>>, vector<16xi32>,
        %get3A_262 = arith.index_cast %add3A_170 : i32 to index
        %get3A_263 = arith.constant 16 : index
        %get3A_264 = tpu.vector_load %arg12[%get3A_262, %get3A_263] {strides = array<i32>} : memref<126x80xi32, #tpu.memory_space<vmem>>, vector<16xi32>,
        %get3A_265 = arith.index_cast %add3A_170 : i32 to index
        %get3A_266 = arith.constant 16 : index
        %get3A_267 = tpu.vector_load %arg13[%get3A_265, %get3A_266] {strides = array<i32>} : memref<126x80xf32, #tpu.memory_space<vmem>>, vector<16xf32>,
        %gather3A_268 = tpu.vector_load_idx %arg17[%get3A_261] : memref<10000xf32, #tpu.memory_space<vmem>>[vector<16xi32>], vector<16xf32>,
        %mul3A_269 = arith.mulf %get3A_267, %gather3A_268 : vector<16xf32>
        %eq3A_270 = arith.constant 0 : i32
        %eq3A_271 = vector.broadcast %eq3A_270 : i32 to vector<16xi32>
        %eq3A_272 = arith.cmpi eq, %iota3A, %eq3A_271 : vector<16xi32>
        tpu.vector_store_idx %arg18[%get3A_264], %mul3A_269 masked %eq3A_272 {add = true} : memref<10240xf32, #tpu.memory_space<vmem>>[vector<16xi32>], vector<16xf32>, vector<16xi1>
        %eq3A_273 = arith.constant 1 : i32
        %eq3A_274 = vector.broadcast %eq3A_273 : i32 to vector<16xi32>
        %eq3A_275 = arith.cmpi eq, %iota3A, %eq3A_274 : vector<16xi32>
        tpu.vector_store_idx %arg18[%get3A_264], %mul3A_269 masked %eq3A_275 {add = true} : memref<10240xf32, #tpu.memory_space<vmem>>[vector<16xi32>], vector<16xf32>, vector<16xi1>
        %eq3A_276 = arith.constant 2 : i32
        %eq3A_277 = vector.broadcast %eq3A_276 : i32 to vector<16xi32>
        %eq3A_278 = arith.cmpi eq, %iota3A, %eq3A_277 : vector<16xi32>
        tpu.vector_store_idx %arg18[%get3A_264], %mul3A_269 masked %eq3A_278 {add = true} : memref<10240xf32, #tpu.memory_space<vmem>>[vector<16xi32>], vector<16xf32>, vector<16xi1>
        %eq3A_279 = arith.constant 3 : i32
        %eq3A_280 = vector.broadcast %eq3A_279 : i32 to vector<16xi32>
        %eq3A_281 = arith.cmpi eq, %iota3A, %eq3A_280 : vector<16xi32>
        tpu.vector_store_idx %arg18[%get3A_264], %mul3A_269 masked %eq3A_281 {add = true} : memref<10240xf32, #tpu.memory_space<vmem>>[vector<16xi32>], vector<16xf32>, vector<16xi1>
        %eq3A_282 = arith.constant 4 : i32
        %eq3A_283 = vector.broadcast %eq3A_282 : i32 to vector<16xi32>
        %eq3A_284 = arith.cmpi eq, %iota3A, %eq3A_283 : vector<16xi32>
        tpu.vector_store_idx %arg18[%get3A_264], %mul3A_269 masked %eq3A_284 {add = true} : memref<10240xf32, #tpu.memory_space<vmem>>[vector<16xi32>], vector<16xf32>, vector<16xi1>
        %eq3A_285 = arith.constant 5 : i32
        %eq3A_286 = vector.broadcast %eq3A_285 : i32 to vector<16xi32>
        %eq3A_287 = arith.cmpi eq, %iota3A, %eq3A_286 : vector<16xi32>
        tpu.vector_store_idx %arg18[%get3A_264], %mul3A_269 masked %eq3A_287 {add = true} : memref<10240xf32, #tpu.memory_space<vmem>>[vector<16xi32>], vector<16xf32>, vector<16xi1>
        %eq3A_288 = arith.constant 6 : i32
        %eq3A_289 = vector.broadcast %eq3A_288 : i32 to vector<16xi32>
        %eq3A_290 = arith.cmpi eq, %iota3A, %eq3A_289 : vector<16xi32>
        tpu.vector_store_idx %arg18[%get3A_264], %mul3A_269 masked %eq3A_290 {add = true} : memref<10240xf32, #tpu.memory_space<vmem>>[vector<16xi32>], vector<16xf32>, vector<16xi1>
        %eq3A_291 = arith.constant 7 : i32
        %eq3A_292 = vector.broadcast %eq3A_291 : i32 to vector<16xi32>
        %eq3A_293 = arith.cmpi eq, %iota3A, %eq3A_292 : vector<16xi32>
        tpu.vector_store_idx %arg18[%get3A_264], %mul3A_269 masked %eq3A_293 {add = true} : memref<10240xf32, #tpu.memory_space<vmem>>[vector<16xi32>], vector<16xf32>, vector<16xi1>
        %eq3A_294 = arith.constant 8 : i32
        %eq3A_295 = vector.broadcast %eq3A_294 : i32 to vector<16xi32>
        %eq3A_296 = arith.cmpi eq, %iota3A, %eq3A_295 : vector<16xi32>
        tpu.vector_store_idx %arg18[%get3A_264], %mul3A_269 masked %eq3A_296 {add = true} : memref<10240xf32, #tpu.memory_space<vmem>>[vector<16xi32>], vector<16xf32>, vector<16xi1>
        %eq3A_297 = arith.constant 9 : i32
        %eq3A_298 = vector.broadcast %eq3A_297 : i32 to vector<16xi32>
        %eq3A_299 = arith.cmpi eq, %iota3A, %eq3A_298 : vector<16xi32>
        tpu.vector_store_idx %arg18[%get3A_264], %mul3A_269 masked %eq3A_299 {add = true} : memref<10240xf32, #tpu.memory_space<vmem>>[vector<16xi32>], vector<16xf32>, vector<16xi1>
        %eq3A_300 = arith.constant 10 : i32
        %eq3A_301 = vector.broadcast %eq3A_300 : i32 to vector<16xi32>
        %eq3A_302 = arith.cmpi eq, %iota3A, %eq3A_301 : vector<16xi32>
        tpu.vector_store_idx %arg18[%get3A_264], %mul3A_269 masked %eq3A_302 {add = true} : memref<10240xf32, #tpu.memory_space<vmem>>[vector<16xi32>], vector<16xf32>, vector<16xi1>
        %eq3A_303 = arith.constant 11 : i32
        %eq3A_304 = vector.broadcast %eq3A_303 : i32 to vector<16xi32>
        %eq3A_305 = arith.cmpi eq, %iota3A, %eq3A_304 : vector<16xi32>
        tpu.vector_store_idx %arg18[%get3A_264], %mul3A_269 masked %eq3A_305 {add = true} : memref<10240xf32, #tpu.memory_space<vmem>>[vector<16xi32>], vector<16xf32>, vector<16xi1>
        %eq3A_306 = arith.constant 12 : i32
        %eq3A_307 = vector.broadcast %eq3A_306 : i32 to vector<16xi32>
        %eq3A_308 = arith.cmpi eq, %iota3A, %eq3A_307 : vector<16xi32>
        tpu.vector_store_idx %arg18[%get3A_264], %mul3A_269 masked %eq3A_308 {add = true} : memref<10240xf32, #tpu.memory_space<vmem>>[vector<16xi32>], vector<16xf32>, vector<16xi1>
        %eq3A_309 = arith.constant 13 : i32
        %eq3A_310 = vector.broadcast %eq3A_309 : i32 to vector<16xi32>
        %eq3A_311 = arith.cmpi eq, %iota3A, %eq3A_310 : vector<16xi32>
        tpu.vector_store_idx %arg18[%get3A_264], %mul3A_269 masked %eq3A_311 {add = true} : memref<10240xf32, #tpu.memory_space<vmem>>[vector<16xi32>], vector<16xf32>, vector<16xi1>
        %eq3A_312 = arith.constant 14 : i32
        %eq3A_313 = vector.broadcast %eq3A_312 : i32 to vector<16xi32>
        %eq3A_314 = arith.cmpi eq, %iota3A, %eq3A_313 : vector<16xi32>
        tpu.vector_store_idx %arg18[%get3A_264], %mul3A_269 masked %eq3A_314 {add = true} : memref<10240xf32, #tpu.memory_space<vmem>>[vector<16xi32>], vector<16xf32>, vector<16xi1>
        %eq3A_315 = arith.constant 15 : i32
        %eq3A_316 = vector.broadcast %eq3A_315 : i32 to vector<16xi32>
        %eq3A_317 = arith.cmpi eq, %iota3A, %eq3A_316 : vector<16xi32>
        tpu.vector_store_idx %arg18[%get3A_264], %mul3A_269 masked %eq3A_317 {add = true} : memref<10240xf32, #tpu.memory_space<vmem>>[vector<16xi32>], vector<16xf32>, vector<16xi1>
        %get3A_318 = arith.index_cast %add3A_170 : i32 to index
        %get3A_319 = arith.constant 32 : index
        %get3A_320 = tpu.vector_load %arg11[%get3A_318, %get3A_319] {strides = array<i32>} : memref<126x80xi32, #tpu.memory_space<vmem>>, vector<16xi32>,
        %get3A_321 = arith.index_cast %add3A_170 : i32 to index
        %get3A_322 = arith.constant 32 : index
        %get3A_323 = tpu.vector_load %arg12[%get3A_321, %get3A_322] {strides = array<i32>} : memref<126x80xi32, #tpu.memory_space<vmem>>, vector<16xi32>,
        %get3A_324 = arith.index_cast %add3A_170 : i32 to index
        %get3A_325 = arith.constant 32 : index
        %get3A_326 = tpu.vector_load %arg13[%get3A_324, %get3A_325] {strides = array<i32>} : memref<126x80xf32, #tpu.memory_space<vmem>>, vector<16xf32>,
        %gather3A_327 = tpu.vector_load_idx %arg17[%get3A_320] : memref<10000xf32, #tpu.memory_space<vmem>>[vector<16xi32>], vector<16xf32>,
        %mul3A_328 = arith.mulf %get3A_326, %gather3A_327 : vector<16xf32>
        %eq3A_329 = arith.constant 0 : i32
        %eq3A_330 = vector.broadcast %eq3A_329 : i32 to vector<16xi32>
        %eq3A_331 = arith.cmpi eq, %iota3A, %eq3A_330 : vector<16xi32>
        tpu.vector_store_idx %arg18[%get3A_323], %mul3A_328 masked %eq3A_331 {add = true} : memref<10240xf32, #tpu.memory_space<vmem>>[vector<16xi32>], vector<16xf32>, vector<16xi1>
        %eq3A_332 = arith.constant 1 : i32
        %eq3A_333 = vector.broadcast %eq3A_332 : i32 to vector<16xi32>
        %eq3A_334 = arith.cmpi eq, %iota3A, %eq3A_333 : vector<16xi32>
        tpu.vector_store_idx %arg18[%get3A_323], %mul3A_328 masked %eq3A_334 {add = true} : memref<10240xf32, #tpu.memory_space<vmem>>[vector<16xi32>], vector<16xf32>, vector<16xi1>
        %eq3A_335 = arith.constant 2 : i32
        %eq3A_336 = vector.broadcast %eq3A_335 : i32 to vector<16xi32>
        %eq3A_337 = arith.cmpi eq, %iota3A, %eq3A_336 : vector<16xi32>
        tpu.vector_store_idx %arg18[%get3A_323], %mul3A_328 masked %eq3A_337 {add = true} : memref<10240xf32, #tpu.memory_space<vmem>>[vector<16xi32>], vector<16xf32>, vector<16xi1>
        %eq3A_338 = arith.constant 3 : i32
        %eq3A_339 = vector.broadcast %eq3A_338 : i32 to vector<16xi32>
        %eq3A_340 = arith.cmpi eq, %iota3A, %eq3A_339 : vector<16xi32>
        tpu.vector_store_idx %arg18[%get3A_323], %mul3A_328 masked %eq3A_340 {add = true} : memref<10240xf32, #tpu.memory_space<vmem>>[vector<16xi32>], vector<16xf32>, vector<16xi1>
        %eq3A_341 = arith.constant 4 : i32
        %eq3A_342 = vector.broadcast %eq3A_341 : i32 to vector<16xi32>
        %eq3A_343 = arith.cmpi eq, %iota3A, %eq3A_342 : vector<16xi32>
        tpu.vector_store_idx %arg18[%get3A_323], %mul3A_328 masked %eq3A_343 {add = true} : memref<10240xf32, #tpu.memory_space<vmem>>[vector<16xi32>], vector<16xf32>, vector<16xi1>
        %eq3A_344 = arith.constant 5 : i32
        %eq3A_345 = vector.broadcast %eq3A_344 : i32 to vector<16xi32>
        %eq3A_346 = arith.cmpi eq, %iota3A, %eq3A_345 : vector<16xi32>
        tpu.vector_store_idx %arg18[%get3A_323], %mul3A_328 masked %eq3A_346 {add = true} : memref<10240xf32, #tpu.memory_space<vmem>>[vector<16xi32>], vector<16xf32>, vector<16xi1>
        %eq3A_347 = arith.constant 6 : i32
        %eq3A_348 = vector.broadcast %eq3A_347 : i32 to vector<16xi32>
        %eq3A_349 = arith.cmpi eq, %iota3A, %eq3A_348 : vector<16xi32>
        tpu.vector_store_idx %arg18[%get3A_323], %mul3A_328 masked %eq3A_349 {add = true} : memref<10240xf32, #tpu.memory_space<vmem>>[vector<16xi32>], vector<16xf32>, vector<16xi1>
        %eq3A_350 = arith.constant 7 : i32
        %eq3A_351 = vector.broadcast %eq3A_350 : i32 to vector<16xi32>
        %eq3A_352 = arith.cmpi eq, %iota3A, %eq3A_351 : vector<16xi32>
        tpu.vector_store_idx %arg18[%get3A_323], %mul3A_328 masked %eq3A_352 {add = true} : memref<10240xf32, #tpu.memory_space<vmem>>[vector<16xi32>], vector<16xf32>, vector<16xi1>
        %eq3A_353 = arith.constant 8 : i32
        %eq3A_354 = vector.broadcast %eq3A_353 : i32 to vector<16xi32>
        %eq3A_355 = arith.cmpi eq, %iota3A, %eq3A_354 : vector<16xi32>
        tpu.vector_store_idx %arg18[%get3A_323], %mul3A_328 masked %eq3A_355 {add = true} : memref<10240xf32, #tpu.memory_space<vmem>>[vector<16xi32>], vector<16xf32>, vector<16xi1>
        %eq3A_356 = arith.constant 9 : i32
        %eq3A_357 = vector.broadcast %eq3A_356 : i32 to vector<16xi32>
        %eq3A_358 = arith.cmpi eq, %iota3A, %eq3A_357 : vector<16xi32>
        tpu.vector_store_idx %arg18[%get3A_323], %mul3A_328 masked %eq3A_358 {add = true} : memref<10240xf32, #tpu.memory_space<vmem>>[vector<16xi32>], vector<16xf32>, vector<16xi1>
        %eq3A_359 = arith.constant 10 : i32
        %eq3A_360 = vector.broadcast %eq3A_359 : i32 to vector<16xi32>
        %eq3A_361 = arith.cmpi eq, %iota3A, %eq3A_360 : vector<16xi32>
        tpu.vector_store_idx %arg18[%get3A_323], %mul3A_328 masked %eq3A_361 {add = true} : memref<10240xf32, #tpu.memory_space<vmem>>[vector<16xi32>], vector<16xf32>, vector<16xi1>
        %eq3A_362 = arith.constant 11 : i32
        %eq3A_363 = vector.broadcast %eq3A_362 : i32 to vector<16xi32>
        %eq3A_364 = arith.cmpi eq, %iota3A, %eq3A_363 : vector<16xi32>
        tpu.vector_store_idx %arg18[%get3A_323], %mul3A_328 masked %eq3A_364 {add = true} : memref<10240xf32, #tpu.memory_space<vmem>>[vector<16xi32>], vector<16xf32>, vector<16xi1>
        %eq3A_365 = arith.constant 12 : i32
        %eq3A_366 = vector.broadcast %eq3A_365 : i32 to vector<16xi32>
        %eq3A_367 = arith.cmpi eq, %iota3A, %eq3A_366 : vector<16xi32>
        tpu.vector_store_idx %arg18[%get3A_323], %mul3A_328 masked %eq3A_367 {add = true} : memref<10240xf32, #tpu.memory_space<vmem>>[vector<16xi32>], vector<16xf32>, vector<16xi1>
        %eq3A_368 = arith.constant 13 : i32
        %eq3A_369 = vector.broadcast %eq3A_368 : i32 to vector<16xi32>
        %eq3A_370 = arith.cmpi eq, %iota3A, %eq3A_369 : vector<16xi32>
        tpu.vector_store_idx %arg18[%get3A_323], %mul3A_328 masked %eq3A_370 {add = true} : memref<10240xf32, #tpu.memory_space<vmem>>[vector<16xi32>], vector<16xf32>, vector<16xi1>
        %eq3A_371 = arith.constant 14 : i32
        %eq3A_372 = vector.broadcast %eq3A_371 : i32 to vector<16xi32>
        %eq3A_373 = arith.cmpi eq, %iota3A, %eq3A_372 : vector<16xi32>
        tpu.vector_store_idx %arg18[%get3A_323], %mul3A_328 masked %eq3A_373 {add = true} : memref<10240xf32, #tpu.memory_space<vmem>>[vector<16xi32>], vector<16xf32>, vector<16xi1>
        %eq3A_374 = arith.constant 15 : i32
        %eq3A_375 = vector.broadcast %eq3A_374 : i32 to vector<16xi32>
        %eq3A_376 = arith.cmpi eq, %iota3A, %eq3A_375 : vector<16xi32>
        tpu.vector_store_idx %arg18[%get3A_323], %mul3A_328 masked %eq3A_376 {add = true} : memref<10240xf32, #tpu.memory_space<vmem>>[vector<16xi32>], vector<16xf32>, vector<16xi1>
        %get3A_377 = arith.index_cast %add3A_170 : i32 to index
        %get3A_378 = arith.constant 48 : index
        %get3A_379 = tpu.vector_load %arg11[%get3A_377, %get3A_378] {strides = array<i32>} : memref<126x80xi32, #tpu.memory_space<vmem>>, vector<16xi32>,
        %get3A_380 = arith.index_cast %add3A_170 : i32 to index
        %get3A_381 = arith.constant 48 : index
        %get3A_382 = tpu.vector_load %arg12[%get3A_380, %get3A_381] {strides = array<i32>} : memref<126x80xi32, #tpu.memory_space<vmem>>, vector<16xi32>,
        %get3A_383 = arith.index_cast %add3A_170 : i32 to index
        %get3A_384 = arith.constant 48 : index
        %get3A_385 = tpu.vector_load %arg13[%get3A_383, %get3A_384] {strides = array<i32>} : memref<126x80xf32, #tpu.memory_space<vmem>>, vector<16xf32>,
        %gather3A_386 = tpu.vector_load_idx %arg17[%get3A_379] : memref<10000xf32, #tpu.memory_space<vmem>>[vector<16xi32>], vector<16xf32>,
        %mul3A_387 = arith.mulf %get3A_385, %gather3A_386 : vector<16xf32>
        %eq3A_388 = arith.constant 0 : i32
        %eq3A_389 = vector.broadcast %eq3A_388 : i32 to vector<16xi32>
        %eq3A_390 = arith.cmpi eq, %iota3A, %eq3A_389 : vector<16xi32>
        tpu.vector_store_idx %arg18[%get3A_382], %mul3A_387 masked %eq3A_390 {add = true} : memref<10240xf32, #tpu.memory_space<vmem>>[vector<16xi32>], vector<16xf32>, vector<16xi1>
        %eq3A_391 = arith.constant 1 : i32
        %eq3A_392 = vector.broadcast %eq3A_391 : i32 to vector<16xi32>
        %eq3A_393 = arith.cmpi eq, %iota3A, %eq3A_392 : vector<16xi32>
        tpu.vector_store_idx %arg18[%get3A_382], %mul3A_387 masked %eq3A_393 {add = true} : memref<10240xf32, #tpu.memory_space<vmem>>[vector<16xi32>], vector<16xf32>, vector<16xi1>
        %eq3A_394 = arith.constant 2 : i32
        %eq3A_395 = vector.broadcast %eq3A_394 : i32 to vector<16xi32>
        %eq3A_396 = arith.cmpi eq, %iota3A, %eq3A_395 : vector<16xi32>
        tpu.vector_store_idx %arg18[%get3A_382], %mul3A_387 masked %eq3A_396 {add = true} : memref<10240xf32, #tpu.memory_space<vmem>>[vector<16xi32>], vector<16xf32>, vector<16xi1>
        %eq3A_397 = arith.constant 3 : i32
        %eq3A_398 = vector.broadcast %eq3A_397 : i32 to vector<16xi32>
        %eq3A_399 = arith.cmpi eq, %iota3A, %eq3A_398 : vector<16xi32>
        tpu.vector_store_idx %arg18[%get3A_382], %mul3A_387 masked %eq3A_399 {add = true} : memref<10240xf32, #tpu.memory_space<vmem>>[vector<16xi32>], vector<16xf32>, vector<16xi1>
        %eq3A_400 = arith.constant 4 : i32
        %eq3A_401 = vector.broadcast %eq3A_400 : i32 to vector<16xi32>
        %eq3A_402 = arith.cmpi eq, %iota3A, %eq3A_401 : vector<16xi32>
        tpu.vector_store_idx %arg18[%get3A_382], %mul3A_387 masked %eq3A_402 {add = true} : memref<10240xf32, #tpu.memory_space<vmem>>[vector<16xi32>], vector<16xf32>, vector<16xi1>
        %eq3A_403 = arith.constant 5 : i32
        %eq3A_404 = vector.broadcast %eq3A_403 : i32 to vector<16xi32>
        %eq3A_405 = arith.cmpi eq, %iota3A, %eq3A_404 : vector<16xi32>
        tpu.vector_store_idx %arg18[%get3A_382], %mul3A_387 masked %eq3A_405 {add = true} : memref<10240xf32, #tpu.memory_space<vmem>>[vector<16xi32>], vector<16xf32>, vector<16xi1>
        %eq3A_406 = arith.constant 6 : i32
        %eq3A_407 = vector.broadcast %eq3A_406 : i32 to vector<16xi32>
        %eq3A_408 = arith.cmpi eq, %iota3A, %eq3A_407 : vector<16xi32>
        tpu.vector_store_idx %arg18[%get3A_382], %mul3A_387 masked %eq3A_408 {add = true} : memref<10240xf32, #tpu.memory_space<vmem>>[vector<16xi32>], vector<16xf32>, vector<16xi1>
        %eq3A_409 = arith.constant 7 : i32
        %eq3A_410 = vector.broadcast %eq3A_409 : i32 to vector<16xi32>
        %eq3A_411 = arith.cmpi eq, %iota3A, %eq3A_410 : vector<16xi32>
        tpu.vector_store_idx %arg18[%get3A_382], %mul3A_387 masked %eq3A_411 {add = true} : memref<10240xf32, #tpu.memory_space<vmem>>[vector<16xi32>], vector<16xf32>, vector<16xi1>
        %eq3A_412 = arith.constant 8 : i32
        %eq3A_413 = vector.broadcast %eq3A_412 : i32 to vector<16xi32>
        %eq3A_414 = arith.cmpi eq, %iota3A, %eq3A_413 : vector<16xi32>
        tpu.vector_store_idx %arg18[%get3A_382], %mul3A_387 masked %eq3A_414 {add = true} : memref<10240xf32, #tpu.memory_space<vmem>>[vector<16xi32>], vector<16xf32>, vector<16xi1>
        %eq3A_415 = arith.constant 9 : i32
        %eq3A_416 = vector.broadcast %eq3A_415 : i32 to vector<16xi32>
        %eq3A_417 = arith.cmpi eq, %iota3A, %eq3A_416 : vector<16xi32>
        tpu.vector_store_idx %arg18[%get3A_382], %mul3A_387 masked %eq3A_417 {add = true} : memref<10240xf32, #tpu.memory_space<vmem>>[vector<16xi32>], vector<16xf32>, vector<16xi1>
        %eq3A_418 = arith.constant 10 : i32
        %eq3A_419 = vector.broadcast %eq3A_418 : i32 to vector<16xi32>
        %eq3A_420 = arith.cmpi eq, %iota3A, %eq3A_419 : vector<16xi32>
        tpu.vector_store_idx %arg18[%get3A_382], %mul3A_387 masked %eq3A_420 {add = true} : memref<10240xf32, #tpu.memory_space<vmem>>[vector<16xi32>], vector<16xf32>, vector<16xi1>
        %eq3A_421 = arith.constant 11 : i32
        %eq3A_422 = vector.broadcast %eq3A_421 : i32 to vector<16xi32>
        %eq3A_423 = arith.cmpi eq, %iota3A, %eq3A_422 : vector<16xi32>
        tpu.vector_store_idx %arg18[%get3A_382], %mul3A_387 masked %eq3A_423 {add = true} : memref<10240xf32, #tpu.memory_space<vmem>>[vector<16xi32>], vector<16xf32>, vector<16xi1>
        %eq3A_424 = arith.constant 12 : i32
        %eq3A_425 = vector.broadcast %eq3A_424 : i32 to vector<16xi32>
        %eq3A_426 = arith.cmpi eq, %iota3A, %eq3A_425 : vector<16xi32>
        tpu.vector_store_idx %arg18[%get3A_382], %mul3A_387 masked %eq3A_426 {add = true} : memref<10240xf32, #tpu.memory_space<vmem>>[vector<16xi32>], vector<16xf32>, vector<16xi1>
        %eq3A_427 = arith.constant 13 : i32
        %eq3A_428 = vector.broadcast %eq3A_427 : i32 to vector<16xi32>
        %eq3A_429 = arith.cmpi eq, %iota3A, %eq3A_428 : vector<16xi32>
        tpu.vector_store_idx %arg18[%get3A_382], %mul3A_387 masked %eq3A_429 {add = true} : memref<10240xf32, #tpu.memory_space<vmem>>[vector<16xi32>], vector<16xf32>, vector<16xi1>
        %eq3A_430 = arith.constant 14 : i32
        %eq3A_431 = vector.broadcast %eq3A_430 : i32 to vector<16xi32>
        %eq3A_432 = arith.cmpi eq, %iota3A, %eq3A_431 : vector<16xi32>
        tpu.vector_store_idx %arg18[%get3A_382], %mul3A_387 masked %eq3A_432 {add = true} : memref<10240xf32, #tpu.memory_space<vmem>>[vector<16xi32>], vector<16xf32>, vector<16xi1>
        %eq3A_433 = arith.constant 15 : i32
        %eq3A_434 = vector.broadcast %eq3A_433 : i32 to vector<16xi32>
        %eq3A_435 = arith.cmpi eq, %iota3A, %eq3A_434 : vector<16xi32>
        tpu.vector_store_idx %arg18[%get3A_382], %mul3A_387 masked %eq3A_435 {add = true} : memref<10240xf32, #tpu.memory_space<vmem>>[vector<16xi32>], vector<16xf32>, vector<16xi1>
        %get3A_436 = arith.index_cast %add3A_170 : i32 to index
        %get3A_437 = arith.constant 64 : index
        %get3A_438 = tpu.vector_load %arg11[%get3A_436, %get3A_437] {strides = array<i32>} : memref<126x80xi32, #tpu.memory_space<vmem>>, vector<16xi32>,
        %get3A_439 = arith.index_cast %add3A_170 : i32 to index
        %get3A_440 = arith.constant 64 : index
        %get3A_441 = tpu.vector_load %arg12[%get3A_439, %get3A_440] {strides = array<i32>} : memref<126x80xi32, #tpu.memory_space<vmem>>, vector<16xi32>,
        %get3A_442 = arith.index_cast %add3A_170 : i32 to index
        %get3A_443 = arith.constant 64 : index
        %get3A_444 = tpu.vector_load %arg13[%get3A_442, %get3A_443] {strides = array<i32>} : memref<126x80xf32, #tpu.memory_space<vmem>>, vector<16xf32>,
        %gather3A_445 = tpu.vector_load_idx %arg17[%get3A_438] : memref<10000xf32, #tpu.memory_space<vmem>>[vector<16xi32>], vector<16xf32>,
        %mul3A_446 = arith.mulf %get3A_444, %gather3A_445 : vector<16xf32>
        %eq3A_447 = arith.constant 0 : i32
        %eq3A_448 = vector.broadcast %eq3A_447 : i32 to vector<16xi32>
        %eq3A_449 = arith.cmpi eq, %iota3A, %eq3A_448 : vector<16xi32>
        tpu.vector_store_idx %arg18[%get3A_441], %mul3A_446 masked %eq3A_449 {add = true} : memref<10240xf32, #tpu.memory_space<vmem>>[vector<16xi32>], vector<16xf32>, vector<16xi1>
        %eq3A_450 = arith.constant 1 : i32
        %eq3A_451 = vector.broadcast %eq3A_450 : i32 to vector<16xi32>
        %eq3A_452 = arith.cmpi eq, %iota3A, %eq3A_451 : vector<16xi32>
        tpu.vector_store_idx %arg18[%get3A_441], %mul3A_446 masked %eq3A_452 {add = true} : memref<10240xf32, #tpu.memory_space<vmem>>[vector<16xi32>], vector<16xf32>, vector<16xi1>
        %eq3A_453 = arith.constant 2 : i32
        %eq3A_454 = vector.broadcast %eq3A_453 : i32 to vector<16xi32>
        %eq3A_455 = arith.cmpi eq, %iota3A, %eq3A_454 : vector<16xi32>
        tpu.vector_store_idx %arg18[%get3A_441], %mul3A_446 masked %eq3A_455 {add = true} : memref<10240xf32, #tpu.memory_space<vmem>>[vector<16xi32>], vector<16xf32>, vector<16xi1>
        %eq3A_456 = arith.constant 3 : i32
        %eq3A_457 = vector.broadcast %eq3A_456 : i32 to vector<16xi32>
        %eq3A_458 = arith.cmpi eq, %iota3A, %eq3A_457 : vector<16xi32>
        tpu.vector_store_idx %arg18[%get3A_441], %mul3A_446 masked %eq3A_458 {add = true} : memref<10240xf32, #tpu.memory_space<vmem>>[vector<16xi32>], vector<16xf32>, vector<16xi1>
        %eq3A_459 = arith.constant 4 : i32
        %eq3A_460 = vector.broadcast %eq3A_459 : i32 to vector<16xi32>
        %eq3A_461 = arith.cmpi eq, %iota3A, %eq3A_460 : vector<16xi32>
        tpu.vector_store_idx %arg18[%get3A_441], %mul3A_446 masked %eq3A_461 {add = true} : memref<10240xf32, #tpu.memory_space<vmem>>[vector<16xi32>], vector<16xf32>, vector<16xi1>
        %eq3A_462 = arith.constant 5 : i32
        %eq3A_463 = vector.broadcast %eq3A_462 : i32 to vector<16xi32>
        %eq3A_464 = arith.cmpi eq, %iota3A, %eq3A_463 : vector<16xi32>
        tpu.vector_store_idx %arg18[%get3A_441], %mul3A_446 masked %eq3A_464 {add = true} : memref<10240xf32, #tpu.memory_space<vmem>>[vector<16xi32>], vector<16xf32>, vector<16xi1>
        %eq3A_465 = arith.constant 6 : i32
        %eq3A_466 = vector.broadcast %eq3A_465 : i32 to vector<16xi32>
        %eq3A_467 = arith.cmpi eq, %iota3A, %eq3A_466 : vector<16xi32>
        tpu.vector_store_idx %arg18[%get3A_441], %mul3A_446 masked %eq3A_467 {add = true} : memref<10240xf32, #tpu.memory_space<vmem>>[vector<16xi32>], vector<16xf32>, vector<16xi1>
        %eq3A_468 = arith.constant 7 : i32
        %eq3A_469 = vector.broadcast %eq3A_468 : i32 to vector<16xi32>
        %eq3A_470 = arith.cmpi eq, %iota3A, %eq3A_469 : vector<16xi32>
        tpu.vector_store_idx %arg18[%get3A_441], %mul3A_446 masked %eq3A_470 {add = true} : memref<10240xf32, #tpu.memory_space<vmem>>[vector<16xi32>], vector<16xf32>, vector<16xi1>
        %eq3A_471 = arith.constant 8 : i32
        %eq3A_472 = vector.broadcast %eq3A_471 : i32 to vector<16xi32>
        %eq3A_473 = arith.cmpi eq, %iota3A, %eq3A_472 : vector<16xi32>
        tpu.vector_store_idx %arg18[%get3A_441], %mul3A_446 masked %eq3A_473 {add = true} : memref<10240xf32, #tpu.memory_space<vmem>>[vector<16xi32>], vector<16xf32>, vector<16xi1>
        %eq3A_474 = arith.constant 9 : i32
        %eq3A_475 = vector.broadcast %eq3A_474 : i32 to vector<16xi32>
        %eq3A_476 = arith.cmpi eq, %iota3A, %eq3A_475 : vector<16xi32>
        tpu.vector_store_idx %arg18[%get3A_441], %mul3A_446 masked %eq3A_476 {add = true} : memref<10240xf32, #tpu.memory_space<vmem>>[vector<16xi32>], vector<16xf32>, vector<16xi1>
        %eq3A_477 = arith.constant 10 : i32
        %eq3A_478 = vector.broadcast %eq3A_477 : i32 to vector<16xi32>
        %eq3A_479 = arith.cmpi eq, %iota3A, %eq3A_478 : vector<16xi32>
        tpu.vector_store_idx %arg18[%get3A_441], %mul3A_446 masked %eq3A_479 {add = true} : memref<10240xf32, #tpu.memory_space<vmem>>[vector<16xi32>], vector<16xf32>, vector<16xi1>
        %eq3A_480 = arith.constant 11 : i32
        %eq3A_481 = vector.broadcast %eq3A_480 : i32 to vector<16xi32>
        %eq3A_482 = arith.cmpi eq, %iota3A, %eq3A_481 : vector<16xi32>
        tpu.vector_store_idx %arg18[%get3A_441], %mul3A_446 masked %eq3A_482 {add = true} : memref<10240xf32, #tpu.memory_space<vmem>>[vector<16xi32>], vector<16xf32>, vector<16xi1>
        %eq3A_483 = arith.constant 12 : i32
        %eq3A_484 = vector.broadcast %eq3A_483 : i32 to vector<16xi32>
        %eq3A_485 = arith.cmpi eq, %iota3A, %eq3A_484 : vector<16xi32>
        tpu.vector_store_idx %arg18[%get3A_441], %mul3A_446 masked %eq3A_485 {add = true} : memref<10240xf32, #tpu.memory_space<vmem>>[vector<16xi32>], vector<16xf32>, vector<16xi1>
        %eq3A_486 = arith.constant 13 : i32
        %eq3A_487 = vector.broadcast %eq3A_486 : i32 to vector<16xi32>
        %eq3A_488 = arith.cmpi eq, %iota3A, %eq3A_487 : vector<16xi32>
        tpu.vector_store_idx %arg18[%get3A_441], %mul3A_446 masked %eq3A_488 {add = true} : memref<10240xf32, #tpu.memory_space<vmem>>[vector<16xi32>], vector<16xf32>, vector<16xi1>
        %eq3A_489 = arith.constant 14 : i32
        %eq3A_490 = vector.broadcast %eq3A_489 : i32 to vector<16xi32>
        %eq3A_491 = arith.cmpi eq, %iota3A, %eq3A_490 : vector<16xi32>
        tpu.vector_store_idx %arg18[%get3A_441], %mul3A_446 masked %eq3A_491 {add = true} : memref<10240xf32, #tpu.memory_space<vmem>>[vector<16xi32>], vector<16xf32>, vector<16xi1>
        %eq3A_492 = arith.constant 15 : i32
        %eq3A_493 = vector.broadcast %eq3A_492 : i32 to vector<16xi32>
        %eq3A_494 = arith.cmpi eq, %iota3A, %eq3A_493 : vector<16xi32>
        tpu.vector_store_idx %arg18[%get3A_441], %mul3A_446 masked %eq3A_494 {add = true} : memref<10240xf32, #tpu.memory_space<vmem>>[vector<16xi32>], vector<16xf32>, vector<16xi1>
      } else {
      }
      %scan3A_183 = arith.constant 0 : i32
      %scan3A_184 = arith.constant 0 : i32
      %scan3A_185 = arith.constant 80 : i32
      %scan3A_186 = arith.addi %scan3A_184, %scan3A_185 : i32
      %scan3A_187 = arith.constant 4 : i32
      scf.for %scan3A_202 = %scan3A_184 to %scan3A_186 step %scan3A_187  : i32 {
        %broadcast_in_dim3A = vector.broadcast %add3A_170 : i32 to vector<16xi32>
        %broadcast_in_dim3A_203 = vector.broadcast %scan3A_202 : i32 to vector<16xi32>
        %gather3A = tpu.vector_load_idx %arg13[%broadcast_in_dim3A, %broadcast_in_dim3A_203] : memref<126x80xf32, #tpu.memory_space<vmem>>[vector<16xi32>, vector<16xi32>], vector<16xf32>,
        %get3A = arith.index_cast %scan3A_202 : i32 to index
        %get3A_204 = arith.constant 0 : index
        %get3A_205 = tpu.vector_load %arg16[%get3A, %get3A_204] {strides = array<i32>} : memref<80x64xf32, #tpu.memory_space<vmem>>, vector<16xf32>,
        %mul3A_206 = arith.mulf %get3A_205, %gather3A : vector<16xf32>
        %swap3A = arith.index_cast %scan3A_202 : i32 to index
        %swap3A_207 = arith.constant 0 : index
        %swap3A_208 = tpu.vector_load %arg16[%swap3A, %swap3A_207] {strides = array<i32>} : memref<80x64xf32, #tpu.memory_space<vmem>>, vector<16xf32>,
        tpu.vector_store %arg16[%swap3A, %swap3A_207], %mul3A_206 {strides = array<i32>} : memref<80x64xf32, #tpu.memory_space<vmem>>, vector<16xf32>,
        %get3A_209 = arith.index_cast %scan3A_202 : i32 to index
        %get3A_210 = arith.constant 16 : index
        %get3A_211 = tpu.vector_load %arg16[%get3A_209, %get3A_210] {strides = array<i32>} : memref<80x64xf32, #tpu.memory_space<vmem>>, vector<16xf32>,
        %mul3A_212 = arith.mulf %get3A_211, %gather3A : vector<16xf32>
        %swap3A_213 = arith.index_cast %scan3A_202 : i32 to index
        %swap3A_214 = arith.constant 16 : index
        %swap3A_215 = tpu.vector_load %arg16[%swap3A_213, %swap3A_214] {strides = array<i32>} : memref<80x64xf32, #tpu.memory_space<vmem>>, vector<16xf32>,
        tpu.vector_store %arg16[%swap3A_213, %swap3A_214], %mul3A_212 {strides = array<i32>} : memref<80x64xf32, #tpu.memory_space<vmem>>, vector<16xf32>,
        %get3A_216 = arith.index_cast %scan3A_202 : i32 to index
        %get3A_217 = arith.constant 32 : index
        %get3A_218 = tpu.vector_load %arg16[%get3A_216, %get3A_217] {strides = array<i32>} : memref<80x64xf32, #tpu.memory_space<vmem>>, vector<16xf32>,
        %mul3A_219 = arith.mulf %get3A_218, %gather3A : vector<16xf32>
        %swap3A_220 = arith.index_cast %scan3A_202 : i32 to index
        %swap3A_221 = arith.constant 32 : index
        %swap3A_222 = tpu.vector_load %arg16[%swap3A_220, %swap3A_221] {strides = array<i32>} : memref<80x64xf32, #tpu.memory_space<vmem>>, vector<16xf32>,
        tpu.vector_store %arg16[%swap3A_220, %swap3A_221], %mul3A_219 {strides = array<i32>} : memref<80x64xf32, #tpu.memory_space<vmem>>, vector<16xf32>,
        %get3A_223 = arith.index_cast %scan3A_202 : i32 to index
        %get3A_224 = arith.constant 48 : index
        %get3A_225 = tpu.vector_load %arg16[%get3A_223, %get3A_224] {strides = array<i32>} : memref<80x64xf32, #tpu.memory_space<vmem>>, vector<16xf32>,
        %mul3A_226 = arith.mulf %get3A_225, %gather3A : vector<16xf32>
        %swap3A_227 = arith.index_cast %scan3A_202 : i32 to index
        %swap3A_228 = arith.constant 48 : index
        %swap3A_229 = tpu.vector_load %arg16[%swap3A_227, %swap3A_228] {strides = array<i32>} : memref<80x64xf32, #tpu.memory_space<vmem>>, vector<16xf32>,
        tpu.vector_store %arg16[%swap3A_227, %swap3A_228], %mul3A_226 {strides = array<i32>} : memref<80x64xf32, #tpu.memory_space<vmem>>, vector<16xf32>,
        %scan3A_230 = arith.constant 1 : i32
        %scan3A_231 = arith.addi %scan3A_202, %scan3A_230 : i32
        %broadcast_in_dim3A_232 = vector.broadcast %add3A_170 : i32 to vector<16xi32>
        %broadcast_in_dim3A_233 = vector.broadcast %scan3A_231 : i32 to vector<16xi32>
        %gather3A_234 = tpu.vector_load_idx %arg13[%broadcast_in_dim3A_232, %broadcast_in_dim3A_233] : memref<126x80xf32, #tpu.memory_space<vmem>>[vector<16xi32>, vector<16xi32>], vector<16xf32>,
        %get3A_235 = arith.index_cast %scan3A_231 : i32 to index
        %get3A_236 = arith.constant 0 : index
        %get3A_237 = tpu.vector_load %arg16[%get3A_235, %get3A_236] {strides = array<i32>} : memref<80x64xf32, #tpu.memory_space<vmem>>, vector<16xf32>,
        %mul3A_238 = arith.mulf %get3A_237, %gather3A_234 : vector<16xf32>
        %swap3A_239 = arith.index_cast %scan3A_231 : i32 to index
        %swap3A_240 = arith.constant 0 : index
        %swap3A_241 = tpu.vector_load %arg16[%swap3A_239, %swap3A_240] {strides = array<i32>} : memref<80x64xf32, #tpu.memory_space<vmem>>, vector<16xf32>,
        tpu.vector_store %arg16[%swap3A_239, %swap3A_240], %mul3A_238 {strides = array<i32>} : memref<80x64xf32, #tpu.memory_space<vmem>>, vector<16xf32>,
        %get3A_242 = arith.index_cast %scan3A_231 : i32 to index
        %get3A_243 = arith.constant 16 : index
        %get3A_244 = tpu.vector_load %arg16[%get3A_242, %get3A_243] {strides = array<i32>} : memref<80x64xf32, #tpu.memory_space<vmem>>, vector<16xf32>,
        %mul3A_245 = arith.mulf %get3A_244, %gather3A_234 : vector<16xf32>
        %swap3A_246 = arith.index_cast %scan3A_231 : i32 to index
        %swap3A_247 = arith.constant 16 : index
        %swap3A_248 = tpu.vector_load %arg16[%swap3A_246, %swap3A_247] {strides = array<i32>} : memref<80x64xf32, #tpu.memory_space<vmem>>, vector<16xf32>,
        tpu.vector_store %arg16[%swap3A_246, %swap3A_247], %mul3A_245 {strides = array<i32>} : memref<80x64xf32, #tpu.memory_space<vmem>>, vector<16xf32>,
        %get3A_249 = arith.index_cast %scan3A_231 : i32 to index
        %get3A_250 = arith.constant 32 : index
        %get3A_251 = tpu.vector_load %arg16[%get3A_249, %get3A_250] {strides = array<i32>} : memref<80x64xf32, #tpu.memory_space<vmem>>, vector<16xf32>,
        %mul3A_252 = arith.mulf %get3A_251, %gather3A_234 : vector<16xf32>
        %swap3A_253 = arith.index_cast %scan3A_231 : i32 to index
        %swap3A_254 = arith.constant 32 : index
        %swap3A_255 = tpu.vector_load %arg16[%swap3A_253, %swap3A_254] {strides = array<i32>} : memref<80x64xf32, #tpu.memory_space<vmem>>, vector<16xf32>,
        tpu.vector_store %arg16[%swap3A_253, %swap3A_254], %mul3A_252 {strides = array<i32>} : memref<80x64xf32, #tpu.memory_space<vmem>>, vector<16xf32>,
        %get3A_256 = arith.index_cast %scan3A_231 : i32 to index
        %get3A_257 = arith.constant 48 : index
        %get3A_258 = tpu.vector_load %arg16[%get3A_256, %get3A_257] {strides = array<i32>} : memref<80x64xf32, #tpu.memory_space<vmem>>, vector<16xf32>,
        %mul3A_259 = arith.mulf %get3A_258, %gather3A_234 : vector<16xf32>
        %swap3A_260 = arith.index_cast %scan3A_231 : i32 to index
        %swap3A_261 = arith.constant 48 : index
        %swap3A_262 = tpu.vector_load %arg16[%swap3A_260, %swap3A_261] {strides = array<i32>} : memref<80x64xf32, #tpu.memory_space<vmem>>, vector<16xf32>,
        tpu.vector_store %arg16[%swap3A_260, %swap3A_261], %mul3A_259 {strides = array<i32>} : memref<80x64xf32, #tpu.memory_space<vmem>>, vector<16xf32>,
        %scan3A_263 = arith.constant 2 : i32
        %scan3A_264 = arith.addi %scan3A_202, %scan3A_263 : i32
        %broadcast_in_dim3A_265 = vector.broadcast %add3A_170 : i32 to vector<16xi32>
        %broadcast_in_dim3A_266 = vector.broadcast %scan3A_264 : i32 to vector<16xi32>
        %gather3A_267 = tpu.vector_load_idx %arg13[%broadcast_in_dim3A_265, %broadcast_in_dim3A_266] : memref<126x80xf32, #tpu.memory_space<vmem>>[vector<16xi32>, vector<16xi32>], vector<16xf32>,
        %get3A_268 = arith.index_cast %scan3A_264 : i32 to index
        %get3A_269 = arith.constant 0 : index
        %get3A_270 = tpu.vector_load %arg16[%get3A_268, %get3A_269] {strides = array<i32>} : memref<80x64xf32, #tpu.memory_space<vmem>>, vector<16xf32>,
        %mul3A_271 = arith.mulf %get3A_270, %gather3A_267 : vector<16xf32>
        %swap3A_272 = arith.index_cast %scan3A_264 : i32 to index
        %swap3A_273 = arith.constant 0 : index
        %swap3A_274 = tpu.vector_load %arg16[%swap3A_272, %swap3A_273] {strides = array<i32>} : memref<80x64xf32, #tpu.memory_space<vmem>>, vector<16xf32>,
        tpu.vector_store %arg16[%swap3A_272, %swap3A_273], %mul3A_271 {strides = array<i32>} : memref<80x64xf32, #tpu.memory_space<vmem>>, vector<16xf32>,
        %get3A_275 = arith.index_cast %scan3A_264 : i32 to index
        %get3A_276 = arith.constant 16 : index
        %get3A_277 = tpu.vector_load %arg16[%get3A_275, %get3A_276] {strides = array<i32>} : memref<80x64xf32, #tpu.memory_space<vmem>>, vector<16xf32>,
        %mul3A_278 = arith.mulf %get3A_277, %gather3A_267 : vector<16xf32>
        %swap3A_279 = arith.index_cast %scan3A_264 : i32 to index
        %swap3A_280 = arith.constant 16 : index
        %swap3A_281 = tpu.vector_load %arg16[%swap3A_279, %swap3A_280] {strides = array<i32>} : memref<80x64xf32, #tpu.memory_space<vmem>>, vector<16xf32>,
        tpu.vector_store %arg16[%swap3A_279, %swap3A_280], %mul3A_278 {strides = array<i32>} : memref<80x64xf32, #tpu.memory_space<vmem>>, vector<16xf32>,
        %get3A_282 = arith.index_cast %scan3A_264 : i32 to index
        %get3A_283 = arith.constant 32 : index
        %get3A_284 = tpu.vector_load %arg16[%get3A_282, %get3A_283] {strides = array<i32>} : memref<80x64xf32, #tpu.memory_space<vmem>>, vector<16xf32>,
        %mul3A_285 = arith.mulf %get3A_284, %gather3A_267 : vector<16xf32>
        %swap3A_286 = arith.index_cast %scan3A_264 : i32 to index
        %swap3A_287 = arith.constant 32 : index
        %swap3A_288 = tpu.vector_load %arg16[%swap3A_286, %swap3A_287] {strides = array<i32>} : memref<80x64xf32, #tpu.memory_space<vmem>>, vector<16xf32>,
        tpu.vector_store %arg16[%swap3A_286, %swap3A_287], %mul3A_285 {strides = array<i32>} : memref<80x64xf32, #tpu.memory_space<vmem>>, vector<16xf32>,
        %get3A_289 = arith.index_cast %scan3A_264 : i32 to index
        %get3A_290 = arith.constant 48 : index
        %get3A_291 = tpu.vector_load %arg16[%get3A_289, %get3A_290] {strides = array<i32>} : memref<80x64xf32, #tpu.memory_space<vmem>>, vector<16xf32>,
        %mul3A_292 = arith.mulf %get3A_291, %gather3A_267 : vector<16xf32>
        %swap3A_293 = arith.index_cast %scan3A_264 : i32 to index
        %swap3A_294 = arith.constant 48 : index
        %swap3A_295 = tpu.vector_load %arg16[%swap3A_293, %swap3A_294] {strides = array<i32>} : memref<80x64xf32, #tpu.memory_space<vmem>>, vector<16xf32>,
        tpu.vector_store %arg16[%swap3A_293, %swap3A_294], %mul3A_292 {strides = array<i32>} : memref<80x64xf32, #tpu.memory_space<vmem>>, vector<16xf32>,
        %scan3A_296 = arith.constant 3 : i32
        %scan3A_297 = arith.addi %scan3A_202, %scan3A_296 : i32
        %broadcast_in_dim3A_298 = vector.broadcast %add3A_170 : i32 to vector<16xi32>
        %broadcast_in_dim3A_299 = vector.broadcast %scan3A_297 : i32 to vector<16xi32>
        %gather3A_300 = tpu.vector_load_idx %arg13[%broadcast_in_dim3A_298, %broadcast_in_dim3A_299] : memref<126x80xf32, #tpu.memory_space<vmem>>[vector<16xi32>, vector<16xi32>], vector<16xf32>,
        %get3A_301 = arith.index_cast %scan3A_297 : i32 to index
        %get3A_302 = arith.constant 0 : index
        %get3A_303 = tpu.vector_load %arg16[%get3A_301, %get3A_302] {strides = array<i32>} : memref<80x64xf32, #tpu.memory_space<vmem>>, vector<16xf32>,
        %mul3A_304 = arith.mulf %get3A_303, %gather3A_300 : vector<16xf32>
        %swap3A_305 = arith.index_cast %scan3A_297 : i32 to index
        %swap3A_306 = arith.constant 0 : index
        %swap3A_307 = tpu.vector_load %arg16[%swap3A_305, %swap3A_306] {strides = array<i32>} : memref<80x64xf32, #tpu.memory_space<vmem>>, vector<16xf32>,
        tpu.vector_store %arg16[%swap3A_305, %swap3A_306], %mul3A_304 {strides = array<i32>} : memref<80x64xf32, #tpu.memory_space<vmem>>, vector<16xf32>,
        %get3A_308 = arith.index_cast %scan3A_297 : i32 to index
        %get3A_309 = arith.constant 16 : index
        %get3A_310 = tpu.vector_load %arg16[%get3A_308, %get3A_309] {strides = array<i32>} : memref<80x64xf32, #tpu.memory_space<vmem>>, vector<16xf32>,
        %mul3A_311 = arith.mulf %get3A_310, %gather3A_300 : vector<16xf32>
        %swap3A_312 = arith.index_cast %scan3A_297 : i32 to index
        %swap3A_313 = arith.constant 16 : index
        %swap3A_314 = tpu.vector_load %arg16[%swap3A_312, %swap3A_313] {strides = array<i32>} : memref<80x64xf32, #tpu.memory_space<vmem>>, vector<16xf32>,
        tpu.vector_store %arg16[%swap3A_312, %swap3A_313], %mul3A_311 {strides = array<i32>} : memref<80x64xf32, #tpu.memory_space<vmem>>, vector<16xf32>,
        %get3A_315 = arith.index_cast %scan3A_297 : i32 to index
        %get3A_316 = arith.constant 32 : index
        %get3A_317 = tpu.vector_load %arg16[%get3A_315, %get3A_316] {strides = array<i32>} : memref<80x64xf32, #tpu.memory_space<vmem>>, vector<16xf32>,
        %mul3A_318 = arith.mulf %get3A_317, %gather3A_300 : vector<16xf32>
        %swap3A_319 = arith.index_cast %scan3A_297 : i32 to index
        %swap3A_320 = arith.constant 32 : index
        %swap3A_321 = tpu.vector_load %arg16[%swap3A_319, %swap3A_320] {strides = array<i32>} : memref<80x64xf32, #tpu.memory_space<vmem>>, vector<16xf32>,
        tpu.vector_store %arg16[%swap3A_319, %swap3A_320], %mul3A_318 {strides = array<i32>} : memref<80x64xf32, #tpu.memory_space<vmem>>, vector<16xf32>,
        %get3A_322 = arith.index_cast %scan3A_297 : i32 to index
        %get3A_323 = arith.constant 48 : index
        %get3A_324 = tpu.vector_load %arg16[%get3A_322, %get3A_323] {strides = array<i32>} : memref<80x64xf32, #tpu.memory_space<vmem>>, vector<16xf32>,
        %mul3A_325 = arith.mulf %get3A_324, %gather3A_300 : vector<16xf32>
        %swap3A_326 = arith.index_cast %scan3A_297 : i32 to index
        %swap3A_327 = arith.constant 48 : index
        %swap3A_328 = tpu.vector_load %arg16[%swap3A_326, %swap3A_327] {strides = array<i32>} : memref<80x64xf32, #tpu.memory_space<vmem>>, vector<16xf32>,
        tpu.vector_store %arg16[%swap3A_326, %swap3A_327], %mul3A_325 {strides = array<i32>} : memref<80x64xf32, #tpu.memory_space<vmem>>, vector<16xf32>,
      }
      %scan3A_188 = arith.constant 80 : i32
      %dma_start3A_189 = arith.constant 0 : i32
      %dma_start3A_190 = tpu.memref_slice %arg12[%add3A_170, %dma_start3A_189] : memref<126x80xi32, #tpu.memory_space<vmem>> -> memref<1x80xi32, #tpu.memory_space<vmem>>
      %dma_start3A_191 = tpu.memref_squeeze %dma_start3A_190 : memref<1x80xi32, #tpu.memory_space<vmem>> -> memref<80xi32, #tpu.memory_space<vmem>>
      %dma_start3A_192 = arith.constant 0 : i32
      %dma_start3A_193 = arith.constant 0 : i32
      %dma_start3A_194 = tpu.memref_slice %arg19[%dma_start3A_192, %dma_start3A_193] : memref<10000x64xf32, #tpu.memory_space<vmem_shared>> -> memref<10000x64xf32, #tpu.memory_space<vmem_shared>>
      tpu.enqueue_indirect_dma source(%arg16 : memref<80x64xf32, #tpu.memory_space<vmem>>) target(%dma_start3A_194 : memref<10000x64xf32, #tpu.memory_space<vmem_shared>>) offsets(%dma_start3A_191 : memref<80xi32, #tpu.memory_space<vmem>>) semaphore(%arg25 : memref<!tpu.dma_semaphore, #tpu.memory_space<semaphore_mem>>) {add = true}
      %add3A_195 = arith.constant 2 : i32
      %add3A_196 = arith.addi %add3A_170, %add3A_195 : i32
      %lt3A_197 = arith.constant 126 : i32
      %lt3A_198 = arith.cmpi slt, %add3A_196, %lt3A_197 : i32
      %convert_element_type3A_199 = arith.extui %lt3A_198 : i1 to i32
      %cond3A_200 = arith.constant 0 : i32
      %cond3A_201 = arith.cmpi ne, %convert_element_type3A_199, %cond3A_200 : i32
      scf.if %cond3A_201 {
        %ge3A = arith.constant 1 : i32
        %ge3A_202 = arith.cmpi sge, %add3A_170, %ge3A : i32
        %convert_element_type3A_203 = arith.extui %ge3A_202 : i1 to i32
        %cond3A_204 = arith.constant 0 : i32
        %cond3A_205 = arith.cmpi ne, %convert_element_type3A_203, %cond3A_204 : i32
        scf.if %cond3A_205 {
          %dma_wait3A_214 = arith.constant 0 : i32
          %dma_wait3A_215 = arith.constant 0 : i32
          %dma_wait3A_216 = tpu.memref_slice %arg12[%dma_wait3A_214, %dma_wait3A_215] : memref<126x80xi32, #tpu.memory_space<vmem>> -> memref<1x80xi32, #tpu.memory_space<vmem>>
          %dma_wait3A_217 = tpu.memref_squeeze %dma_wait3A_216 : memref<1x80xi32, #tpu.memory_space<vmem>> -> memref<80xi32, #tpu.memory_space<vmem>>
          %dma_wait3A_218 = arith.constant 0 : i32
          %dma_wait3A_219 = arith.constant 0 : i32
          %dma_wait3A_220 = tpu.memref_slice %arg19[%dma_wait3A_218, %dma_wait3A_219] : memref<10000x64xf32, #tpu.memory_space<vmem_shared>> -> memref<10000x64xf32, #tpu.memory_space<vmem_shared>>
          tpu.wait_indirect_dma semaphore(%arg24 : memref<!tpu.dma_semaphore, #tpu.memory_space<semaphore_mem>>) src(%arg15 : memref<80x64xf32, #tpu.memory_space<vmem>>) dst(%dma_wait3A_220 : memref<10000x64xf32, #tpu.memory_space<vmem_shared>>)
        } else {
        }
        %add3A_206 = arith.constant 2 : i32
        %add3A_207 = arith.addi %add3A_170, %add3A_206 : i32
        %dma_start3A_208 = arith.constant 0 : i32
        %dma_start3A_209 = tpu.memref_slice %arg11[%add3A_207, %dma_start3A_208] : memref<126x80xi32, #tpu.memory_space<vmem>> -> memref<1x80xi32, #tpu.memory_space<vmem>>
        %dma_start3A_210 = tpu.memref_squeeze %dma_start3A_209 : memref<1x80xi32, #tpu.memory_space<vmem>> -> memref<80xi32, #tpu.memory_space<vmem>>
        %dma_start3A_211 = arith.constant 0 : i32
        %dma_start3A_212 = arith.constant 0 : i32
        %dma_start3A_213 = tpu.memref_slice %arg2[%dma_start3A_211, %dma_start3A_212] : memref<20000x64xf32, #tpu.memory_space<hbm>> -> memref<20000x64xf32, #tpu.memory_space<hbm>>
        tpu.enqueue_indirect_dma source(%dma_start3A_213 : memref<20000x64xf32, #tpu.memory_space<hbm>>) target(%arg15 : memref<80x64xf32, #tpu.memory_space<vmem>>) offsets(%dma_start3A_210 : memref<80xi32, #tpu.memory_space<vmem>>) semaphore(%arg21 : memref<!tpu.dma_semaphore, #tpu.memory_space<semaphore_mem>>)
      } else {
      }
    }
    %scan3A_70 = arith.constant 42 : i32
    %dma_wait3A_71 = arith.constant 0 : i32
    %dma_wait3A_72 = arith.constant 0 : i32
    %dma_wait3A_73 = tpu.memref_slice %arg12[%dma_wait3A_71, %dma_wait3A_72] : memref<126x80xi32, #tpu.memory_space<vmem>> -> memref<1x80xi32, #tpu.memory_space<vmem>>
    %dma_wait3A_74 = tpu.memref_squeeze %dma_wait3A_73 : memref<1x80xi32, #tpu.memory_space<vmem>> -> memref<80xi32, #tpu.memory_space<vmem>>
    %dma_wait3A_75 = arith.constant 0 : i32
    %dma_wait3A_76 = arith.constant 0 : i32
    %dma_wait3A_77 = tpu.memref_slice %arg19[%dma_wait3A_75, %dma_wait3A_76] : memref<10000x64xf32, #tpu.memory_space<vmem_shared>> -> memref<10000x64xf32, #tpu.memory_space<vmem_shared>>
    tpu.wait_indirect_dma semaphore(%arg23 : memref<!tpu.dma_semaphore, #tpu.memory_space<semaphore_mem>>) src(%arg14 : memref<80x64xf32, #tpu.memory_space<vmem>>) dst(%dma_wait3A_77 : memref<10000x64xf32, #tpu.memory_space<vmem_shared>>)
    %dma_wait3A_78 = arith.constant 0 : i32
    %dma_wait3A_79 = arith.constant 0 : i32
    %dma_wait3A_80 = tpu.memref_slice %arg12[%dma_wait3A_78, %dma_wait3A_79] : memref<126x80xi32, #tpu.memory_space<vmem>> -> memref<1x80xi32, #tpu.memory_space<vmem>>
    %dma_wait3A_81 = tpu.memref_squeeze %dma_wait3A_80 : memref<1x80xi32, #tpu.memory_space<vmem>> -> memref<80xi32, #tpu.memory_space<vmem>>
    %dma_wait3A_82 = arith.constant 0 : i32
    %dma_wait3A_83 = arith.constant 0 : i32
    %dma_wait3A_84 = tpu.memref_slice %arg19[%dma_wait3A_82, %dma_wait3A_83] : memref<10000x64xf32, #tpu.memory_space<vmem_shared>> -> memref<10000x64xf32, #tpu.memory_space<vmem_shared>>
    tpu.wait_indirect_dma semaphore(%arg24 : memref<!tpu.dma_semaphore, #tpu.memory_space<semaphore_mem>>) src(%arg15 : memref<80x64xf32, #tpu.memory_space<vmem>>) dst(%dma_wait3A_84 : memref<10000x64xf32, #tpu.memory_space<vmem_shared>>)
    %dma_wait3A_85 = arith.constant 0 : i32
    %dma_wait3A_86 = arith.constant 0 : i32
    %dma_wait3A_87 = tpu.memref_slice %arg12[%dma_wait3A_85, %dma_wait3A_86] : memref<126x80xi32, #tpu.memory_space<vmem>> -> memref<1x80xi32, #tpu.memory_space<vmem>>
    %dma_wait3A_88 = tpu.memref_squeeze %dma_wait3A_87 : memref<1x80xi32, #tpu.memory_space<vmem>> -> memref<80xi32, #tpu.memory_space<vmem>>
    %dma_wait3A_89 = arith.constant 0 : i32
    %dma_wait3A_90 = arith.constant 0 : i32
    %dma_wait3A_91 = tpu.memref_slice %arg19[%dma_wait3A_89, %dma_wait3A_90] : memref<10000x64xf32, #tpu.memory_space<vmem_shared>> -> memref<10000x64xf32, #tpu.memory_space<vmem_shared>>
    tpu.wait_indirect_dma semaphore(%arg25 : memref<!tpu.dma_semaphore, #tpu.memory_space<semaphore_mem>>) src(%arg16 : memref<80x64xf32, #tpu.memory_space<vmem>>) dst(%dma_wait3A_91 : memref<10000x64xf32, #tpu.memory_space<vmem_shared>>)
    %barrier3A_92 = arith.constant 0 : index
    tpu.barrier barrier_id(%barrier3A_92)
    %mul3A_93 = arith.constant 625 : i32
    %mul3A_94 = arith.muli %arg1, %mul3A_93 : i32
    %mul3A_95 = arith.constant 625 : i32
    %mul3A_96 = arith.muli %arg1, %mul3A_95 : i32
    "tpu.region"() ({
      %run_scoped3A = tpu.sem_alloc : memref<!tpu.dma_semaphore, #tpu.memory_space<semaphore_mem>>
      %dma_start3A_102 = arith.constant 0 : i32
      %dma_start3A_103 = tpu.memref_slice %arg9[%arg0, %mul3A_96, %dma_start3A_102] : memref<2x10000x64xf32, #tpu.memory_space<hbm>> -> memref<1x625x64xf32, #tpu.memory_space<hbm>>
      %dma_start3A_104 = tpu.memref_squeeze %dma_start3A_103 : memref<1x625x64xf32, #tpu.memory_space<hbm>> -> memref<625x64xf32, #tpu.memory_space<hbm>>
      %dma_start3A_105 = arith.constant 0 : i32
      %dma_start3A_106 = tpu.memref_slice %arg19[%mul3A_94, %dma_start3A_105] : memref<10000x64xf32, #tpu.memory_space<vmem_shared>> -> memref<625x64xf32, #tpu.memory_space<vmem_shared>>
      tpu.enqueue_dma source(%dma_start3A_106 : memref<625x64xf32, #tpu.memory_space<vmem_shared>>) target(%dma_start3A_104 : memref<625x64xf32, #tpu.memory_space<hbm>>) target_semaphore(%run_scoped3A : memref<!tpu.dma_semaphore, #tpu.memory_space<semaphore_mem>>)
      %dma_wait3A_107 = arith.constant 0 : i32
      %dma_wait3A_108 = tpu.memref_slice %arg9[%arg0, %mul3A_96, %dma_wait3A_107] : memref<2x10000x64xf32, #tpu.memory_space<hbm>> -> memref<1x625x64xf32, #tpu.memory_space<hbm>>
      %dma_wait3A_109 = tpu.memref_squeeze %dma_wait3A_108 : memref<1x625x64xf32, #tpu.memory_space<hbm>> -> memref<625x64xf32, #tpu.memory_space<hbm>>
      %dma_wait3A_110 = arith.constant 0 : i32
      %dma_wait3A_111 = tpu.memref_slice %arg19[%mul3A_94, %dma_wait3A_110] : memref<10000x64xf32, #tpu.memory_space<vmem_shared>> -> memref<625x64xf32, #tpu.memory_space<vmem_shared>>
      tpu.wait_dma2 semaphore(%run_scoped3A : memref<!tpu.dma_semaphore, #tpu.memory_space<semaphore_mem>>) src(%dma_wait3A_111 : memref<625x64xf32, #tpu.memory_space<vmem_shared>>) dst(%dma_wait3A_109 : memref<625x64xf32, #tpu.memory_space<hbm>>)
      tpu.yield
    }) : () -> ()
    %eq3A_97 = arith.constant 0 : i32
    %eq3A_98 = arith.cmpi eq, %arg0, %eq3A_97 : i32
    %convert_element_type3A_99 = arith.extui %eq3A_98 : i1 to i32
    %cond3A_100 = arith.constant 0 : i32
    %cond3A_101 = arith.cmpi ne, %convert_element_type3A_99, %cond3A_100 : i32
    scf.if %cond3A_101 {
      "tpu.region"() ({
        %run_scoped3A = tpu.sem_alloc : memref<!tpu.dma_semaphore, #tpu.memory_space<semaphore_mem>>
        %dma_start3A_102 = arith.constant 0 : i32
        %dma_start3A_103 = tpu.memref_slice %arg10[%arg1, %dma_start3A_102] : memref<16x10240xf32, #tpu.memory_space<hbm>> -> memref<1x10240xf32, #tpu.memory_space<hbm>>
        %dma_start3A_104 = tpu.memref_squeeze %dma_start3A_103 : memref<1x10240xf32, #tpu.memory_space<hbm>> -> memref<10240xf32, #tpu.memory_space<hbm>>
        %dma_start3A_105 = arith.constant 0 : i32
        %dma_start3A_106 = tpu.memref_slice %arg10[%arg1, %dma_start3A_105] : memref<16x10240xf32, #tpu.memory_space<hbm>> -> memref<1x10240xf32, #tpu.memory_space<hbm>>
        %dma_start3A_107 = tpu.memref_squeeze %dma_start3A_106 : memref<1x10240xf32, #tpu.memory_space<hbm>> -> memref<10240xf32, #tpu.memory_space<hbm>>
        tpu.enqueue_dma source(%arg18 : memref<10240xf32, #tpu.memory_space<vmem>>) target(%dma_start3A_107 : memref<10240xf32, #tpu.memory_space<hbm>>) target_semaphore(%run_scoped3A : memref<!tpu.dma_semaphore, #tpu.memory_space<semaphore_mem>>)
        %dma_wait3A_108 = arith.constant 0 : i32
        %dma_wait3A_109 = tpu.memref_slice %arg10[%arg1, %dma_wait3A_108] : memref<16x10240xf32, #tpu.memory_space<hbm>> -> memref<1x10240xf32, #tpu.memory_space<hbm>>
        %dma_wait3A_110 = tpu.memref_squeeze %dma_wait3A_109 : memref<1x10240xf32, #tpu.memory_space<hbm>> -> memref<10240xf32, #tpu.memory_space<hbm>>
        %dma_wait3A_111 = arith.constant 0 : i32
        %dma_wait3A_112 = tpu.memref_slice %arg10[%arg1, %dma_wait3A_111] : memref<16x10240xf32, #tpu.memory_space<hbm>> -> memref<1x10240xf32, #tpu.memory_space<hbm>>
        %dma_wait3A_113 = tpu.memref_squeeze %dma_wait3A_112 : memref<1x10240xf32, #tpu.memory_space<hbm>> -> memref<10240xf32, #tpu.memory_space<hbm>>
        tpu.wait_dma2 semaphore(%run_scoped3A : memref<!tpu.dma_semaphore, #tpu.memory_space<semaphore_mem>>) src(%arg18 : memref<10240xf32, #tpu.memory_space<vmem>>) dst(%dma_wait3A_113 : memref<10240xf32, #tpu.memory_space<hbm>>)
        tpu.yield
      }) : () -> ()
    } else {
    }
    return
  }
}

module attributes {stable_mosaic.version = 14 : i64} {
  func.func @_prep_body(%arg0: i32, %arg1: i32, %arg2: memref<1000x128xf32, #tpu.memory_space<vmem>>, %arg3: memref<1000x64xf32, #tpu.memory_space<vmem>>, %arg4: memref<1000x64xf32, #tpu.memory_space<vmem>>) attributes {dimension_semantics = [#tpu.dimension_semantics<arbitrary>, #tpu.dimension_semantics<arbitrary>], iteration_bounds = array<i64: 2, 10>, scalar_prefetch = 0 : i64, scratch_operands = 0 : i64, tpu.core_type = #tpu.core_type<tc>, window_params = [{transform_indices = @transform_0, window_bounds = array<i64: 1000, 128>}, {transform_indices = @transform_1, window_bounds = array<i64: 1000, 64>}, {transform_indices = @transform_2, window_bounds = array<i64: 1000, 64>}]} {
    %get3A = arith.constant 0 : index
    %get3A_0 = arith.constant 0 : index
    %get3A_1 = vector.load %arg2[%get3A, %get3A_0] : memref<1000x128xf32, #tpu.memory_space<vmem>>, vector<1000x128xf32>
    %mul3A = arith.mulf %get3A_1, %get3A_1 : vector<1000x128xf32>
    %reduce_sum3A = arith.constant dense<0.000000e+00> : vector<1000xf32>
    %reduce_sum3A_2 = vector.multi_reduction <add>, %mul3A, %reduce_sum3A [1] : vector<1000x128xf32> to vector<1000xf32>
    %broadcast_in_dim3A = vector.shape_cast %reduce_sum3A_2 : vector<1000xf32> to vector<1000x1xf32>
    %mul3A_3 = arith.constant 1.000000e+00 : f32
    %mul3A_4 = vector.broadcast %mul3A_3 : f32 to vector<1000x1xf32>
    %mul3A_5 = arith.mulf %mul3A_4, %broadcast_in_dim3A : vector<1000x1xf32>
    %sub3A = arith.constant 1.000000e+00 : f32
    %sub3A_6 = vector.broadcast %sub3A : f32 to vector<1000x1xf32>
    %sub3A_7 = arith.subf %sub3A_6, %mul3A_5 : vector<1000x1xf32>
    %jit3A = arith.constant 9.99999974E-6 : f32
    %max3A = vector.broadcast %jit3A : f32 to vector<1000x1xf32>
    %max3A_8 = arith.maximumf %max3A, %sub3A_7 : vector<1000x1xf32>
    %div3A = arith.constant 2.000000e+00 : f32
    %div3A_9 = vector.broadcast %div3A : f32 to vector<1000x1xf32>
    %div3A_10 = arith.divf %div3A_9, %max3A_8 : vector<1000x1xf32>
    %mul3A_11 = vector.broadcast %div3A_10 : vector<1000x1xf32> to vector<1000x128xf32>
    %mul3A_12 = arith.mulf %mul3A_11, %get3A_1 : vector<1000x128xf32>
    %eq3A = arith.constant 0 : i32
    %eq3A_13 = arith.cmpi eq, %arg0, %eq3A : i32
    %slice3A = vector.extract_strided_slice %mul3A_12 {offsets = [0, 0], sizes = [1000, 64], strides = [1, 1]} : vector<1000x128xf32> to vector<1000x64xf32>
    %slice3A_14 = vector.extract_strided_slice %mul3A_12 {offsets = [0, 64], sizes = [1000, 64], strides = [1, 1]} : vector<1000x128xf32> to vector<1000x64xf32>
    %select_n3A = arith.select %eq3A_13, %slice3A, %slice3A_14 : vector<1000x64xf32>
    %swap3A = arith.constant 0 : index
    %swap3A_15 = arith.constant 0 : index
    %swap3A_16 = vector.load %arg3[%swap3A, %swap3A_15] : memref<1000x64xf32, #tpu.memory_space<vmem>>, vector<1000x64xf32>
    tpu.vector_store %arg3[%swap3A, %swap3A_15], %select_n3A {strides = array<i32>} : memref<1000x64xf32, #tpu.memory_space<vmem>>, vector<1000x64xf32>,
    %sub3A_17 = arith.constant 1.000000e+00 : f32
    %sub3A_18 = vector.broadcast %sub3A_17 : f32 to vector<1000x1xf32>
    %sub3A_19 = arith.subf %div3A_10, %sub3A_18 : vector<1000x1xf32>
    %broadcast_in_dim3A_20 = vector.shape_cast %sub3A_19 : vector<1000x1xf32> to vector<1000x1xf32>
    %broadcast_in_dim3A_21 = vector.broadcast %broadcast_in_dim3A_20 : vector<1000x1xf32> to vector<1000x64xf32>
    %swap3A_22 = arith.constant 0 : index
    %swap3A_23 = arith.constant 0 : index
    %swap3A_24 = vector.load %arg4[%swap3A_22, %swap3A_23] : memref<1000x64xf32, #tpu.memory_space<vmem>>, vector<1000x64xf32>
    tpu.vector_store %arg4[%swap3A_22, %swap3A_23], %broadcast_in_dim3A_21 {strides = array<i32>} : memref<1000x64xf32, #tpu.memory_space<vmem>>, vector<1000x64xf32>,
    return
  }
  func.func @transform_0(%arg0: i32, %arg1: i32) -> (i32, i32) {
    %c0_i32 = arith.constant 0 : i32
    %c0_i32_0 = arith.constant 0 : i32
    return %arg1, %c0_i32 : i32, i32
  }
  func.func @transform_1(%arg0: i32, %arg1: i32) -> (i32, i32) {
    %mul3A = arith.constant 10 : i32
    %mul3A_0 = arith.muli %arg0, %mul3A : i32
    %add3A = arith.addi %mul3A_0, %arg1 : i32
    %c0_i32 = arith.constant 0 : i32
    %c0_i32_1 = arith.constant 0 : i32
    return %add3A, %c0_i32 : i32, i32
  }
  func.func @transform_2(%arg0: i32, %arg1: i32) -> (i32, i32) {
    %c0_i32 = arith.constant 0 : i32
    %c0_i32_0 = arith.constant 0 : i32
    return %arg1, %c0_i32 : i32, i32
  }
}

module attributes {stable_mosaic.version = 14 : i64} {
  func.func @_dred_body(%arg0: i32, %arg1: memref<16x10240xf32, #tpu.memory_space<vmem>>, %arg2: memref<1x10240xf32, #tpu.memory_space<vmem>>) attributes {dimension_semantics = [#tpu.dimension_semantics<arbitrary>], iteration_bounds = array<i64: 1>, scalar_prefetch = 0 : i64, scratch_operands = 0 : i64, tpu.core_type = #tpu.core_type<tc>, window_params = [{pipeline_mode = #tpu.pipeline_mode<synchronous>, transform_indices = @transform_0, window_bounds = array<i64: 16, 10240>}, {pipeline_mode = #tpu.pipeline_mode<synchronous>, transform_indices = @transform_1, window_bounds = array<i64: 1, 10240>}]} {
    %get3A = arith.constant 0 : index
    %get3A_0 = arith.constant 0 : index
    %get3A_1 = vector.load %arg1[%get3A, %get3A_0] : memref<16x10240xf32, #tpu.memory_space<vmem>>, vector<16x10240xf32>
    %reduce_sum3A = arith.constant dense<0.000000e+00> : vector<10240xf32>
    %reduce_sum3A_2 = vector.multi_reduction <add>, %get3A_1, %reduce_sum3A [0] : vector<16x10240xf32> to vector<10240xf32>
    %broadcast_in_dim3A = vector.shape_cast %reduce_sum3A_2 : vector<10240xf32> to vector<1x10240xf32>
    %swap3A = arith.constant 0 : index
    %swap3A_3 = arith.constant 0 : index
    %swap3A_4 = vector.load %arg2[%swap3A, %swap3A_3] : memref<1x10240xf32, #tpu.memory_space<vmem>>, vector<1x10240xf32>
    tpu.vector_store %arg2[%swap3A, %swap3A_3], %broadcast_in_dim3A {strides = array<i32>} : memref<1x10240xf32, #tpu.memory_space<vmem>>, vector<1x10240xf32>,
    return
  }
  func.func @transform_0(%arg0: i32) -> (i32, i32) {
    %c0_i32 = arith.constant 0 : i32
    %c0_i32_0 = arith.constant 0 : i32
    %c0_i32_1 = arith.constant 0 : i32
    return %c0_i32, %c0_i32_0 : i32, i32
  }
  func.func @transform_1(%arg0: i32) -> (i32, i32) {
    %c0_i32 = arith.constant 0 : i32
    %c0_i32_0 = arith.constant 0 : i32
    %c0_i32_1 = arith.constant 0 : i32
    return %c0_i32, %c0_i32_0 : i32, i32
  }
}

module attributes {stable_mosaic.version = 14 : i64} {
  func.func @_fin_body(%arg0: i32, %arg1: memref<1000x64xf32, #tpu.memory_space<vmem>>, %arg2: memref<1000x64xf32, #tpu.memory_space<vmem>>, %arg3: memref<1000x1xf32, #tpu.memory_space<vmem>>, %arg4: memref<1000x128xf32, #tpu.memory_space<vmem>>, %arg5: memref<128x128xf32, #tpu.memory_space<vmem>>, %arg6: memref<1x128xf32, #tpu.memory_space<vmem>>, %arg7: memref<1000x128xf32, #tpu.memory_space<vmem>>) attributes {dimension_semantics = [#tpu.dimension_semantics<arbitrary>], iteration_bounds = array<i64: 10>, scalar_prefetch = 0 : i64, scratch_operands = 0 : i64, tpu.core_type = #tpu.core_type<tc>, window_params = [{transform_indices = @transform_0, window_bounds = array<i64: 1000, 64>}, {transform_indices = @transform_1, window_bounds = array<i64: 1000, 64>}, {transform_indices = @transform_2, window_bounds = array<i64: 1000, 1>}, {transform_indices = @transform_3, window_bounds = array<i64: 1000, 128>}, {pipeline_mode = #tpu.pipeline_mode<synchronous>, transform_indices = @transform_4, window_bounds = array<i64: 128, 128>}, {pipeline_mode = #tpu.pipeline_mode<synchronous>, transform_indices = @transform_5, window_bounds = array<i64: 1, 128>}, {transform_indices = @transform_6, window_bounds = array<i64: 1000, 128>}]} {
    %get3A = arith.constant 0 : index
    %get3A_0 = arith.constant 0 : index
    %get3A_1 = vector.load %arg1[%get3A, %get3A_0] : memref<1000x64xf32, #tpu.memory_space<vmem>>, vector<1000x64xf32>
    %get3A_2 = arith.constant 0 : index
    %get3A_3 = arith.constant 0 : index
    %get3A_4 = vector.load %arg2[%get3A_2, %get3A_3] : memref<1000x64xf32, #tpu.memory_space<vmem>>, vector<1000x64xf32>
    %concatenate3A = tpu.concatenate %get3A_1, %get3A_4 in 1 : vector<1000x64xf32>, vector<1000x64xf32> -> vector<1000x128xf32>
    %get3A_5 = arith.constant 0 : index
    %get3A_6 = arith.constant 0 : index
    %get3A_7 = vector.load %arg3[%get3A_5, %get3A_6] : memref<1000x1xf32, #tpu.memory_space<vmem>>, vector<1000x1xf32>
    %abs3A = math.absf %get3A_7 : vector<1000x1xf32>
    %lt3A = arith.constant 1.000000e-10 : f32
    %lt3A_8 = vector.broadcast %lt3A : f32 to vector<1000x1xf32>
    %lt3A_9 = arith.cmpf olt, %abs3A, %lt3A_8 : vector<1000x1xf32>
    %jit3A = arith.constant 1.000000e-10 : f32
    %broadcast_in_dim3A = vector.broadcast %jit3A : f32 to vector<1000x1xf32>
    %select_n3A = arith.select %lt3A_9, %broadcast_in_dim3A, %get3A_7 : vector<1000x1xi1>, vector<1000x1xf32>
    %div3A = vector.broadcast %select_n3A : vector<1000x1xf32> to vector<1000x128xf32>
    %div3A_10 = arith.divf %concatenate3A, %div3A : vector<1000x128xf32>
    %mul3A = arith.mulf %div3A_10, %div3A_10 : vector<1000x128xf32>
    %reduce_sum3A = arith.constant dense<0.000000e+00> : vector<1000xf32>
    %reduce_sum3A_11 = vector.multi_reduction <add>, %mul3A, %reduce_sum3A [1] : vector<1000x128xf32> to vector<1000xf32>
    %broadcast_in_dim3A_12 = vector.shape_cast %reduce_sum3A_11 : vector<1000xf32> to vector<1000x1xf32>
    %sqrt3A = math.sqrt %broadcast_in_dim3A_12 : vector<1000x1xf32>
    %max3A = arith.constant 1.000000e-07 : f32
    %max3A_13 = vector.broadcast %max3A : f32 to vector<1000x1xf32>
    %max3A_14 = arith.maximumf %sqrt3A, %max3A_13 : vector<1000x1xf32>
    %mul3A_15 = arith.constant 1.000000e+00 : f32
    %mul3A_16 = vector.broadcast %mul3A_15 : f32 to vector<1000x1xf32>
    %mul3A_17 = arith.mulf %mul3A_16, %max3A_14 : vector<1000x1xf32>
    %jit3A_18 = arith.constant 0.000000e+00 : f32
    %jit3A_19 = arith.constant 0.999989986 : f32
    %max3A_20 = vector.broadcast %jit3A_18 : f32 to vector<1000x1xf32>
    %max3A_21 = arith.maximumf %max3A_20, %mul3A_17 : vector<1000x1xf32>
    %min3A = vector.broadcast %jit3A_19 : f32 to vector<1000x1xf32>
    %min3A_22 = arith.minimumf %min3A, %max3A_21 : vector<1000x1xf32>
    %add3A = arith.constant 1.000000e+00 : f32
    %add3A_23 = vector.broadcast %add3A : f32 to vector<1000x1xf32>
    %add3A_24 = arith.addf %add3A_23, %min3A_22 : vector<1000x1xf32>
    %sub3A = arith.constant 1.000000e+00 : f32
    %sub3A_25 = vector.broadcast %sub3A : f32 to vector<1000x1xf32>
    %sub3A_26 = arith.subf %sub3A_25, %min3A_22 : vector<1000x1xf32>
    %div3A_27 = arith.divf %add3A_24, %sub3A_26 : vector<1000x1xf32>
    %log3A = math.log %div3A_27 : vector<1000x1xf32>
    %mul3A_28 = arith.constant 5.000000e-01 : f32
    %mul3A_29 = vector.broadcast %mul3A_28 : f32 to vector<1000x1xf32>
    %mul3A_30 = arith.mulf %mul3A_29, %log3A : vector<1000x1xf32>
    %mul3A_31 = arith.constant 5.000000e-01 : f32
    %mul3A_32 = vector.broadcast %mul3A_31 : f32 to vector<1000x1xf32>
    %mul3A_33 = arith.mulf %mul3A_32, %mul3A_30 : vector<1000x1xf32>
    %tanh3A = math.tanh %mul3A_33 : vector<1000x1xf32>
    %mul3A_34 = vector.broadcast %tanh3A : vector<1000x1xf32> to vector<1000x128xf32>
    %mul3A_35 = arith.mulf %mul3A_34, %div3A_10 : vector<1000x128xf32>
    %mul3A_36 = arith.constant 1.000000e+00 : f32
    %mul3A_37 = vector.broadcast %mul3A_36 : f32 to vector<1000x1xf32>
    %mul3A_38 = arith.mulf %mul3A_37, %max3A_14 : vector<1000x1xf32>
    %div3A_39 = vector.broadcast %mul3A_38 : vector<1000x1xf32> to vector<1000x128xf32>
    %div3A_40 = arith.divf %mul3A_35, %div3A_39 : vector<1000x128xf32>
    %mul3A_41 = arith.mulf %div3A_40, %div3A_40 : vector<1000x128xf32>
    %reduce_sum3A_42 = arith.constant dense<0.000000e+00> : vector<1000xf32>
    %reduce_sum3A_43 = vector.multi_reduction <add>, %mul3A_41, %reduce_sum3A_42 [1] : vector<1000x128xf32> to vector<1000xf32>
    %broadcast_in_dim3A_44 = vector.shape_cast %reduce_sum3A_43 : vector<1000xf32> to vector<1000x1xf32>
    %sqrt3A_45 = math.sqrt %broadcast_in_dim3A_44 : vector<1000x1xf32>
    %jit3A_46 = arith.constant 1.000000e-07 : f32
    %max3A_47 = vector.broadcast %jit3A_46 : f32 to vector<1000x1xf32>
    %max3A_48 = arith.maximumf %max3A_47, %sqrt3A_45 : vector<1000x1xf32>
    %gt3A = arith.constant 0.999989986 : f32
    %gt3A_49 = vector.broadcast %gt3A : f32 to vector<1000x1xf32>
    %gt3A_50 = arith.cmpf ogt, %max3A_48, %gt3A_49 : vector<1000x1xf32>
    %div3A_51 = vector.broadcast %max3A_48 : vector<1000x1xf32> to vector<1000x128xf32>
    %div3A_52 = arith.divf %div3A_40, %div3A_51 : vector<1000x128xf32>
    %mul3A_53 = arith.constant 0.999989986 : f32
    %mul3A_54 = vector.broadcast %mul3A_53 : f32 to vector<1000x128xf32>
    %mul3A_55 = arith.mulf %div3A_52, %mul3A_54 : vector<1000x128xf32>
    %broadcast_in_dim3A_56 = vector.shape_cast %gt3A_50 : vector<1000x1xi1> to vector<1000x1xi1>
    %broadcast_in_dim3A_57 = vector.broadcast %broadcast_in_dim3A_56 : vector<1000x1xi1> to vector<1000x128xi1>
    %select_n3A_58 = arith.select %broadcast_in_dim3A_57, %mul3A_55, %div3A_40 : vector<1000x128xi1>, vector<1000x128xf32>
    %get3A_59 = arith.constant 0 : index
    %get3A_60 = arith.constant 0 : index
    %get3A_61 = vector.load %arg4[%get3A_59, %get3A_60] : memref<1000x128xf32, #tpu.memory_space<vmem>>, vector<1000x128xf32>
    %mul3A_62 = arith.mulf %select_n3A_58, %select_n3A_58 : vector<1000x128xf32>
    %reduce_sum3A_63 = arith.constant dense<0.000000e+00> : vector<1000xf32>
    %reduce_sum3A_64 = vector.multi_reduction <add>, %mul3A_62, %reduce_sum3A_63 [1] : vector<1000x128xf32> to vector<1000xf32>
    %broadcast_in_dim3A_65 = vector.shape_cast %reduce_sum3A_64 : vector<1000xf32> to vector<1000x1xf32>
    %mul3A_66 = arith.constant 1.000000e+00 : f32
    %mul3A_67 = vector.broadcast %mul3A_66 : f32 to vector<1000x1xf32>
    %mul3A_68 = arith.mulf %mul3A_67, %broadcast_in_dim3A_65 : vector<1000x1xf32>
    %sub3A_69 = arith.constant 1.000000e+00 : f32
    %sub3A_70 = vector.broadcast %sub3A_69 : f32 to vector<1000x1xf32>
    %sub3A_71 = arith.subf %sub3A_70, %mul3A_68 : vector<1000x1xf32>
    %jit3A_72 = arith.constant 9.99999974E-6 : f32
    %max3A_73 = vector.broadcast %jit3A_72 : f32 to vector<1000x1xf32>
    %max3A_74 = arith.maximumf %max3A_73, %sub3A_71 : vector<1000x1xf32>
    %div3A_75 = arith.constant 2.000000e+00 : f32
    %div3A_76 = vector.broadcast %div3A_75 : f32 to vector<1000x1xf32>
    %div3A_77 = arith.divf %div3A_76, %max3A_74 : vector<1000x1xf32>
    %mul3A_78 = arith.mulf %get3A_61, %get3A_61 : vector<1000x128xf32>
    %reduce_sum3A_79 = arith.constant dense<0.000000e+00> : vector<1000xf32>
    %reduce_sum3A_80 = vector.multi_reduction <add>, %mul3A_78, %reduce_sum3A_79 [1] : vector<1000x128xf32> to vector<1000xf32>
    %broadcast_in_dim3A_81 = vector.shape_cast %reduce_sum3A_80 : vector<1000xf32> to vector<1000x1xf32>
    %mul3A_82 = arith.constant 1.000000e+00 : f32
    %mul3A_83 = vector.broadcast %mul3A_82 : f32 to vector<1000x1xf32>
    %mul3A_84 = arith.mulf %mul3A_83, %broadcast_in_dim3A_81 : vector<1000x1xf32>
    %sub3A_85 = arith.constant 1.000000e+00 : f32
    %sub3A_86 = vector.broadcast %sub3A_85 : f32 to vector<1000x1xf32>
    %sub3A_87 = arith.subf %sub3A_86, %mul3A_84 : vector<1000x1xf32>
    %jit3A_88 = arith.constant 9.99999974E-6 : f32
    %max3A_89 = vector.broadcast %jit3A_88 : f32 to vector<1000x1xf32>
    %max3A_90 = arith.maximumf %max3A_89, %sub3A_87 : vector<1000x1xf32>
    %div3A_91 = arith.constant 2.000000e+00 : f32
    %div3A_92 = vector.broadcast %div3A_91 : f32 to vector<1000x1xf32>
    %div3A_93 = arith.divf %div3A_92, %max3A_90 : vector<1000x1xf32>
    %mul3A_94 = arith.constant 0.899999976 : f32
    %mul3A_95 = vector.broadcast %mul3A_94 : f32 to vector<1000x1xf32>
    %mul3A_96 = arith.mulf %mul3A_95, %div3A_77 : vector<1000x1xf32>
    %mul3A_97 = vector.broadcast %mul3A_96 : vector<1000x1xf32> to vector<1000x128xf32>
    %mul3A_98 = arith.mulf %mul3A_97, %select_n3A_58 : vector<1000x128xf32>
    %mul3A_99 = arith.constant 1.000000e-01 : f32
    %mul3A_100 = vector.broadcast %mul3A_99 : f32 to vector<1000x1xf32>
    %mul3A_101 = arith.mulf %mul3A_100, %div3A_93 : vector<1000x1xf32>
    %mul3A_102 = vector.broadcast %mul3A_101 : vector<1000x1xf32> to vector<1000x128xf32>
    %mul3A_103 = arith.mulf %mul3A_102, %get3A_61 : vector<1000x128xf32>
    %add3A_104 = arith.addf %mul3A_98, %mul3A_103 : vector<1000x128xf32>
    %sub3A_105 = arith.constant 1.000000e+00 : f32
    %sub3A_106 = vector.broadcast %sub3A_105 : f32 to vector<1000x1xf32>
    %sub3A_107 = arith.subf %div3A_77, %sub3A_106 : vector<1000x1xf32>
    %mul3A_108 = arith.constant 0.899999976 : f32
    %mul3A_109 = vector.broadcast %mul3A_108 : f32 to vector<1000x1xf32>
    %mul3A_110 = arith.mulf %mul3A_109, %sub3A_107 : vector<1000x1xf32>
    %sub3A_111 = arith.constant 1.000000e+00 : f32
    %sub3A_112 = vector.broadcast %sub3A_111 : f32 to vector<1000x1xf32>
    %sub3A_113 = arith.subf %div3A_93, %sub3A_112 : vector<1000x1xf32>
    %mul3A_114 = arith.constant 1.000000e-01 : f32
    %mul3A_115 = vector.broadcast %mul3A_114 : f32 to vector<1000x1xf32>
    %mul3A_116 = arith.mulf %mul3A_115, %sub3A_113 : vector<1000x1xf32>
    %add3A_117 = arith.addf %mul3A_110, %mul3A_116 : vector<1000x1xf32>
    %abs3A_118 = math.absf %add3A_117 : vector<1000x1xf32>
    %lt3A_119 = arith.constant 1.000000e-10 : f32
    %lt3A_120 = vector.broadcast %lt3A_119 : f32 to vector<1000x1xf32>
    %lt3A_121 = arith.cmpf olt, %abs3A_118, %lt3A_120 : vector<1000x1xf32>
    %jit3A_122 = arith.constant 1.000000e-10 : f32
    %broadcast_in_dim3A_123 = vector.broadcast %jit3A_122 : f32 to vector<1000x1xf32>
    %select_n3A_124 = arith.select %lt3A_121, %broadcast_in_dim3A_123, %add3A_117 : vector<1000x1xi1>, vector<1000x1xf32>
    %div3A_125 = vector.broadcast %select_n3A_124 : vector<1000x1xf32> to vector<1000x128xf32>
    %div3A_126 = arith.divf %add3A_104, %div3A_125 : vector<1000x128xf32>
    %mul3A_127 = arith.mulf %div3A_126, %div3A_126 : vector<1000x128xf32>
    %reduce_sum3A_128 = arith.constant dense<0.000000e+00> : vector<1000xf32>
    %reduce_sum3A_129 = vector.multi_reduction <add>, %mul3A_127, %reduce_sum3A_128 [1] : vector<1000x128xf32> to vector<1000xf32>
    %broadcast_in_dim3A_130 = vector.shape_cast %reduce_sum3A_129 : vector<1000xf32> to vector<1000x1xf32>
    %sqrt3A_131 = math.sqrt %broadcast_in_dim3A_130 : vector<1000x1xf32>
    %max3A_132 = arith.constant 1.000000e-07 : f32
    %max3A_133 = vector.broadcast %max3A_132 : f32 to vector<1000x1xf32>
    %max3A_134 = arith.maximumf %sqrt3A_131, %max3A_133 : vector<1000x1xf32>
    %mul3A_135 = arith.constant 1.000000e+00 : f32
    %mul3A_136 = vector.broadcast %mul3A_135 : f32 to vector<1000x1xf32>
    %mul3A_137 = arith.mulf %mul3A_136, %max3A_134 : vector<1000x1xf32>
    %jit3A_138 = arith.constant 0.000000e+00 : f32
    %jit3A_139 = arith.constant 0.999989986 : f32
    %max3A_140 = vector.broadcast %jit3A_138 : f32 to vector<1000x1xf32>
    %max3A_141 = arith.maximumf %max3A_140, %mul3A_137 : vector<1000x1xf32>
    %min3A_142 = vector.broadcast %jit3A_139 : f32 to vector<1000x1xf32>
    %min3A_143 = arith.minimumf %min3A_142, %max3A_141 : vector<1000x1xf32>
    %add3A_144 = arith.constant 1.000000e+00 : f32
    %add3A_145 = vector.broadcast %add3A_144 : f32 to vector<1000x1xf32>
    %add3A_146 = arith.addf %add3A_145, %min3A_143 : vector<1000x1xf32>
    %sub3A_147 = arith.constant 1.000000e+00 : f32
    %sub3A_148 = vector.broadcast %sub3A_147 : f32 to vector<1000x1xf32>
    %sub3A_149 = arith.subf %sub3A_148, %min3A_143 : vector<1000x1xf32>
    %div3A_150 = arith.divf %add3A_146, %sub3A_149 : vector<1000x1xf32>
    %log3A_151 = math.log %div3A_150 : vector<1000x1xf32>
    %mul3A_152 = arith.constant 5.000000e-01 : f32
    %mul3A_153 = vector.broadcast %mul3A_152 : f32 to vector<1000x1xf32>
    %mul3A_154 = arith.mulf %mul3A_153, %log3A_151 : vector<1000x1xf32>
    %mul3A_155 = arith.constant 5.000000e-01 : f32
    %mul3A_156 = vector.broadcast %mul3A_155 : f32 to vector<1000x1xf32>
    %mul3A_157 = arith.mulf %mul3A_156, %mul3A_154 : vector<1000x1xf32>
    %tanh3A_158 = math.tanh %mul3A_157 : vector<1000x1xf32>
    %mul3A_159 = vector.broadcast %tanh3A_158 : vector<1000x1xf32> to vector<1000x128xf32>
    %mul3A_160 = arith.mulf %mul3A_159, %div3A_126 : vector<1000x128xf32>
    %mul3A_161 = arith.constant 1.000000e+00 : f32
    %mul3A_162 = vector.broadcast %mul3A_161 : f32 to vector<1000x1xf32>
    %mul3A_163 = arith.mulf %mul3A_162, %max3A_134 : vector<1000x1xf32>
    %div3A_164 = vector.broadcast %mul3A_163 : vector<1000x1xf32> to vector<1000x128xf32>
    %div3A_165 = arith.divf %mul3A_160, %div3A_164 : vector<1000x128xf32>
    %mul3A_166 = arith.mulf %div3A_165, %div3A_165 : vector<1000x128xf32>
    %reduce_sum3A_167 = arith.constant dense<0.000000e+00> : vector<1000xf32>
    %reduce_sum3A_168 = vector.multi_reduction <add>, %mul3A_166, %reduce_sum3A_167 [1] : vector<1000x128xf32> to vector<1000xf32>
    %broadcast_in_dim3A_169 = vector.shape_cast %reduce_sum3A_168 : vector<1000xf32> to vector<1000x1xf32>
    %sqrt3A_170 = math.sqrt %broadcast_in_dim3A_169 : vector<1000x1xf32>
    %jit3A_171 = arith.constant 1.000000e-07 : f32
    %max3A_172 = vector.broadcast %jit3A_171 : f32 to vector<1000x1xf32>
    %max3A_173 = arith.maximumf %max3A_172, %sqrt3A_170 : vector<1000x1xf32>
    %gt3A_174 = arith.constant 0.999989986 : f32
    %gt3A_175 = vector.broadcast %gt3A_174 : f32 to vector<1000x1xf32>
    %gt3A_176 = arith.cmpf ogt, %max3A_173, %gt3A_175 : vector<1000x1xf32>
    %div3A_177 = vector.broadcast %max3A_173 : vector<1000x1xf32> to vector<1000x128xf32>
    %div3A_178 = arith.divf %div3A_165, %div3A_177 : vector<1000x128xf32>
    %mul3A_179 = arith.constant 0.999989986 : f32
    %mul3A_180 = vector.broadcast %mul3A_179 : f32 to vector<1000x128xf32>
    %mul3A_181 = arith.mulf %div3A_178, %mul3A_180 : vector<1000x128xf32>
    %broadcast_in_dim3A_182 = vector.shape_cast %gt3A_176 : vector<1000x1xi1> to vector<1000x1xi1>
    %broadcast_in_dim3A_183 = vector.broadcast %broadcast_in_dim3A_182 : vector<1000x1xi1> to vector<1000x128xi1>
    %select_n3A_184 = arith.select %broadcast_in_dim3A_183, %mul3A_181, %div3A_165 : vector<1000x128xi1>, vector<1000x128xf32>
    %mul3A_185 = arith.mulf %select_n3A_184, %select_n3A_184 : vector<1000x128xf32>
    %reduce_sum3A_186 = arith.constant dense<0.000000e+00> : vector<1000xf32>
    %reduce_sum3A_187 = vector.multi_reduction <add>, %mul3A_185, %reduce_sum3A_186 [1] : vector<1000x128xf32> to vector<1000xf32>
    %broadcast_in_dim3A_188 = vector.shape_cast %reduce_sum3A_187 : vector<1000xf32> to vector<1000x1xf32>
    %sqrt3A_189 = math.sqrt %broadcast_in_dim3A_188 : vector<1000x1xf32>
    %max3A_190 = arith.constant 1.000000e-07 : f32
    %max3A_191 = vector.broadcast %max3A_190 : f32 to vector<1000x1xf32>
    %max3A_192 = arith.maximumf %sqrt3A_189, %max3A_191 : vector<1000x1xf32>
    %mul3A_193 = arith.constant 1.000000e+00 : f32
    %mul3A_194 = vector.broadcast %mul3A_193 : f32 to vector<1000x1xf32>
    %mul3A_195 = arith.mulf %mul3A_194, %max3A_192 : vector<1000x1xf32>
    %jit3A_196 = arith.constant 0.000000e+00 : f32
    %jit3A_197 = arith.constant 0.999989986 : f32
    %max3A_198 = vector.broadcast %jit3A_196 : f32 to vector<1000x1xf32>
    %max3A_199 = arith.maximumf %max3A_198, %mul3A_195 : vector<1000x1xf32>
    %min3A_200 = vector.broadcast %jit3A_197 : f32 to vector<1000x1xf32>
    %min3A_201 = arith.minimumf %min3A_200, %max3A_199 : vector<1000x1xf32>
    %add3A_202 = arith.constant 1.000000e+00 : f32
    %add3A_203 = vector.broadcast %add3A_202 : f32 to vector<1000x1xf32>
    %add3A_204 = arith.addf %add3A_203, %min3A_201 : vector<1000x1xf32>
    %sub3A_205 = arith.constant 1.000000e+00 : f32
    %sub3A_206 = vector.broadcast %sub3A_205 : f32 to vector<1000x1xf32>
    %sub3A_207 = arith.subf %sub3A_206, %min3A_201 : vector<1000x1xf32>
    %div3A_208 = arith.divf %add3A_204, %sub3A_207 : vector<1000x1xf32>
    %log3A_209 = math.log %div3A_208 : vector<1000x1xf32>
    %mul3A_210 = arith.constant 5.000000e-01 : f32
    %mul3A_211 = vector.broadcast %mul3A_210 : f32 to vector<1000x1xf32>
    %mul3A_212 = arith.mulf %mul3A_211, %log3A_209 : vector<1000x1xf32>
    %mul3A_213 = vector.broadcast %mul3A_212 : vector<1000x1xf32> to vector<1000x128xf32>
    %mul3A_214 = arith.mulf %mul3A_213, %select_n3A_184 : vector<1000x128xf32>
    %mul3A_215 = arith.constant 1.000000e+00 : f32
    %mul3A_216 = vector.broadcast %mul3A_215 : f32 to vector<1000x1xf32>
    %mul3A_217 = arith.mulf %mul3A_216, %max3A_192 : vector<1000x1xf32>
    %div3A_218 = vector.broadcast %mul3A_217 : vector<1000x1xf32> to vector<1000x128xf32>
    %div3A_219 = arith.divf %mul3A_214, %div3A_218 : vector<1000x128xf32>
    %get3A_220 = arith.constant 0 : index
    %get3A_221 = arith.constant 0 : index
    %get3A_222 = vector.load %arg5[%get3A_220, %get3A_221] : memref<128x128xf32, #tpu.memory_space<vmem>>, vector<128x128xf32>
    %dot_general3A = arith.constant dense<0.000000e+00> : vector<1000x128xf32>
    %dot_general3A_223 = tpu.matmul %div3A_219, %get3A_222, %dot_general3A {dimension_numbers = #tpu.dot_dimension_numbers<[1], [1], [0], [0], [0, 0, 1, 0], [], []>, transpose_lhs_hint = false} : vector<1000x128xf32>, vector<128x128xf32>, vector<1000x128xf32> -> vector<1000x128xf32>
    %get3A_224 = arith.constant 0 : index
    %get3A_225 = arith.constant 0 : index
    %get3A_226 = vector.load %arg6[%get3A_224, %get3A_225] : memref<1x128xf32, #tpu.memory_space<vmem>>, vector<1x128xf32>
    %add3A_227 = vector.broadcast %get3A_226 : vector<1x128xf32> to vector<1000x128xf32>
    %add3A_228 = arith.addf %dot_general3A_223, %add3A_227 : vector<1000x128xf32>
    %mul3A_229 = arith.mulf %add3A_228, %add3A_228 : vector<1000x128xf32>
    %reduce_sum3A_230 = arith.constant dense<0.000000e+00> : vector<1000xf32>
    %reduce_sum3A_231 = vector.multi_reduction <add>, %mul3A_229, %reduce_sum3A_230 [1] : vector<1000x128xf32> to vector<1000xf32>
    %broadcast_in_dim3A_232 = vector.shape_cast %reduce_sum3A_231 : vector<1000xf32> to vector<1000x1xf32>
    %sqrt3A_233 = math.sqrt %broadcast_in_dim3A_232 : vector<1000x1xf32>
    %max3A_234 = arith.constant 1.000000e-07 : f32
    %max3A_235 = vector.broadcast %max3A_234 : f32 to vector<1000x1xf32>
    %max3A_236 = arith.maximumf %sqrt3A_233, %max3A_235 : vector<1000x1xf32>
    %mul3A_237 = arith.constant 1.000000e+00 : f32
    %mul3A_238 = vector.broadcast %mul3A_237 : f32 to vector<1000x1xf32>
    %mul3A_239 = arith.mulf %mul3A_238, %max3A_236 : vector<1000x1xf32>
    %tanh3A_240 = math.tanh %mul3A_239 : vector<1000x1xf32>
    %mul3A_241 = vector.broadcast %tanh3A_240 : vector<1000x1xf32> to vector<1000x128xf32>
    %mul3A_242 = arith.mulf %mul3A_241, %add3A_228 : vector<1000x128xf32>
    %mul3A_243 = arith.constant 1.000000e+00 : f32
    %mul3A_244 = vector.broadcast %mul3A_243 : f32 to vector<1000x1xf32>
    %mul3A_245 = arith.mulf %mul3A_244, %max3A_236 : vector<1000x1xf32>
    %div3A_246 = vector.broadcast %mul3A_245 : vector<1000x1xf32> to vector<1000x128xf32>
    %div3A_247 = arith.divf %mul3A_242, %div3A_246 : vector<1000x128xf32>
    %mul3A_248 = arith.mulf %div3A_247, %div3A_247 : vector<1000x128xf32>
    %reduce_sum3A_249 = arith.constant dense<0.000000e+00> : vector<1000xf32>
    %reduce_sum3A_250 = vector.multi_reduction <add>, %mul3A_248, %reduce_sum3A_249 [1] : vector<1000x128xf32> to vector<1000xf32>
    %broadcast_in_dim3A_251 = vector.shape_cast %reduce_sum3A_250 : vector<1000xf32> to vector<1000x1xf32>
    %sqrt3A_252 = math.sqrt %broadcast_in_dim3A_251 : vector<1000x1xf32>
    %jit3A_253 = arith.constant 1.000000e-07 : f32
    %max3A_254 = vector.broadcast %jit3A_253 : f32 to vector<1000x1xf32>
    %max3A_255 = arith.maximumf %max3A_254, %sqrt3A_252 : vector<1000x1xf32>
    %gt3A_256 = arith.constant 0.999989986 : f32
    %gt3A_257 = vector.broadcast %gt3A_256 : f32 to vector<1000x1xf32>
    %gt3A_258 = arith.cmpf ogt, %max3A_255, %gt3A_257 : vector<1000x1xf32>
    %div3A_259 = vector.broadcast %max3A_255 : vector<1000x1xf32> to vector<1000x128xf32>
    %div3A_260 = arith.divf %div3A_247, %div3A_259 : vector<1000x128xf32>
    %mul3A_261 = arith.constant 0.999989986 : f32
    %mul3A_262 = vector.broadcast %mul3A_261 : f32 to vector<1000x128xf32>
    %mul3A_263 = arith.mulf %div3A_260, %mul3A_262 : vector<1000x128xf32>
    %broadcast_in_dim3A_264 = vector.shape_cast %gt3A_258 : vector<1000x1xi1> to vector<1000x1xi1>
    %broadcast_in_dim3A_265 = vector.broadcast %broadcast_in_dim3A_264 : vector<1000x1xi1> to vector<1000x128xi1>
    %select_n3A_266 = arith.select %broadcast_in_dim3A_265, %mul3A_263, %div3A_247 : vector<1000x128xi1>, vector<1000x128xf32>
    %swap3A = arith.constant 0 : index
    %swap3A_267 = arith.constant 0 : index
    %swap3A_268 = vector.load %arg7[%swap3A, %swap3A_267] : memref<1000x128xf32, #tpu.memory_space<vmem>>, vector<1000x128xf32>
    tpu.vector_store %arg7[%swap3A, %swap3A_267], %select_n3A_266 {strides = array<i32>} : memref<1000x128xf32, #tpu.memory_space<vmem>>, vector<1000x128xf32>,
    return
  }
  func.func @transform_0(%arg0: i32) -> (i32, i32) {
    %c0_i32 = arith.constant 0 : i32
    %c0_i32_0 = arith.constant 0 : i32
    return %arg0, %c0_i32 : i32, i32
  }
  func.func @transform_1(%arg0: i32) -> (i32, i32) {
    %c0_i32 = arith.constant 0 : i32
    %c0_i32_0 = arith.constant 0 : i32
    return %arg0, %c0_i32 : i32, i32
  }
  func.func @transform_2(%arg0: i32) -> (i32, i32) {
    %c0_i32 = arith.constant 0 : i32
    %c0_i32_0 = arith.constant 0 : i32
    return %arg0, %c0_i32 : i32, i32
  }
  func.func @transform_3(%arg0: i32) -> (i32, i32) {
    %c0_i32 = arith.constant 0 : i32
    %c0_i32_0 = arith.constant 0 : i32
    return %arg0, %c0_i32 : i32, i32
  }
  func.func @transform_4(%arg0: i32) -> (i32, i32) {
    %c0_i32 = arith.constant 0 : i32
    %c0_i32_0 = arith.constant 0 : i32
    %c0_i32_1 = arith.constant 0 : i32
    return %c0_i32, %c0_i32_0 : i32, i32
  }
  func.func @transform_5(%arg0: i32) -> (i32, i32) {
    %c0_i32 = arith.constant 0 : i32
    %c0_i32_0 = arith.constant 0 : i32
    %c0_i32_1 = arith.constant 0 : i32
    return %c0_i32, %c0_i32_0 : i32, i32
  }
  func.func @transform_6(%arg0: i32) -> (i32, i32) {
    %c0_i32 = arith.constant 0 : i32
    %c0_i32_0 = arith.constant 0 : i32
    return %arg0, %c0_i32 : i32, i32
  }
}

</mosaic_0001>

<sc_bundles>
// kernel: kernel.6.cloned.1.call-start
scs
__scs_entry_jumppad:
0x0: {  	(pc) =	sbr.rel $0x88, $3  }
0x1: {  	(tag) =	ssettag $0x0;
	lr =	simm.s32 $0x1  }
0x2: {  	[smem:$0x3F9B] =	sst lr;
	_ =	strace $0xD0000000  }
0x3: {  	_ = 	snop  }
0x4: {  	_ = 	snop  }
0x5: {  	_ = 	snop  }
0x6: {  	_ = 	snop  }
0x7: {  	_ = 	snop  }
__scs_overlays_trampoline_lowered:
0x8: {  	[smem:$0x3FAA] =	sst s0  }
0x9: {  	[smem:$0x3FAB] =	sst s1  }
0xa: {  	[smem:$0x3FAC] =	sst s2  }
0xb: {  	[smem:$0x3FAD] =	sst s3  }
0xc: {  	[smem:$0x3FAE] =	sst s4  }
0xd: {  	[smem:$0x3FAF] =	sst s5  }
0xe: {  	[smem:$0x3FB0] =	sst s6  }
0xf: {  	[smem:$0x3FB1] =	sst s7  }
0x10: {  	[smem:$0x3FB2] =	sst s8  }
0x11: {  	[smem:$0x3FB3] =	sst s9;
	s0 =	simm.s32 @!p0 $0x0  }
0x12: {  	s1 =	sld [smem:$0x3F99];
	s0 =	simm.s32 @p0 $0x1  }
0x13: {  	[smem:$0x3FB4] =	sst s0;
	s0 =	simm.s32 @!p1 $0x0  }
0x14: {  	s2 =	sld [smem:$0x3F98];
	s0 =	simm.s32 @p1 $0x1  }
0x15: {  	[smem:$0x3FB5] =	sst s0;
	s0 =	simm.s32 @!p2 $0x0  }
0x16: {  	s3 =	sld [smem:$0x3FDB];
	s0 =	simm.s32 @p2 $0x1  }
0x17: {  	s4 =	simm.s32 $0x1BF5;
	[smem:$0x3FB7] =	sst s0  }
0x18: {  	s0 =	sld [smem:$0x3F9A];
	_ =	swait.ge [sflag:s4], $0x0  }
0x19: {  	s7 =	sld [smem:$0x3F9B]  }
0x1a: {  	s8 =	sadd.s32 $0xFFFFE003, lr  }
0x1b: {  	s9 =	sadd.s32 $0xFFFFFEF7, lr;
	s5 =	simm.s32 $0xFFFFFFFF;
	p2 =	slt.u32 s8, $0xFFFFF086  }
0x1c: {  	p1 =	slt.u32 s9, $0xF7A;
	s5 =	simm.s32 @!p2 $0x0  }
0x1d: {  	s5 =	simm.s32 @p1 $0x1;
	p0 =	seq.s32 s7, s2  }
0x1e: {  	s7 =	smul.u32 @!p0 $0xF7A, s2;
	p2 =	seq.s32 @!p0 s5, $0x0  }
0x1f: {  	s9 =	smul.u32 $0xF7A, s1;
	s8 =	simm.s32 @!p0 $0x1BF5;
	p2 =	por !p2, p0  }
0x20: {  	[sflag:s8] =	ssyncset.s32 @!p0 $0xFFFFF086;
	s6 =	sadd.s32 @!p0 s3, s7;
	s7 =	simm.s32 @!p0 $0x108  }
0x21: {  	s3 =	sadd.s32 s3, s9;
	s6 =	sadd.s32 @!p0 $0x88, s6;
	s7 =	simm.s32 @p2 $0x1082  }
0x22: {  	[simem:s7], [sflag:s8] =	dma.local @!p0 [hbm:s6], $0xF7A  }
0x23: {  	s9 =	sor.u32 $0xD0000000, s2;
	s6 =	simm.s32 $0x108;
	_ =	swait.ge @!p0 [sflag:s8], $0x0  }
0x24: {  	s3 =	sadd.s32 $0x88, s3;
	s6 =	simm.s32 @!p1 $0x1082;
	[sflag:s4] =	ssyncset.s32 $0xFFFFF086  }
0x25: {  	[simem:s6], [sflag:s4] =	dma.local [hbm:s3], $0xF7A  }
0x26: {  	[smem:$0x3F9B] =	sst s1;
	(tag) =	ssettag s2;
	_ =	strace s9  }
0x27: {  	s1 =	sld [smem:$0x3FAB]  }
0x28: {  	s2 =	sld [smem:$0x3FAC]  }
0x29: {  	s4 =	sld [smem:$0x3FAE]  }
0x2a: {  	p0 =	seq.s32 s5, $0x0;
	s5 =	sld [smem:$0x3FAF]  }
0x2b: {  	s6 =	sld [smem:$0x3FB0]  }
0x2c: {  	s7 =	sld [smem:$0x3FB1]  }
0x2d: {  	s3 =	simm.s32 $0x108;
	s8 =	sld [smem:$0x3FB2]  }
0x2e: {  	s3 =	simm.s32 @!p0 $0x1082;
	s9 =	sld [smem:$0x3FB3]  }
0x2f: {  	lr =	sadd.s32 s0, s3;
	s0 =	sld [smem:$0x3FAA]  }
0x30: {  	s3 =	sld [smem:$0x3FAD]  }
0x31: {  	[smem:$0x3FB6] =	sst s10  }
0x32: {  	s10 =	sld [smem:$0x3FB4];
	_ =	sdelay $0x3  }
0x33: {  	p0 =	seq.s32 s10, $0x1;
	s10 =	sld [smem:$0x3FB6];
	_ =	sdelay $0x3  }
0x34: {  	[smem:$0x3FB6] =	sst s10  }
0x35: {  	s10 =	sld [smem:$0x3FB5];
	_ =	sdelay $0x3  }
0x36: {  	p1 =	seq.s32 s10, $0x1;
	s10 =	sld [smem:$0x3FB6];
	_ =	sdelay $0x3  }
0x37: {  	[smem:$0x3FB6] =	sst s10  }
0x38: {  	s10 =	sld [smem:$0x3FB7]  }
0x39: {  	_ = 	snop;
	(pc) =	sbr.ind lr, $3  }
0x3a: {  	_ = 	snop  }
0x3b: {  	_ = 	snop  }
0x3c: {  	p2 =	seq.s32 s10, $0x1;
	s10 =	sld [smem:$0x3FB6]  }
0x3d: {  	_ =	shalt  }
0x3e: {  	_ =	shalt  }
0x3f: {  	_ =	shalt  }
0x40: {  	_ =	shalt  }
0x41: {  	_ =	shalt  }
0x42: {  	_ =	shalt  }
0x43: {  	_ =	shalt  }
0x44: {  	_ =	shalt  }
0x45: {  	_ =	shalt  }
0x46: {  	_ =	shalt  }
0x47: {  	_ =	shalt  }
0x48: {  	_ =	shalt  }
0x49: {  	_ =	shalt  }
0x4a: {  	_ =	shalt  }
0x4b: {  	_ =	shalt  }
0x4c: {  	_ =	shalt  }
0x4d: {  	_ =	shalt  }
0x4e: {  	_ =	shalt  }
0x4f: {  	_ =	shalt  }
0x50: {  	_ =	shalt  }
0x51: {  	_ =	shalt  }
0x52: {  	_ =	shalt  }
0x53: {  	_ =	shalt  }
0x54: {  	_ =	shalt  }
0x55: {  	_ =	shalt  }
0x56: {  	_ =	shalt  }
0x57: {  	_ =	shalt  }
0x58: {  	_ =	shalt  }
0x59: {  	_ =	shalt  }
0x5a: {  	_ =	shalt  }
0x5b: {  	_ =	shalt  }
0x5c: {  	_ =	shalt  }
0x5d: {  	_ =	shalt  }
0x5e: {  	_ =	shalt  }
0x5f: {  	_ =	shalt  }
0x60: {  	_ =	shalt  }
0x61: {  	_ =	shalt  }
0x62: {  	_ =	shalt  }
0x63: {  	_ =	shalt  }
0x64: {  	_ =	shalt  }
0x65: {  	_ =	shalt  }
0x66: {  	_ =	shalt  }
0x67: {  	_ =	shalt  }
0x68: {  	_ =	shalt  }
0x69: {  	_ =	shalt  }
0x6a: {  	_ =	shalt  }
0x6b: {  	_ =	shalt  }
0x6c: {  	_ =	shalt  }
0x6d: {  	_ =	shalt  }
0x6e: {  	_ =	shalt  }
0x6f: {  	_ =	shalt  }
0x70: {  	_ =	shalt  }
0x71: {  	_ =	shalt  }
0x72: {  	_ =	shalt  }
0x73: {  	_ =	shalt  }
0x74: {  	_ =	shalt  }
0x75: {  	_ =	shalt  }
0x76: {  	_ =	shalt  }
0x77: {  	_ =	shalt  }
0x78: {  	_ =	shalt  }
0x79: {  	_ =	shalt  }
0x7a: {  	_ =	shalt  }
0x7b: {  	_ =	shalt  }
0x7c: {  	_ =	shalt  }
0x7d: {  	_ =	shalt  }
0x7e: {  	_ =	shalt  }
0x7f: {  	_ =	shalt  }
0x80: {  	_ =	shalt  }
0x81: {  	_ =	shalt  }
0x82: {  	_ =	shalt  }
0x83: {  	_ =	shalt  }
0x84: {  	_ =	shalt  }
0x85: {  	_ =	shalt  }
0x86: {  	_ =	shalt  }
0x87: {  	_ =	shalt  }
.Lfunc_end0:
.L_simem_size_0:
called_computation_lowered:
.L_overlay_start_0:
0x88: {  	s2 =	sld [smem:$0x3FD9]  }
0x89: {  	s3 =	sld [smem:$0x3FFE];
	_ =	sdelay $0x1  }
0x8a: {  	s1 =	srdreg.scid  }
0x8b: {  	s0 =	sand.u32 $0x1, s1  }
0x8c: {  	s17 =	sshll.u32 s0, $0xA;
	s2 =	sadd.s32 s3, s2  }
0x8d: {  	s2 =	sadd.s32 s2, s17  }
0x8e: {  	[smem:$0x3FC2] =	sst s2  }
0x8f: {  	_ = 	snop  }
0x90: {  	s2 =	sld [smem:$0x3FD0];
	(tm) =	ssettm $0x1  }
0x91: {  	s18 =	sld [smem:$0x3FFB];
	_ =	sdelay $0x3  }
0x92: {  	_ =	strace s18  }
0x93: {  	s3 =	sld [smem:$0x3FFC];
	_ =	sdelay $0x3  }
0x94: {  	_ =	strace s3  }
0x95: {  	s3 =	sld [smem:$0x3FFD];
	_ =	sdelay $0x3  }
0x96: {  	_ =	strace s3  }
0x97: {  	_ =	strace $0x8FFFFFFF  }
0x98: {  	s19 =	sld [smem:$0x3FDB];
	_ =	sdelay $0x1  }
0x99: {  	s4 =	simm.s32 $_scs_section_size  }
0x9a: {  	s5 =	simm.s32 $_size__tile_overlayer_lowered;
	s6 =	simm.s32 $_tile_overlayer_lowered  }
0x9b: {  	s22 =	simm.s32 $0x1BFF;
	s21 =	sshll.u32 s6, $0x1;
	s3 =	sadd.s32 s4, s19  }
0x9c: {  	s7 =	simm.s32 $0x0;
	s20 =	sshll.u32 s5, $0x1;
	s5 =	sadd.s32 s21, s3  }
0x9d: {  	[timem:s7], [sflag:s22] =	dma.local [hbm:s5], s20  }
0x9e: {  	_ =	swait.ge [sflag:s22], s20  }
0x9f: {  	s4 =	ssub.s32 $0x0, s20;
	[sflag:s22] =	ssyncset.done $0x0  }
0xa0: {  	[sflag:s22] =	ssyncadd.s32 s4;
	_ =	sdelay $0x1  }
0xa1: {  	s23 =	simm.s32 $0x1B8B  }
0xa2: {  	_ =	swait.ge [sflag:s23], $0x1  }
0xa3: {  	[sflag:s23] =	ssyncset.done $0x0  }
0xa4: {  	s25 =	simm.s32 $0x1B8E;
	s24 =	sld [smem:$0x3FFE];
	[sflag:s23] =	ssyncadd.s32 $0xFFFFFFFF  }
0xa5: {  	s26 =	simm.s32 $execute0_lowered;
	[smem:$0x3FD2] =	sst s25  }
0xa6: {  	s5 =	sshll.u32 s26, $0x1;
	_ =	strace $0x80000046;
	[dreg:$0x1] =	wrdreg $0xFFFFFFFF  }
0xa7: {  	s28 =	simm.s32 $_size_execute0_lowered;
	s3 =	sadd.s32 s3, s5;
	[dreg:$0x0] =	wrdreg $0x0  }
0xa8: {  	s5 =	sshll.u32 s28, $0x1;
	[dreg:$0x2] =	wrdreg s3  }
0xa9: {  	[dreg:$0x3] =	wrdreg s5  }
0xaa: {  	[dreg:$0x4] =	wrdreg $0xC0  }
0xab: {  	_ =	task [dreg:s7], $0x5FFFF  }
0xac: {  	[dreg:$0x1] =	wrdreg $0xFFFFFFFF  }
0xad: {  	[dreg:$0x0] =	wrdreg $0x60  }
0xae: {  	[dreg:$0x2] =	wrdreg s2  }
0xaf: {  	[dreg:$0x3] =	wrdreg s24  }
0xb0: {  	[dreg:$0x4] =	wrdreg $0x101300  }
0xb1: {  	[dreg:$0x5] =	wrdreg $0x9  }
0xb2: {  	_ =	task.clear_ibuf [dreg:s7], $0x6FFFF;
	_ =	strace $0x90000046  }
0xb3: {  	s29 =	simm.s32 $0x9;
	_ =	strace $0x80000048  }
0xb4: {  	_ =	swait.ge [sflag:s29], $0x1  }
0xb5: {  	[sflag:s29] =	ssyncadd.s32 $0xFFFFFFFF  }
0xb6: {  	_ =	strace $0x90000048  }
0xb7: {  	_ =	sfence  }
0xb8: {  	s30 =	sld [smem:$0x0];
	_ =	sdelay $0x2  }
0xb9: {  	s31 =	sshll.u32 s1, $0xD;
	s1 =	sshrl.u32 s1, $0x2  }
0xba: {  	s3 =	sand.u32 $0x4000, s31;
	s1 =	sadd.s32 s1, s30  }
0xbb: {  	s0 =	sor.u32 s3, s0;
	s1 =	sshll.u32 s1, $0x11  }
0xbc: {  	s0 =	sor.u32 s1, s0  }
0xbd: {  	s0 =	sadd.s32 $0x8F2B, s0  }
0xbe: {  	[sflag:s0] =	ssyncadd.remote.s32 $0x1  }
0xbf: {  	_ =	sfence.sel $0xFFFF  }
0xc0: {  	[dreg:$0x0] =	wrdreg $0xFFFFFFFF;
	(pc) =	sbr.abs _section_cstart, $3  }
0xc1: {  	[dreg:$0x1] =	wrdreg $0xFFFFFFFF  }
0xc2: {  	_ =	task.clear_ibuf [dreg:s7], $0x2FFFF;
	_ =	strace $0x9FFFFFFF  }
0xc3: {  	(tm) =	ssettm $0x7FFFFFFF  }
tec
execute0_lowered:
.L_overlay_start_1:
0x0: {  	(tag) =	ssettag $0x1  }
0x1: {  	s1 =	rddreg [dreg:$0x0]  }
0x2: {  	s0 =	rddreg [dreg:$0x1]  }
0x3: {  	s2 =	rddreg [dreg:$0x2];
	s4 =	simm.s32 $0x0;
	s3 =	srdreg.scid  }
0x4: {  	s15 =	stileid.u32;
	s28 =	simm.s32 $0xD930;
	s29 =	simm.s32 $0x9E20  }
0x5: {  	s30 =	simm.s32 $0x2;
	s31 =	simm.s32 $0x3;
	[smem:$0x7FF] =	sst s4  }
0x6: {  	s5 =	sadd.s32 $0x1200, s0;
	s3 =	sand.u32 $0x1, s3;
	s26 =	smul.u32 $0x9C40, s15  }
0x7: {  	s6 =	sadd.s32 $0xB600, s0;
	s7 =	sadd.s32 $0x1800, s0;
	s9 =	sadd.s32 $0x15400, s0  }
0x8: {  	s10 =	sadd.s32 $0x1F200, s0;
	s16 =	sadd.s32 $0x20600, s0;
	s17 =	smul.u32 $0x500, s15  }
0x9: {  	s13 =	smul.u32 $0x4EC0, s15;
	_ =	strace $0x80000047;
	[dreg:$0x4] =	wrdreg s5  }
0xa: {  	s19 =	sshll.u32 s15, $0x6;
	s8 =	smul.u32 $0x9C400, s3;
	[dreg:$0x5] =	wrdreg s10  }
0xb: {  	[dreg:$0x6] =	wrdreg s16;
	s11 =	ssub.s32 $0x2, s3;
	p0 =	sne.s32 s3, $0x0  }
0xc: {  	p1 =	seq.s32 s3, $0x0;
	s3 =	simm.s32 $0x5;
	s12 =	sshrl.u32 s11, $0x1  }
0xd: {  	s5 =	sadd.s32 s26, s2;
	s20 =	sshrl.u32 s13, $0x3;
	s8 =	sadd.s32 s26, s8  }
0xe: {  	s18 =	ssub.s32 s11, s12;
	s21 =	sadd.s32 s6, s20;
	s22 =	sadd.s32 $0x4EC, s20  }
0xf: {  	s13 =	sadd.s32 s7, s20;
	s11 =	sadd.s32 s9, s20;
	[dreg:$0x7] =	wrdreg s21  }
0x10: {  	s20 =	simm.s32 $0x0;
	s8 =	sshrl.u32 s8, $0x3;
	[dreg:$0x8] =	wrdreg s13  }
0x11: {  	[dreg:$0x9] =	wrdreg s11;
	s6 =	sadd.s32 s6, s22;
	s23 =	sadd.s32 s7, s22  }
0x12: {  	s24 =	sadd.s32 s9, s22;
	s26 =	smax.u32 s18, $0x1;
	s18 =	sshrl.u32 s5, $0x3  }
0x13: {  	s21 =	simm.s32 $0x4EC0;
	s22 =	simm.s32 $0x50;
	[dreg:$0xa] =	wrdreg s6  }
0x14: {  	s5 =	simm.s32 $0x6;
	s14 =	sadd.s32 s8, s0;
	[dreg:$0xb] =	wrdreg s23  }
.Ltmp0:
0x15: {  	vm0 =	vcmask $0x704;
	vm1 =	vcmask $0xB08;
	vm2 =	vcmask $0xF0C;
	s0 =	sadd.s32 s17, s0;
	[dreg:$0xc] =	wrdreg s24;
	(pc) =	sbr.rel .LBB2_1-.Ltmp0, $4  }
0x16: {  	vm3 =	vcmask $0x1310;
	vm4 =	vcmask $0x1714;
	vm5 =	vcmask $0x1B18;
	s8 =	sor.u32 $0x1C07, s19;
	[dreg:$0xf] =	wrdreg s26;
	s19 =	simm.s32 $0x7  }
0x17: {  	vm6 =	vcmask $0x1F1C;
	vm7 =	vcmask $0x2320;
	vm8 =	vcmask $0x2724;
	s23 =	simm.s32 $0x7620;
	s24 =	simm.s32 $0x8A20;
	s25 =	sadd.s32 $0x20C00, s14  }
0x18: {  	vm9 =	vcmask $0x2B28;
	vm10 =	vcmask $0x2F2C;
	vm11 =	vcmask $0x3330;
	s26 =	simm.s32 $0xB220;
	s0 =	sadd.s32 $0x47E00, s0;
	[dreg:$0xd] =	wrdreg s25  }
0x19: {  	vm12 =	vcmask $0x3734;
	vm13 =	vcmask $0x3B38;
	vm14 =	vcmask $0x3F3C;
	[dreg:$0xe] =	wrdreg s0;
	s25 =	simm.s32 $0x1;
	s0 =	simm.s32 $0x4  }
.LBB2_39:
0x1a: {  	_ =	swait.ge [sflag:s0], $0x1400  }
0x1b: {  	[sflag:s0] =	ssyncset.done $0x0  }
0x1c: {  	[sflag:s0] =	ssyncadd.s32 $0xFFFFEC00  }
0x1d: {  	_ =	swait.ge [sflag:s3], $0x1400  }
0x1e: {  	[sflag:s3] =	ssyncset.done $0x0  }
0x1f: {  	[sflag:s3] =	ssyncadd.s32 $0xFFFFEC00  }
0x20: {  	_ =	swait.ge [sflag:s5], $0x1400  }
0x21: {  	[sflag:s5] =	ssyncset.done $0x0  }
0x22: {  	[sflag:s5] =	ssyncadd.s32 $0xFFFFEC00  }
0x23: {  	[bflag:$0x0] =	sbarrier.arrive $0xFFFF  }
0x24: {  	s6 =	rddreg [dreg:$0xd]  }
0x25: {  	[hbm:s6], [sflag:s8] =	dma.local [spmem:s18], $0x1388  }
0x26: {  	_ =	swait.ge [sflag:s19], $0x1388  }
0x27: {  	s7 =	simm.s32 @!p0 $0xD930;
	[sflag:s19] =	ssyncset.done $0x0  }
0x28: {  	s6 =	simm.s32 @!p0 $0x0;
	s9 =	rddreg [dreg:$0xe];
	[sflag:s19] =	ssyncadd.s32 $0xFFFFEC78  }
0x29: {  	[hbm4b:s9+s6] =	stream.linear.scatter @!p0 [tilespmem:s7], [sflag:$0x7], $0x2800, $0x38;
	[tilespmem:$0x19D70] =	vst v63  }
0x2a: {  	s6 =	simm.s32 @!p0 $0x7  }
0x2b: {  	_ =	swait.ge @!p0 [sflag:s6], $0x2800  }
0x2c: {  	s20 =	sadd.s32 $0x1, s20;
	s17 =	rddreg [dreg:$0xf]  }
0x2d: {  	p2 =	sne.s32 s20, s17  }
.Ltmp1:
0x2e: {  	_ = 	snop;
	(pc) =	sbr.rel @!p2 .LBB2_40-.Ltmp1, $3  }
0x2f: {  	_ =	sdelay $0x1  }
0x30: {  	[sflag:s6] =	ssyncset.done @!p0 $0x0  }
0x31: {  	[sflag:s6] =	ssyncadd.s32 @!p0 $0xFFFFD800  }
.LBB2_1:
0x32: {  	s6 =	rddreg [dreg:$0x5]  }
0x33: {  	[spmem:s18], [sflag:s8] =	dma.local [hbm:s6], $0x1388  }
0x34: {  	_ =	swait.ge [sflag:s19], $0x1388  }
0x35: {  	s7 =	simm.s32 @!p0 $0xB220;
	[sflag:s19] =	ssyncset.done $0x0  }
0x36: {  	s6 =	simm.s32 @!p0 $0x0;
	s9 =	rddreg [dreg:$0x4];
	[sflag:s19] =	ssyncadd.s32 $0xFFFFEC78  }
0x37: {  	[tilespmem:s7], [sflag:$0x7] =	stream.linear.gather @!p0 [hbm4b:s9+s6], $0x2710, $0x38;
	[tilespmem:$0x19D70] =	vst v63  }
0x38: {  	s7 =	simm.s32 @!p0 $0x7  }
0x39: {  	_ =	swait.ge @!p0 [sflag:s7], $0x2710  }
0x3a: {  	[sflag:s7] =	ssyncset.done @!p0 $0x0  }
0x3b: {  	s9 =	simm.s32 @!p0 $0xD930;
	s10 =	rddreg [dreg:$0x6];
	[sflag:s7] =	ssyncadd.s32 @!p0 $0xFFFFD8F0  }
0x3c: {  	[tilespmem:s9], [sflag:$0x7] =	stream.linear.gather @!p0 [hbm4b:s10+s6], $0x2800, $0x38;
	[tilespmem:$0x19D70] =	vst v63  }
0x3d: {  	_ =	swait.ge @!p0 [sflag:s7], $0x2800  }
0x3e: {  	[sflag:s7] =	ssyncset.done @!p0 $0x0  }
0x3f: {  	[sflag:s7] =	ssyncadd.s32 @!p0 $0xFFFFD800  }
0x40: {  	[bflag:$0x0] =	sbarrier.arrive $0xFFFF  }
0x41: {  	s14 =	rddreg [dreg:$0x7]  }
0x42: {  	[tilespmem:s4], [sflag:$0x7] =	stream.linear.gather [hbm4b:s14+s4], $0x2760, $0x38;
	[tilespmem:$0x19D70] =	vst v63  }
0x43: {  	_ =	swait.ge [sflag:s19], $0x2760  }
0x44: {  	[sflag:s19] =	ssyncset.done $0x0  }
0x45: {  	s16 =	simm.s32 $0x2760;
	s15 =	rddreg [dreg:$0x8];
	[sflag:s19] =	ssyncadd.s32 $0xFFFFD8A0  }
0x46: {  	[tilespmem:s16], [sflag:$0x7] =	stream.linear.gather [hbm4b:s15+s4], $0x2760, $0x38;
	[tilespmem:$0x19D70] =	vst v63  }
0x47: {  	_ =	swait.ge [sflag:s19], $0x2760  }
0x48: {  	[sflag:s19] =	ssyncset.done $0x0  }
.Ltmp2:
0x49: {  	s17 =	rddreg [dreg:$0x9];
	[sflag:s19] =	ssyncadd.s32 $0xFFFFD8A0;
	(pc) =	sbr.rel @p1 .LBB2_5-.Ltmp2, $4  }
0x4a: {  	[tilespmem:s21], [sflag:$0x7] =	stream.linear.gather [hbm4b:s17+s4], $0x2760, $0x38;
	[tilespmem:$0x19D70] =	vst v63  }
0x4b: {  	_ =	swait.ge [sflag:s19], $0x2760  }
0x4c: {  	[sflag:s19] =	ssyncset.done $0x0  }
0x4d: {  	[sflag:s19] =	ssyncadd.s32 $0xFFFFD8A0  }
0x4e: {  	s6 =	simm.s32 $0x0  }
0x4f: {  	v3 =	vld [tilespmem:s6+$0x0]  }
0x50: {  	v2 =	vld [tilespmem:s6+$0x10]  }
0x51: {  	v1 =	vld [tilespmem:s6+$0x20]  }
0x52: {  	s7 =	simm.s32 $0x140;
	v0 =	vld [tilespmem:s6+$0x30]  }
.LBB2_3:
0x53: {  	p2 =	sne.s32 s7, $0x9C40;
	v4 =	vld [tilespmem:s6+$0x40]  }
0x54: {  	v3 =	vadd.s32 $0x2710, v3  }
.Ltmp3:
0x55: {  	s9 =	sshra.s32 s7, $0x2;
	[tilespmem:s6+$0x0] =	vst v3;
	v2 =	vadd.s32 $0x2710, v2;
	(pc) =	sbr.rel @p2 .LBB2_3-.Ltmp3, $4  }
0x56: {  	v3 =	vld [tilespmem:s9+$0x0];
	[tilespmem:s6+$0x10] =	vst v2;
	v1 =	vadd.s32 $0x2710, v1  }
0x57: {  	v2 =	vld [tilespmem:s9+$0x10];
	[tilespmem:s6+$0x20] =	vst v1;
	v0 =	vadd.s32 $0x2710, v0  }
0x58: {  	v1 =	vld [tilespmem:s9+$0x20];
	[tilespmem:s6+$0x30] =	vst v0;
	v4 =	vadd.s32 $0x2710, v4  }
0x59: {  	s7 =	sadd.s32 $0x140, s7;
	v0 =	vld [tilespmem:s9+$0x30];
	[tilespmem:s6+$0x40] =	vst v4;
	s6 =	smov.u32 s9  }
0x5a: {  	v4 =	vld [tilespmem:s6+$0x40]  }
0x5b: {  	v3 =	vadd.s32 $0x2710, v3  }
0x5c: {  	[tilespmem:s6+$0x0] =	vst v3;
	v2 =	vadd.s32 $0x2710, v2  }
0x5d: {  	[tilespmem:s6+$0x10] =	vst v2;
	v1 =	vadd.s32 $0x2710, v1  }
0x5e: {  	[tilespmem:s6+$0x20] =	vst v1;
	v0 =	vadd.s32 $0x2710, v0  }
0x5f: {  	[tilespmem:s6+$0x30] =	vst v0;
	v63 =	vadd.s32 $0x2710, v4  }
0x60: {  	[tilespmem:s6+$0x40] =	vst v63  }
.LBB2_5:
0x61: {  	s6 =	simm.s32 $0x0  }
0x62: {  	[tilespmem:s23], [sflag:$0x1] =	stream.indirect.gather [hbm4b:s1+s22], $0x40, s6, s22, $0xb8;
	[tilespmem:$0x19D70] =	vst v63  }
0x63: {  	_ = 	snop  }
0x64: {  	[tilespmem:s24], [sflag:$0x2] =	stream.indirect.gather [hbm4b:s1+s22], $0x40, s22, s22, $0xb8;
	[tilespmem:$0x19D70] =	vst v63  }
.LBB2_6:
.Ltmp4:
0x65: {  	(pc) =	sbr.rel @p0 .LBB2_8-.Ltmp4, $4  }
0x66: {  	_ = 	snop  }
0x67: {  	_ =	swait.ge [sflag:s25], $0x1400  }
0x68: {  	[sflag:s25] =	ssyncset.done $0x0  }
0x69: {  	[sflag:s25] =	ssyncadd.s32 $0xFFFFEC00  }
0x6a: {  	s7 =	smul.u32 $0xF0, s6;
	_ =	sdelay $0x1  }
0x6b: {  	v0 =	vld [tilespmem:s7+$0x0];
	_ =	sdelay $0x5  }
0x6c: {  	v1 =	vld [tilespmem:s7+$0x2760]  }
0x6d: {  	v2 =	vld [tilespmem:s7+$0x4EC0]  }
0x6e: {  	v0 =	vld.idx.msk [tilespmem:v0+s26+$0x0], $0xffff;
	_ =	sdelay $0x4  }
0x6f: {  	v0 =	vmul.f32 v0, v2;
	_ =	sdelay $0x1  }
0x70: {  	[tilespmem:v1+s28+$0x0] =	vst.idx.add.f32.msk $0x1, v0  }
0x71: {  	[tilespmem:v1+s28+$0x0] =	vst.idx.add.f32.msk vm0, v0  }
0x72: {  	[tilespmem:v1+s28+$0x0] =	vst.idx.add.f32.msk vm1, v0  }
0x73: {  	[tilespmem:v1+s28+$0x0] =	vst.idx.add.f32.msk vm2, v0  }
0x74: {  	[tilespmem:v1+s28+$0x0] =	vst.idx.add.f32.msk vm3, v0  }
0x75: {  	[tilespmem:v1+s28+$0x0] =	vst.idx.add.f32.msk vm4, v0  }
0x76: {  	[tilespmem:v1+s28+$0x0] =	vst.idx.add.f32.msk vm5, v0  }
0x77: {  	[tilespmem:v1+s28+$0x0] =	vst.idx.add.f32.msk vm6, v0  }
0x78: {  	[tilespmem:v1+s28+$0x0] =	vst.idx.add.f32.msk vm7, v0  }
0x79: {  	[tilespmem:v1+s28+$0x0] =	vst.idx.add.f32.msk vm8, v0  }
0x7a: {  	[tilespmem:v1+s28+$0x0] =	vst.idx.add.f32.msk vm9, v0  }
0x7b: {  	[tilespmem:v1+s28+$0x0] =	vst.idx.add.f32.msk vm10, v0  }
0x7c: {  	[tilespmem:v1+s28+$0x0] =	vst.idx.add.f32.msk vm11, v0  }
0x7d: {  	[tilespmem:v1+s28+$0x0] =	vst.idx.add.f32.msk vm12, v0  }
0x7e: {  	[tilespmem:v1+s28+$0x0] =	vst.idx.add.f32.msk vm13, v0  }
0x7f: {  	[tilespmem:v1+s28+$0x0] =	vst.idx.add.f32.msk vm14, v0  }
0x80: {  	v0 =	vld [tilespmem:s7+$0x10];
	_ =	sdelay $0x5  }
0x81: {  	v1 =	vld [tilespmem:s7+$0x2770]  }
0x82: {  	v60 =	vld [tilespmem:s7+$0x4ED0]  }
0x83: {  	v0 =	vld.idx.msk [tilespmem:v0+s26+$0x0], $0xffff;
	_ =	sdelay $0x4  }
0x84: {  	v0 =	vmul.f32 v0, v60;
	_ =	sdelay $0x1  }
0x85: {  	[tilespmem:v1+s28+$0x0] =	vst.idx.add.f32.msk $0x1, v0  }
0x86: {  	[tilespmem:v1+s28+$0x0] =	vst.idx.add.f32.msk vm0, v0  }
0x87: {  	[tilespmem:v1+s28+$0x0] =	vst.idx.add.f32.msk vm1, v0  }
0x88: {  	[tilespmem:v1+s28+$0x0] =	vst.idx.add.f32.msk vm2, v0  }
0x89: {  	[tilespmem:v1+s28+$0x0] =	vst.idx.add.f32.msk vm3, v0  }
0x8a: {  	[tilespmem:v1+s28+$0x0] =	vst.idx.add.f32.msk vm4, v0  }
0x8b: {  	[tilespmem:v1+s28+$0x0] =	vst.idx.add.f32.msk vm5, v0  }
0x8c: {  	[tilespmem:v1+s28+$0x0] =	vst.idx.add.f32.msk vm6, v0  }
0x8d: {  	[tilespmem:v1+s28+$0x0] =	vst.idx.add.f32.msk vm7, v0  }
0x8e: {  	[tilespmem:v1+s28+$0x0] =	vst.idx.add.f32.msk vm8, v0  }
0x8f: {  	[tilespmem:v1+s28+$0x0] =	vst.idx.add.f32.msk vm9, v0  }
0x90: {  	[tilespmem:v1+s28+$0x0] =	vst.idx.add.f32.msk vm10, v0  }
0x91: {  	[tilespmem:v1+s28+$0x0] =	vst.idx.add.f32.msk vm11, v0  }
0x92: {  	[tilespmem:v1+s28+$0x0] =	vst.idx.add.f32.msk vm12, v0  }
0x93: {  	[tilespmem:v1+s28+$0x0] =	vst.idx.add.f32.msk vm13, v0  }
0x94: {  	[tilespmem:v1+s28+$0x0] =	vst.idx.add.f32.msk vm14, v0  }
0x95: {  	v0 =	vld [tilespmem:s7+$0x20];
	_ =	sdelay $0x5  }
0x96: {  	v1 =	vld [tilespmem:s7+$0x2780]  }
0x97: {  	v61 =	vld [tilespmem:s7+$0x4EE0]  }
0x98: {  	v0 =	vld.idx.msk [tilespmem:v0+s26+$0x0], $0xffff;
	_ =	sdelay $0x4  }
0x99: {  	v0 =	vmul.f32 v0, v61;
	_ =	sdelay $0x1  }
0x9a: {  	[tilespmem:v1+s28+$0x0] =	vst.idx.add.f32.msk $0x1, v0  }
0x9b: {  	[tilespmem:v1+s28+$0x0] =	vst.idx.add.f32.msk vm0, v0  }
0x9c: {  	[tilespmem:v1+s28+$0x0] =	vst.idx.add.f32.msk vm1, v0  }
0x9d: {  	[tilespmem:v1+s28+$0x0] =	vst.idx.add.f32.msk vm2, v0  }
0x9e: {  	[tilespmem:v1+s28+$0x0] =	vst.idx.add.f32.msk vm3, v0  }
0x9f: {  	[tilespmem:v1+s28+$0x0] =	vst.idx.add.f32.msk vm4, v0  }
0xa0: {  	[tilespmem:v1+s28+$0x0] =	vst.idx.add.f32.msk vm5, v0  }
0xa1: {  	[tilespmem:v1+s28+$0x0] =	vst.idx.add.f32.msk vm6, v0  }
0xa2: {  	[tilespmem:v1+s28+$0x0] =	vst.idx.add.f32.msk vm7, v0  }
0xa3: {  	[tilespmem:v1+s28+$0x0] =	vst.idx.add.f32.msk vm8, v0  }
0xa4: {  	[tilespmem:v1+s28+$0x0] =	vst.idx.add.f32.msk vm9, v0  }
0xa5: {  	[tilespmem:v1+s28+$0x0] =	vst.idx.add.f32.msk vm10, v0  }
0xa6: {  	[tilespmem:v1+s28+$0x0] =	vst.idx.add.f32.msk vm11, v0  }
0xa7: {  	[tilespmem:v1+s28+$0x0] =	vst.idx.add.f32.msk vm12, v0  }
0xa8: {  	[tilespmem:v1+s28+$0x0] =	vst.idx.add.f32.msk vm13, v0  }
0xa9: {  	[tilespmem:v1+s28+$0x0] =	vst.idx.add.f32.msk vm14, v0  }
0xaa: {  	v0 =	vld [tilespmem:s7+$0x30];
	_ =	sdelay $0x5  }
0xab: {  	v1 =	vld [tilespmem:s7+$0x2790]  }
0xac: {  	v62 =	vld [tilespmem:s7+$0x4EF0]  }
0xad: {  	v0 =	vld.idx.msk [tilespmem:v0+s26+$0x0], $0xffff;
	_ =	sdelay $0x4  }
0xae: {  	v0 =	vmul.f32 v0, v62;
	_ =	sdelay $0x1  }
0xaf: {  	[tilespmem:v1+s28+$0x0] =	vst.idx.add.f32.msk $0x1, v0  }
0xb0: {  	[tilespmem:v1+s28+$0x0] =	vst.idx.add.f32.msk vm0, v0  }
0xb1: {  	[tilespmem:v1+s28+$0x0] =	vst.idx.add.f32.msk vm1, v0  }
0xb2: {  	[tilespmem:v1+s28+$0x0] =	vst.idx.add.f32.msk vm2, v0  }
0xb3: {  	[tilespmem:v1+s28+$0x0] =	vst.idx.add.f32.msk vm3, v0  }
0xb4: {  	[tilespmem:v1+s28+$0x0] =	vst.idx.add.f32.msk vm4, v0  }
0xb5: {  	[tilespmem:v1+s28+$0x0] =	vst.idx.add.f32.msk vm5, v0  }
0xb6: {  	[tilespmem:v1+s28+$0x0] =	vst.idx.add.f32.msk vm6, v0  }
0xb7: {  	[tilespmem:v1+s28+$0x0] =	vst.idx.add.f32.msk vm7, v0  }
0xb8: {  	[tilespmem:v1+s28+$0x0] =	vst.idx.add.f32.msk vm8, v0  }
0xb9: {  	[tilespmem:v1+s28+$0x0] =	vst.idx.add.f32.msk vm9, v0  }
0xba: {  	[tilespmem:v1+s28+$0x0] =	vst.idx.add.f32.msk vm10, v0  }
0xbb: {  	[tilespmem:v1+s28+$0x0] =	vst.idx.add.f32.msk vm11, v0  }
0xbc: {  	[tilespmem:v1+s28+$0x0] =	vst.idx.add.f32.msk vm12, v0  }
0xbd: {  	[tilespmem:v1+s28+$0x0] =	vst.idx.add.f32.msk vm13, v0  }
0xbe: {  	[tilespmem:v1+s28+$0x0] =	vst.idx.add.f32.msk vm14, v0  }
0xbf: {  	v0 =	vld [tilespmem:s7+$0x40];
	_ =	sdelay $0x5  }
0xc0: {  	v1 =	vld [tilespmem:s7+$0x27A0]  }
0xc1: {  	v63 =	vld [tilespmem:s7+$0x4F00]  }
0xc2: {  	v0 =	vld.idx.msk [tilespmem:v0+s26+$0x0], $0xffff;
	_ =	sdelay $0x4  }
0xc3: {  	v0 =	vmul.f32 v0, v63;
	_ =	sdelay $0x1  }
0xc4: {  	[tilespmem:v1+s28+$0x0] =	vst.idx.add.f32.msk $0x1, v0  }
0xc5: {  	[tilespmem:v1+s28+$0x0] =	vst.idx.add.f32.msk vm0, v0  }
0xc6: {  	[tilespmem:v1+s28+$0x0] =	vst.idx.add.f32.msk vm1, v0  }
0xc7: {  	[tilespmem:v1+s28+$0x0] =	vst.idx.add.f32.msk vm2, v0  }
0xc8: {  	[tilespmem:v1+s28+$0x0] =	vst.idx.add.f32.msk vm3, v0  }
0xc9: {  	[tilespmem:v1+s28+$0x0] =	vst.idx.add.f32.msk vm4, v0  }
0xca: {  	[tilespmem:v1+s28+$0x0] =	vst.idx.add.f32.msk vm5, v0  }
0xcb: {  	[tilespmem:v1+s28+$0x0] =	vst.idx.add.f32.msk vm6, v0  }
0xcc: {  	[tilespmem:v1+s28+$0x0] =	vst.idx.add.f32.msk vm7, v0  }
0xcd: {  	[tilespmem:v1+s28+$0x0] =	vst.idx.add.f32.msk vm8, v0  }
0xce: {  	[tilespmem:v1+s28+$0x0] =	vst.idx.add.f32.msk vm9, v0  }
0xcf: {  	[tilespmem:v1+s28+$0x0] =	vst.idx.add.f32.msk vm10, v0  }
0xd0: {  	[tilespmem:v1+s28+$0x0] =	vst.idx.add.f32.msk vm11, v0  }
0xd1: {  	[tilespmem:v1+s28+$0x0] =	vst.idx.add.f32.msk vm12, v0  }
0xd2: {  	[tilespmem:v1+s28+$0x0] =	vst.idx.add.f32.msk vm13, v0  }
0xd3: {  	[tilespmem:v1+s28+$0x0] =	vst.idx.add.f32.msk vm14, v0  }
.LBB2_8:
0xd4: {  	s12 =	smul.u32 $0x3, s6;
	_ =	sdelay $0x1  }
0xd5: {  	v0 =	vmov s12  }
0xd6: {  	v0 =	vmul.u32 $0x50, v0  }
0xd7: {  	s7 =	simm.s32 $0x0  }
0xd8: {  	v1 =	vmov s7;
	v0 =	vbroadcast v0, $0x0  }
0xd9: {  	v2 =	vand.u32 $0x78, v1  }
0xda: {  	v1 =	vand.u32 $0x4, v1;
	v2 =	vadd.s32 v0, v2  }
0xdb: {  	v1 =	vor.u32 v1, v2;
	_ =	sdelay $0x2  }
0xdc: {  	s9 =	simm.s32 $0x76A0  }
0xdd: {  	v2 =	vld [tilespmem:s9+$0xFFFFFFB0]  }
0xde: {  	v1 =	vld.idx.msk [tilespmem:v1+s21+$0x0], $0xffff  }
0xdf: {  	v3 =	vld [tilespmem:s9+$0xFFFFFF80]  }
0xe0: {  	s15 =	simm.s32 $0x1;
	v4 =	vld [tilespmem:s9+$0xFFFFFF90]  }
0xe1: {  	v5 =	vld [tilespmem:s9+$0xFFFFFFA0];
	v6 =	vmov s15  }
0xe2: {  	v7 =	vand.u32 $0x78, v6  }
0xe3: {  	v6 =	vand.u32 $0x5, v6;
	v7 =	vadd.s32 v0, v7;
	v2 =	vmul.f32 v2, v1  }
0xe4: {  	v6 =	vor.u32 v6, v7;
	v3 =	vmul.f32 v3, v1  }
0xe5: {  	v4 =	vmul.f32 v4, v1;
	[tilespmem:s9+$0xFFFFFFB0] =	vst v2  }
0xe6: {  	v1 =	vmul.f32 v5, v1;
	[tilespmem:s9+$0xFFFFFF80] =	vst v3  }
0xe7: {  	[tilespmem:s9+$0xFFFFFF90] =	vst v4  }
0xe8: {  	[tilespmem:s9+$0xFFFFFFA0] =	vst v1;
	v2 =	vld [tilespmem:s9+$0xFFFFFFC0]  }
0xe9: {  	v1 =	vld.idx.msk [tilespmem:v6+s21+$0x0], $0xffff  }
0xea: {  	v3 =	vld [tilespmem:s9+$0xFFFFFFD0]  }
0xeb: {  	s16 =	simm.s32 $0x2;
	v55 =	vld [tilespmem:s9+$0xFFFFFFF0]  }
0xec: {  	v56 =	vld [tilespmem:s9+$0xFFFFFFE0];
	v57 =	vmov s16  }
0xed: {  	v58 =	vand.u32 $0x78, v57  }
0xee: {  	v7 =	vadd.s32 v0, v58;
	v6 =	vand.u32 $0x6, v57;
	v2 =	vmul.f32 v2, v1  }
0xef: {  	v6 =	vor.u32 v6, v7;
	v3 =	vmul.f32 v3, v1  }
0xf0: {  	v4 =	vmul.f32 v55, v1;
	[tilespmem:s9+$0xFFFFFFC0] =	vst v2  }
0xf1: {  	v1 =	vmul.f32 v56, v1;
	[tilespmem:s9+$0xFFFFFFD0] =	vst v3  }
0xf2: {  	[tilespmem:s9+$0xFFFFFFF0] =	vst v4  }
0xf3: {  	[tilespmem:s9+$0xFFFFFFE0] =	vst v1;
	v1 =	vld [tilespmem:s9+$0x0]  }
0xf4: {  	v2 =	vld.idx.msk [tilespmem:v6+s21+$0x0], $0xffff;
	_ =	sdelay $0x1  }
0xf5: {  	v3 =	vld [tilespmem:s9+$0x30]  }
0xf6: {  	v59 =	vld [tilespmem:s9+$0x20]  }
0xf7: {  	s17 =	simm.s32 $0x3  }
0xf8: {  	v60 =	vld [tilespmem:s9+$0x10];
	v61 =	vmov s17;
	v1 =	vmul.f32 v1, v2  }
0xf9: {  	v62 =	vand.u32 $0x78, v61  }
0xfa: {  	v63 =	vadd.s32 v0, v62;
	v3 =	vmul.f32 v3, v2;
	[tilespmem:s9+$0x0] =	vst v1;
	v1 =	vand.u32 $0x7, v61  }
0xfb: {  	v4 =	vmul.f32 v59, v2;
	v1 =	vor.u32 v1, v63  }
0xfc: {  	[tilespmem:s9+$0x30] =	vst v3  }
0xfd: {  	s10 =	simm.s32 $0x76A0;
	s7 =	simm.s32 $0x4;
	v2 =	vmul.f32 v60, v2;
	[tilespmem:s9+$0x20] =	vst v4  }
.LBB2_9:
0xfe: {  	p2 =	slt.u32 s7, $0x4C  }
0xff: {  	[tilespmem:s9+$0x10] =	vst v2;
	v2 =	vld [tilespmem:s9+$0x70];
	s10 =	sadd.s32 $0x100, s10;
	s11 =	smov.u32 s7;
	s7 =	sadd.s32 $0x4, s7  }
0x100: {  	v1 =	vld.idx.msk [tilespmem:v1+s21+$0x0], $0xffff  }
0x101: {  	v3 =	vld [tilespmem:s9+$0x50]  }
0x102: {  	v4 =	vld [tilespmem:s9+$0x60]  }
0x103: {  	v5 =	vld [tilespmem:s9+$0x40]  }
0x104: {  	v6 =	vmov s11  }
0x105: {  	v7 =	vand.u32 $0x78, v6  }
0x106: {  	v6 =	vand.u32 $0x4, v6;
	v7 =	vadd.s32 v0, v7;
	v2 =	vmul.f32 v2, v1  }
0x107: {  	v6 =	vor.u32 v6, v7;
	v3 =	vmul.f32 v3, v1;
	v4 =	vmul.f32 v4, v1  }
0x108: {  	v1 =	vmul.f32 v5, v1;
	[tilespmem:s9+$0x70] =	vst v2  }
0x109: {  	[tilespmem:s9+$0x50] =	vst v3  }
0x10a: {  	v2 =	vld [tilespmem:s10+$0xFFFFFFA0];
	[tilespmem:s9+$0x60] =	vst v4  }
0x10b: {  	v3 =	vld [tilespmem:s10+$0xFFFFFFB0];
	[tilespmem:s9+$0x40] =	vst v1;
	s9 =	smov.u32 s10  }
0x10c: {  	v1 =	vld.idx.msk [tilespmem:v6+s21+$0x0], $0xffff  }
0x10d: {  	v4 =	vld [tilespmem:s10+$0xFFFFFF80]  }
0x10e: {  	v5 =	vld [tilespmem:s10+$0xFFFFFF90]  }
0x10f: {  	s13 =	sadd.s32 $0x1, s11  }
0x110: {  	v6 =	vmov s13  }
0x111: {  	v7 =	vand.u32 $0x78, v6;
	v6 =	vand.u32 $0x5, v6  }
0x112: {  	v7 =	vadd.s32 v0, v7;
	v3 =	vmul.f32 v3, v1;
	v4 =	vmul.f32 v4, v1  }
0x113: {  	v5 =	vmul.f32 v5, v1;
	v1 =	vmul.f32 v2, v1;
	v2 =	vor.u32 v6, v7  }
0x114: {  	[tilespmem:s10+$0xFFFFFFB0] =	vst v3  }
0x115: {  	[tilespmem:s10+$0xFFFFFF80] =	vst v4  }
0x116: {  	[tilespmem:s10+$0xFFFFFF90] =	vst v5;
	v3 =	vld [tilespmem:s10+$0xFFFFFFF0]  }
0x117: {  	[tilespmem:s10+$0xFFFFFFA0] =	vst v1;
	v1 =	vld [tilespmem:s10+$0xFFFFFFD0]  }
0x118: {  	v2 =	vld.idx.msk [tilespmem:v2+s21+$0x0], $0xffff  }
0x119: {  	v4 =	vld [tilespmem:s10+$0xFFFFFFC0]  }
0x11a: {  	v5 =	vld [tilespmem:s10+$0xFFFFFFE0]  }
0x11b: {  	s13 =	sadd.s32 $0x2, s11  }
0x11c: {  	v6 =	vmov s13  }
0x11d: {  	v7 =	vand.u32 $0x78, v6;
	v6 =	vand.u32 $0x6, v6  }
0x11e: {  	v7 =	vadd.s32 v0, v7;
	v1 =	vmul.f32 v1, v2;
	v4 =	vmul.f32 v4, v2  }
0x11f: {  	v5 =	vmul.f32 v5, v2;
	v2 =	vmul.f32 v3, v2;
	v3 =	vor.u32 v6, v7  }
0x120: {  	[tilespmem:s10+$0xFFFFFFC0] =	vst v4  }
0x121: {  	[tilespmem:s10+$0xFFFFFFD0] =	vst v1  }
0x122: {  	[tilespmem:s10+$0xFFFFFFF0] =	vst v2;
	v1 =	vld [tilespmem:s10+$0x30]  }
0x123: {  	[tilespmem:s10+$0xFFFFFFE0] =	vst v5;
	v2 =	vld [tilespmem:s10+$0x0]  }
0x124: {  	v3 =	vld.idx.msk [tilespmem:v3+s21+$0x0], $0xffff  }
0x125: {  	v4 =	vld [tilespmem:s10+$0x10]  }
0x126: {  	v5 =	vld [tilespmem:s10+$0x20]  }
0x127: {  	s11 =	sadd.s32 $0x3, s11  }
0x128: {  	v6 =	vmov s11  }
0x129: {  	v7 =	vand.u32 $0x78, v6;
	v6 =	vand.u32 $0x7, v6  }
.Ltmp5:
0x12a: {  	v8 =	vmul.f32 v2, v3;
	v2 =	vmul.f32 v4, v3;
	v4 =	vadd.s32 v0, v7;
	(pc) =	sbr.rel @p2 .LBB2_9-.Ltmp5, $4  }
0x12b: {  	v5 =	vmul.f32 v5, v3;
	v3 =	vmul.f32 v1, v3;
	v1 =	vor.u32 v6, v4  }
0x12c: {  	[tilespmem:s10+$0x0] =	vst v8  }
0x12d: {  	[tilespmem:s10+$0x30] =	vst v3  }
0x12e: {  	[tilespmem:s10+$0x20] =	vst v5  }
0x12f: {  	_ =	sdelay $0x2  }
0x130: {  	[tilespmem:s9+$0x10] =	vst v2;
	v0 =	vld [tilespmem:s9+$0x70]  }
0x131: {  	v1 =	vld.idx.msk [tilespmem:v1+s21+$0x0], $0xffff  }
0x132: {  	v62 =	vld [tilespmem:s9+$0x50]  }
0x133: {  	v3 =	vld [tilespmem:s9+$0x60]  }
0x134: {  	v4 =	vld [tilespmem:s9+$0x40];
	_ =	sdelay $0x1  }
0x135: {  	v0 =	vmul.f32 v0, v1  }
0x136: {  	v2 =	vmul.f32 v62, v1  }
0x137: {  	s11 =	smul.u32 $0x3C0, s6;
	v3 =	vmul.f32 v3, v1;
	[tilespmem:s9+$0x70] =	vst v0  }
0x138: {  	v63 =	vmul.f32 v4, v1;
	[tilespmem:s9+$0x50] =	vst v2  }
0x139: {  	p2 =	seq.s32 s6, $0x0;
	s7 =	sshra.s32 s11, $0x2;
	[tilespmem:s9+$0x60] =	vst v3  }
0x13a: {  	s10 =	sadd.s32 $0x2, s12;
	s17 =	sadd.s32 $0x2760, s7;
	[tilespmem:s9+$0x40] =	vst v63;
	s9 =	simm.s32 @!p2 $0x6  }
0x13b: {  	[spmem:s2] =	stream.indirect.scatter.add.f32 [tilespmem:s23], [sflag:$0x4], $0x40, s17, s22, $0xb8;
	[tilespmem:$0x19D70] =	vst v63  }
0x13c: {  	s13 =	smul.u32 $0x140, s10;
	_ =	swait.ge @!p2 [sflag:s9], $0x1400  }
0x13d: {  	[sflag:s9] =	ssyncset.done @!p2 $0x0  }
.Ltmp6:
0x13e: {  	[sflag:s9] =	ssyncadd.s32 @!p2 $0xFFFFEC00;
	s9 =	sshra.s32 s13, $0x2;
	(pc) =	sbr.rel @p0 .LBB2_12-.Ltmp6, $4  }
0x13f: {  	[tilespmem:s29], [sflag:$0x3] =	stream.indirect.gather [hbm4b:s1+s22], $0x40, s9, s22, $0xb8;
	[tilespmem:$0x19D70] =	vst v63  }
0x140: {  	_ =	swait.ge [sflag:s30], $0x1400  }
0x141: {  	[sflag:s30] =	ssyncset.done $0x0  }
0x142: {  	s12 =	sadd.s32 $0x1, s12;
	[sflag:s30] =	ssyncadd.s32 $0xFFFFEC00  }
0x143: {  	s13 =	smul.u32 $0x50, s12;
	_ =	sdelay $0x1  }
0x144: {  	v0 =	vld [tilespmem:s13+$0x0];
	_ =	sdelay $0x5  }
0x145: {  	v1 =	vld [tilespmem:s13+$0x2760]  }
0x146: {  	v2 =	vld [tilespmem:s13+$0x4EC0]  }
0x147: {  	v0 =	vld.idx.msk [tilespmem:v0+s26+$0x0], $0xffff;
	_ =	sdelay $0x4  }
0x148: {  	v0 =	vmul.f32 v0, v2;
	_ =	sdelay $0x1  }
0x149: {  	[tilespmem:v1+s28+$0x0] =	vst.idx.add.f32.msk $0x1, v0  }
0x14a: {  	[tilespmem:v1+s28+$0x0] =	vst.idx.add.f32.msk vm0, v0  }
0x14b: {  	[tilespmem:v1+s28+$0x0] =	vst.idx.add.f32.msk vm1, v0  }
0x14c: {  	[tilespmem:v1+s28+$0x0] =	vst.idx.add.f32.msk vm2, v0  }
0x14d: {  	[tilespmem:v1+s28+$0x0] =	vst.idx.add.f32.msk vm3, v0  }
0x14e: {  	[tilespmem:v1+s28+$0x0] =	vst.idx.add.f32.msk vm4, v0  }
0x14f: {  	[tilespmem:v1+s28+$0x0] =	vst.idx.add.f32.msk vm5, v0  }
0x150: {  	[tilespmem:v1+s28+$0x0] =	vst.idx.add.f32.msk vm6, v0  }
0x151: {  	[tilespmem:v1+s28+$0x0] =	vst.idx.add.f32.msk vm7, v0  }
0x152: {  	[tilespmem:v1+s28+$0x0] =	vst.idx.add.f32.msk vm8, v0  }
0x153: {  	[tilespmem:v1+s28+$0x0] =	vst.idx.add.f32.msk vm9, v0  }
0x154: {  	[tilespmem:v1+s28+$0x0] =	vst.idx.add.f32.msk vm10, v0  }
0x155: {  	[tilespmem:v1+s28+$0x0] =	vst.idx.add.f32.msk vm11, v0  }
0x156: {  	[tilespmem:v1+s28+$0x0] =	vst.idx.add.f32.msk vm12, v0  }
0x157: {  	[tilespmem:v1+s28+$0x0] =	vst.idx.add.f32.msk vm13, v0  }
0x158: {  	[tilespmem:v1+s28+$0x0] =	vst.idx.add.f32.msk vm14, v0  }
0x159: {  	v0 =	vld [tilespmem:s13+$0x10];
	_ =	sdelay $0x5  }
0x15a: {  	v1 =	vld [tilespmem:s13+$0x2770]  }
0x15b: {  	v60 =	vld [tilespmem:s13+$0x4ED0]  }
0x15c: {  	v0 =	vld.idx.msk [tilespmem:v0+s26+$0x0], $0xffff;
	_ =	sdelay $0x4  }
0x15d: {  	v0 =	vmul.f32 v0, v60;
	_ =	sdelay $0x1  }
0x15e: {  	[tilespmem:v1+s28+$0x0] =	vst.idx.add.f32.msk $0x1, v0  }
0x15f: {  	[tilespmem:v1+s28+$0x0] =	vst.idx.add.f32.msk vm0, v0  }
0x160: {  	[tilespmem:v1+s28+$0x0] =	vst.idx.add.f32.msk vm1, v0  }
0x161: {  	[tilespmem:v1+s28+$0x0] =	vst.idx.add.f32.msk vm2, v0  }
0x162: {  	[tilespmem:v1+s28+$0x0] =	vst.idx.add.f32.msk vm3, v0  }
0x163: {  	[tilespmem:v1+s28+$0x0] =	vst.idx.add.f32.msk vm4, v0  }
0x164: {  	[tilespmem:v1+s28+$0x0] =	vst.idx.add.f32.msk vm5, v0  }
0x165: {  	[tilespmem:v1+s28+$0x0] =	vst.idx.add.f32.msk vm6, v0  }
0x166: {  	[tilespmem:v1+s28+$0x0] =	vst.idx.add.f32.msk vm7, v0  }
0x167: {  	[tilespmem:v1+s28+$0x0] =	vst.idx.add.f32.msk vm8, v0  }
0x168: {  	[tilespmem:v1+s28+$0x0] =	vst.idx.add.f32.msk vm9, v0  }
0x169: {  	[tilespmem:v1+s28+$0x0] =	vst.idx.add.f32.msk vm10, v0  }
0x16a: {  	[tilespmem:v1+s28+$0x0] =	vst.idx.add.f32.msk vm11, v0  }
0x16b: {  	[tilespmem:v1+s28+$0x0] =	vst.idx.add.f32.msk vm12, v0  }
0x16c: {  	[tilespmem:v1+s28+$0x0] =	vst.idx.add.f32.msk vm13, v0  }
0x16d: {  	[tilespmem:v1+s28+$0x0] =	vst.idx.add.f32.msk vm14, v0  }
0x16e: {  	v0 =	vld [tilespmem:s13+$0x20];
	_ =	sdelay $0x5  }
0x16f: {  	v1 =	vld [tilespmem:s13+$0x2780]  }
0x170: {  	v61 =	vld [tilespmem:s13+$0x4EE0]  }
0x171: {  	v0 =	vld.idx.msk [tilespmem:v0+s26+$0x0], $0xffff;
	_ =	sdelay $0x4  }
0x172: {  	v0 =	vmul.f32 v0, v61;
	_ =	sdelay $0x1  }
0x173: {  	[tilespmem:v1+s28+$0x0] =	vst.idx.add.f32.msk $0x1, v0  }
0x174: {  	[tilespmem:v1+s28+$0x0] =	vst.idx.add.f32.msk vm0, v0  }
0x175: {  	[tilespmem:v1+s28+$0x0] =	vst.idx.add.f32.msk vm1, v0  }
0x176: {  	[tilespmem:v1+s28+$0x0] =	vst.idx.add.f32.msk vm2, v0  }
0x177: {  	[tilespmem:v1+s28+$0x0] =	vst.idx.add.f32.msk vm3, v0  }
0x178: {  	[tilespmem:v1+s28+$0x0] =	vst.idx.add.f32.msk vm4, v0  }
0x179: {  	[tilespmem:v1+s28+$0x0] =	vst.idx.add.f32.msk vm5, v0  }
0x17a: {  	[tilespmem:v1+s28+$0x0] =	vst.idx.add.f32.msk vm6, v0  }
0x17b: {  	[tilespmem:v1+s28+$0x0] =	vst.idx.add.f32.msk vm7, v0  }
0x17c: {  	[tilespmem:v1+s28+$0x0] =	vst.idx.add.f32.msk vm8, v0  }
0x17d: {  	[tilespmem:v1+s28+$0x0] =	vst.idx.add.f32.msk vm9, v0  }
0x17e: {  	[tilespmem:v1+s28+$0x0] =	vst.idx.add.f32.msk vm10, v0  }
0x17f: {  	[tilespmem:v1+s28+$0x0] =	vst.idx.add.f32.msk vm11, v0  }
0x180: {  	[tilespmem:v1+s28+$0x0] =	vst.idx.add.f32.msk vm12, v0  }
0x181: {  	[tilespmem:v1+s28+$0x0] =	vst.idx.add.f32.msk vm13, v0  }
0x182: {  	[tilespmem:v1+s28+$0x0] =	vst.idx.add.f32.msk vm14, v0  }
0x183: {  	v0 =	vld [tilespmem:s13+$0x30];
	_ =	sdelay $0x5  }
0x184: {  	v1 =	vld [tilespmem:s13+$0x2790]  }
0x185: {  	v62 =	vld [tilespmem:s13+$0x4EF0]  }
0x186: {  	v0 =	vld.idx.msk [tilespmem:v0+s26+$0x0], $0xffff;
	_ =	sdelay $0x4  }
0x187: {  	v0 =	vmul.f32 v0, v62;
	_ =	sdelay $0x1  }
0x188: {  	[tilespmem:v1+s28+$0x0] =	vst.idx.add.f32.msk $0x1, v0  }
0x189: {  	[tilespmem:v1+s28+$0x0] =	vst.idx.add.f32.msk vm0, v0  }
0x18a: {  	[tilespmem:v1+s28+$0x0] =	vst.idx.add.f32.msk vm1, v0  }
0x18b: {  	[tilespmem:v1+s28+$0x0] =	vst.idx.add.f32.msk vm2, v0  }
0x18c: {  	[tilespmem:v1+s28+$0x0] =	vst.idx.add.f32.msk vm3, v0  }
0x18d: {  	[tilespmem:v1+s28+$0x0] =	vst.idx.add.f32.msk vm4, v0  }
0x18e: {  	[tilespmem:v1+s28+$0x0] =	vst.idx.add.f32.msk vm5, v0  }
0x18f: {  	[tilespmem:v1+s28+$0x0] =	vst.idx.add.f32.msk vm6, v0  }
0x190: {  	[tilespmem:v1+s28+$0x0] =	vst.idx.add.f32.msk vm7, v0  }
0x191: {  	[tilespmem:v1+s28+$0x0] =	vst.idx.add.f32.msk vm8, v0  }
0x192: {  	[tilespmem:v1+s28+$0x0] =	vst.idx.add.f32.msk vm9, v0  }
0x193: {  	[tilespmem:v1+s28+$0x0] =	vst.idx.add.f32.msk vm10, v0  }
0x194: {  	[tilespmem:v1+s28+$0x0] =	vst.idx.add.f32.msk vm11, v0  }
0x195: {  	[tilespmem:v1+s28+$0x0] =	vst.idx.add.f32.msk vm12, v0  }
0x196: {  	[tilespmem:v1+s28+$0x0] =	vst.idx.add.f32.msk vm13, v0  }
0x197: {  	[tilespmem:v1+s28+$0x0] =	vst.idx.add.f32.msk vm14, v0  }
0x198: {  	v0 =	vld [tilespmem:s13+$0x40];
	_ =	sdelay $0x5  }
0x199: {  	v1 =	vld [tilespmem:s13+$0x27A0]  }
0x19a: {  	v63 =	vld [tilespmem:s13+$0x4F00]  }
0x19b: {  	v0 =	vld.idx.msk [tilespmem:v0+s26+$0x0], $0xffff;
	_ =	sdelay $0x4  }
0x19c: {  	v0 =	vmul.f32 v0, v63;
	_ =	sdelay $0x1  }
0x19d: {  	[tilespmem:v1+s28+$0x0] =	vst.idx.add.f32.msk $0x1, v0  }
0x19e: {  	[tilespmem:v1+s28+$0x0] =	vst.idx.add.f32.msk vm0, v0  }
0x19f: {  	[tilespmem:v1+s28+$0x0] =	vst.idx.add.f32.msk vm1, v0  }
0x1a0: {  	[tilespmem:v1+s28+$0x0] =	vst.idx.add.f32.msk vm2, v0  }
0x1a1: {  	[tilespmem:v1+s28+$0x0] =	vst.idx.add.f32.msk vm3, v0  }
0x1a2: {  	[tilespmem:v1+s28+$0x0] =	vst.idx.add.f32.msk vm4, v0  }
0x1a3: {  	[tilespmem:v1+s28+$0x0] =	vst.idx.add.f32.msk vm5, v0  }
0x1a4: {  	[tilespmem:v1+s28+$0x0] =	vst.idx.add.f32.msk vm6, v0  }
0x1a5: {  	[tilespmem:v1+s28+$0x0] =	vst.idx.add.f32.msk vm7, v0  }
0x1a6: {  	[tilespmem:v1+s28+$0x0] =	vst.idx.add.f32.msk vm8, v0  }
0x1a7: {  	[tilespmem:v1+s28+$0x0] =	vst.idx.add.f32.msk vm9, v0  }
0x1a8: {  	[tilespmem:v1+s28+$0x0] =	vst.idx.add.f32.msk vm10, v0  }
0x1a9: {  	[tilespmem:v1+s28+$0x0] =	vst.idx.add.f32.msk vm11, v0  }
0x1aa: {  	[tilespmem:v1+s28+$0x0] =	vst.idx.add.f32.msk vm12, v0  }
0x1ab: {  	[tilespmem:v1+s28+$0x0] =	vst.idx.add.f32.msk vm13, v0  }
0x1ac: {  	[tilespmem:v1+s28+$0x0] =	vst.idx.add.f32.msk vm14, v0  }
.LBB2_12:
0x1ad: {  	v0 =	vmov s12  }
0x1ae: {  	v0 =	vmul.u32 $0x50, v0  }
0x1af: {  	s13 =	simm.s32 $0x0  }
0x1b0: {  	v1 =	vmov s13;
	v0 =	vbroadcast v0, $0x0  }
0x1b1: {  	v2 =	vand.u32 $0x78, v1  }
0x1b2: {  	v1 =	vand.u32 $0x4, v1;
	v2 =	vadd.s32 v0, v2  }
0x1b3: {  	v1 =	vor.u32 v1, v2;
	_ =	sdelay $0x2  }
0x1b4: {  	s13 =	simm.s32 $0x8AA0  }
0x1b5: {  	v2 =	vld [tilespmem:s13+$0xFFFFFFB0]  }
0x1b6: {  	v1 =	vld.idx.msk [tilespmem:v1+s21+$0x0], $0xffff  }
0x1b7: {  	v3 =	vld [tilespmem:s13+$0xFFFFFF80]  }
0x1b8: {  	s14 =	simm.s32 $0x1;
	v4 =	vld [tilespmem:s13+$0xFFFFFF90]  }
0x1b9: {  	v6 =	vmov s14;
	v5 =	vld [tilespmem:s13+$0xFFFFFFA0]  }
0x1ba: {  	v7 =	vand.u32 $0x78, v6  }
0x1bb: {  	v6 =	vand.u32 $0x5, v6;
	v7 =	vadd.s32 v0, v7;
	v2 =	vmul.f32 v2, v1  }
0x1bc: {  	v6 =	vor.u32 v6, v7;
	v3 =	vmul.f32 v3, v1  }
0x1bd: {  	v4 =	vmul.f32 v4, v1;
	[tilespmem:s13+$0xFFFFFFB0] =	vst v2  }
0x1be: {  	v1 =	vmul.f32 v5, v1;
	[tilespmem:s13+$0xFFFFFF80] =	vst v3  }
0x1bf: {  	[tilespmem:s13+$0xFFFFFF90] =	vst v4  }
0x1c0: {  	[tilespmem:s13+$0xFFFFFFA0] =	vst v1;
	v2 =	vld [tilespmem:s13+$0xFFFFFFC0]  }
0x1c1: {  	v1 =	vld.idx.msk [tilespmem:v6+s21+$0x0], $0xffff  }
0x1c2: {  	v3 =	vld [tilespmem:s13+$0xFFFFFFD0]  }
0x1c3: {  	s16 =	simm.s32 $0x2;
	v55 =	vld [tilespmem:s13+$0xFFFFFFF0]  }
0x1c4: {  	v57 =	vmov s16;
	v56 =	vld [tilespmem:s13+$0xFFFFFFE0]  }
0x1c5: {  	v58 =	vand.u32 $0x78, v57  }
0x1c6: {  	v7 =	vadd.s32 v0, v58;
	v6 =	vand.u32 $0x6, v57;
	v2 =	vmul.f32 v2, v1  }
0x1c7: {  	v6 =	vor.u32 v6, v7;
	v3 =	vmul.f32 v3, v1  }
0x1c8: {  	v4 =	vmul.f32 v55, v1;
	[tilespmem:s13+$0xFFFFFFC0] =	vst v2  }
0x1c9: {  	v1 =	vmul.f32 v56, v1;
	[tilespmem:s13+$0xFFFFFFD0] =	vst v3  }
0x1ca: {  	[tilespmem:s13+$0xFFFFFFF0] =	vst v4  }
0x1cb: {  	[tilespmem:s13+$0xFFFFFFE0] =	vst v1;
	v1 =	vld [tilespmem:s13+$0x0]  }
0x1cc: {  	v2 =	vld.idx.msk [tilespmem:v6+s21+$0x0], $0xffff;
	_ =	sdelay $0x1  }
0x1cd: {  	v3 =	vld [tilespmem:s13+$0x30]  }
0x1ce: {  	v59 =	vld [tilespmem:s13+$0x20]  }
0x1cf: {  	s17 =	simm.s32 $0x3  }
0x1d0: {  	v61 =	vmov s17;
	v60 =	vld [tilespmem:s13+$0x10];
	v1 =	vmul.f32 v1, v2  }
0x1d1: {  	v62 =	vand.u32 $0x78, v61  }
0x1d2: {  	v63 =	vadd.s32 v0, v62;
	v3 =	vmul.f32 v3, v2;
	[tilespmem:s13+$0x0] =	vst v1;
	v1 =	vand.u32 $0x7, v61  }
0x1d3: {  	v4 =	vmul.f32 v59, v2;
	v1 =	vor.u32 v1, v63  }
0x1d4: {  	[tilespmem:s13+$0x30] =	vst v3  }
0x1d5: {  	s15 =	simm.s32 $0x8AA0;
	s14 =	simm.s32 $0x4;
	v2 =	vmul.f32 v60, v2;
	[tilespmem:s13+$0x20] =	vst v4  }
.LBB2_13:
0x1d6: {  	p2 =	slt.u32 s14, $0x4C  }
0x1d7: {  	[tilespmem:s13+$0x10] =	vst v2;
	v2 =	vld [tilespmem:s13+$0x70];
	s15 =	sadd.s32 $0x100, s15;
	s16 =	smov.u32 s14;
	s14 =	sadd.s32 $0x4, s14  }
0x1d8: {  	v1 =	vld.idx.msk [tilespmem:v1+s21+$0x0], $0xffff  }
0x1d9: {  	v3 =	vld [tilespmem:s13+$0x50]  }
0x1da: {  	v4 =	vld [tilespmem:s13+$0x60]  }
0x1db: {  	v5 =	vld [tilespmem:s13+$0x40]  }
0x1dc: {  	v6 =	vmov s16  }
0x1dd: {  	v7 =	vand.u32 $0x78, v6  }
0x1de: {  	v6 =	vand.u32 $0x4, v6;
	v7 =	vadd.s32 v0, v7;
	v2 =	vmul.f32 v2, v1  }
0x1df: {  	v6 =	vor.u32 v6, v7;
	v3 =	vmul.f32 v3, v1;
	v4 =	vmul.f32 v4, v1  }
0x1e0: {  	v1 =	vmul.f32 v5, v1;
	[tilespmem:s13+$0x70] =	vst v2  }
0x1e1: {  	[tilespmem:s13+$0x50] =	vst v3  }
0x1e2: {  	v2 =	vld [tilespmem:s15+$0xFFFFFFA0];
	[tilespmem:s13+$0x60] =	vst v4  }
0x1e3: {  	v3 =	vld [tilespmem:s15+$0xFFFFFFB0];
	[tilespmem:s13+$0x40] =	vst v1;
	s13 =	smov.u32 s15  }
0x1e4: {  	v1 =	vld.idx.msk [tilespmem:v6+s21+$0x0], $0xffff  }
0x1e5: {  	v4 =	vld [tilespmem:s15+$0xFFFFFF80]  }
0x1e6: {  	v5 =	vld [tilespmem:s15+$0xFFFFFF90]  }
0x1e7: {  	s17 =	sadd.s32 $0x1, s16  }
0x1e8: {  	v6 =	vmov s17  }
0x1e9: {  	v7 =	vand.u32 $0x78, v6;
	v6 =	vand.u32 $0x5, v6  }
0x1ea: {  	v7 =	vadd.s32 v0, v7;
	v3 =	vmul.f32 v3, v1;
	v4 =	vmul.f32 v4, v1  }
0x1eb: {  	v5 =	vmul.f32 v5, v1;
	v1 =	vmul.f32 v2, v1;
	v2 =	vor.u32 v6, v7  }
0x1ec: {  	[tilespmem:s15+$0xFFFFFFB0] =	vst v3  }
0x1ed: {  	[tilespmem:s15+$0xFFFFFF80] =	vst v4  }
0x1ee: {  	[tilespmem:s15+$0xFFFFFF90] =	vst v5;
	v3 =	vld [tilespmem:s15+$0xFFFFFFF0]  }
0x1ef: {  	[tilespmem:s15+$0xFFFFFFA0] =	vst v1;
	v1 =	vld [tilespmem:s15+$0xFFFFFFD0]  }
0x1f0: {  	v2 =	vld.idx.msk [tilespmem:v2+s21+$0x0], $0xffff  }
0x1f1: {  	v4 =	vld [tilespmem:s15+$0xFFFFFFC0]  }
0x1f2: {  	v5 =	vld [tilespmem:s15+$0xFFFFFFE0]  }
0x1f3: {  	s17 =	sadd.s32 $0x2, s16  }
0x1f4: {  	v6 =	vmov s17  }
0x1f5: {  	v7 =	vand.u32 $0x78, v6;
	v6 =	vand.u32 $0x6, v6  }
0x1f6: {  	v7 =	vadd.s32 v0, v7;
	v1 =	vmul.f32 v1, v2;
	v4 =	vmul.f32 v4, v2  }
0x1f7: {  	v5 =	vmul.f32 v5, v2;
	v2 =	vmul.f32 v3, v2;
	v3 =	vor.u32 v6, v7  }
0x1f8: {  	[tilespmem:s15+$0xFFFFFFC0] =	vst v4  }
0x1f9: {  	[tilespmem:s15+$0xFFFFFFD0] =	vst v1  }
0x1fa: {  	[tilespmem:s15+$0xFFFFFFF0] =	vst v2;
	v1 =	vld [tilespmem:s15+$0x30]  }
0x1fb: {  	[tilespmem:s15+$0xFFFFFFE0] =	vst v5;
	v2 =	vld [tilespmem:s15+$0x0]  }
0x1fc: {  	v3 =	vld.idx.msk [tilespmem:v3+s21+$0x0], $0xffff  }
0x1fd: {  	v4 =	vld [tilespmem:s15+$0x10]  }
0x1fe: {  	v5 =	vld [tilespmem:s15+$0x20]  }
0x1ff: {  	s16 =	sadd.s32 $0x3, s16  }
0x200: {  	v6 =	vmov s16  }
0x201: {  	v7 =	vand.u32 $0x78, v6;
	v6 =	vand.u32 $0x7, v6  }
.Ltmp7:
0x202: {  	v8 =	vmul.f32 v2, v3;
	v2 =	vmul.f32 v4, v3;
	v4 =	vadd.s32 v0, v7;
	(pc) =	sbr.rel @p2 .LBB2_13-.Ltmp7, $4  }
0x203: {  	v5 =	vmul.f32 v5, v3;
	v3 =	vmul.f32 v1, v3;
	v1 =	vor.u32 v6, v4  }
0x204: {  	[tilespmem:s15+$0x0] =	vst v8  }
0x205: {  	[tilespmem:s15+$0x30] =	vst v3  }
0x206: {  	[tilespmem:s15+$0x20] =	vst v5  }
0x207: {  	_ =	sdelay $0x2  }
0x208: {  	[tilespmem:s13+$0x10] =	vst v2;
	v0 =	vld [tilespmem:s13+$0x70]  }
0x209: {  	v1 =	vld.idx.msk [tilespmem:v1+s21+$0x0], $0xffff  }
0x20a: {  	v62 =	vld [tilespmem:s13+$0x50]  }
0x20b: {  	v3 =	vld [tilespmem:s13+$0x60]  }
0x20c: {  	v4 =	vld [tilespmem:s13+$0x40];
	_ =	sdelay $0x1  }
0x20d: {  	v0 =	vmul.f32 v0, v1  }
0x20e: {  	v2 =	vmul.f32 v62, v1  }
0x20f: {  	s12 =	smul.u32 $0x140, s12;
	v3 =	vmul.f32 v3, v1;
	[tilespmem:s13+$0x70] =	vst v0  }
0x210: {  	v63 =	vmul.f32 v4, v1;
	[tilespmem:s13+$0x50] =	vst v2  }
0x211: {  	s12 =	sshra.s32 s12, $0x2;
	[tilespmem:s13+$0x60] =	vst v3  }
0x212: {  	p2 =	seq.s32 s6, $0x29;
	s12 =	sadd.s32 $0x2760, s12;
	[tilespmem:s13+$0x40] =	vst v63  }
0x213: {  	[spmem:s2] =	stream.indirect.scatter.add.f32 [tilespmem:s24], [sflag:$0x5], $0x40, s12, s22, $0xb8;
	[tilespmem:$0x19D70] =	vst v63  }
0x214: {  	s12 =	simm.s32 @!p2 $0x4  }
0x215: {  	s11 =	sshra.s32 @!p2 s11, $0x2;
	_ =	swait.ge @!p2 [sflag:s12], $0x1400  }
0x216: {  	s11 =	sadd.s32 @!p2 $0xF0, s11;
	s13 =	simm.s32 @!p2 $0x7620;
	[sflag:s12] =	ssyncset.done @!p2 $0x0  }
.Ltmp8:
0x217: {  	[sflag:s12] =	ssyncadd.s32 @!p2 $0xFFFFEC00;
	s12 =	simm.s32 @!p2 $0x50;
	(pc) =	sbr.rel @p0 .LBB2_16-.Ltmp8, $4  }
0x218: {  	[tilespmem:s13], [sflag:$0x1] =	stream.indirect.gather @!p2 [hbm4b:s1+s12], $0x40, s11, s12, $0xb8;
	[tilespmem:$0x19D70] =	vst v63  }
0x219: {  	_ =	swait.ge [sflag:s31], $0x1400  }
0x21a: {  	[sflag:s31] =	ssyncset.done $0x0  }
0x21b: {  	[sflag:s31] =	ssyncadd.s32 $0xFFFFEC00  }
0x21c: {  	s11 =	smul.u32 $0x50, s10;
	_ =	sdelay $0x1  }
0x21d: {  	v0 =	vld [tilespmem:s11+$0x0];
	_ =	sdelay $0x5  }
0x21e: {  	v1 =	vld [tilespmem:s11+$0x2760]  }
0x21f: {  	v2 =	vld [tilespmem:s11+$0x4EC0]  }
0x220: {  	v0 =	vld.idx.msk [tilespmem:v0+s26+$0x0], $0xffff;
	_ =	sdelay $0x4  }
0x221: {  	v0 =	vmul.f32 v0, v2;
	_ =	sdelay $0x1  }
0x222: {  	[tilespmem:v1+s28+$0x0] =	vst.idx.add.f32.msk $0x1, v0  }
0x223: {  	[tilespmem:v1+s28+$0x0] =	vst.idx.add.f32.msk vm0, v0  }
0x224: {  	[tilespmem:v1+s28+$0x0] =	vst.idx.add.f32.msk vm1, v0  }
0x225: {  	[tilespmem:v1+s28+$0x0] =	vst.idx.add.f32.msk vm2, v0  }
0x226: {  	[tilespmem:v1+s28+$0x0] =	vst.idx.add.f32.msk vm3, v0  }
0x227: {  	[tilespmem:v1+s28+$0x0] =	vst.idx.add.f32.msk vm4, v0  }
0x228: {  	[tilespmem:v1+s28+$0x0] =	vst.idx.add.f32.msk vm5, v0  }
0x229: {  	[tilespmem:v1+s28+$0x0] =	vst.idx.add.f32.msk vm6, v0  }
0x22a: {  	[tilespmem:v1+s28+$0x0] =	vst.idx.add.f32.msk vm7, v0  }
0x22b: {  	[tilespmem:v1+s28+$0x0] =	vst.idx.add.f32.msk vm8, v0  }
0x22c: {  	[tilespmem:v1+s28+$0x0] =	vst.idx.add.f32.msk vm9, v0  }
0x22d: {  	[tilespmem:v1+s28+$0x0] =	vst.idx.add.f32.msk vm10, v0  }
0x22e: {  	[tilespmem:v1+s28+$0x0] =	vst.idx.add.f32.msk vm11, v0  }
0x22f: {  	[tilespmem:v1+s28+$0x0] =	vst.idx.add.f32.msk vm12, v0  }
0x230: {  	[tilespmem:v1+s28+$0x0] =	vst.idx.add.f32.msk vm13, v0  }
0x231: {  	[tilespmem:v1+s28+$0x0] =	vst.idx.add.f32.msk vm14, v0  }
0x232: {  	v0 =	vld [tilespmem:s11+$0x10];
	_ =	sdelay $0x5  }
0x233: {  	v1 =	vld [tilespmem:s11+$0x2770]  }
0x234: {  	v60 =	vld [tilespmem:s11+$0x4ED0]  }
0x235: {  	v0 =	vld.idx.msk [tilespmem:v0+s26+$0x0], $0xffff;
	_ =	sdelay $0x4  }
0x236: {  	v0 =	vmul.f32 v0, v60;
	_ =	sdelay $0x1  }
0x237: {  	[tilespmem:v1+s28+$0x0] =	vst.idx.add.f32.msk $0x1, v0  }
0x238: {  	[tilespmem:v1+s28+$0x0] =	vst.idx.add.f32.msk vm0, v0  }
0x239: {  	[tilespmem:v1+s28+$0x0] =	vst.idx.add.f32.msk vm1, v0  }
0x23a: {  	[tilespmem:v1+s28+$0x0] =	vst.idx.add.f32.msk vm2, v0  }
0x23b: {  	[tilespmem:v1+s28+$0x0] =	vst.idx.add.f32.msk vm3, v0  }
0x23c: {  	[tilespmem:v1+s28+$0x0] =	vst.idx.add.f32.msk vm4, v0  }
0x23d: {  	[tilespmem:v1+s28+$0x0] =	vst.idx.add.f32.msk vm5, v0  }
0x23e: {  	[tilespmem:v1+s28+$0x0] =	vst.idx.add.f32.msk vm6, v0  }
0x23f: {  	[tilespmem:v1+s28+$0x0] =	vst.idx.add.f32.msk vm7, v0  }
0x240: {  	[tilespmem:v1+s28+$0x0] =	vst.idx.add.f32.msk vm8, v0  }
0x241: {  	[tilespmem:v1+s28+$0x0] =	vst.idx.add.f32.msk vm9, v0  }
0x242: {  	[tilespmem:v1+s28+$0x0] =	vst.idx.add.f32.msk vm10, v0  }
0x243: {  	[tilespmem:v1+s28+$0x0] =	vst.idx.add.f32.msk vm11, v0  }
0x244: {  	[tilespmem:v1+s28+$0x0] =	vst.idx.add.f32.msk vm12, v0  }
0x245: {  	[tilespmem:v1+s28+$0x0] =	vst.idx.add.f32.msk vm13, v0  }
0x246: {  	[tilespmem:v1+s28+$0x0] =	vst.idx.add.f32.msk vm14, v0  }
0x247: {  	v0 =	vld [tilespmem:s11+$0x20];
	_ =	sdelay $0x5  }
0x248: {  	v1 =	vld [tilespmem:s11+$0x2780]  }
0x249: {  	v61 =	vld [tilespmem:s11+$0x4EE0]  }
0x24a: {  	v0 =	vld.idx.msk [tilespmem:v0+s26+$0x0], $0xffff;
	_ =	sdelay $0x4  }
0x24b: {  	v0 =	vmul.f32 v0, v61;
	_ =	sdelay $0x1  }
0x24c: {  	[tilespmem:v1+s28+$0x0] =	vst.idx.add.f32.msk $0x1, v0  }
0x24d: {  	[tilespmem:v1+s28+$0x0] =	vst.idx.add.f32.msk vm0, v0  }
0x24e: {  	[tilespmem:v1+s28+$0x0] =	vst.idx.add.f32.msk vm1, v0  }
0x24f: {  	[tilespmem:v1+s28+$0x0] =	vst.idx.add.f32.msk vm2, v0  }
0x250: {  	[tilespmem:v1+s28+$0x0] =	vst.idx.add.f32.msk vm3, v0  }
0x251: {  	[tilespmem:v1+s28+$0x0] =	vst.idx.add.f32.msk vm4, v0  }
0x252: {  	[tilespmem:v1+s28+$0x0] =	vst.idx.add.f32.msk vm5, v0  }
0x253: {  	[tilespmem:v1+s28+$0x0] =	vst.idx.add.f32.msk vm6, v0  }
0x254: {  	[tilespmem:v1+s28+$0x0] =	vst.idx.add.f32.msk vm7, v0  }
0x255: {  	[tilespmem:v1+s28+$0x0] =	vst.idx.add.f32.msk vm8, v0  }
0x256: {  	[tilespmem:v1+s28+$0x0] =	vst.idx.add.f32.msk vm9, v0  }
0x257: {  	[tilespmem:v1+s28+$0x0] =	vst.idx.add.f32.msk vm10, v0  }
0x258: {  	[tilespmem:v1+s28+$0x0] =	vst.idx.add.f32.msk vm11, v0  }
0x259: {  	[tilespmem:v1+s28+$0x0] =	vst.idx.add.f32.msk vm12, v0  }
0x25a: {  	[tilespmem:v1+s28+$0x0] =	vst.idx.add.f32.msk vm13, v0  }
0x25b: {  	[tilespmem:v1+s28+$0x0] =	vst.idx.add.f32.msk vm14, v0  }
0x25c: {  	v0 =	vld [tilespmem:s11+$0x30];
	_ =	sdelay $0x5  }
0x25d: {  	v1 =	vld [tilespmem:s11+$0x2790]  }
0x25e: {  	v62 =	vld [tilespmem:s11+$0x4EF0]  }
0x25f: {  	v0 =	vld.idx.msk [tilespmem:v0+s26+$0x0], $0xffff;
	_ =	sdelay $0x4  }
0x260: {  	v0 =	vmul.f32 v0, v62;
	_ =	sdelay $0x1  }
0x261: {  	[tilespmem:v1+s28+$0x0] =	vst.idx.add.f32.msk $0x1, v0  }
0x262: {  	[tilespmem:v1+s28+$0x0] =	vst.idx.add.f32.msk vm0, v0  }
0x263: {  	[tilespmem:v1+s28+$0x0] =	vst.idx.add.f32.msk vm1, v0  }
0x264: {  	[tilespmem:v1+s28+$0x0] =	vst.idx.add.f32.msk vm2, v0  }
0x265: {  	[tilespmem:v1+s28+$0x0] =	vst.idx.add.f32.msk vm3, v0  }
0x266: {  	[tilespmem:v1+s28+$0x0] =	vst.idx.add.f32.msk vm4, v0  }
0x267: {  	[tilespmem:v1+s28+$0x0] =	vst.idx.add.f32.msk vm5, v0  }
0x268: {  	[tilespmem:v1+s28+$0x0] =	vst.idx.add.f32.msk vm6, v0  }
0x269: {  	[tilespmem:v1+s28+$0x0] =	vst.idx.add.f32.msk vm7, v0  }
0x26a: {  	[tilespmem:v1+s28+$0x0] =	vst.idx.add.f32.msk vm8, v0  }
0x26b: {  	[tilespmem:v1+s28+$0x0] =	vst.idx.add.f32.msk vm9, v0  }
0x26c: {  	[tilespmem:v1+s28+$0x0] =	vst.idx.add.f32.msk vm10, v0  }
0x26d: {  	[tilespmem:v1+s28+$0x0] =	vst.idx.add.f32.msk vm11, v0  }
0x26e: {  	[tilespmem:v1+s28+$0x0] =	vst.idx.add.f32.msk vm12, v0  }
0x26f: {  	[tilespmem:v1+s28+$0x0] =	vst.idx.add.f32.msk vm13, v0  }
0x270: {  	[tilespmem:v1+s28+$0x0] =	vst.idx.add.f32.msk vm14, v0  }
0x271: {  	v0 =	vld [tilespmem:s11+$0x40];
	_ =	sdelay $0x5  }
0x272: {  	v1 =	vld [tilespmem:s11+$0x27A0]  }
0x273: {  	v63 =	vld [tilespmem:s11+$0x4F00]  }
0x274: {  	v0 =	vld.idx.msk [tilespmem:v0+s26+$0x0], $0xffff;
	_ =	sdelay $0x4  }
0x275: {  	v0 =	vmul.f32 v0, v63;
	_ =	sdelay $0x1  }
0x276: {  	[tilespmem:v1+s28+$0x0] =	vst.idx.add.f32.msk $0x1, v0  }
0x277: {  	[tilespmem:v1+s28+$0x0] =	vst.idx.add.f32.msk vm0, v0  }
0x278: {  	[tilespmem:v1+s28+$0x0] =	vst.idx.add.f32.msk vm1, v0  }
0x279: {  	[tilespmem:v1+s28+$0x0] =	vst.idx.add.f32.msk vm2, v0  }
0x27a: {  	[tilespmem:v1+s28+$0x0] =	vst.idx.add.f32.msk vm3, v0  }
0x27b: {  	[tilespmem:v1+s28+$0x0] =	vst.idx.add.f32.msk vm4, v0  }
0x27c: {  	[tilespmem:v1+s28+$0x0] =	vst.idx.add.f32.msk vm5, v0  }
0x27d: {  	[tilespmem:v1+s28+$0x0] =	vst.idx.add.f32.msk vm6, v0  }
0x27e: {  	[tilespmem:v1+s28+$0x0] =	vst.idx.add.f32.msk vm7, v0  }
0x27f: {  	[tilespmem:v1+s28+$0x0] =	vst.idx.add.f32.msk vm8, v0  }
0x280: {  	[tilespmem:v1+s28+$0x0] =	vst.idx.add.f32.msk vm9, v0  }
0x281: {  	[tilespmem:v1+s28+$0x0] =	vst.idx.add.f32.msk vm10, v0  }
0x282: {  	[tilespmem:v1+s28+$0x0] =	vst.idx.add.f32.msk vm11, v0  }
0x283: {  	[tilespmem:v1+s28+$0x0] =	vst.idx.add.f32.msk vm12, v0  }
0x284: {  	[tilespmem:v1+s28+$0x0] =	vst.idx.add.f32.msk vm13, v0  }
0x285: {  	[tilespmem:v1+s28+$0x0] =	vst.idx.add.f32.msk vm14, v0  }
.LBB2_16:
0x286: {  	v0 =	vmov s10  }
0x287: {  	v0 =	vmul.u32 $0x50, v0  }
0x288: {  	s15 =	simm.s32 $0x0  }
0x289: {  	v1 =	vmov s15;
	v0 =	vbroadcast v0, $0x0  }
0x28a: {  	v2 =	vand.u32 $0x78, v1  }
0x28b: {  	v1 =	vand.u32 $0x4, v1;
	v2 =	vadd.s32 v0, v2  }
0x28c: {  	v1 =	vor.u32 v1, v2;
	_ =	sdelay $0x2  }
0x28d: {  	s10 =	simm.s32 $0x9EA0  }
0x28e: {  	v2 =	vld [tilespmem:s10+$0xFFFFFFB0]  }
0x28f: {  	v1 =	vld.idx.msk [tilespmem:v1+s21+$0x0], $0xffff  }
0x290: {  	v3 =	vld [tilespmem:s10+$0xFFFFFF80]  }
0x291: {  	s11 =	simm.s32 $0x1;
	v4 =	vld [tilespmem:s10+$0xFFFFFF90]  }
0x292: {  	v5 =	vld [tilespmem:s10+$0xFFFFFFA0];
	v6 =	vmov s11  }
0x293: {  	v7 =	vand.u32 $0x78, v6  }
0x294: {  	v6 =	vand.u32 $0x5, v6;
	v7 =	vadd.s32 v0, v7;
	v2 =	vmul.f32 v2, v1  }
0x295: {  	v6 =	vor.u32 v6, v7;
	v3 =	vmul.f32 v3, v1  }
0x296: {  	v4 =	vmul.f32 v4, v1;
	[tilespmem:s10+$0xFFFFFFB0] =	vst v2  }
0x297: {  	v1 =	vmul.f32 v5, v1;
	[tilespmem:s10+$0xFFFFFF80] =	vst v3  }
0x298: {  	[tilespmem:s10+$0xFFFFFF90] =	vst v4  }
0x299: {  	[tilespmem:s10+$0xFFFFFFA0] =	vst v1;
	v2 =	vld [tilespmem:s10+$0xFFFFFFC0]  }
0x29a: {  	v1 =	vld.idx.msk [tilespmem:v6+s21+$0x0], $0xffff  }
0x29b: {  	v3 =	vld [tilespmem:s10+$0xFFFFFFD0]  }
0x29c: {  	s16 =	simm.s32 $0x2;
	v55 =	vld [tilespmem:s10+$0xFFFFFFF0]  }
0x29d: {  	v56 =	vld [tilespmem:s10+$0xFFFFFFE0];
	v57 =	vmov s16  }
0x29e: {  	v58 =	vand.u32 $0x78, v57  }
0x29f: {  	v7 =	vadd.s32 v0, v58;
	v6 =	vand.u32 $0x6, v57;
	v2 =	vmul.f32 v2, v1  }
0x2a0: {  	v6 =	vor.u32 v6, v7;
	v3 =	vmul.f32 v3, v1  }
0x2a1: {  	v4 =	vmul.f32 v55, v1;
	[tilespmem:s10+$0xFFFFFFC0] =	vst v2  }
0x2a2: {  	v1 =	vmul.f32 v56, v1;
	[tilespmem:s10+$0xFFFFFFD0] =	vst v3  }
0x2a3: {  	[tilespmem:s10+$0xFFFFFFF0] =	vst v4  }
0x2a4: {  	[tilespmem:s10+$0xFFFFFFE0] =	vst v1;
	v1 =	vld [tilespmem:s10+$0x0]  }
0x2a5: {  	v2 =	vld.idx.msk [tilespmem:v6+s21+$0x0], $0xffff;
	_ =	sdelay $0x1  }
0x2a6: {  	v3 =	vld [tilespmem:s10+$0x30]  }
0x2a7: {  	v59 =	vld [tilespmem:s10+$0x20]  }
0x2a8: {  	s17 =	simm.s32 $0x3  }
0x2a9: {  	v60 =	vld [tilespmem:s10+$0x10];
	v61 =	vmov s17;
	v1 =	vmul.f32 v1, v2  }
0x2aa: {  	v62 =	vand.u32 $0x78, v61  }
0x2ab: {  	v63 =	vadd.s32 v0, v62;
	v3 =	vmul.f32 v3, v2;
	[tilespmem:s10+$0x0] =	vst v1;
	v1 =	vand.u32 $0x7, v61  }
0x2ac: {  	v4 =	vmul.f32 v59, v2;
	v1 =	vor.u32 v1, v63  }
0x2ad: {  	[tilespmem:s10+$0x30] =	vst v3  }
0x2ae: {  	s12 =	simm.s32 $0x9EA0;
	s11 =	simm.s32 $0x4;
	v2 =	vmul.f32 v60, v2;
	[tilespmem:s10+$0x20] =	vst v4  }
.LBB2_17:
0x2af: {  	p3 =	slt.u32 s11, $0x4C  }
0x2b0: {  	[tilespmem:s10+$0x10] =	vst v2;
	v2 =	vld [tilespmem:s10+$0x70];
	s12 =	sadd.s32 $0x100, s12;
	s13 =	smov.u32 s11;
	s11 =	sadd.s32 $0x4, s11  }
0x2b1: {  	v1 =	vld.idx.msk [tilespmem:v1+s21+$0x0], $0xffff  }
0x2b2: {  	v3 =	vld [tilespmem:s10+$0x50]  }
0x2b3: {  	v4 =	vld [tilespmem:s10+$0x60]  }
0x2b4: {  	v5 =	vld [tilespmem:s10+$0x40]  }
0x2b5: {  	v6 =	vmov s13  }
0x2b6: {  	v7 =	vand.u32 $0x78, v6  }
0x2b7: {  	v6 =	vand.u32 $0x4, v6;
	v7 =	vadd.s32 v0, v7;
	v2 =	vmul.f32 v2, v1  }
0x2b8: {  	v6 =	vor.u32 v6, v7;
	v3 =	vmul.f32 v3, v1;
	v4 =	vmul.f32 v4, v1  }
0x2b9: {  	v1 =	vmul.f32 v5, v1;
	[tilespmem:s10+$0x70] =	vst v2  }
0x2ba: {  	[tilespmem:s10+$0x50] =	vst v3  }
0x2bb: {  	v2 =	vld [tilespmem:s12+$0xFFFFFFA0];
	[tilespmem:s10+$0x60] =	vst v4  }
0x2bc: {  	v3 =	vld [tilespmem:s12+$0xFFFFFFB0];
	[tilespmem:s10+$0x40] =	vst v1;
	s10 =	smov.u32 s12  }
0x2bd: {  	v1 =	vld.idx.msk [tilespmem:v6+s21+$0x0], $0xffff  }
0x2be: {  	v4 =	vld [tilespmem:s12+$0xFFFFFF80]  }
0x2bf: {  	v5 =	vld [tilespmem:s12+$0xFFFFFF90]  }
0x2c0: {  	s14 =	sadd.s32 $0x1, s13  }
0x2c1: {  	v6 =	vmov s14  }
0x2c2: {  	v7 =	vand.u32 $0x78, v6;
	v6 =	vand.u32 $0x5, v6  }
0x2c3: {  	v7 =	vadd.s32 v0, v7;
	v3 =	vmul.f32 v3, v1;
	v4 =	vmul.f32 v4, v1  }
0x2c4: {  	v5 =	vmul.f32 v5, v1;
	v1 =	vmul.f32 v2, v1;
	v2 =	vor.u32 v6, v7  }
0x2c5: {  	[tilespmem:s12+$0xFFFFFFB0] =	vst v3  }
0x2c6: {  	[tilespmem:s12+$0xFFFFFF80] =	vst v4  }
0x2c7: {  	[tilespmem:s12+$0xFFFFFF90] =	vst v5;
	v3 =	vld [tilespmem:s12+$0xFFFFFFF0]  }
0x2c8: {  	[tilespmem:s12+$0xFFFFFFA0] =	vst v1;
	v1 =	vld [tilespmem:s12+$0xFFFFFFD0]  }
0x2c9: {  	v2 =	vld.idx.msk [tilespmem:v2+s21+$0x0], $0xffff  }
0x2ca: {  	v4 =	vld [tilespmem:s12+$0xFFFFFFC0]  }
0x2cb: {  	v5 =	vld [tilespmem:s12+$0xFFFFFFE0]  }
0x2cc: {  	s14 =	sadd.s32 $0x2, s13  }
0x2cd: {  	v6 =	vmov s14  }
0x2ce: {  	v7 =	vand.u32 $0x78, v6;
	v6 =	vand.u32 $0x6, v6  }
0x2cf: {  	v7 =	vadd.s32 v0, v7;
	v1 =	vmul.f32 v1, v2;
	v4 =	vmul.f32 v4, v2  }
0x2d0: {  	v5 =	vmul.f32 v5, v2;
	v2 =	vmul.f32 v3, v2;
	v3 =	vor.u32 v6, v7  }
0x2d1: {  	[tilespmem:s12+$0xFFFFFFC0] =	vst v4  }
0x2d2: {  	[tilespmem:s12+$0xFFFFFFD0] =	vst v1  }
0x2d3: {  	[tilespmem:s12+$0xFFFFFFF0] =	vst v2;
	v1 =	vld [tilespmem:s12+$0x30]  }
0x2d4: {  	[tilespmem:s12+$0xFFFFFFE0] =	vst v5;
	v2 =	vld [tilespmem:s12+$0x0]  }
0x2d5: {  	v3 =	vld.idx.msk [tilespmem:v3+s21+$0x0], $0xffff  }
0x2d6: {  	v4 =	vld [tilespmem:s12+$0x10]  }
0x2d7: {  	v5 =	vld [tilespmem:s12+$0x20]  }
0x2d8: {  	s13 =	sadd.s32 $0x3, s13  }
0x2d9: {  	v6 =	vmov s13  }
0x2da: {  	v7 =	vand.u32 $0x78, v6;
	v6 =	vand.u32 $0x7, v6  }
.Ltmp9:
0x2db: {  	v8 =	vmul.f32 v2, v3;
	v2 =	vmul.f32 v4, v3;
	v4 =	vadd.s32 v0, v7;
	(pc) =	sbr.rel @p3 .LBB2_17-.Ltmp9, $4  }
0x2dc: {  	v5 =	vmul.f32 v5, v3;
	v3 =	vmul.f32 v1, v3;
	v1 =	vor.u32 v6, v4  }
0x2dd: {  	[tilespmem:s12+$0x0] =	vst v8  }
0x2de: {  	[tilespmem:s12+$0x30] =	vst v3  }
0x2df: {  	[tilespmem:s12+$0x20] =	vst v5  }
0x2e0: {  	_ =	sdelay $0x2  }
0x2e1: {  	[tilespmem:s10+$0x10] =	vst v2;
	v0 =	vld [tilespmem:s10+$0x70]  }
0x2e2: {  	v1 =	vld.idx.msk [tilespmem:v1+s21+$0x0], $0xffff  }
0x2e3: {  	v62 =	vld [tilespmem:s10+$0x50]  }
0x2e4: {  	v3 =	vld [tilespmem:s10+$0x60]  }
0x2e5: {  	v4 =	vld [tilespmem:s10+$0x40];
	_ =	sdelay $0x1  }
0x2e6: {  	v0 =	vmul.f32 v0, v1  }
0x2e7: {  	v2 =	vmul.f32 v62, v1  }
.Ltmp10:
0x2e8: {  	v3 =	vmul.f32 v3, v1;
	[tilespmem:s10+$0x70] =	vst v0;
	(pc) =	sbr.rel @p2 .LBB2_20-.Ltmp10, $4  }
0x2e9: {  	v63 =	vmul.f32 v4, v1;
	[tilespmem:s10+$0x50] =	vst v2  }
0x2ea: {  	[tilespmem:s10+$0x60] =	vst v3  }
0x2eb: {  	s9 =	sadd.s32 $0x2760, s9;
	[tilespmem:s10+$0x40] =	vst v63  }
0x2ec: {  	[spmem:s2] =	stream.indirect.scatter.add.f32 [tilespmem:s29], [sflag:$0x6], $0x40, s9, s22, $0xb8;
	[tilespmem:$0x19D70] =	vst v63  }
.Ltmp11:
0x2ed: {  	(pc) =	sbr.rel .LBB2_6-.Ltmp11, $4  }
0x2ee: {  	_ =	swait.ge [sflag:s3], $0x1400  }
0x2ef: {  	[sflag:s3] =	ssyncset.done $0x0  }
0x2f0: {  	s7 =	sadd.s32 $0x140, s7;
	s6 =	sadd.s32 $0x1, s6;
	[sflag:s3] =	ssyncadd.s32 $0xFFFFEC00  }
0x2f1: {  	[tilespmem:s24], [sflag:$0x2] =	stream.indirect.gather [hbm4b:s1+s22], $0x40, s7, s22, $0xb8;
	[tilespmem:$0x19D70] =	vst v63  }
.LBB2_20:
0x2f2: {  	_ =	swait.ge [sflag:s0], $0x1400  }
0x2f3: {  	[sflag:s0] =	ssyncset.done $0x0  }
0x2f4: {  	[sflag:s0] =	ssyncadd.s32 $0xFFFFEC00  }
0x2f5: {  	_ =	swait.ge [sflag:s3], $0x1400  }
0x2f6: {  	[sflag:s3] =	ssyncset.done $0x0  }
0x2f7: {  	[sflag:s3] =	ssyncadd.s32 $0xFFFFEC00  }
0x2f8: {  	_ =	swait.ge [sflag:s5], $0x1400  }
0x2f9: {  	[sflag:s5] =	ssyncset.done $0x0  }
0x2fa: {  	s6 =	simm.s32 $0x0;
	s7 =	rddreg [dreg:$0xa];
	[sflag:s5] =	ssyncadd.s32 $0xFFFFEC00  }
0x2fb: {  	[tilespmem:s6], [sflag:$0x7] =	stream.linear.gather [hbm4b:s7+s6], $0x2760, $0x38;
	[tilespmem:$0x19D70] =	vst v63  }
0x2fc: {  	_ =	swait.ge [sflag:s19], $0x2760  }
0x2fd: {  	[sflag:s19] =	ssyncset.done $0x0  }
0x2fe: {  	s9 =	simm.s32 $0x2760;
	s16 =	rddreg [dreg:$0xb];
	[sflag:s19] =	ssyncadd.s32 $0xFFFFD8A0  }
0x2ff: {  	[tilespmem:s9], [sflag:$0x7] =	stream.linear.gather [hbm4b:s16+s6], $0x2760, $0x38;
	[tilespmem:$0x19D70] =	vst v63  }
0x300: {  	_ =	swait.ge [sflag:s19], $0x2760  }
0x301: {  	[sflag:s19] =	ssyncset.done $0x0  }
.Ltmp12:
0x302: {  	s17 =	rddreg [dreg:$0xc];
	[sflag:s19] =	ssyncadd.s32 $0xFFFFD8A0;
	(pc) =	sbr.rel @p1 .LBB2_24-.Ltmp12, $4  }
0x303: {  	[tilespmem:s21], [sflag:$0x7] =	stream.linear.gather [hbm4b:s17+s6], $0x2760, $0x38;
	[tilespmem:$0x19D70] =	vst v63  }
0x304: {  	_ =	swait.ge [sflag:s19], $0x2760  }
0x305: {  	[sflag:s19] =	ssyncset.done $0x0  }
0x306: {  	[sflag:s19] =	ssyncadd.s32 $0xFFFFD8A0  }
0x307: {  	s7 =	simm.s32 $0x0  }
0x308: {  	v3 =	vld [tilespmem:s7+$0x0]  }
0x309: {  	v2 =	vld [tilespmem:s7+$0x10]  }
0x30a: {  	v1 =	vld [tilespmem:s7+$0x20]  }
0x30b: {  	s9 =	simm.s32 $0x140;
	v0 =	vld [tilespmem:s7+$0x30]  }
.LBB2_22:
0x30c: {  	p2 =	sne.s32 s9, $0x9C40;
	v4 =	vld [tilespmem:s7+$0x40]  }
0x30d: {  	v3 =	vadd.s32 $0x2710, v3  }
.Ltmp13:
0x30e: {  	s10 =	sshra.s32 s9, $0x2;
	[tilespmem:s7+$0x0] =	vst v3;
	v2 =	vadd.s32 $0x2710, v2;
	(pc) =	sbr.rel @p2 .LBB2_22-.Ltmp13, $4  }
0x30f: {  	v3 =	vld [tilespmem:s10+$0x0];
	[tilespmem:s7+$0x10] =	vst v2;
	v1 =	vadd.s32 $0x2710, v1  }
0x310: {  	v2 =	vld [tilespmem:s10+$0x10];
	[tilespmem:s7+$0x20] =	vst v1;
	v0 =	vadd.s32 $0x2710, v0  }
0x311: {  	v1 =	vld [tilespmem:s10+$0x20];
	[tilespmem:s7+$0x30] =	vst v0;
	v4 =	vadd.s32 $0x2710, v4  }
0x312: {  	s9 =	sadd.s32 $0x140, s9;
	v0 =	vld [tilespmem:s10+$0x30];
	[tilespmem:s7+$0x40] =	vst v4;
	s7 =	smov.u32 s10  }
0x313: {  	v4 =	vld [tilespmem:s7+$0x40]  }
0x314: {  	v3 =	vadd.s32 $0x2710, v3  }
0x315: {  	[tilespmem:s7+$0x0] =	vst v3;
	v2 =	vadd.s32 $0x2710, v2  }
0x316: {  	[tilespmem:s7+$0x10] =	vst v2;
	v1 =	vadd.s32 $0x2710, v1  }
0x317: {  	[tilespmem:s7+$0x20] =	vst v1;
	v0 =	vadd.s32 $0x2710, v0  }
0x318: {  	[tilespmem:s7+$0x30] =	vst v0;
	v63 =	vadd.s32 $0x2710, v4  }
0x319: {  	[tilespmem:s7+$0x40] =	vst v63  }
.LBB2_24:
0x31a: {  	[tilespmem:s23], [sflag:$0x1] =	stream.indirect.gather [hbm4b:s1+s22], $0x40, s6, s22, $0xb8;
	[tilespmem:$0x19D70] =	vst v63  }
0x31b: {  	_ = 	snop  }
0x31c: {  	[tilespmem:s24], [sflag:$0x2] =	stream.indirect.gather [hbm4b:s1+s22], $0x40, s22, s22, $0xb8;
	[tilespmem:$0x19D70] =	vst v63  }
.LBB2_25:
.Ltmp14:
0x31d: {  	(pc) =	sbr.rel @p0 .LBB2_27-.Ltmp14, $4  }
0x31e: {  	_ = 	snop  }
0x31f: {  	_ =	swait.ge [sflag:s25], $0x1400  }
0x320: {  	[sflag:s25] =	ssyncset.done $0x0  }
0x321: {  	[sflag:s25] =	ssyncadd.s32 $0xFFFFEC00  }
0x322: {  	s7 =	smul.u32 $0xF0, s6;
	_ =	sdelay $0x1  }
0x323: {  	v0 =	vld [tilespmem:s7+$0x0];
	_ =	sdelay $0x5  }
0x324: {  	v1 =	vld [tilespmem:s7+$0x2760]  }
0x325: {  	v2 =	vld [tilespmem:s7+$0x4EC0]  }
0x326: {  	v0 =	vld.idx.msk [tilespmem:v0+s26+$0x0], $0xffff;
	_ =	sdelay $0x4  }
0x327: {  	v0 =	vmul.f32 v0, v2;
	_ =	sdelay $0x1  }
0x328: {  	[tilespmem:v1+s28+$0x0] =	vst.idx.add.f32.msk $0x1, v0  }
0x329: {  	[tilespmem:v1+s28+$0x0] =	vst.idx.add.f32.msk vm0, v0  }
0x32a: {  	[tilespmem:v1+s28+$0x0] =	vst.idx.add.f32.msk vm1, v0  }
0x32b: {  	[tilespmem:v1+s28+$0x0] =	vst.idx.add.f32.msk vm2, v0  }
0x32c: {  	[tilespmem:v1+s28+$0x0] =	vst.idx.add.f32.msk vm3, v0  }
0x32d: {  	[tilespmem:v1+s28+$0x0] =	vst.idx.add.f32.msk vm4, v0  }
0x32e: {  	[tilespmem:v1+s28+$0x0] =	vst.idx.add.f32.msk vm5, v0  }
0x32f: {  	[tilespmem:v1+s28+$0x0] =	vst.idx.add.f32.msk vm6, v0  }
0x330: {  	[tilespmem:v1+s28+$0x0] =	vst.idx.add.f32.msk vm7, v0  }
0x331: {  	[tilespmem:v1+s28+$0x0] =	vst.idx.add.f32.msk vm8, v0  }
0x332: {  	[tilespmem:v1+s28+$0x0] =	vst.idx.add.f32.msk vm9, v0  }
0x333: {  	[tilespmem:v1+s28+$0x0] =	vst.idx.add.f32.msk vm10, v0  }
0x334: {  	[tilespmem:v1+s28+$0x0] =	vst.idx.add.f32.msk vm11, v0  }
0x335: {  	[tilespmem:v1+s28+$0x0] =	vst.idx.add.f32.msk vm12, v0  }
0x336: {  	[tilespmem:v1+s28+$0x0] =	vst.idx.add.f32.msk vm13, v0  }
0x337: {  	[tilespmem:v1+s28+$0x0] =	vst.idx.add.f32.msk vm14, v0  }
0x338: {  	v0 =	vld [tilespmem:s7+$0x10];
	_ =	sdelay $0x5  }
0x339: {  	v1 =	vld [tilespmem:s7+$0x2770]  }
0x33a: {  	v60 =	vld [tilespmem:s7+$0x4ED0]  }
0x33b: {  	v0 =	vld.idx.msk [tilespmem:v0+s26+$0x0], $0xffff;
	_ =	sdelay $0x4  }
0x33c: {  	v0 =	vmul.f32 v0, v60;
	_ =	sdelay $0x1  }
0x33d: {  	[tilespmem:v1+s28+$0x0] =	vst.idx.add.f32.msk $0x1, v0  }
0x33e: {  	[tilespmem:v1+s28+$0x0] =	vst.idx.add.f32.msk vm0, v0  }
0x33f: {  	[tilespmem:v1+s28+$0x0] =	vst.idx.add.f32.msk vm1, v0  }
0x340: {  	[tilespmem:v1+s28+$0x0] =	vst.idx.add.f32.msk vm2, v0  }
0x341: {  	[tilespmem:v1+s28+$0x0] =	vst.idx.add.f32.msk vm3, v0  }
0x342: {  	[tilespmem:v1+s28+$0x0] =	vst.idx.add.f32.msk vm4, v0  }
0x343: {  	[tilespmem:v1+s28+$0x0] =	vst.idx.add.f32.msk vm5, v0  }
0x344: {  	[tilespmem:v1+s28+$0x0] =	vst.idx.add.f32.msk vm6, v0  }
0x345: {  	[tilespmem:v1+s28+$0x0] =	vst.idx.add.f32.msk vm7, v0  }
0x346: {  	[tilespmem:v1+s28+$0x0] =	vst.idx.add.f32.msk vm8, v0  }
0x347: {  	[tilespmem:v1+s28+$0x0] =	vst.idx.add.f32.msk vm9, v0  }
0x348: {  	[tilespmem:v1+s28+$0x0] =	vst.idx.add.f32.msk vm10, v0  }
0x349: {  	[tilespmem:v1+s28+$0x0] =	vst.idx.add.f32.msk vm11, v0  }
0x34a: {  	[tilespmem:v1+s28+$0x0] =	vst.idx.add.f32.msk vm12, v0  }
0x34b: {  	[tilespmem:v1+s28+$0x0] =	vst.idx.add.f32.msk vm13, v0  }
0x34c: {  	[tilespmem:v1+s28+$0x0] =	vst.idx.add.f32.msk vm14, v0  }
0x34d: {  	v0 =	vld [tilespmem:s7+$0x20];
	_ =	sdelay $0x5  }
0x34e: {  	v1 =	vld [tilespmem:s7+$0x2780]  }
0x34f: {  	v61 =	vld [tilespmem:s7+$0x4EE0]  }
0x350: {  	v0 =	vld.idx.msk [tilespmem:v0+s26+$0x0], $0xffff;
	_ =	sdelay $0x4  }
0x351: {  	v0 =	vmul.f32 v0, v61;
	_ =	sdelay $0x1  }
0x352: {  	[tilespmem:v1+s28+$0x0] =	vst.idx.add.f32.msk $0x1, v0  }
0x353: {  	[tilespmem:v1+s28+$0x0] =	vst.idx.add.f32.msk vm0, v0  }
0x354: {  	[tilespmem:v1+s28+$0x0] =	vst.idx.add.f32.msk vm1, v0  }
0x355: {  	[tilespmem:v1+s28+$0x0] =	vst.idx.add.f32.msk vm2, v0  }
0x356: {  	[tilespmem:v1+s28+$0x0] =	vst.idx.add.f32.msk vm3, v0  }
0x357: {  	[tilespmem:v1+s28+$0x0] =	vst.idx.add.f32.msk vm4, v0  }
0x358: {  	[tilespmem:v1+s28+$0x0] =	vst.idx.add.f32.msk vm5, v0  }
0x359: {  	[tilespmem:v1+s28+$0x0] =	vst.idx.add.f32.msk vm6, v0  }
0x35a: {  	[tilespmem:v1+s28+$0x0] =	vst.idx.add.f32.msk vm7, v0  }
0x35b: {  	[tilespmem:v1+s28+$0x0] =	vst.idx.add.f32.msk vm8, v0  }
0x35c: {  	[tilespmem:v1+s28+$0x0] =	vst.idx.add.f32.msk vm9, v0  }
0x35d: {  	[tilespmem:v1+s28+$0x0] =	vst.idx.add.f32.msk vm10, v0  }
0x35e: {  	[tilespmem:v1+s28+$0x0] =	vst.idx.add.f32.msk vm11, v0  }
0x35f: {  	[tilespmem:v1+s28+$0x0] =	vst.idx.add.f32.msk vm12, v0  }
0x360: {  	[tilespmem:v1+s28+$0x0] =	vst.idx.add.f32.msk vm13, v0  }
0x361: {  	[tilespmem:v1+s28+$0x0] =	vst.idx.add.f32.msk vm14, v0  }
0x362: {  	v0 =	vld [tilespmem:s7+$0x30];
	_ =	sdelay $0x5  }
0x363: {  	v1 =	vld [tilespmem:s7+$0x2790]  }
0x364: {  	v62 =	vld [tilespmem:s7+$0x4EF0]  }
0x365: {  	v0 =	vld.idx.msk [tilespmem:v0+s26+$0x0], $0xffff;
	_ =	sdelay $0x4  }
0x366: {  	v0 =	vmul.f32 v0, v62;
	_ =	sdelay $0x1  }
0x367: {  	[tilespmem:v1+s28+$0x0] =	vst.idx.add.f32.msk $0x1, v0  }
0x368: {  	[tilespmem:v1+s28+$0x0] =	vst.idx.add.f32.msk vm0, v0  }
0x369: {  	[tilespmem:v1+s28+$0x0] =	vst.idx.add.f32.msk vm1, v0  }
0x36a: {  	[tilespmem:v1+s28+$0x0] =	vst.idx.add.f32.msk vm2, v0  }
0x36b: {  	[tilespmem:v1+s28+$0x0] =	vst.idx.add.f32.msk vm3, v0  }
0x36c: {  	[tilespmem:v1+s28+$0x0] =	vst.idx.add.f32.msk vm4, v0  }
0x36d: {  	[tilespmem:v1+s28+$0x0] =	vst.idx.add.f32.msk vm5, v0  }
0x36e: {  	[tilespmem:v1+s28+$0x0] =	vst.idx.add.f32.msk vm6, v0  }
0x36f: {  	[tilespmem:v1+s28+$0x0] =	vst.idx.add.f32.msk vm7, v0  }
0x370: {  	[tilespmem:v1+s28+$0x0] =	vst.idx.add.f32.msk vm8, v0  }
0x371: {  	[tilespmem:v1+s28+$0x0] =	vst.idx.add.f32.msk vm9, v0  }
0x372: {  	[tilespmem:v1+s28+$0x0] =	vst.idx.add.f32.msk vm10, v0  }
0x373: {  	[tilespmem:v1+s28+$0x0] =	vst.idx.add.f32.msk vm11, v0  }
0x374: {  	[tilespmem:v1+s28+$0x0] =	vst.idx.add.f32.msk vm12, v0  }
0x375: {  	[tilespmem:v1+s28+$0x0] =	vst.idx.add.f32.msk vm13, v0  }
0x376: {  	[tilespmem:v1+s28+$0x0] =	vst.idx.add.f32.msk vm14, v0  }
0x377: {  	v0 =	vld [tilespmem:s7+$0x40];
	_ =	sdelay $0x5  }
0x378: {  	v1 =	vld [tilespmem:s7+$0x27A0]  }
0x379: {  	v63 =	vld [tilespmem:s7+$0x4F00]  }
0x37a: {  	v0 =	vld.idx.msk [tilespmem:v0+s26+$0x0], $0xffff;
	_ =	sdelay $0x4  }
0x37b: {  	v0 =	vmul.f32 v0, v63;
	_ =	sdelay $0x1  }
0x37c: {  	[tilespmem:v1+s28+$0x0] =	vst.idx.add.f32.msk $0x1, v0  }
0x37d: {  	[tilespmem:v1+s28+$0x0] =	vst.idx.add.f32.msk vm0, v0  }
0x37e: {  	[tilespmem:v1+s28+$0x0] =	vst.idx.add.f32.msk vm1, v0  }
0x37f: {  	[tilespmem:v1+s28+$0x0] =	vst.idx.add.f32.msk vm2, v0  }
0x380: {  	[tilespmem:v1+s28+$0x0] =	vst.idx.add.f32.msk vm3, v0  }
0x381: {  	[tilespmem:v1+s28+$0x0] =	vst.idx.add.f32.msk vm4, v0  }
0x382: {  	[tilespmem:v1+s28+$0x0] =	vst.idx.add.f32.msk vm5, v0  }
0x383: {  	[tilespmem:v1+s28+$0x0] =	vst.idx.add.f32.msk vm6, v0  }
0x384: {  	[tilespmem:v1+s28+$0x0] =	vst.idx.add.f32.msk vm7, v0  }
0x385: {  	[tilespmem:v1+s28+$0x0] =	vst.idx.add.f32.msk vm8, v0  }
0x386: {  	[tilespmem:v1+s28+$0x0] =	vst.idx.add.f32.msk vm9, v0  }
0x387: {  	[tilespmem:v1+s28+$0x0] =	vst.idx.add.f32.msk vm10, v0  }
0x388: {  	[tilespmem:v1+s28+$0x0] =	vst.idx.add.f32.msk vm11, v0  }
0x389: {  	[tilespmem:v1+s28+$0x0] =	vst.idx.add.f32.msk vm12, v0  }
0x38a: {  	[tilespmem:v1+s28+$0x0] =	vst.idx.add.f32.msk vm13, v0  }
0x38b: {  	[tilespmem:v1+s28+$0x0] =	vst.idx.add.f32.msk vm14, v0  }
.LBB2_27:
0x38c: {  	s12 =	smul.u32 $0x3, s6;
	_ =	sdelay $0x1  }
0x38d: {  	v0 =	vmov s12  }
0x38e: {  	v0 =	vmul.u32 $0x50, v0  }
0x38f: {  	s7 =	simm.s32 $0x0  }
0x390: {  	v1 =	vmov s7;
	v0 =	vbroadcast v0, $0x0  }
0x391: {  	v2 =	vand.u32 $0x78, v1  }
0x392: {  	v1 =	vand.u32 $0x4, v1;
	v2 =	vadd.s32 v0, v2  }
0x393: {  	v1 =	vor.u32 v1, v2;
	_ =	sdelay $0x2  }
0x394: {  	s9 =	simm.s32 $0x76A0  }
0x395: {  	v2 =	vld [tilespmem:s9+$0xFFFFFFB0]  }
0x396: {  	v1 =	vld.idx.msk [tilespmem:v1+s21+$0x0], $0xffff  }
0x397: {  	v3 =	vld [tilespmem:s9+$0xFFFFFF80]  }
0x398: {  	s15 =	simm.s32 $0x1;
	v4 =	vld [tilespmem:s9+$0xFFFFFF90]  }
0x399: {  	v5 =	vld [tilespmem:s9+$0xFFFFFFA0];
	v6 =	vmov s15  }
0x39a: {  	v7 =	vand.u32 $0x78, v6  }
0x39b: {  	v6 =	vand.u32 $0x5, v6;
	v7 =	vadd.s32 v0, v7;
	v2 =	vmul.f32 v2, v1  }
0x39c: {  	v6 =	vor.u32 v6, v7;
	v3 =	vmul.f32 v3, v1  }
0x39d: {  	v4 =	vmul.f32 v4, v1;
	[tilespmem:s9+$0xFFFFFFB0] =	vst v2  }
0x39e: {  	v1 =	vmul.f32 v5, v1;
	[tilespmem:s9+$0xFFFFFF80] =	vst v3  }
0x39f: {  	[tilespmem:s9+$0xFFFFFF90] =	vst v4  }
0x3a0: {  	[tilespmem:s9+$0xFFFFFFA0] =	vst v1;
	v2 =	vld [tilespmem:s9+$0xFFFFFFC0]  }
0x3a1: {  	v1 =	vld.idx.msk [tilespmem:v6+s21+$0x0], $0xffff  }
0x3a2: {  	v3 =	vld [tilespmem:s9+$0xFFFFFFD0]  }
0x3a3: {  	s16 =	simm.s32 $0x2;
	v55 =	vld [tilespmem:s9+$0xFFFFFFF0]  }
0x3a4: {  	v56 =	vld [tilespmem:s9+$0xFFFFFFE0];
	v57 =	vmov s16  }
0x3a5: {  	v58 =	vand.u32 $0x78, v57  }
0x3a6: {  	v7 =	vadd.s32 v0, v58;
	v6 =	vand.u32 $0x6, v57;
	v2 =	vmul.f32 v2, v1  }
0x3a7: {  	v6 =	vor.u32 v6, v7;
	v3 =	vmul.f32 v3, v1  }
0x3a8: {  	v4 =	vmul.f32 v55, v1;
	[tilespmem:s9+$0xFFFFFFC0] =	vst v2  }
0x3a9: {  	v1 =	vmul.f32 v56, v1;
	[tilespmem:s9+$0xFFFFFFD0] =	vst v3  }
0x3aa: {  	[tilespmem:s9+$0xFFFFFFF0] =	vst v4  }
0x3ab: {  	[tilespmem:s9+$0xFFFFFFE0] =	vst v1;
	v1 =	vld [tilespmem:s9+$0x0]  }
0x3ac: {  	v2 =	vld.idx.msk [tilespmem:v6+s21+$0x0], $0xffff;
	_ =	sdelay $0x1  }
0x3ad: {  	v3 =	vld [tilespmem:s9+$0x30]  }
0x3ae: {  	v59 =	vld [tilespmem:s9+$0x20]  }
0x3af: {  	s17 =	simm.s32 $0x3  }
0x3b0: {  	v60 =	vld [tilespmem:s9+$0x10];
	v61 =	vmov s17;
	v1 =	vmul.f32 v1, v2  }
0x3b1: {  	v62 =	vand.u32 $0x78, v61  }
0x3b2: {  	v63 =	vadd.s32 v0, v62;
	v3 =	vmul.f32 v3, v2;
	[tilespmem:s9+$0x0] =	vst v1;
	v1 =	vand.u32 $0x7, v61  }
0x3b3: {  	v4 =	vmul.f32 v59, v2;
	v1 =	vor.u32 v1, v63  }
0x3b4: {  	[tilespmem:s9+$0x30] =	vst v3  }
0x3b5: {  	s10 =	simm.s32 $0x76A0;
	s7 =	simm.s32 $0x4;
	v2 =	vmul.f32 v60, v2;
	[tilespmem:s9+$0x20] =	vst v4  }
.LBB2_28:
0x3b6: {  	p2 =	slt.u32 s7, $0x4C  }
0x3b7: {  	[tilespmem:s9+$0x10] =	vst v2;
	v2 =	vld [tilespmem:s9+$0x70];
	s10 =	sadd.s32 $0x100, s10;
	s11 =	smov.u32 s7;
	s7 =	sadd.s32 $0x4, s7  }
0x3b8: {  	v1 =	vld.idx.msk [tilespmem:v1+s21+$0x0], $0xffff  }
0x3b9: {  	v3 =	vld [tilespmem:s9+$0x50]  }
0x3ba: {  	v4 =	vld [tilespmem:s9+$0x60]  }
0x3bb: {  	v5 =	vld [tilespmem:s9+$0x40]  }
0x3bc: {  	v6 =	vmov s11  }
0x3bd: {  	v7 =	vand.u32 $0x78, v6  }
0x3be: {  	v6 =	vand.u32 $0x4, v6;
	v7 =	vadd.s32 v0, v7;
	v2 =	vmul.f32 v2, v1  }
0x3bf: {  	v6 =	vor.u32 v6, v7;
	v3 =	vmul.f32 v3, v1;
	v4 =	vmul.f32 v4, v1  }
0x3c0: {  	v1 =	vmul.f32 v5, v1;
	[tilespmem:s9+$0x70] =	vst v2  }
0x3c1: {  	[tilespmem:s9+$0x50] =	vst v3  }
0x3c2: {  	v2 =	vld [tilespmem:s10+$0xFFFFFFA0];
	[tilespmem:s9+$0x60] =	vst v4  }
0x3c3: {  	v3 =	vld [tilespmem:s10+$0xFFFFFFB0];
	[tilespmem:s9+$0x40] =	vst v1;
	s9 =	smov.u32 s10  }
0x3c4: {  	v1 =	vld.idx.msk [tilespmem:v6+s21+$0x0], $0xffff  }
0x3c5: {  	v4 =	vld [tilespmem:s10+$0xFFFFFF80]  }
0x3c6: {  	v5 =	vld [tilespmem:s10+$0xFFFFFF90]  }
0x3c7: {  	s13 =	sadd.s32 $0x1, s11  }
0x3c8: {  	v6 =	vmov s13  }
0x3c9: {  	v7 =	vand.u32 $0x78, v6;
	v6 =	vand.u32 $0x5, v6  }
0x3ca: {  	v7 =	vadd.s32 v0, v7;
	v3 =	vmul.f32 v3, v1;
	v4 =	vmul.f32 v4, v1  }
0x3cb: {  	v5 =	vmul.f32 v5, v1;
	v1 =	vmul.f32 v2, v1;
	v2 =	vor.u32 v6, v7  }
0x3cc: {  	[tilespmem:s10+$0xFFFFFFB0] =	vst v3  }
0x3cd: {  	[tilespmem:s10+$0xFFFFFF80] =	vst v4  }
0x3ce: {  	[tilespmem:s10+$0xFFFFFF90] =	vst v5;
	v3 =	vld [tilespmem:s10+$0xFFFFFFF0]  }
0x3cf: {  	[tilespmem:s10+$0xFFFFFFA0] =	vst v1;
	v1 =	vld [tilespmem:s10+$0xFFFFFFD0]  }
0x3d0: {  	v2 =	vld.idx.msk [tilespmem:v2+s21+$0x0], $0xffff  }
0x3d1: {  	v4 =	vld [tilespmem:s10+$0xFFFFFFC0]  }
0x3d2: {  	v5 =	vld [tilespmem:s10+$0xFFFFFFE0]  }
0x3d3: {  	s13 =	sadd.s32 $0x2, s11  }
0x3d4: {  	v6 =	vmov s13  }
0x3d5: {  	v7 =	vand.u32 $0x78, v6;
	v6 =	vand.u32 $0x6, v6  }
0x3d6: {  	v7 =	vadd.s32 v0, v7;
	v1 =	vmul.f32 v1, v2;
	v4 =	vmul.f32 v4, v2  }
0x3d7: {  	v5 =	vmul.f32 v5, v2;
	v2 =	vmul.f32 v3, v2;
	v3 =	vor.u32 v6, v7  }
0x3d8: {  	[tilespmem:s10+$0xFFFFFFC0] =	vst v4  }
0x3d9: {  	[tilespmem:s10+$0xFFFFFFD0] =	vst v1  }
0x3da: {  	[tilespmem:s10+$0xFFFFFFF0] =	vst v2;
	v1 =	vld [tilespmem:s10+$0x30]  }
0x3db: {  	[tilespmem:s10+$0xFFFFFFE0] =	vst v5;
	v2 =	vld [tilespmem:s10+$0x0]  }
0x3dc: {  	v3 =	vld.idx.msk [tilespmem:v3+s21+$0x0], $0xffff  }
0x3dd: {  	v4 =	vld [tilespmem:s10+$0x10]  }
0x3de: {  	v5 =	vld [tilespmem:s10+$0x20]  }
0x3df: {  	s11 =	sadd.s32 $0x3, s11  }
0x3e0: {  	v6 =	vmov s11  }
0x3e1: {  	v7 =	vand.u32 $0x78, v6;
	v6 =	vand.u32 $0x7, v6  }
.Ltmp15:
0x3e2: {  	v8 =	vmul.f32 v2, v3;
	v2 =	vmul.f32 v4, v3;
	v4 =	vadd.s32 v0, v7;
	(pc) =	sbr.rel @p2 .LBB2_28-.Ltmp15, $4  }
0x3e3: {  	v5 =	vmul.f32 v5, v3;
	v3 =	vmul.f32 v1, v3;
	v1 =	vor.u32 v6, v4  }
0x3e4: {  	[tilespmem:s10+$0x0] =	vst v8  }
0x3e5: {  	[tilespmem:s10+$0x30] =	vst v3  }
0x3e6: {  	[tilespmem:s10+$0x20] =	vst v5  }
0x3e7: {  	_ =	sdelay $0x2  }
0x3e8: {  	[tilespmem:s9+$0x10] =	vst v2;
	v0 =	vld [tilespmem:s9+$0x70]  }
0x3e9: {  	v1 =	vld.idx.msk [tilespmem:v1+s21+$0x0], $0xffff  }
0x3ea: {  	v62 =	vld [tilespmem:s9+$0x50]  }
0x3eb: {  	v3 =	vld [tilespmem:s9+$0x60]  }
0x3ec: {  	v4 =	vld [tilespmem:s9+$0x40];
	_ =	sdelay $0x1  }
0x3ed: {  	v0 =	vmul.f32 v0, v1  }
0x3ee: {  	v2 =	vmul.f32 v62, v1  }
0x3ef: {  	s11 =	smul.u32 $0x3C0, s6;
	v3 =	vmul.f32 v3, v1;
	[tilespmem:s9+$0x70] =	vst v0  }
0x3f0: {  	v63 =	vmul.f32 v4, v1;
	[tilespmem:s9+$0x50] =	vst v2  }
0x3f1: {  	p2 =	seq.s32 s6, $0x0;
	s7 =	sshra.s32 s11, $0x2;
	[tilespmem:s9+$0x60] =	vst v3  }
0x3f2: {  	s10 =	sadd.s32 $0x2, s12;
	s17 =	sadd.s32 $0x2760, s7;
	[tilespmem:s9+$0x40] =	vst v63;
	s9 =	simm.s32 @!p2 $0x6  }
0x3f3: {  	[spmem:s2] =	stream.indirect.scatter.add.f32 [tilespmem:s23], [sflag:$0x4], $0x40, s17, s22, $0xb8;
	[tilespmem:$0x19D70] =	vst v63  }
0x3f4: {  	s13 =	smul.u32 $0x140, s10;
	_ =	swait.ge @!p2 [sflag:s9], $0x1400  }
0x3f5: {  	[sflag:s9] =	ssyncset.done @!p2 $0x0  }
.Ltmp16:
0x3f6: {  	[sflag:s9] =	ssyncadd.s32 @!p2 $0xFFFFEC00;
	s9 =	sshra.s32 s13, $0x2;
	(pc) =	sbr.rel @p0 .LBB2_31-.Ltmp16, $4  }
0x3f7: {  	[tilespmem:s29], [sflag:$0x3] =	stream.indirect.gather [hbm4b:s1+s22], $0x40, s9, s22, $0xb8;
	[tilespmem:$0x19D70] =	vst v63  }
0x3f8: {  	_ =	swait.ge [sflag:s30], $0x1400  }
0x3f9: {  	[sflag:s30] =	ssyncset.done $0x0  }
0x3fa: {  	s12 =	sadd.s32 $0x1, s12;
	[sflag:s30] =	ssyncadd.s32 $0xFFFFEC00  }
0x3fb: {  	s13 =	smul.u32 $0x50, s12;
	_ =	sdelay $0x1  }
0x3fc: {  	v0 =	vld [tilespmem:s13+$0x0];
	_ =	sdelay $0x5  }
0x3fd: {  	v1 =	vld [tilespmem:s13+$0x2760]  }
0x3fe: {  	v2 =	vld [tilespmem:s13+$0x4EC0]  }
0x3ff: {  	v0 =	vld.idx.msk [tilespmem:v0+s26+$0x0], $0xffff;
	_ =	sdelay $0x4  }
0x400: {  	v0 =	vmul.f32 v0, v2;
	_ =	sdelay $0x1  }
0x401: {  	[tilespmem:v1+s28+$0x0] =	vst.idx.add.f32.msk $0x1, v0  }
0x402: {  	[tilespmem:v1+s28+$0x0] =	vst.idx.add.f32.msk vm0, v0  }
0x403: {  	[tilespmem:v1+s28+$0x0] =	vst.idx.add.f32.msk vm1, v0  }
0x404: {  	[tilespmem:v1+s28+$0x0] =	vst.idx.add.f32.msk vm2, v0  }
0x405: {  	[tilespmem:v1+s28+$0x0] =	vst.idx.add.f32.msk vm3, v0  }
0x406: {  	[tilespmem:v1+s28+$0x0] =	vst.idx.add.f32.msk vm4, v0  }
0x407: {  	[tilespmem:v1+s28+$0x0] =	vst.idx.add.f32.msk vm5, v0  }
0x408: {  	[tilespmem:v1+s28+$0x0] =	vst.idx.add.f32.msk vm6, v0  }
0x409: {  	[tilespmem:v1+s28+$0x0] =	vst.idx.add.f32.msk vm7, v0  }
0x40a: {  	[tilespmem:v1+s28+$0x0] =	vst.idx.add.f32.msk vm8, v0  }
0x40b: {  	[tilespmem:v1+s28+$0x0] =	vst.idx.add.f32.msk vm9, v0  }
0x40c: {  	[tilespmem:v1+s28+$0x0] =	vst.idx.add.f32.msk vm10, v0  }
0x40d: {  	[tilespmem:v1+s28+$0x0] =	vst.idx.add.f32.msk vm11, v0  }
0x40e: {  	[tilespmem:v1+s28+$0x0] =	vst.idx.add.f32.msk vm12, v0  }
0x40f: {  	[tilespmem:v1+s28+$0x0] =	vst.idx.add.f32.msk vm13, v0  }
0x410: {  	[tilespmem:v1+s28+$0x0] =	vst.idx.add.f32.msk vm14, v0  }
0x411: {  	v0 =	vld [tilespmem:s13+$0x10];
	_ =	sdelay $0x5  }
0x412: {  	v1 =	vld [tilespmem:s13+$0x2770]  }
0x413: {  	v60 =	vld [tilespmem:s13+$0x4ED0]  }
0x414: {  	v0 =	vld.idx.msk [tilespmem:v0+s26+$0x0], $0xffff;
	_ =	sdelay $0x4  }
0x415: {  	v0 =	vmul.f32 v0, v60;
	_ =	sdelay $0x1  }
0x416: {  	[tilespmem:v1+s28+$0x0] =	vst.idx.add.f32.msk $0x1, v0  }
0x417: {  	[tilespmem:v1+s28+$0x0] =	vst.idx.add.f32.msk vm0, v0  }
0x418: {  	[tilespmem:v1+s28+$0x0] =	vst.idx.add.f32.msk vm1, v0  }
0x419: {  	[tilespmem:v1+s28+$0x0] =	vst.idx.add.f32.msk vm2, v0  }
0x41a: {  	[tilespmem:v1+s28+$0x0] =	vst.idx.add.f32.msk vm3, v0  }
0x41b: {  	[tilespmem:v1+s28+$0x0] =	vst.idx.add.f32.msk vm4, v0  }
0x41c: {  	[tilespmem:v1+s28+$0x0] =	vst.idx.add.f32.msk vm5, v0  }
0x41d: {  	[tilespmem:v1+s28+$0x0] =	vst.idx.add.f32.msk vm6, v0  }
0x41e: {  	[tilespmem:v1+s28+$0x0] =	vst.idx.add.f32.msk vm7, v0  }
0x41f: {  	[tilespmem:v1+s28+$0x0] =	vst.idx.add.f32.msk vm8, v0  }
0x420: {  	[tilespmem:v1+s28+$0x0] =	vst.idx.add.f32.msk vm9, v0  }
0x421: {  	[tilespmem:v1+s28+$0x0] =	vst.idx.add.f32.msk vm10, v0  }
0x422: {  	[tilespmem:v1+s28+$0x0] =	vst.idx.add.f32.msk vm11, v0  }
0x423: {  	[tilespmem:v1+s28+$0x0] =	vst.idx.add.f32.msk vm12, v0  }
0x424: {  	[tilespmem:v1+s28+$0x0] =	vst.idx.add.f32.msk vm13, v0  }
0x425: {  	[tilespmem:v1+s28+$0x0] =	vst.idx.add.f32.msk vm14, v0  }
0x426: {  	v0 =	vld [tilespmem:s13+$0x20];
	_ =	sdelay $0x5  }
0x427: {  	v1 =	vld [tilespmem:s13+$0x2780]  }
0x428: {  	v61 =	vld [tilespmem:s13+$0x4EE0]  }
0x429: {  	v0 =	vld.idx.msk [tilespmem:v0+s26+$0x0], $0xffff;
	_ =	sdelay $0x4  }
0x42a: {  	v0 =	vmul.f32 v0, v61;
	_ =	sdelay $0x1  }
0x42b: {  	[tilespmem:v1+s28+$0x0] =	vst.idx.add.f32.msk $0x1, v0  }
0x42c: {  	[tilespmem:v1+s28+$0x0] =	vst.idx.add.f32.msk vm0, v0  }
0x42d: {  	[tilespmem:v1+s28+$0x0] =	vst.idx.add.f32.msk vm1, v0  }
0x42e: {  	[tilespmem:v1+s28+$0x0] =	vst.idx.add.f32.msk vm2, v0  }
0x42f: {  	[tilespmem:v1+s28+$0x0] =	vst.idx.add.f32.msk vm3, v0  }
0x430: {  	[tilespmem:v1+s28+$0x0] =	vst.idx.add.f32.msk vm4, v0  }
0x431: {  	[tilespmem:v1+s28+$0x0] =	vst.idx.add.f32.msk vm5, v0  }
0x432: {  	[tilespmem:v1+s28+$0x0] =	vst.idx.add.f32.msk vm6, v0  }
0x433: {  	[tilespmem:v1+s28+$0x0] =	vst.idx.add.f32.msk vm7, v0  }
0x434: {  	[tilespmem:v1+s28+$0x0] =	vst.idx.add.f32.msk vm8, v0  }
0x435: {  	[tilespmem:v1+s28+$0x0] =	vst.idx.add.f32.msk vm9, v0  }
0x436: {  	[tilespmem:v1+s28+$0x0] =	vst.idx.add.f32.msk vm10, v0  }
0x437: {  	[tilespmem:v1+s28+$0x0] =	vst.idx.add.f32.msk vm11, v0  }
0x438: {  	[tilespmem:v1+s28+$0x0] =	vst.idx.add.f32.msk vm12, v0  }
0x439: {  	[tilespmem:v1+s28+$0x0] =	vst.idx.add.f32.msk vm13, v0  }
0x43a: {  	[tilespmem:v1+s28+$0x0] =	vst.idx.add.f32.msk vm14, v0  }
0x43b: {  	v0 =	vld [tilespmem:s13+$0x30];
	_ =	sdelay $0x5  }
0x43c: {  	v1 =	vld [tilespmem:s13+$0x2790]  }
0x43d: {  	v62 =	vld [tilespmem:s13+$0x4EF0]  }
0x43e: {  	v0 =	vld.idx.msk [tilespmem:v0+s26+$0x0], $0xffff;
	_ =	sdelay $0x4  }
0x43f: {  	v0 =	vmul.f32 v0, v62;
	_ =	sdelay $0x1  }
0x440: {  	[tilespmem:v1+s28+$0x0] =	vst.idx.add.f32.msk $0x1, v0  }
0x441: {  	[tilespmem:v1+s28+$0x0] =	vst.idx.add.f32.msk vm0, v0  }
0x442: {  	[tilespmem:v1+s28+$0x0] =	vst.idx.add.f32.msk vm1, v0  }
0x443: {  	[tilespmem:v1+s28+$0x0] =	vst.idx.add.f32.msk vm2, v0  }
0x444: {  	[tilespmem:v1+s28+$0x0] =	vst.idx.add.f32.msk vm3, v0  }
0x445: {  	[tilespmem:v1+s28+$0x0] =	vst.idx.add.f32.msk vm4, v0  }
0x446: {  	[tilespmem:v1+s28+$0x0] =	vst.idx.add.f32.msk vm5, v0  }
0x447: {  	[tilespmem:v1+s28+$0x0] =	vst.idx.add.f32.msk vm6, v0  }
0x448: {  	[tilespmem:v1+s28+$0x0] =	vst.idx.add.f32.msk vm7, v0  }
0x449: {  	[tilespmem:v1+s28+$0x0] =	vst.idx.add.f32.msk vm8, v0  }
0x44a: {  	[tilespmem:v1+s28+$0x0] =	vst.idx.add.f32.msk vm9, v0  }
0x44b: {  	[tilespmem:v1+s28+$0x0] =	vst.idx.add.f32.msk vm10, v0  }
0x44c: {  	[tilespmem:v1+s28+$0x0] =	vst.idx.add.f32.msk vm11, v0  }
0x44d: {  	[tilespmem:v1+s28+$0x0] =	vst.idx.add.f32.msk vm12, v0  }
0x44e: {  	[tilespmem:v1+s28+$0x0] =	vst.idx.add.f32.msk vm13, v0  }
0x44f: {  	[tilespmem:v1+s28+$0x0] =	vst.idx.add.f32.msk vm14, v0  }
0x450: {  	v0 =	vld [tilespmem:s13+$0x40];
	_ =	sdelay $0x5  }
0x451: {  	v1 =	vld [tilespmem:s13+$0x27A0]  }
0x452: {  	v63 =	vld [tilespmem:s13+$0x4F00]  }
0x453: {  	v0 =	vld.idx.msk [tilespmem:v0+s26+$0x0], $0xffff;
	_ =	sdelay $0x4  }
0x454: {  	v0 =	vmul.f32 v0, v63;
	_ =	sdelay $0x1  }
0x455: {  	[tilespmem:v1+s28+$0x0] =	vst.idx.add.f32.msk $0x1, v0  }
0x456: {  	[tilespmem:v1+s28+$0x0] =	vst.idx.add.f32.msk vm0, v0  }
0x457: {  	[tilespmem:v1+s28+$0x0] =	vst.idx.add.f32.msk vm1, v0  }
0x458: {  	[tilespmem:v1+s28+$0x0] =	vst.idx.add.f32.msk vm2, v0  }
0x459: {  	[tilespmem:v1+s28+$0x0] =	vst.idx.add.f32.msk vm3, v0  }
0x45a: {  	[tilespmem:v1+s28+$0x0] =	vst.idx.add.f32.msk vm4, v0  }
0x45b: {  	[tilespmem:v1+s28+$0x0] =	vst.idx.add.f32.msk vm5, v0  }
0x45c: {  	[tilespmem:v1+s28+$0x0] =	vst.idx.add.f32.msk vm6, v0  }
0x45d: {  	[tilespmem:v1+s28+$0x0] =	vst.idx.add.f32.msk vm7, v0  }
0x45e: {  	[tilespmem:v1+s28+$0x0] =	vst.idx.add.f32.msk vm8, v0  }
0x45f: {  	[tilespmem:v1+s28+$0x0] =	vst.idx.add.f32.msk vm9, v0  }
0x460: {  	[tilespmem:v1+s28+$0x0] =	vst.idx.add.f32.msk vm10, v0  }
0x461: {  	[tilespmem:v1+s28+$0x0] =	vst.idx.add.f32.msk vm11, v0  }
0x462: {  	[tilespmem:v1+s28+$0x0] =	vst.idx.add.f32.msk vm12, v0  }
0x463: {  	[tilespmem:v1+s28+$0x0] =	vst.idx.add.f32.msk vm13, v0  }
0x464: {  	[tilespmem:v1+s28+$0x0] =	vst.idx.add.f32.msk vm14, v0  }
.LBB2_31:
0x465: {  	v0 =	vmov s12  }
0x466: {  	v0 =	vmul.u32 $0x50, v0  }
0x467: {  	s13 =	simm.s32 $0x0  }
0x468: {  	v1 =	vmov s13;
	v0 =	vbroadcast v0, $0x0  }
0x469: {  	v2 =	vand.u32 $0x78, v1  }
0x46a: {  	v1 =	vand.u32 $0x4, v1;
	v2 =	vadd.s32 v0, v2  }
0x46b: {  	v1 =	vor.u32 v1, v2;
	_ =	sdelay $0x2  }
0x46c: {  	s13 =	simm.s32 $0x8AA0  }
0x46d: {  	v2 =	vld [tilespmem:s13+$0xFFFFFFB0]  }
0x46e: {  	v1 =	vld.idx.msk [tilespmem:v1+s21+$0x0], $0xffff  }
0x46f: {  	v3 =	vld [tilespmem:s13+$0xFFFFFF80]  }
0x470: {  	s14 =	simm.s32 $0x1;
	v4 =	vld [tilespmem:s13+$0xFFFFFF90]  }
0x471: {  	v6 =	vmov s14;
	v5 =	vld [tilespmem:s13+$0xFFFFFFA0]  }
0x472: {  	v7 =	vand.u32 $0x78, v6  }
0x473: {  	v6 =	vand.u32 $0x5, v6;
	v7 =	vadd.s32 v0, v7;
	v2 =	vmul.f32 v2, v1  }
0x474: {  	v6 =	vor.u32 v6, v7;
	v3 =	vmul.f32 v3, v1  }
0x475: {  	v4 =	vmul.f32 v4, v1;
	[tilespmem:s13+$0xFFFFFFB0] =	vst v2  }
0x476: {  	v1 =	vmul.f32 v5, v1;
	[tilespmem:s13+$0xFFFFFF80] =	vst v3  }
0x477: {  	[tilespmem:s13+$0xFFFFFF90] =	vst v4  }
0x478: {  	[tilespmem:s13+$0xFFFFFFA0] =	vst v1;
	v2 =	vld [tilespmem:s13+$0xFFFFFFC0]  }
0x479: {  	v1 =	vld.idx.msk [tilespmem:v6+s21+$0x0], $0xffff  }
0x47a: {  	v3 =	vld [tilespmem:s13+$0xFFFFFFD0]  }
0x47b: {  	s16 =	simm.s32 $0x2;
	v55 =	vld [tilespmem:s13+$0xFFFFFFF0]  }
0x47c: {  	v57 =	vmov s16;
	v56 =	vld [tilespmem:s13+$0xFFFFFFE0]  }
0x47d: {  	v58 =	vand.u32 $0x78, v57  }
0x47e: {  	v7 =	vadd.s32 v0, v58;
	v6 =	vand.u32 $0x6, v57;
	v2 =	vmul.f32 v2, v1  }
0x47f: {  	v6 =	vor.u32 v6, v7;
	v3 =	vmul.f32 v3, v1  }
0x480: {  	v4 =	vmul.f32 v55, v1;
	[tilespmem:s13+$0xFFFFFFC0] =	vst v2  }
0x481: {  	v1 =	vmul.f32 v56, v1;
	[tilespmem:s13+$0xFFFFFFD0] =	vst v3  }
0x482: {  	[tilespmem:s13+$0xFFFFFFF0] =	vst v4  }
0x483: {  	[tilespmem:s13+$0xFFFFFFE0] =	vst v1;
	v1 =	vld [tilespmem:s13+$0x0]  }
0x484: {  	v2 =	vld.idx.msk [tilespmem:v6+s21+$0x0], $0xffff;
	_ =	sdelay $0x1  }
0x485: {  	v3 =	vld [tilespmem:s13+$0x30]  }
0x486: {  	v59 =	vld [tilespmem:s13+$0x20]  }
0x487: {  	s17 =	simm.s32 $0x3  }
0x488: {  	v61 =	vmov s17;
	v60 =	vld [tilespmem:s13+$0x10];
	v1 =	vmul.f32 v1, v2  }
0x489: {  	v62 =	vand.u32 $0x78, v61  }
0x48a: {  	v63 =	vadd.s32 v0, v62;
	v3 =	vmul.f32 v3, v2;
	[tilespmem:s13+$0x0] =	vst v1;
	v1 =	vand.u32 $0x7, v61  }
0x48b: {  	v4 =	vmul.f32 v59, v2;
	v1 =	vor.u32 v1, v63  }
0x48c: {  	[tilespmem:s13+$0x30] =	vst v3  }
0x48d: {  	s15 =	simm.s32 $0x8AA0;
	s14 =	simm.s32 $0x4;
	v2 =	vmul.f32 v60, v2;
	[tilespmem:s13+$0x20] =	vst v4  }
.LBB2_32:
0x48e: {  	p2 =	slt.u32 s14, $0x4C  }
0x48f: {  	[tilespmem:s13+$0x10] =	vst v2;
	v2 =	vld [tilespmem:s13+$0x70];
	s15 =	sadd.s32 $0x100, s15;
	s16 =	smov.u32 s14;
	s14 =	sadd.s32 $0x4, s14  }
0x490: {  	v1 =	vld.idx.msk [tilespmem:v1+s21+$0x0], $0xffff  }
0x491: {  	v3 =	vld [tilespmem:s13+$0x50]  }
0x492: {  	v4 =	vld [tilespmem:s13+$0x60]  }
0x493: {  	v5 =	vld [tilespmem:s13+$0x40]  }
0x494: {  	v6 =	vmov s16  }
0x495: {  	v7 =	vand.u32 $0x78, v6  }
0x496: {  	v6 =	vand.u32 $0x4, v6;
	v7 =	vadd.s32 v0, v7;
	v2 =	vmul.f32 v2, v1  }
0x497: {  	v6 =	vor.u32 v6, v7;
	v3 =	vmul.f32 v3, v1;
	v4 =	vmul.f32 v4, v1  }
0x498: {  	v1 =	vmul.f32 v5, v1;
	[tilespmem:s13+$0x70] =	vst v2  }
0x499: {  	[tilespmem:s13+$0x50] =	vst v3  }
0x49a: {  	v2 =	vld [tilespmem:s15+$0xFFFFFFA0];
	[tilespmem:s13+$0x60] =	vst v4  }
0x49b: {  	v3 =	vld [tilespmem:s15+$0xFFFFFFB0];
	[tilespmem:s13+$0x40] =	vst v1;
	s13 =	smov.u32 s15  }
0x49c: {  	v1 =	vld.idx.msk [tilespmem:v6+s21+$0x0], $0xffff  }
0x49d: {  	v4 =	vld [tilespmem:s15+$0xFFFFFF80]  }
0x49e: {  	v5 =	vld [tilespmem:s15+$0xFFFFFF90]  }
0x49f: {  	s17 =	sadd.s32 $0x1, s16  }
0x4a0: {  	v6 =	vmov s17  }
0x4a1: {  	v7 =	vand.u32 $0x78, v6;
	v6 =	vand.u32 $0x5, v6  }
0x4a2: {  	v7 =	vadd.s32 v0, v7;
	v3 =	vmul.f32 v3, v1;
	v4 =	vmul.f32 v4, v1  }
0x4a3: {  	v5 =	vmul.f32 v5, v1;
	v1 =	vmul.f32 v2, v1;
	v2 =	vor.u32 v6, v7  }
0x4a4: {  	[tilespmem:s15+$0xFFFFFFB0] =	vst v3  }
0x4a5: {  	[tilespmem:s15+$0xFFFFFF80] =	vst v4  }
0x4a6: {  	[tilespmem:s15+$0xFFFFFF90] =	vst v5;
	v3 =	vld [tilespmem:s15+$0xFFFFFFF0]  }
0x4a7: {  	[tilespmem:s15+$0xFFFFFFA0] =	vst v1;
	v1 =	vld [tilespmem:s15+$0xFFFFFFD0]  }
0x4a8: {  	v2 =	vld.idx.msk [tilespmem:v2+s21+$0x0], $0xffff  }
0x4a9: {  	v4 =	vld [tilespmem:s15+$0xFFFFFFC0]  }
0x4aa: {  	v5 =	vld [tilespmem:s15+$0xFFFFFFE0]  }
0x4ab: {  	s17 =	sadd.s32 $0x2, s16  }
0x4ac: {  	v6 =	vmov s17  }
0x4ad: {  	v7 =	vand.u32 $0x78, v6;
	v6 =	vand.u32 $0x6, v6  }
0x4ae: {  	v7 =	vadd.s32 v0, v7;
	v1 =	vmul.f32 v1, v2;
	v4 =	vmul.f32 v4, v2  }
0x4af: {  	v5 =	vmul.f32 v5, v2;
	v2 =	vmul.f32 v3, v2;
	v3 =	vor.u32 v6, v7  }
0x4b0: {  	[tilespmem:s15+$0xFFFFFFC0] =	vst v4  }
0x4b1: {  	[tilespmem:s15+$0xFFFFFFD0] =	vst v1  }
0x4b2: {  	[tilespmem:s15+$0xFFFFFFF0] =	vst v2;
	v1 =	vld [tilespmem:s15+$0x30]  }
0x4b3: {  	[tilespmem:s15+$0xFFFFFFE0] =	vst v5;
	v2 =	vld [tilespmem:s15+$0x0]  }
0x4b4: {  	v3 =	vld.idx.msk [tilespmem:v3+s21+$0x0], $0xffff  }
0x4b5: {  	v4 =	vld [tilespmem:s15+$0x10]  }
0x4b6: {  	v5 =	vld [tilespmem:s15+$0x20]  }
0x4b7: {  	s16 =	sadd.s32 $0x3, s16  }
0x4b8: {  	v6 =	vmov s16  }
0x4b9: {  	v7 =	vand.u32 $0x78, v6;
	v6 =	vand.u32 $0x7, v6  }
.Ltmp17:
0x4ba: {  	v8 =	vmul.f32 v2, v3;
	v2 =	vmul.f32 v4, v3;
	v4 =	vadd.s32 v0, v7;
	(pc) =	sbr.rel @p2 .LBB2_32-.Ltmp17, $4  }
0x4bb: {  	v5 =	vmul.f32 v5, v3;
	v3 =	vmul.f32 v1, v3;
	v1 =	vor.u32 v6, v4  }
0x4bc: {  	[tilespmem:s15+$0x0] =	vst v8  }
0x4bd: {  	[tilespmem:s15+$0x30] =	vst v3  }
0x4be: {  	[tilespmem:s15+$0x20] =	vst v5  }
0x4bf: {  	_ =	sdelay $0x2  }
0x4c0: {  	[tilespmem:s13+$0x10] =	vst v2;
	v0 =	vld [tilespmem:s13+$0x70]  }
0x4c1: {  	v1 =	vld.idx.msk [tilespmem:v1+s21+$0x0], $0xffff  }
0x4c2: {  	v62 =	vld [tilespmem:s13+$0x50]  }
0x4c3: {  	v3 =	vld [tilespmem:s13+$0x60]  }
0x4c4: {  	v4 =	vld [tilespmem:s13+$0x40];
	_ =	sdelay $0x1  }
0x4c5: {  	v0 =	vmul.f32 v0, v1  }
0x4c6: {  	v2 =	vmul.f32 v62, v1  }
0x4c7: {  	s12 =	smul.u32 $0x140, s12;
	v3 =	vmul.f32 v3, v1;
	[tilespmem:s13+$0x70] =	vst v0  }
0x4c8: {  	v63 =	vmul.f32 v4, v1;
	[tilespmem:s13+$0x50] =	vst v2  }
0x4c9: {  	s12 =	sshra.s32 s12, $0x2;
	[tilespmem:s13+$0x60] =	vst v3  }
0x4ca: {  	p2 =	seq.s32 s6, $0x29;
	s12 =	sadd.s32 $0x2760, s12;
	[tilespmem:s13+$0x40] =	vst v63  }
0x4cb: {  	[spmem:s2] =	stream.indirect.scatter.add.f32 [tilespmem:s24], [sflag:$0x5], $0x40, s12, s22, $0xb8;
	[tilespmem:$0x19D70] =	vst v63  }
0x4cc: {  	s12 =	simm.s32 @!p2 $0x4  }
0x4cd: {  	s11 =	sshra.s32 @!p2 s11, $0x2;
	_ =	swait.ge @!p2 [sflag:s12], $0x1400  }
0x4ce: {  	s11 =	sadd.s32 @!p2 $0xF0, s11;
	s13 =	simm.s32 @!p2 $0x7620;
	[sflag:s12] =	ssyncset.done @!p2 $0x0  }
.Ltmp18:
0x4cf: {  	[sflag:s12] =	ssyncadd.s32 @!p2 $0xFFFFEC00;
	s12 =	simm.s32 @!p2 $0x50;
	(pc) =	sbr.rel @p0 .LBB2_35-.Ltmp18, $4  }
0x4d0: {  	[tilespmem:s13], [sflag:$0x1] =	stream.indirect.gather @!p2 [hbm4b:s1+s12], $0x40, s11, s12, $0xb8;
	[tilespmem:$0x19D70] =	vst v63  }
0x4d1: {  	_ =	swait.ge [sflag:s31], $0x1400  }
0x4d2: {  	[sflag:s31] =	ssyncset.done $0x0  }
0x4d3: {  	[sflag:s31] =	ssyncadd.s32 $0xFFFFEC00  }
0x4d4: {  	s11 =	smul.u32 $0x50, s10;
	_ =	sdelay $0x1  }
0x4d5: {  	v0 =	vld [tilespmem:s11+$0x0];
	_ =	sdelay $0x5  }
0x4d6: {  	v1 =	vld [tilespmem:s11+$0x2760]  }
0x4d7: {  	v2 =	vld [tilespmem:s11+$0x4EC0]  }
0x4d8: {  	v0 =	vld.idx.msk [tilespmem:v0+s26+$0x0], $0xffff;
	_ =	sdelay $0x4  }
0x4d9: {  	v0 =	vmul.f32 v0, v2;
	_ =	sdelay $0x1  }
0x4da: {  	[tilespmem:v1+s28+$0x0] =	vst.idx.add.f32.msk $0x1, v0  }
0x4db: {  	[tilespmem:v1+s28+$0x0] =	vst.idx.add.f32.msk vm0, v0  }
0x4dc: {  	[tilespmem:v1+s28+$0x0] =	vst.idx.add.f32.msk vm1, v0  }
0x4dd: {  	[tilespmem:v1+s28+$0x0] =	vst.idx.add.f32.msk vm2, v0  }
0x4de: {  	[tilespmem:v1+s28+$0x0] =	vst.idx.add.f32.msk vm3, v0  }
0x4df: {  	[tilespmem:v1+s28+$0x0] =	vst.idx.add.f32.msk vm4, v0  }
0x4e0: {  	[tilespmem:v1+s28+$0x0] =	vst.idx.add.f32.msk vm5, v0  }
0x4e1: {  	[tilespmem:v1+s28+$0x0] =	vst.idx.add.f32.msk vm6, v0  }
0x4e2: {  	[tilespmem:v1+s28+$0x0] =	vst.idx.add.f32.msk vm7, v0  }
0x4e3: {  	[tilespmem:v1+s28+$0x0] =	vst.idx.add.f32.msk vm8, v0  }
0x4e4: {  	[tilespmem:v1+s28+$0x0] =	vst.idx.add.f32.msk vm9, v0  }
0x4e5: {  	[tilespmem:v1+s28+$0x0] =	vst.idx.add.f32.msk vm10, v0  }
0x4e6: {  	[tilespmem:v1+s28+$0x0] =	vst.idx.add.f32.msk vm11, v0  }
0x4e7: {  	[tilespmem:v1+s28+$0x0] =	vst.idx.add.f32.msk vm12, v0  }
0x4e8: {  	[tilespmem:v1+s28+$0x0] =	vst.idx.add.f32.msk vm13, v0  }
0x4e9: {  	[tilespmem:v1+s28+$0x0] =	vst.idx.add.f32.msk vm14, v0  }
0x4ea: {  	v0 =	vld [tilespmem:s11+$0x10];
	_ =	sdelay $0x5  }
0x4eb: {  	v1 =	vld [tilespmem:s11+$0x2770]  }
0x4ec: {  	v60 =	vld [tilespmem:s11+$0x4ED0]  }
0x4ed: {  	v0 =	vld.idx.msk [tilespmem:v0+s26+$0x0], $0xffff;
	_ =	sdelay $0x4  }
0x4ee: {  	v0 =	vmul.f32 v0, v60;
	_ =	sdelay $0x1  }
0x4ef: {  	[tilespmem:v1+s28+$0x0] =	vst.idx.add.f32.msk $0x1, v0  }
0x4f0: {  	[tilespmem:v1+s28+$0x0] =	vst.idx.add.f32.msk vm0, v0  }
0x4f1: {  	[tilespmem:v1+s28+$0x0] =	vst.idx.add.f32.msk vm1, v0  }
0x4f2: {  	[tilespmem:v1+s28+$0x0] =	vst.idx.add.f32.msk vm2, v0  }
0x4f3: {  	[tilespmem:v1+s28+$0x0] =	vst.idx.add.f32.msk vm3, v0  }
0x4f4: {  	[tilespmem:v1+s28+$0x0] =	vst.idx.add.f32.msk vm4, v0  }
0x4f5: {  	[tilespmem:v1+s28+$0x0] =	vst.idx.add.f32.msk vm5, v0  }
0x4f6: {  	[tilespmem:v1+s28+$0x0] =	vst.idx.add.f32.msk vm6, v0  }
0x4f7: {  	[tilespmem:v1+s28+$0x0] =	vst.idx.add.f32.msk vm7, v0  }
0x4f8: {  	[tilespmem:v1+s28+$0x0] =	vst.idx.add.f32.msk vm8, v0  }
0x4f9: {  	[tilespmem:v1+s28+$0x0] =	vst.idx.add.f32.msk vm9, v0  }
0x4fa: {  	[tilespmem:v1+s28+$0x0] =	vst.idx.add.f32.msk vm10, v0  }
0x4fb: {  	[tilespmem:v1+s28+$0x0] =	vst.idx.add.f32.msk vm11, v0  }
0x4fc: {  	[tilespmem:v1+s28+$0x0] =	vst.idx.add.f32.msk vm12, v0  }
0x4fd: {  	[tilespmem:v1+s28+$0x0] =	vst.idx.add.f32.msk vm13, v0  }
0x4fe: {  	[tilespmem:v1+s28+$0x0] =	vst.idx.add.f32.msk vm14, v0  }
0x4ff: {  	v0 =	vld [tilespmem:s11+$0x20];
	_ =	sdelay $0x5  }
0x500: {  	v1 =	vld [tilespmem:s11+$0x2780]  }
0x501: {  	v61 =	vld [tilespmem:s11+$0x4EE0]  }
0x502: {  	v0 =	vld.idx.msk [tilespmem:v0+s26+$0x0], $0xffff;
	_ =	sdelay $0x4  }
0x503: {  	v0 =	vmul.f32 v0, v61;
	_ =	sdelay $0x1  }
0x504: {  	[tilespmem:v1+s28+$0x0] =	vst.idx.add.f32.msk $0x1, v0  }
0x505: {  	[tilespmem:v1+s28+$0x0] =	vst.idx.add.f32.msk vm0, v0  }
0x506: {  	[tilespmem:v1+s28+$0x0] =	vst.idx.add.f32.msk vm1, v0  }
0x507: {  	[tilespmem:v1+s28+$0x0] =	vst.idx.add.f32.msk vm2, v0  }
0x508: {  	[tilespmem:v1+s28+$0x0] =	vst.idx.add.f32.msk vm3, v0  }
0x509: {  	[tilespmem:v1+s28+$0x0] =	vst.idx.add.f32.msk vm4, v0  }
0x50a: {  	[tilespmem:v1+s28+$0x0] =	vst.idx.add.f32.msk vm5, v0  }
0x50b: {  	[tilespmem:v1+s28+$0x0] =	vst.idx.add.f32.msk vm6, v0  }
0x50c: {  	[tilespmem:v1+s28+$0x0] =	vst.idx.add.f32.msk vm7, v0  }
0x50d: {  	[tilespmem:v1+s28+$0x0] =	vst.idx.add.f32.msk vm8, v0  }
0x50e: {  	[tilespmem:v1+s28+$0x0] =	vst.idx.add.f32.msk vm9, v0  }
0x50f: {  	[tilespmem:v1+s28+$0x0] =	vst.idx.add.f32.msk vm10, v0  }
0x510: {  	[tilespmem:v1+s28+$0x0] =	vst.idx.add.f32.msk vm11, v0  }
0x511: {  	[tilespmem:v1+s28+$0x0] =	vst.idx.add.f32.msk vm12, v0  }
0x512: {  	[tilespmem:v1+s28+$0x0] =	vst.idx.add.f32.msk vm13, v0  }
0x513: {  	[tilespmem:v1+s28+$0x0] =	vst.idx.add.f32.msk vm14, v0  }
0x514: {  	v0 =	vld [tilespmem:s11+$0x30];
	_ =	sdelay $0x5  }
0x515: {  	v1 =	vld [tilespmem:s11+$0x2790]  }
0x516: {  	v62 =	vld [tilespmem:s11+$0x4EF0]  }
0x517: {  	v0 =	vld.idx.msk [tilespmem:v0+s26+$0x0], $0xffff;
	_ =	sdelay $0x4  }
0x518: {  	v0 =	vmul.f32 v0, v62;
	_ =	sdelay $0x1  }
0x519: {  	[tilespmem:v1+s28+$0x0] =	vst.idx.add.f32.msk $0x1, v0  }
0x51a: {  	[tilespmem:v1+s28+$0x0] =	vst.idx.add.f32.msk vm0, v0  }
0x51b: {  	[tilespmem:v1+s28+$0x0] =	vst.idx.add.f32.msk vm1, v0  }
0x51c: {  	[tilespmem:v1+s28+$0x0] =	vst.idx.add.f32.msk vm2, v0  }
0x51d: {  	[tilespmem:v1+s28+$0x0] =	vst.idx.add.f32.msk vm3, v0  }
0x51e: {  	[tilespmem:v1+s28+$0x0] =	vst.idx.add.f32.msk vm4, v0  }
0x51f: {  	[tilespmem:v1+s28+$0x0] =	vst.idx.add.f32.msk vm5, v0  }
0x520: {  	[tilespmem:v1+s28+$0x0] =	vst.idx.add.f32.msk vm6, v0  }
0x521: {  	[tilespmem:v1+s28+$0x0] =	vst.idx.add.f32.msk vm7, v0  }
0x522: {  	[tilespmem:v1+s28+$0x0] =	vst.idx.add.f32.msk vm8, v0  }
0x523: {  	[tilespmem:v1+s28+$0x0] =	vst.idx.add.f32.msk vm9, v0  }
0x524: {  	[tilespmem:v1+s28+$0x0] =	vst.idx.add.f32.msk vm10, v0  }
0x525: {  	[tilespmem:v1+s28+$0x0] =	vst.idx.add.f32.msk vm11, v0  }
0x526: {  	[tilespmem:v1+s28+$0x0] =	vst.idx.add.f32.msk vm12, v0  }
0x527: {  	[tilespmem:v1+s28+$0x0] =	vst.idx.add.f32.msk vm13, v0  }
0x528: {  	[tilespmem:v1+s28+$0x0] =	vst.idx.add.f32.msk vm14, v0  }
0x529: {  	v0 =	vld [tilespmem:s11+$0x40];
	_ =	sdelay $0x5  }
0x52a: {  	v1 =	vld [tilespmem:s11+$0x27A0]  }
0x52b: {  	v63 =	vld [tilespmem:s11+$0x4F00]  }
0x52c: {  	v0 =	vld.idx.msk [tilespmem:v0+s26+$0x0], $0xffff;
	_ =	sdelay $0x4  }
0x52d: {  	v0 =	vmul.f32 v0, v63;
	_ =	sdelay $0x1  }
0x52e: {  	[tilespmem:v1+s28+$0x0] =	vst.idx.add.f32.msk $0x1, v0  }
0x52f: {  	[tilespmem:v1+s28+$0x0] =	vst.idx.add.f32.msk vm0, v0  }
0x530: {  	[tilespmem:v1+s28+$0x0] =	vst.idx.add.f32.msk vm1, v0  }
0x531: {  	[tilespmem:v1+s28+$0x0] =	vst.idx.add.f32.msk vm2, v0  }
0x532: {  	[tilespmem:v1+s28+$0x0] =	vst.idx.add.f32.msk vm3, v0  }
0x533: {  	[tilespmem:v1+s28+$0x0] =	vst.idx.add.f32.msk vm4, v0  }
0x534: {  	[tilespmem:v1+s28+$0x0] =	vst.idx.add.f32.msk vm5, v0  }
0x535: {  	[tilespmem:v1+s28+$0x0] =	vst.idx.add.f32.msk vm6, v0  }
0x536: {  	[tilespmem:v1+s28+$0x0] =	vst.idx.add.f32.msk vm7, v0  }
0x537: {  	[tilespmem:v1+s28+$0x0] =	vst.idx.add.f32.msk vm8, v0  }
0x538: {  	[tilespmem:v1+s28+$0x0] =	vst.idx.add.f32.msk vm9, v0  }
0x539: {  	[tilespmem:v1+s28+$0x0] =	vst.idx.add.f32.msk vm10, v0  }
0x53a: {  	[tilespmem:v1+s28+$0x0] =	vst.idx.add.f32.msk vm11, v0  }
0x53b: {  	[tilespmem:v1+s28+$0x0] =	vst.idx.add.f32.msk vm12, v0  }
0x53c: {  	[tilespmem:v1+s28+$0x0] =	vst.idx.add.f32.msk vm13, v0  }
0x53d: {  	[tilespmem:v1+s28+$0x0] =	vst.idx.add.f32.msk vm14, v0  }
.LBB2_35:
0x53e: {  	v0 =	vmov s10  }
0x53f: {  	v0 =	vmul.u32 $0x50, v0  }
0x540: {  	s15 =	simm.s32 $0x0  }
0x541: {  	v1 =	vmov s15;
	v0 =	vbroadcast v0, $0x0  }
0x542: {  	v2 =	vand.u32 $0x78, v1  }
0x543: {  	v1 =	vand.u32 $0x4, v1;
	v2 =	vadd.s32 v0, v2  }
0x544: {  	v1 =	vor.u32 v1, v2;
	_ =	sdelay $0x2  }
0x545: {  	s10 =	simm.s32 $0x9EA0  }
0x546: {  	v2 =	vld [tilespmem:s10+$0xFFFFFFB0]  }
0x547: {  	v1 =	vld.idx.msk [tilespmem:v1+s21+$0x0], $0xffff  }
0x548: {  	v3 =	vld [tilespmem:s10+$0xFFFFFF80]  }
0x549: {  	s11 =	simm.s32 $0x1;
	v4 =	vld [tilespmem:s10+$0xFFFFFF90]  }
0x54a: {  	v5 =	vld [tilespmem:s10+$0xFFFFFFA0];
	v6 =	vmov s11  }
0x54b: {  	v7 =	vand.u32 $0x78, v6  }
0x54c: {  	v6 =	vand.u32 $0x5, v6;
	v7 =	vadd.s32 v0, v7;
	v2 =	vmul.f32 v2, v1  }
0x54d: {  	v6 =	vor.u32 v6, v7;
	v3 =	vmul.f32 v3, v1  }
0x54e: {  	v4 =	vmul.f32 v4, v1;
	[tilespmem:s10+$0xFFFFFFB0] =	vst v2  }
0x54f: {  	v1 =	vmul.f32 v5, v1;
	[tilespmem:s10+$0xFFFFFF80] =	vst v3  }
0x550: {  	[tilespmem:s10+$0xFFFFFF90] =	vst v4  }
0x551: {  	[tilespmem:s10+$0xFFFFFFA0] =	vst v1;
	v2 =	vld [tilespmem:s10+$0xFFFFFFC0]  }
0x552: {  	v1 =	vld.idx.msk [tilespmem:v6+s21+$0x0], $0xffff  }
0x553: {  	v3 =	vld [tilespmem:s10+$0xFFFFFFD0]  }
0x554: {  	s16 =	simm.s32 $0x2;
	v55 =	vld [tilespmem:s10+$0xFFFFFFF0]  }
0x555: {  	v56 =	vld [tilespmem:s10+$0xFFFFFFE0];
	v57 =	vmov s16  }
0x556: {  	v58 =	vand.u32 $0x78, v57  }
0x557: {  	v7 =	vadd.s32 v0, v58;
	v6 =	vand.u32 $0x6, v57;
	v2 =	vmul.f32 v2, v1  }
0x558: {  	v6 =	vor.u32 v6, v7;
	v3 =	vmul.f32 v3, v1  }
0x559: {  	v4 =	vmul.f32 v55, v1;
	[tilespmem:s10+$0xFFFFFFC0] =	vst v2  }
0x55a: {  	v1 =	vmul.f32 v56, v1;
	[tilespmem:s10+$0xFFFFFFD0] =	vst v3  }
0x55b: {  	[tilespmem:s10+$0xFFFFFFF0] =	vst v4  }
0x55c: {  	[tilespmem:s10+$0xFFFFFFE0] =	vst v1;
	v1 =	vld [tilespmem:s10+$0x0]  }
0x55d: {  	v2 =	vld.idx.msk [tilespmem:v6+s21+$0x0], $0xffff;
	_ =	sdelay $0x1  }
0x55e: {  	v3 =	vld [tilespmem:s10+$0x30]  }
0x55f: {  	v59 =	vld [tilespmem:s10+$0x20]  }
0x560: {  	s17 =	simm.s32 $0x3  }
0x561: {  	v60 =	vld [tilespmem:s10+$0x10];
	v61 =	vmov s17;
	v1 =	vmul.f32 v1, v2  }
0x562: {  	v62 =	vand.u32 $0x78, v61  }
0x563: {  	v63 =	vadd.s32 v0, v62;
	v3 =	vmul.f32 v3, v2;
	[tilespmem:s10+$0x0] =	vst v1;
	v1 =	vand.u32 $0x7, v61  }
0x564: {  	v4 =	vmul.f32 v59, v2;
	v1 =	vor.u32 v1, v63  }
0x565: {  	[tilespmem:s10+$0x30] =	vst v3  }
0x566: {  	s12 =	simm.s32 $0x9EA0;
	s11 =	simm.s32 $0x4;
	v2 =	vmul.f32 v60, v2;
	[tilespmem:s10+$0x20] =	vst v4  }
.LBB2_36:
0x567: {  	p3 =	slt.u32 s11, $0x4C  }
0x568: {  	[tilespmem:s10+$0x10] =	vst v2;
	v2 =	vld [tilespmem:s10+$0x70];
	s12 =	sadd.s32 $0x100, s12;
	s13 =	smov.u32 s11;
	s11 =	sadd.s32 $0x4, s11  }
0x569: {  	v1 =	vld.idx.msk [tilespmem:v1+s21+$0x0], $0xffff  }
0x56a: {  	v3 =	vld [tilespmem:s10+$0x50]  }
0x56b: {  	v4 =	vld [tilespmem:s10+$0x60]  }
0x56c: {  	v5 =	vld [tilespmem:s10+$0x40]  }
0x56d: {  	v6 =	vmov s13  }
0x56e: {  	v7 =	vand.u32 $0x78, v6  }
0x56f: {  	v6 =	vand.u32 $0x4, v6;
	v7 =	vadd.s32 v0, v7;
	v2 =	vmul.f32 v2, v1  }
0x570: {  	v6 =	vor.u32 v6, v7;
	v3 =	vmul.f32 v3, v1;
	v4 =	vmul.f32 v4, v1  }
0x571: {  	v1 =	vmul.f32 v5, v1;
	[tilespmem:s10+$0x70] =	vst v2  }
0x572: {  	[tilespmem:s10+$0x50] =	vst v3  }
0x573: {  	v2 =	vld [tilespmem:s12+$0xFFFFFFA0];
	[tilespmem:s10+$0x60] =	vst v4  }
0x574: {  	v3 =	vld [tilespmem:s12+$0xFFFFFFB0];
	[tilespmem:s10+$0x40] =	vst v1;
	s10 =	smov.u32 s12  }
0x575: {  	v1 =	vld.idx.msk [tilespmem:v6+s21+$0x0], $0xffff  }
0x576: {  	v4 =	vld [tilespmem:s12+$0xFFFFFF80]  }
0x577: {  	v5 =	vld [tilespmem:s12+$0xFFFFFF90]  }
0x578: {  	s14 =	sadd.s32 $0x1, s13  }
0x579: {  	v6 =	vmov s14  }
0x57a: {  	v7 =	vand.u32 $0x78, v6;
	v6 =	vand.u32 $0x5, v6  }
0x57b: {  	v7 =	vadd.s32 v0, v7;
	v3 =	vmul.f32 v3, v1;
	v4 =	vmul.f32 v4, v1  }
0x57c: {  	v5 =	vmul.f32 v5, v1;
	v1 =	vmul.f32 v2, v1;
	v2 =	vor.u32 v6, v7  }
0x57d: {  	[tilespmem:s12+$0xFFFFFFB0] =	vst v3  }
0x57e: {  	[tilespmem:s12+$0xFFFFFF80] =	vst v4  }
0x57f: {  	[tilespmem:s12+$0xFFFFFF90] =	vst v5;
	v3 =	vld [tilespmem:s12+$0xFFFFFFF0]  }
0x580: {  	[tilespmem:s12+$0xFFFFFFA0] =	vst v1;
	v1 =	vld [tilespmem:s12+$0xFFFFFFD0]  }
0x581: {  	v2 =	vld.idx.msk [tilespmem:v2+s21+$0x0], $0xffff  }
0x582: {  	v4 =	vld [tilespmem:s12+$0xFFFFFFC0]  }
0x583: {  	v5 =	vld [tilespmem:s12+$0xFFFFFFE0]  }
0x584: {  	s14 =	sadd.s32 $0x2, s13  }
0x585: {  	v6 =	vmov s14  }
0x586: {  	v7 =	vand.u32 $0x78, v6;
	v6 =	vand.u32 $0x6, v6  }
0x587: {  	v7 =	vadd.s32 v0, v7;
	v1 =	vmul.f32 v1, v2;
	v4 =	vmul.f32 v4, v2  }
0x588: {  	v5 =	vmul.f32 v5, v2;
	v2 =	vmul.f32 v3, v2;
	v3 =	vor.u32 v6, v7  }
0x589: {  	[tilespmem:s12+$0xFFFFFFC0] =	vst v4  }
0x58a: {  	[tilespmem:s12+$0xFFFFFFD0] =	vst v1  }
0x58b: {  	[tilespmem:s12+$0xFFFFFFF0] =	vst v2;
	v1 =	vld [tilespmem:s12+$0x30]  }
0x58c: {  	[tilespmem:s12+$0xFFFFFFE0] =	vst v5;
	v2 =	vld [tilespmem:s12+$0x0]  }
0x58d: {  	v3 =	vld.idx.msk [tilespmem:v3+s21+$0x0], $0xffff  }
0x58e: {  	v4 =	vld [tilespmem:s12+$0x10]  }
0x58f: {  	v5 =	vld [tilespmem:s12+$0x20]  }
0x590: {  	s13 =	sadd.s32 $0x3, s13  }
0x591: {  	v6 =	vmov s13  }
0x592: {  	v7 =	vand.u32 $0x78, v6;
	v6 =	vand.u32 $0x7, v6  }
.Ltmp19:
0x593: {  	v8 =	vmul.f32 v2, v3;
	v2 =	vmul.f32 v4, v3;
	v4 =	vadd.s32 v0, v7;
	(pc) =	sbr.rel @p3 .LBB2_36-.Ltmp19, $4  }
0x594: {  	v5 =	vmul.f32 v5, v3;
	v3 =	vmul.f32 v1, v3;
	v1 =	vor.u32 v6, v4  }
0x595: {  	[tilespmem:s12+$0x0] =	vst v8  }
0x596: {  	[tilespmem:s12+$0x30] =	vst v3  }
0x597: {  	[tilespmem:s12+$0x20] =	vst v5  }
0x598: {  	_ =	sdelay $0x2  }
0x599: {  	[tilespmem:s10+$0x10] =	vst v2;
	v0 =	vld [tilespmem:s10+$0x70]  }
0x59a: {  	v1 =	vld.idx.msk [tilespmem:v1+s21+$0x0], $0xffff  }
0x59b: {  	v62 =	vld [tilespmem:s10+$0x50]  }
0x59c: {  	v3 =	vld [tilespmem:s10+$0x60]  }
0x59d: {  	v4 =	vld [tilespmem:s10+$0x40];
	_ =	sdelay $0x1  }
0x59e: {  	v0 =	vmul.f32 v0, v1  }
0x59f: {  	v2 =	vmul.f32 v62, v1  }
.Ltmp20:
0x5a0: {  	v3 =	vmul.f32 v3, v1;
	[tilespmem:s10+$0x70] =	vst v0;
	(pc) =	sbr.rel @p2 .LBB2_39-.Ltmp20, $4  }
0x5a1: {  	v63 =	vmul.f32 v4, v1;
	[tilespmem:s10+$0x50] =	vst v2  }
0x5a2: {  	[tilespmem:s10+$0x60] =	vst v3  }
0x5a3: {  	s9 =	sadd.s32 $0x2760, s9;
	[tilespmem:s10+$0x40] =	vst v63  }
0x5a4: {  	[spmem:s2] =	stream.indirect.scatter.add.f32 [tilespmem:s29], [sflag:$0x6], $0x40, s9, s22, $0xb8;
	[tilespmem:$0x19D70] =	vst v63  }
.Ltmp21:
0x5a5: {  	(pc) =	sbr.rel .LBB2_25-.Ltmp21, $4  }
0x5a6: {  	_ =	swait.ge [sflag:s3], $0x1400  }
0x5a7: {  	[sflag:s3] =	ssyncset.done $0x0  }
0x5a8: {  	s7 =	sadd.s32 $0x140, s7;
	s6 =	sadd.s32 $0x1, s6;
	[sflag:s3] =	ssyncadd.s32 $0xFFFFEC00  }
0x5a9: {  	[tilespmem:s24], [sflag:$0x2] =	stream.indirect.gather [hbm4b:s1+s22], $0x40, s7, s22, $0xb8;
	[tilespmem:$0x19D70] =	vst v63  }
.LBB2_40:
0x5aa: {  	_ =	sfence.sel $0x180000  }
0x5ab: {  	[bflag:$0x0] =	sbarrier.arrive $0xFFFF  }
0x5ac: {  	_ =	strace $0x90000047  }
0x5ad: {  	s0 =	stileid.u32;
	[bflag:$0x2] =	sbarrier.arrive $0xFFFF  }
0x5ae: {  	p0 =	sne.s32 s0, $0x0;
	s0 =	rddreg [dreg:$0x3]  }
0x5af: {  	s0 =	sadd.s32 @!p0 $0x100000, s0  }
0x5b0: {  	[sflag:s0] =	ssyncadd.tile.s32 @!p0 $0x1;
	_ =	shalt  }
.Lfunc_end2:
_tile_overlayer_lowered:
.L_overlay_start_2:
0x5b1: {  	(tag) =	ssettag $0x2  }
0x5b2: {  	s0 =	rddreg [dreg:$0x0];
	s2 =	stileid.u32  }
0x5b3: {  	s1 =	rddreg [dreg:$0x1];
	p0 =	sne.s32 s2, $0x0  }
0x5b4: {  	s3 =	rddreg [dreg:$0x2];
	[bflag:$0x3] =	sbarrier.arrive $0xFFFF;
	s2 =	simm.s32 @!p0 $0x1C07  }
0x5b5: {  	[timem:s3], [sflag:s2] =	dma.local @!p0 [hbm:s0], s1  }
0x5b6: {  	s0 =	simm.s32 @!p0 $0x7  }
0x5b7: {  	_ =	swait.ge @!p0 [sflag:s0], s1  }
0x5b8: {  	s1 =	ssub.s32 @!p0 $0x0, s1;
	[sflag:s0] =	ssyncset.done @!p0 $0x0  }
0x5b9: {  	[sflag:s0] =	ssyncadd.s32 @!p0 s1  }
0x5ba: {  	[bflag:$0x3] =	sbarrier.arrive $0xFFFF  }
0x5bb: {  	_ =	shalt  }

</sc_bundles>
